<compile_context>
chip_gen: v7x
topology: tpu7x:2x2x1
jax: 0.10.2.dev20260603
libtpu: 0.0.44.dev20260713+nightly
codegen_flags: <defaults>
</compile_context>

<pallas_src>
import functools

import jax
import jax.numpy as jnp
from jax import lax
from jax.experimental import pallas as pl
from jax.experimental.pallas import tpu as pltpu
from jax.experimental.pallas import tpu_sc as plsc

N_NODES = 10000
N_EDGES = 320000
DM = 128
DH = 64

NC = 2
NS = 16
NW = NC * NS
EDGES_PER_W = N_EDGES // NW
CHUNK = 125
STEPS = EDGES_PER_W // CHUNK
NB = 4
GROUPS = STEPS // NB
N_PAD = 10240
ROWS_PER_TILE = N_PAD // NS



_DNUM_T = (((0,), (0,)), ((), ()))


def _edge_term_body(eft_ref, tet_ref, we_ref, wt_ref, o_ref):
    o_ref[...] = (
        lax.dot_general(eft_ref[...], we_ref[...], _DNUM_T,
                        preferred_element_type=jnp.float32)
        + lax.dot_general(tet_ref[...], wt_ref[...], _DNUM_T,
                          preferred_element_type=jnp.float32)
    )


def _edge_term(eft, tet, we, wt):
    blk = 6400
    grid = N_EDGES // blk
    return pl.pallas_call(
        _edge_term_body,
        grid=(grid,),
        in_specs=[
            pl.BlockSpec((16, blk), lambda i: (0, i)),
            pl.BlockSpec((16, blk), lambda i: (0, i)),
            pl.BlockSpec((16, DM), lambda i: (0, 0)),
            pl.BlockSpec((16, DM), lambda i: (0, 0)),
        ],
        out_specs=pl.BlockSpec((blk, DM), lambda i: (i, 0)),
        out_shape=jax.ShapeDtypeStruct((N_EDGES, DM), jnp.float32),
    )(eft, tet, we, wt)


def _node_term_body(mem_ref, wm_ref, q_ref, oa_ref, ob_ref):
    r = (
        jnp.dot(mem_ref[...], wm_ref[...], preferred_element_type=jnp.float32)
        + q_ref[...]
    )
    oa_ref[...] = r[:, :DH]
    ob_ref[...] = r[:, DH:]


def _node_term(mem, wm, q):
    return pl.pallas_call(
        _node_term_body,
        grid=(1,),
        in_specs=[
            pl.BlockSpec((N_NODES, DM), lambda i: (0, 0)),
            pl.BlockSpec((DM, DM), lambda i: (0, 0)),
            pl.BlockSpec((N_NODES, DM), lambda i: (0, 0)),
        ],
        out_specs=[
            pl.BlockSpec((N_NODES, DH), lambda i: (0, 0)),
            pl.BlockSpec((N_NODES, DH), lambda i: (0, 0)),
        ],
        out_shape=[
            jax.ShapeDtypeStruct((N_NODES, DH), jnp.float32),
            jax.ShapeDtypeStruct((N_NODES, DH), jnp.float32),
        ],
    )(mem, wm, q)


def _q_body(nf_ref, wf_ref, o_ref):
    o_ref[...] = jnp.dot(nf_ref[...], wf_ref[...], preferred_element_type=jnp.float32)


def _q_term(nf, wf):
    return pl.pallas_call(
        _q_body,
        grid=(1,),
        in_specs=[
            pl.BlockSpec((N_NODES, DM), lambda i: (0, 0)),
            pl.BlockSpec((DM, DM), lambda i: (0, 0)),
        ],
        out_specs=pl.BlockSpec((N_NODES, DM), lambda i: (0, 0)),
        out_shape=jax.ShapeDtypeStruct((N_NODES, DM), jnp.float32),
    )(nf, wf)


def _update_body(agga_ref, aggb_ref, mem_ref, wu_ref, uu_ref, b_ref, m1_ref,
                 o_ref, *, mean_with_m1):
    ha = agga_ref[0, :N_NODES] + agga_ref[1, :N_NODES]
    hb = aggb_ref[0, :N_NODES] + aggb_ref[1, :N_NODES]
    agg = jnp.concatenate([ha, hb], axis=-1)
    mem2 = jnp.tanh(
        jnp.dot(agg, wu_ref[...], preferred_element_type=jnp.float32)
        + jnp.dot(mem_ref[...], uu_ref[...], preferred_element_type=jnp.float32)
        + b_ref[...]
    )
    if mean_with_m1:
        o_ref[...] = 0.5 * (m1_ref[...] + mem2)
    else:
        o_ref[...] = mem2


def _update(agga, aggb, mem, wu, uu, b, m1, mean_with_m1):
    return pl.pallas_call(
        functools.partial(_update_body, mean_with_m1=mean_with_m1),
        grid=(1,),
        in_specs=[
            pl.BlockSpec((NC, N_PAD, DH), lambda i: (0, 0, 0)),
            pl.BlockSpec((NC, N_PAD, DH), lambda i: (0, 0, 0)),
            pl.BlockSpec((N_NODES, DM), lambda i: (0, 0)),
            pl.BlockSpec((DM, DM), lambda i: (0, 0)),
            pl.BlockSpec((DM, DM), lambda i: (0, 0)),
            pl.BlockSpec((1, DM), lambda i: (0, 0)),
            pl.BlockSpec((N_NODES, DM), lambda i: (0, 0)),
        ],
        out_specs=pl.BlockSpec((N_NODES, DM), lambda i: (0, 0)),
        out_shape=jax.ShapeDtypeStruct((N_NODES, DM), jnp.float32),
    )(agga, aggb, mem, wu, uu, b, m1)



def _sc_body(p_hbm, e_hbm, src_hbm, dst_hbm, zeros_hbm, out_hbm, *refs, hoff):
    rows = refs[0:NB]
    evs = refs[NB:2 * NB]
    src_v = refs[2 * NB]
    dst_v = refs[2 * NB + 1]
    agg_sh = refs[2 * NB + 2]
    g_sems = refs[2 * NB + 3:2 * NB + 3 + NB]
    e_sems = refs[2 * NB + 3 + NB:2 * NB + 3 + 2 * NB]
    s_sems = refs[2 * NB + 3 + 2 * NB:2 * NB + 3 + 3 * NB]

    c = lax.axis_index("c")
    s = lax.axis_index("s")
    wid = c * NS + s

    pltpu.sync_copy(zeros_hbm, agg_sh.at[pl.ds(s * ROWS_PER_TILE, ROWS_PER_TILE)])
    plsc.subcore_barrier()

    base_edge = wid * EDGES_PER_W
    pltpu.sync_copy(src_hbm.at[wid], src_v)
    pltpu.sync_copy(dst_hbm.at[wid], dst_v)

    def issue(g, b):
        j = g * NB + b
        pltpu.async_copy(p_hbm.at[src_v.at[j]], rows[b], g_sems[b])
        pltpu.async_copy(
            e_hbm.at[pl.ds(base_edge + j * CHUNK, CHUNK), pl.ds(hoff, DH)],
            evs[b], e_sems[b])

    for b in range(NB):
        issue(0, b)

    def group(g, carry):
        for b in range(NB):
            j = g * NB + b
            pltpu.make_async_copy(p_hbm.at[src_v.at[j]], rows[b], g_sems[b]).wait()
            pltpu.make_async_copy(
                e_hbm.at[pl.ds(base_edge + j * CHUNK, CHUNK), pl.ds(hoff, DH)],
                evs[b], e_sems[b]).wait()

            def erow(r, carry2, b=b):
                for k in range(DH // 16):
                    sl = pl.ds(k * 16, 16)
                    rows[b][r, sl] = jnp.maximum(rows[b][r, sl] + evs[b][r, sl], 0.0)
                return carry2

            lax.fori_loop(0, CHUNK, erow, 0)

            pltpu.async_copy(rows[b], agg_sh.at[dst_v.at[j]], s_sems[b], add=True)

        @pl.when(g < GROUPS - 1)
        def _prefetch():
            for b in range(NB):
                j = g * NB + b
                pltpu.make_async_copy(
                    rows[b], agg_sh.at[dst_v.at[j]], s_sems[b]).wait()
                issue(g + 1, b)

        return carry

    lax.fori_loop(0, GROUPS, group, 0)

    for b in range(NB):
        j = (GROUPS - 1) * NB + b
        pltpu.make_async_copy(rows[b], agg_sh.at[dst_v.at[j]], s_sems[b]).wait()

    plsc.subcore_barrier()

    pltpu.sync_copy(
        agg_sh.at[pl.ds(s * ROWS_PER_TILE, ROWS_PER_TILE)],
        out_hbm.at[c, pl.ds(s * ROWS_PER_TILE, ROWS_PER_TILE)],
    )


def _make_sc_pass(hoff):
    return functools.partial(
        pl.kernel,
        out_type=jax.ShapeDtypeStruct((NC, N_PAD, DH), jnp.float32),
        mesh=plsc.VectorSubcoreMesh(core_axis_name="c", subcore_axis_name="s",
                                    num_cores=NC, num_subcores=NS),
        scratch_types=(
            [pltpu.VMEM((CHUNK, DH), jnp.float32) for _ in range(2 * NB)]
            + [
                pltpu.VMEM((STEPS, CHUNK), jnp.int32),
                pltpu.VMEM((STEPS, CHUNK), jnp.int32),
                pltpu.VMEM_SHARED((N_PAD, DH), jnp.float32),
            ]
            + [pltpu.SemaphoreType.DMA for _ in range(3 * NB)]
        ),
        compiler_params=pltpu.CompilerParams(use_tc_tiling_on_sc=False),
    )(functools.partial(_sc_body, hoff=hoff))


_sc_edge_pass_a = _make_sc_pass(0)
_sc_edge_pass_b = _make_sc_pass(DH)



def kernel(node_memory, node_features, edge_features, time_encoding,
           edge_index_causal, edge_index_conseq,
           W_msg, W_upd, U_upd, b_upd):
    wm = W_msg[:DM]
    wf = W_msg[DM:2 * DM]
    wet = W_msg[2 * DM:]

    we = wet[:16]
    wt = wet[16:]
    e_term = _edge_term(edge_features.T, time_encoding.T, we, wt)
    q = _q_term(node_features, wf)

    zeros = jnp.zeros((ROWS_PER_TILE, DH), jnp.float32)

    b2 = b_upd.reshape(1, DM)

    src1 = edge_index_causal[0].astype(jnp.int32).reshape(NW, STEPS, CHUNK)
    dst1 = edge_index_causal[1].astype(jnp.int32).reshape(NW, STEPS, CHUNK)
    src2 = edge_index_conseq[0].astype(jnp.int32).reshape(NW, STEPS, CHUNK)
    dst2 = edge_index_conseq[1].astype(jnp.int32).reshape(NW, STEPS, CHUNK)

    p1a, p1b = _node_term(node_memory, wm, q)
    agg1a = _sc_edge_pass_a(p1a, e_term, src1, dst1, zeros)
    agg1b = _sc_edge_pass_b(p1b, e_term, src1, dst1, zeros)
    mem1 = _update(agg1a, agg1b, node_memory, W_upd, U_upd, b2, node_memory, False)

    p2a, p2b = _node_term(mem1, wm, q)
    agg2a = _sc_edge_pass_a(p2a, e_term, src2, dst2, zeros)
    agg2b = _sc_edge_pass_b(p2b, e_term, src2, dst2, zeros)
    return _update(agg2a, agg2b, mem1, W_upd, U_upd, b2, mem1, True)

# --- scband reference (transcript-rebuilt; emitter-appended) ---
"""Pipeline reference for scband-ti-local-message-passing-28913719837266 (READ-ONLY COPY).

The authoritative reference and input builder live on the scoring server;
editing this copy changes nothing except your own understanding.
"""

import jax, jax.numpy as jnp
import numpy as np

N_NODES = 10000
N_EDGES = 320000
DM = 128
DF = 128
DE = 16
DT = 16

def setup_inputs(seed: int = 0) -> dict:
    key = jax.random.key(seed)
    ks = jax.random.split(key, 12)
    node_memory = jax.random.normal(ks[0], (N_NODES, DM), dtype=jnp.float32)
    node_features = jax.random.normal(ks[1], (N_NODES, DF), dtype=jnp.float32)
    edge_features = jax.random.normal(ks[2], (N_EDGES, DE), dtype=jnp.float32)
    time_encoding = jax.random.normal(ks[3], (N_EDGES, DT), dtype=jnp.float32)
    edge_index_causal = jax.random.randint(ks[4], (2, N_EDGES), 0, N_NODES, dtype=jnp.int64)
    edge_index_conseq = jax.random.randint(ks[5], (2, N_EDGES), 0, N_NODES, dtype=jnp.int64)
    d_in = DM + DF + DE + DT
    W_msg = jax.random.normal(ks[6], (d_in, DM), dtype=jnp.float32) / np.sqrt(d_in)
    W_upd = jax.random.normal(ks[7], (DM, DM), dtype=jnp.float32) / np.sqrt(DM)
    U_upd = jax.random.normal(ks[8], (DM, DM), dtype=jnp.float32) / np.sqrt(DM)
    b_upd = jnp.zeros((DM,), dtype=jnp.float32)
    return {
        'node_memory': node_memory,
        'node_features': node_features,
        'edge_features': edge_features,
        'time_encoding': time_encoding,
        'edge_index_causal': edge_index_causal,
        'edge_index_conseq': edge_index_conseq,
        'W_msg': W_msg,
        'W_upd': W_upd,
        'U_upd': U_upd,
        'b_upd': b_upd,
    }

def _mp_layer(edge_index, mem, node_features, edge_features, time_encoding, W_msg, W_upd, U_upd, b_upd):
    # LocalDualDirectedMessagePassingLayer, single layer pass:
    # source memory readout (identity) -> message builder (linear+relu) ->
    # sum aggregation by destination -> memory updater (linear+tanh) -> overwrite write-in
    src = edge_index[0]
    dst = edge_index[1]
    m_in = jnp.concatenate([
        jnp.take(mem, src, axis=0),
        jnp.take(node_features, src, axis=0),
        edge_features,
        time_encoding,
    ], axis=-1)
    msg = jax.nn.relu(m_in @ W_msg)
    agg = jax.ops.segment_sum(msg, dst, num_segments=mem.shape[0])
    new_mem = jnp.tanh(agg @ W_upd + mem @ U_upd + b_upd)
    return new_mem

def reference(node_memory, node_features, edge_features, time_encoding,
              edge_index_causal, edge_index_conseq,
              W_msg, W_upd, U_upd, b_upd):
    # forward_seq path (is_together=False), n_layers=2 so one pass per graph.
    # Note: original code reuses graph_causal_mp (shared weights) for the conseq
    # pass in forward_seq, which we replicate here.
    mem = _mp_layer(edge_index_causal, node_memory, node_features, edge_features,
                    time_encoding, W_msg, W_upd, U_upd, b_upd)
    node_memory_causal = mem
    mem2 = _mp_layer(edge_index_conseq, mem, node_features, edge_features,
                     time_encoding, W_msg, W_upd, U_upd, b_upd)
    # fusion_fn = mean
    return 0.5 * (node_memory_causal + mem2)

if __name__ == "__main__":
    import jax
    _d = setup_inputs()
    print(jax.jit(kernel)(*tuple(_d.values())))

</pallas_src>

<mosaic_0001>
#map = affine_map<(d0, d1) -> (0, 0)>
#map1 = affine_map<(d0, d1) -> (0, 0, 0)>
module attributes {stable_mosaic.version = 14 : i64} {
  func.func @_sc_body(%arg0: i32, %arg1: i32, %arg2: memref<10000x64xf32, #tpu.memory_space<hbm>>, %arg3: memref<320000x128xf32, #tpu.memory_space<hbm>>, %arg4: memref<32x80x125xi32, #tpu.memory_space<hbm>>, %arg5: memref<32x80x125xi32, #tpu.memory_space<hbm>>, %arg6: memref<640x64xf32, #tpu.memory_space<hbm>>, %arg7: memref<2x10240x64xf32, #tpu.memory_space<hbm>>, %arg8: memref<125x64xf32, #tpu.memory_space<vmem>>, %arg9: memref<125x64xf32, #tpu.memory_space<vmem>>, %arg10: memref<125x64xf32, #tpu.memory_space<vmem>>, %arg11: memref<125x64xf32, #tpu.memory_space<vmem>>, %arg12: memref<125x64xf32, #tpu.memory_space<vmem>>, %arg13: memref<125x64xf32, #tpu.memory_space<vmem>>, %arg14: memref<125x64xf32, #tpu.memory_space<vmem>>, %arg15: memref<125x64xf32, #tpu.memory_space<vmem>>, %arg16: memref<80x125xi32, #tpu.memory_space<vmem>>, %arg17: memref<80x125xi32, #tpu.memory_space<vmem>>, %arg18: memref<10240x64xf32, #tpu.memory_space<vmem_shared>>, %arg19: memref<!tpu.dma_semaphore, #tpu.memory_space<semaphore_mem>>, %arg20: memref<!tpu.dma_semaphore, #tpu.memory_space<semaphore_mem>>, %arg21: memref<!tpu.dma_semaphore, #tpu.memory_space<semaphore_mem>>, %arg22: memref<!tpu.dma_semaphore, #tpu.memory_space<semaphore_mem>>, %arg23: memref<!tpu.dma_semaphore, #tpu.memory_space<semaphore_mem>>, %arg24: memref<!tpu.dma_semaphore, #tpu.memory_space<semaphore_mem>>, %arg25: memref<!tpu.dma_semaphore, #tpu.memory_space<semaphore_mem>>, %arg26: memref<!tpu.dma_semaphore, #tpu.memory_space<semaphore_mem>>, %arg27: memref<!tpu.dma_semaphore, #tpu.memory_space<semaphore_mem>>, %arg28: memref<!tpu.dma_semaphore, #tpu.memory_space<semaphore_mem>>, %arg29: memref<!tpu.dma_semaphore, #tpu.memory_space<semaphore_mem>>, %arg30: memref<!tpu.dma_semaphore, #tpu.memory_space<semaphore_mem>>) attributes {dimension_semantics = [#tpu.dimension_semantics<core_parallel>, #tpu.dimension_semantics<subcore_parallel>], iteration_bounds = array<i64: 2, 16>, scalar_prefetch = 0 : i64, scratch_operands = 23 : i64, tpu.core_type = #tpu.core_type<sc_vector_subcore>, window_params = [{transform_indices = #map}, {transform_indices = #map}, {transform_indices = #map1}, {transform_indices = #map1}, {transform_indices = #map}, {transform_indices = #map1}]} {
    %mul3A = arith.constant 16 : i32
    %mul3A_0 = arith.muli %arg0, %mul3A : i32
    %add3A = arith.addi %mul3A_0, %arg1 : i32
    %mul3A_1 = arith.constant 640 : i32
    %mul3A_2 = arith.muli %arg1, %mul3A_1 : i32
    "tpu.region"() ({
      %run_scoped3A = tpu.sem_alloc : memref<!tpu.dma_semaphore, #tpu.memory_space<semaphore_mem>>
      %dma_start3A_93 = arith.constant 0 : i32
      %dma_start3A_94 = tpu.memref_slice %arg18[%mul3A_2, %dma_start3A_93] : memref<10240x64xf32, #tpu.memory_space<vmem_shared>> -> memref<640x64xf32, #tpu.memory_space<vmem_shared>>
      tpu.enqueue_dma source(%arg6 : memref<640x64xf32, #tpu.memory_space<hbm>>) target(%dma_start3A_94 : memref<640x64xf32, #tpu.memory_space<vmem_shared>>) target_semaphore(%run_scoped3A : memref<!tpu.dma_semaphore, #tpu.memory_space<semaphore_mem>>)
      %dma_wait3A_95 = arith.constant 0 : i32
      %dma_wait3A_96 = tpu.memref_slice %arg18[%mul3A_2, %dma_wait3A_95] : memref<10240x64xf32, #tpu.memory_space<vmem_shared>> -> memref<640x64xf32, #tpu.memory_space<vmem_shared>>
      tpu.wait_dma2 semaphore(%run_scoped3A : memref<!tpu.dma_semaphore, #tpu.memory_space<semaphore_mem>>) src(%arg6 : memref<640x64xf32, #tpu.memory_space<hbm>>) dst(%dma_wait3A_96 : memref<640x64xf32, #tpu.memory_space<vmem_shared>>)
      tpu.yield
    }) : () -> ()
    %barrier3A = arith.constant 0 : index
    tpu.barrier barrier_id(%barrier3A)
    %mul3A_3 = arith.constant 10000 : i32
    %mul3A_4 = arith.muli %add3A, %mul3A_3 : i32
    "tpu.region"() ({
      %run_scoped3A = tpu.sem_alloc : memref<!tpu.dma_semaphore, #tpu.memory_space<semaphore_mem>>
      %dma_start3A_93 = arith.constant 0 : i32
      %dma_start3A_94 = arith.constant 0 : i32
      %dma_start3A_95 = tpu.memref_slice %arg4[%add3A, %dma_start3A_93, %dma_start3A_94] : memref<32x80x125xi32, #tpu.memory_space<hbm>> -> memref<1x80x125xi32, #tpu.memory_space<hbm>>
      %dma_start3A_96 = tpu.memref_squeeze %dma_start3A_95 : memref<1x80x125xi32, #tpu.memory_space<hbm>> -> memref<80x125xi32, #tpu.memory_space<hbm>>
      %dma_start3A_97 = arith.constant 0 : i32
      %dma_start3A_98 = arith.constant 0 : i32
      %dma_start3A_99 = tpu.memref_slice %arg4[%add3A, %dma_start3A_97, %dma_start3A_98] : memref<32x80x125xi32, #tpu.memory_space<hbm>> -> memref<1x80x125xi32, #tpu.memory_space<hbm>>
      %dma_start3A_100 = tpu.memref_squeeze %dma_start3A_99 : memref<1x80x125xi32, #tpu.memory_space<hbm>> -> memref<80x125xi32, #tpu.memory_space<hbm>>
      tpu.enqueue_dma source(%dma_start3A_100 : memref<80x125xi32, #tpu.memory_space<hbm>>) target(%arg16 : memref<80x125xi32, #tpu.memory_space<vmem>>) target_semaphore(%run_scoped3A : memref<!tpu.dma_semaphore, #tpu.memory_space<semaphore_mem>>)
      %dma_wait3A_101 = arith.constant 0 : i32
      %dma_wait3A_102 = arith.constant 0 : i32
      %dma_wait3A_103 = tpu.memref_slice %arg4[%add3A, %dma_wait3A_101, %dma_wait3A_102] : memref<32x80x125xi32, #tpu.memory_space<hbm>> -> memref<1x80x125xi32, #tpu.memory_space<hbm>>
      %dma_wait3A_104 = tpu.memref_squeeze %dma_wait3A_103 : memref<1x80x125xi32, #tpu.memory_space<hbm>> -> memref<80x125xi32, #tpu.memory_space<hbm>>
      %dma_wait3A_105 = arith.constant 0 : i32
      %dma_wait3A_106 = arith.constant 0 : i32
      %dma_wait3A_107 = tpu.memref_slice %arg4[%add3A, %dma_wait3A_105, %dma_wait3A_106] : memref<32x80x125xi32, #tpu.memory_space<hbm>> -> memref<1x80x125xi32, #tpu.memory_space<hbm>>
      %dma_wait3A_108 = tpu.memref_squeeze %dma_wait3A_107 : memref<1x80x125xi32, #tpu.memory_space<hbm>> -> memref<80x125xi32, #tpu.memory_space<hbm>>
      tpu.wait_dma2 semaphore(%run_scoped3A : memref<!tpu.dma_semaphore, #tpu.memory_space<semaphore_mem>>) src(%dma_wait3A_108 : memref<80x125xi32, #tpu.memory_space<hbm>>) dst(%arg16 : memref<80x125xi32, #tpu.memory_space<vmem>>)
      tpu.yield
    }) : () -> ()
    "tpu.region"() ({
      %run_scoped3A = tpu.sem_alloc : memref<!tpu.dma_semaphore, #tpu.memory_space<semaphore_mem>>
      %dma_start3A_93 = arith.constant 0 : i32
      %dma_start3A_94 = arith.constant 0 : i32
      %dma_start3A_95 = tpu.memref_slice %arg5[%add3A, %dma_start3A_93, %dma_start3A_94] : memref<32x80x125xi32, #tpu.memory_space<hbm>> -> memref<1x80x125xi32, #tpu.memory_space<hbm>>
      %dma_start3A_96 = tpu.memref_squeeze %dma_start3A_95 : memref<1x80x125xi32, #tpu.memory_space<hbm>> -> memref<80x125xi32, #tpu.memory_space<hbm>>
      %dma_start3A_97 = arith.constant 0 : i32
      %dma_start3A_98 = arith.constant 0 : i32
      %dma_start3A_99 = tpu.memref_slice %arg5[%add3A, %dma_start3A_97, %dma_start3A_98] : memref<32x80x125xi32, #tpu.memory_space<hbm>> -> memref<1x80x125xi32, #tpu.memory_space<hbm>>
      %dma_start3A_100 = tpu.memref_squeeze %dma_start3A_99 : memref<1x80x125xi32, #tpu.memory_space<hbm>> -> memref<80x125xi32, #tpu.memory_space<hbm>>
      tpu.enqueue_dma source(%dma_start3A_100 : memref<80x125xi32, #tpu.memory_space<hbm>>) target(%arg17 : memref<80x125xi32, #tpu.memory_space<vmem>>) target_semaphore(%run_scoped3A : memref<!tpu.dma_semaphore, #tpu.memory_space<semaphore_mem>>)
      %dma_wait3A_101 = arith.constant 0 : i32
      %dma_wait3A_102 = arith.constant 0 : i32
      %dma_wait3A_103 = tpu.memref_slice %arg5[%add3A, %dma_wait3A_101, %dma_wait3A_102] : memref<32x80x125xi32, #tpu.memory_space<hbm>> -> memref<1x80x125xi32, #tpu.memory_space<hbm>>
      %dma_wait3A_104 = tpu.memref_squeeze %dma_wait3A_103 : memref<1x80x125xi32, #tpu.memory_space<hbm>> -> memref<80x125xi32, #tpu.memory_space<hbm>>
      %dma_wait3A_105 = arith.constant 0 : i32
      %dma_wait3A_106 = arith.constant 0 : i32
      %dma_wait3A_107 = tpu.memref_slice %arg5[%add3A, %dma_wait3A_105, %dma_wait3A_106] : memref<32x80x125xi32, #tpu.memory_space<hbm>> -> memref<1x80x125xi32, #tpu.memory_space<hbm>>
      %dma_wait3A_108 = tpu.memref_squeeze %dma_wait3A_107 : memref<1x80x125xi32, #tpu.memory_space<hbm>> -> memref<80x125xi32, #tpu.memory_space<hbm>>
      tpu.wait_dma2 semaphore(%run_scoped3A : memref<!tpu.dma_semaphore, #tpu.memory_space<semaphore_mem>>) src(%dma_wait3A_108 : memref<80x125xi32, #tpu.memory_space<hbm>>) dst(%arg17 : memref<80x125xi32, #tpu.memory_space<vmem>>)
      tpu.yield
    }) : () -> ()
    %dma_start3A = arith.constant 0 : i32
    %dma_start3A_5 = arith.constant 0 : i32
    %dma_start3A_6 = tpu.memref_slice %arg16[%dma_start3A, %dma_start3A_5] : memref<80x125xi32, #tpu.memory_space<vmem>> -> memref<1x125xi32, #tpu.memory_space<vmem>>
    %dma_start3A_7 = tpu.memref_squeeze %dma_start3A_6 : memref<1x125xi32, #tpu.memory_space<vmem>> -> memref<125xi32, #tpu.memory_space<vmem>>
    %dma_start3A_8 = arith.constant 0 : i32
    %dma_start3A_9 = arith.constant 0 : i32
    %dma_start3A_10 = tpu.memref_slice %arg2[%dma_start3A_8, %dma_start3A_9] : memref<10000x64xf32, #tpu.memory_space<hbm>> -> memref<10000x64xf32, #tpu.memory_space<hbm>>
    tpu.enqueue_indirect_dma source(%dma_start3A_10 : memref<10000x64xf32, #tpu.memory_space<hbm>>) target(%arg8 : memref<125x64xf32, #tpu.memory_space<vmem>>) offsets(%dma_start3A_7 : memref<125xi32, #tpu.memory_space<vmem>>) semaphore(%arg19 : memref<!tpu.dma_semaphore, #tpu.memory_space<semaphore_mem>>)
    %add3A_11 = arith.constant 0 : i32
    %add3A_12 = arith.addi %mul3A_4, %add3A_11 : i32
    %dma_start3A_13 = arith.constant 0 : i32
    %dma_start3A_14 = tpu.memref_slice %arg3[%add3A_12, %dma_start3A_13] : memref<320000x128xf32, #tpu.memory_space<hbm>> -> memref<125x64xf32, #tpu.memory_space<hbm>>
    %dma_start3A_15 = arith.constant 0 : i32
    %dma_start3A_16 = tpu.memref_slice %arg3[%add3A_12, %dma_start3A_15] : memref<320000x128xf32, #tpu.memory_space<hbm>> -> memref<125x64xf32, #tpu.memory_space<hbm>>
    tpu.enqueue_dma source(%dma_start3A_16 : memref<125x64xf32, #tpu.memory_space<hbm>>) target(%arg12 : memref<125x64xf32, #tpu.memory_space<vmem>>) target_semaphore(%arg23 : memref<!tpu.dma_semaphore, #tpu.memory_space<semaphore_mem>>)
    %dma_start3A_17 = arith.constant 1 : i32
    %dma_start3A_18 = arith.constant 0 : i32
    %dma_start3A_19 = tpu.memref_slice %arg16[%dma_start3A_17, %dma_start3A_18] : memref<80x125xi32, #tpu.memory_space<vmem>> -> memref<1x125xi32, #tpu.memory_space<vmem>>
    %dma_start3A_20 = tpu.memref_squeeze %dma_start3A_19 : memref<1x125xi32, #tpu.memory_space<vmem>> -> memref<125xi32, #tpu.memory_space<vmem>>
    %dma_start3A_21 = arith.constant 0 : i32
    %dma_start3A_22 = arith.constant 0 : i32
    %dma_start3A_23 = tpu.memref_slice %arg2[%dma_start3A_21, %dma_start3A_22] : memref<10000x64xf32, #tpu.memory_space<hbm>> -> memref<10000x64xf32, #tpu.memory_space<hbm>>
    tpu.enqueue_indirect_dma source(%dma_start3A_23 : memref<10000x64xf32, #tpu.memory_space<hbm>>) target(%arg9 : memref<125x64xf32, #tpu.memory_space<vmem>>) offsets(%dma_start3A_20 : memref<125xi32, #tpu.memory_space<vmem>>) semaphore(%arg20 : memref<!tpu.dma_semaphore, #tpu.memory_space<semaphore_mem>>)
    %add3A_24 = arith.constant 125 : i32
    %add3A_25 = arith.addi %mul3A_4, %add3A_24 : i32
    %dma_start3A_26 = arith.constant 0 : i32
    %dma_start3A_27 = tpu.memref_slice %arg3[%add3A_25, %dma_start3A_26] : memref<320000x128xf32, #tpu.memory_space<hbm>> -> memref<125x64xf32, #tpu.memory_space<hbm>>
    %dma_start3A_28 = arith.constant 0 : i32
    %dma_start3A_29 = tpu.memref_slice %arg3[%add3A_25, %dma_start3A_28] : memref<320000x128xf32, #tpu.memory_space<hbm>> -> memref<125x64xf32, #tpu.memory_space<hbm>>
    tpu.enqueue_dma source(%dma_start3A_29 : memref<125x64xf32, #tpu.memory_space<hbm>>) target(%arg13 : memref<125x64xf32, #tpu.memory_space<vmem>>) target_semaphore(%arg24 : memref<!tpu.dma_semaphore, #tpu.memory_space<semaphore_mem>>)
    %dma_start3A_30 = arith.constant 2 : i32
    %dma_start3A_31 = arith.constant 0 : i32
    %dma_start3A_32 = tpu.memref_slice %arg16[%dma_start3A_30, %dma_start3A_31] : memref<80x125xi32, #tpu.memory_space<vmem>> -> memref<1x125xi32, #tpu.memory_space<vmem>>
    %dma_start3A_33 = tpu.memref_squeeze %dma_start3A_32 : memref<1x125xi32, #tpu.memory_space<vmem>> -> memref<125xi32, #tpu.memory_space<vmem>>
    %dma_start3A_34 = arith.constant 0 : i32
    %dma_start3A_35 = arith.constant 0 : i32
    %dma_start3A_36 = tpu.memref_slice %arg2[%dma_start3A_34, %dma_start3A_35] : memref<10000x64xf32, #tpu.memory_space<hbm>> -> memref<10000x64xf32, #tpu.memory_space<hbm>>
    tpu.enqueue_indirect_dma source(%dma_start3A_36 : memref<10000x64xf32, #tpu.memory_space<hbm>>) target(%arg10 : memref<125x64xf32, #tpu.memory_space<vmem>>) offsets(%dma_start3A_33 : memref<125xi32, #tpu.memory_space<vmem>>) semaphore(%arg21 : memref<!tpu.dma_semaphore, #tpu.memory_space<semaphore_mem>>)
    %add3A_37 = arith.constant 250 : i32
    %add3A_38 = arith.addi %mul3A_4, %add3A_37 : i32
    %dma_start3A_39 = arith.constant 0 : i32
    %dma_start3A_40 = tpu.memref_slice %arg3[%add3A_38, %dma_start3A_39] : memref<320000x128xf32, #tpu.memory_space<hbm>> -> memref<125x64xf32, #tpu.memory_space<hbm>>
    %dma_start3A_41 = arith.constant 0 : i32
    %dma_start3A_42 = tpu.memref_slice %arg3[%add3A_38, %dma_start3A_41] : memref<320000x128xf32, #tpu.memory_space<hbm>> -> memref<125x64xf32, #tpu.memory_space<hbm>>
    tpu.enqueue_dma source(%dma_start3A_42 : memref<125x64xf32, #tpu.memory_space<hbm>>) target(%arg14 : memref<125x64xf32, #tpu.memory_space<vmem>>) target_semaphore(%arg25 : memref<!tpu.dma_semaphore, #tpu.memory_space<semaphore_mem>>)
    %dma_start3A_43 = arith.constant 3 : i32
    %dma_start3A_44 = arith.constant 0 : i32
    %dma_start3A_45 = tpu.memref_slice %arg16[%dma_start3A_43, %dma_start3A_44] : memref<80x125xi32, #tpu.memory_space<vmem>> -> memref<1x125xi32, #tpu.memory_space<vmem>>
    %dma_start3A_46 = tpu.memref_squeeze %dma_start3A_45 : memref<1x125xi32, #tpu.memory_space<vmem>> -> memref<125xi32, #tpu.memory_space<vmem>>
    %dma_start3A_47 = arith.constant 0 : i32
    %dma_start3A_48 = arith.constant 0 : i32
    %dma_start3A_49 = tpu.memref_slice %arg2[%dma_start3A_47, %dma_start3A_48] : memref<10000x64xf32, #tpu.memory_space<hbm>> -> memref<10000x64xf32, #tpu.memory_space<hbm>>
    tpu.enqueue_indirect_dma source(%dma_start3A_49 : memref<10000x64xf32, #tpu.memory_space<hbm>>) target(%arg11 : memref<125x64xf32, #tpu.memory_space<vmem>>) offsets(%dma_start3A_46 : memref<125xi32, #tpu.memory_space<vmem>>) semaphore(%arg22 : memref<!tpu.dma_semaphore, #tpu.memory_space<semaphore_mem>>)
    %add3A_50 = arith.constant 375 : i32
    %add3A_51 = arith.addi %mul3A_4, %add3A_50 : i32
    %dma_start3A_52 = arith.constant 0 : i32
    %dma_start3A_53 = tpu.memref_slice %arg3[%add3A_51, %dma_start3A_52] : memref<320000x128xf32, #tpu.memory_space<hbm>> -> memref<125x64xf32, #tpu.memory_space<hbm>>
    %dma_start3A_54 = arith.constant 0 : i32
    %dma_start3A_55 = tpu.memref_slice %arg3[%add3A_51, %dma_start3A_54] : memref<320000x128xf32, #tpu.memory_space<hbm>> -> memref<125x64xf32, #tpu.memory_space<hbm>>
    tpu.enqueue_dma source(%dma_start3A_55 : memref<125x64xf32, #tpu.memory_space<hbm>>) target(%arg15 : memref<125x64xf32, #tpu.memory_space<vmem>>) target_semaphore(%arg26 : memref<!tpu.dma_semaphore, #tpu.memory_space<semaphore_mem>>)
    %scan3A = arith.constant 0 : i32
    %scan3A_56 = arith.constant 0 : i32
    %scan3A_57 = arith.constant 20 : i32
    %scan3A_58 = arith.addi %scan3A_56, %scan3A_57 : i32
    %scan3A_59 = arith.constant 1 : i32
    scf.for %scan3A_93 = %scan3A_56 to %scan3A_58 step %scan3A_59  : i32 {
      %mul3A_94 = arith.constant 4 : i32
      %mul3A_95 = arith.muli %scan3A_93, %mul3A_94 : i32
      %add3A_96 = arith.constant 0 : i32
      %add3A_97 = arith.addi %mul3A_95, %add3A_96 : i32
      %dma_wait3A_98 = arith.constant 0 : i32
      %dma_wait3A_99 = tpu.memref_slice %arg16[%add3A_97, %dma_wait3A_98] : memref<80x125xi32, #tpu.memory_space<vmem>> -> memref<1x125xi32, #tpu.memory_space<vmem>>
      %dma_wait3A_100 = tpu.memref_squeeze %dma_wait3A_99 : memref<1x125xi32, #tpu.memory_space<vmem>> -> memref<125xi32, #tpu.memory_space<vmem>>
      %dma_wait3A_101 = arith.constant 0 : i32
      %dma_wait3A_102 = arith.constant 0 : i32
      %dma_wait3A_103 = tpu.memref_slice %arg2[%dma_wait3A_101, %dma_wait3A_102] : memref<10000x64xf32, #tpu.memory_space<hbm>> -> memref<10000x64xf32, #tpu.memory_space<hbm>>
      tpu.wait_indirect_dma semaphore(%arg19 : memref<!tpu.dma_semaphore, #tpu.memory_space<semaphore_mem>>) src(%dma_wait3A_103 : memref<10000x64xf32, #tpu.memory_space<hbm>>) dst(%arg8 : memref<125x64xf32, #tpu.memory_space<vmem>>)
      %mul3A_104 = arith.constant 125 : i32
      %mul3A_105 = arith.muli %add3A_97, %mul3A_104 : i32
      %add3A_106 = arith.addi %mul3A_4, %mul3A_105 : i32
      %dma_wait3A_107 = arith.constant 0 : i32
      %dma_wait3A_108 = tpu.memref_slice %arg3[%add3A_106, %dma_wait3A_107] : memref<320000x128xf32, #tpu.memory_space<hbm>> -> memref<125x64xf32, #tpu.memory_space<hbm>>
      %dma_wait3A_109 = arith.constant 0 : i32
      %dma_wait3A_110 = tpu.memref_slice %arg3[%add3A_106, %dma_wait3A_109] : memref<320000x128xf32, #tpu.memory_space<hbm>> -> memref<125x64xf32, #tpu.memory_space<hbm>>
      tpu.wait_dma2 semaphore(%arg23 : memref<!tpu.dma_semaphore, #tpu.memory_space<semaphore_mem>>) src(%dma_wait3A_110 : memref<125x64xf32, #tpu.memory_space<hbm>>) dst(%arg12 : memref<125x64xf32, #tpu.memory_space<vmem>>)
      %scan3A_111 = arith.constant 0 : i32
      %scan3A_112 = arith.constant 0 : i32
      %scan3A_113 = arith.constant 125 : i32
      %scan3A_114 = arith.addi %scan3A_112, %scan3A_113 : i32
      %scan3A_115 = arith.constant 1 : i32
      scf.for %scan3A_212 = %scan3A_112 to %scan3A_114 step %scan3A_115  : i32 {
        %get3A = arith.index_cast %scan3A_212 : i32 to index
        %get3A_213 = arith.constant 0 : index
        %get3A_214 = tpu.vector_load %arg8[%get3A, %get3A_213] {strides = array<i32>} : memref<125x64xf32, #tpu.memory_space<vmem>>, vector<1x16xf32>,
        %get3A_215 = vector.shape_cast %get3A_214 : vector<1x16xf32> to vector<16xf32>
        %get3A_216 = arith.index_cast %scan3A_212 : i32 to index
        %get3A_217 = arith.constant 0 : index
        %get3A_218 = tpu.vector_load %arg12[%get3A_216, %get3A_217] {strides = array<i32>} : memref<125x64xf32, #tpu.memory_space<vmem>>, vector<1x16xf32>,
        %get3A_219 = vector.shape_cast %get3A_218 : vector<1x16xf32> to vector<16xf32>
        %add3A_220 = arith.addf %get3A_215, %get3A_219 : vector<16xf32>
        %max3A = arith.constant 0.000000e+00 : f32
        %max3A_221 = vector.broadcast %max3A : f32 to vector<16xf32>
        %max3A_222 = arith.maximumf %add3A_220, %max3A_221 : vector<16xf32>
        %swap3A = arith.index_cast %scan3A_212 : i32 to index
        %swap3A_223 = arith.constant 0 : index
        %swap3A_224 = tpu.vector_load %arg8[%swap3A, %swap3A_223] {strides = array<i32>} : memref<125x64xf32, #tpu.memory_space<vmem>>, vector<1x16xf32>,
        %swap3A_225 = vector.shape_cast %swap3A_224 : vector<1x16xf32> to vector<16xf32>
        %swap3A_226 = vector.shape_cast %max3A_222 : vector<16xf32> to vector<1x16xf32>
        tpu.vector_store %arg8[%swap3A, %swap3A_223], %swap3A_226 {strides = array<i32>} : memref<125x64xf32, #tpu.memory_space<vmem>>, vector<1x16xf32>,
        %get3A_227 = arith.index_cast %scan3A_212 : i32 to index
        %get3A_228 = arith.constant 16 : index
        %get3A_229 = tpu.vector_load %arg8[%get3A_227, %get3A_228] {strides = array<i32>} : memref<125x64xf32, #tpu.memory_space<vmem>>, vector<1x16xf32>,
        %get3A_230 = vector.shape_cast %get3A_229 : vector<1x16xf32> to vector<16xf32>
        %get3A_231 = arith.index_cast %scan3A_212 : i32 to index
        %get3A_232 = arith.constant 16 : index
        %get3A_233 = tpu.vector_load %arg12[%get3A_231, %get3A_232] {strides = array<i32>} : memref<125x64xf32, #tpu.memory_space<vmem>>, vector<1x16xf32>,
        %get3A_234 = vector.shape_cast %get3A_233 : vector<1x16xf32> to vector<16xf32>
        %add3A_235 = arith.addf %get3A_230, %get3A_234 : vector<16xf32>
        %max3A_236 = arith.constant 0.000000e+00 : f32
        %max3A_237 = vector.broadcast %max3A_236 : f32 to vector<16xf32>
        %max3A_238 = arith.maximumf %add3A_235, %max3A_237 : vector<16xf32>
        %swap3A_239 = arith.index_cast %scan3A_212 : i32 to index
        %swap3A_240 = arith.constant 16 : index
        %swap3A_241 = tpu.vector_load %arg8[%swap3A_239, %swap3A_240] {strides = array<i32>} : memref<125x64xf32, #tpu.memory_space<vmem>>, vector<1x16xf32>,
        %swap3A_242 = vector.shape_cast %swap3A_241 : vector<1x16xf32> to vector<16xf32>
        %swap3A_243 = vector.shape_cast %max3A_238 : vector<16xf32> to vector<1x16xf32>
        tpu.vector_store %arg8[%swap3A_239, %swap3A_240], %swap3A_243 {strides = array<i32>} : memref<125x64xf32, #tpu.memory_space<vmem>>, vector<1x16xf32>,
        %get3A_244 = arith.index_cast %scan3A_212 : i32 to index
        %get3A_245 = arith.constant 32 : index
        %get3A_246 = tpu.vector_load %arg8[%get3A_244, %get3A_245] {strides = array<i32>} : memref<125x64xf32, #tpu.memory_space<vmem>>, vector<1x16xf32>,
        %get3A_247 = vector.shape_cast %get3A_246 : vector<1x16xf32> to vector<16xf32>
        %get3A_248 = arith.index_cast %scan3A_212 : i32 to index
        %get3A_249 = arith.constant 32 : index
        %get3A_250 = tpu.vector_load %arg12[%get3A_248, %get3A_249] {strides = array<i32>} : memref<125x64xf32, #tpu.memory_space<vmem>>, vector<1x16xf32>,
        %get3A_251 = vector.shape_cast %get3A_250 : vector<1x16xf32> to vector<16xf32>
        %add3A_252 = arith.addf %get3A_247, %get3A_251 : vector<16xf32>
        %max3A_253 = arith.constant 0.000000e+00 : f32
        %max3A_254 = vector.broadcast %max3A_253 : f32 to vector<16xf32>
        %max3A_255 = arith.maximumf %add3A_252, %max3A_254 : vector<16xf32>
        %swap3A_256 = arith.index_cast %scan3A_212 : i32 to index
        %swap3A_257 = arith.constant 32 : index
        %swap3A_258 = tpu.vector_load %arg8[%swap3A_256, %swap3A_257] {strides = array<i32>} : memref<125x64xf32, #tpu.memory_space<vmem>>, vector<1x16xf32>,
        %swap3A_259 = vector.shape_cast %swap3A_258 : vector<1x16xf32> to vector<16xf32>
        %swap3A_260 = vector.shape_cast %max3A_255 : vector<16xf32> to vector<1x16xf32>
        tpu.vector_store %arg8[%swap3A_256, %swap3A_257], %swap3A_260 {strides = array<i32>} : memref<125x64xf32, #tpu.memory_space<vmem>>, vector<1x16xf32>,
        %get3A_261 = arith.index_cast %scan3A_212 : i32 to index
        %get3A_262 = arith.constant 48 : index
        %get3A_263 = tpu.vector_load %arg8[%get3A_261, %get3A_262] {strides = array<i32>} : memref<125x64xf32, #tpu.memory_space<vmem>>, vector<1x16xf32>,
        %get3A_264 = vector.shape_cast %get3A_263 : vector<1x16xf32> to vector<16xf32>
        %get3A_265 = arith.index_cast %scan3A_212 : i32 to index
        %get3A_266 = arith.constant 48 : index
        %get3A_267 = tpu.vector_load %arg12[%get3A_265, %get3A_266] {strides = array<i32>} : memref<125x64xf32, #tpu.memory_space<vmem>>, vector<1x16xf32>,
        %get3A_268 = vector.shape_cast %get3A_267 : vector<1x16xf32> to vector<16xf32>
        %add3A_269 = arith.addf %get3A_264, %get3A_268 : vector<16xf32>
        %max3A_270 = arith.constant 0.000000e+00 : f32
        %max3A_271 = vector.broadcast %max3A_270 : f32 to vector<16xf32>
        %max3A_272 = arith.maximumf %add3A_269, %max3A_271 : vector<16xf32>
        %swap3A_273 = arith.index_cast %scan3A_212 : i32 to index
        %swap3A_274 = arith.constant 48 : index
        %swap3A_275 = tpu.vector_load %arg8[%swap3A_273, %swap3A_274] {strides = array<i32>} : memref<125x64xf32, #tpu.memory_space<vmem>>, vector<1x16xf32>,
        %swap3A_276 = vector.shape_cast %swap3A_275 : vector<1x16xf32> to vector<16xf32>
        %swap3A_277 = vector.shape_cast %max3A_272 : vector<16xf32> to vector<1x16xf32>
        tpu.vector_store %arg8[%swap3A_273, %swap3A_274], %swap3A_277 {strides = array<i32>} : memref<125x64xf32, #tpu.memory_space<vmem>>, vector<1x16xf32>,
      }
      %scan3A_116 = arith.constant 125 : i32
      %dma_start3A_117 = arith.constant 0 : i32
      %dma_start3A_118 = tpu.memref_slice %arg17[%add3A_97, %dma_start3A_117] : memref<80x125xi32, #tpu.memory_space<vmem>> -> memref<1x125xi32, #tpu.memory_space<vmem>>
      %dma_start3A_119 = tpu.memref_squeeze %dma_start3A_118 : memref<1x125xi32, #tpu.memory_space<vmem>> -> memref<125xi32, #tpu.memory_space<vmem>>
      %dma_start3A_120 = arith.constant 0 : i32
      %dma_start3A_121 = arith.constant 0 : i32
      %dma_start3A_122 = tpu.memref_slice %arg18[%dma_start3A_120, %dma_start3A_121] : memref<10240x64xf32, #tpu.memory_space<vmem_shared>> -> memref<10240x64xf32, #tpu.memory_space<vmem_shared>>
      tpu.enqueue_indirect_dma source(%arg8 : memref<125x64xf32, #tpu.memory_space<vmem>>) target(%dma_start3A_122 : memref<10240x64xf32, #tpu.memory_space<vmem_shared>>) offsets(%dma_start3A_119 : memref<125xi32, #tpu.memory_space<vmem>>) semaphore(%arg27 : memref<!tpu.dma_semaphore, #tpu.memory_space<semaphore_mem>>) {add = true}
      %mul3A_123 = arith.constant 4 : i32
      %mul3A_124 = arith.muli %scan3A_93, %mul3A_123 : i32
      %add3A_125 = arith.constant 1 : i32
      %add3A_126 = arith.addi %mul3A_124, %add3A_125 : i32
      %dma_wait3A_127 = arith.constant 0 : i32
      %dma_wait3A_128 = tpu.memref_slice %arg16[%add3A_126, %dma_wait3A_127] : memref<80x125xi32, #tpu.memory_space<vmem>> -> memref<1x125xi32, #tpu.memory_space<vmem>>
      %dma_wait3A_129 = tpu.memref_squeeze %dma_wait3A_128 : memref<1x125xi32, #tpu.memory_space<vmem>> -> memref<125xi32, #tpu.memory_space<vmem>>
      %dma_wait3A_130 = arith.constant 0 : i32
      %dma_wait3A_131 = arith.constant 0 : i32
      %dma_wait3A_132 = tpu.memref_slice %arg2[%dma_wait3A_130, %dma_wait3A_131] : memref<10000x64xf32, #tpu.memory_space<hbm>> -> memref<10000x64xf32, #tpu.memory_space<hbm>>
      tpu.wait_indirect_dma semaphore(%arg20 : memref<!tpu.dma_semaphore, #tpu.memory_space<semaphore_mem>>) src(%dma_wait3A_132 : memref<10000x64xf32, #tpu.memory_space<hbm>>) dst(%arg9 : memref<125x64xf32, #tpu.memory_space<vmem>>)
      %mul3A_133 = arith.constant 125 : i32
      %mul3A_134 = arith.muli %add3A_126, %mul3A_133 : i32
      %add3A_135 = arith.addi %mul3A_4, %mul3A_134 : i32
      %dma_wait3A_136 = arith.constant 0 : i32
      %dma_wait3A_137 = tpu.memref_slice %arg3[%add3A_135, %dma_wait3A_136] : memref<320000x128xf32, #tpu.memory_space<hbm>> -> memref<125x64xf32, #tpu.memory_space<hbm>>
      %dma_wait3A_138 = arith.constant 0 : i32
      %dma_wait3A_139 = tpu.memref_slice %arg3[%add3A_135, %dma_wait3A_138] : memref<320000x128xf32, #tpu.memory_space<hbm>> -> memref<125x64xf32, #tpu.memory_space<hbm>>
      tpu.wait_dma2 semaphore(%arg24 : memref<!tpu.dma_semaphore, #tpu.memory_space<semaphore_mem>>) src(%dma_wait3A_139 : memref<125x64xf32, #tpu.memory_space<hbm>>) dst(%arg13 : memref<125x64xf32, #tpu.memory_space<vmem>>)
      %scan3A_140 = arith.constant 0 : i32
      %scan3A_141 = arith.constant 0 : i32
      %scan3A_142 = arith.constant 125 : i32
      %scan3A_143 = arith.addi %scan3A_141, %scan3A_142 : i32
      %scan3A_144 = arith.constant 1 : i32
      scf.for %scan3A_212 = %scan3A_141 to %scan3A_143 step %scan3A_144  : i32 {
        %get3A = arith.index_cast %scan3A_212 : i32 to index
        %get3A_213 = arith.constant 0 : index
        %get3A_214 = tpu.vector_load %arg9[%get3A, %get3A_213] {strides = array<i32>} : memref<125x64xf32, #tpu.memory_space<vmem>>, vector<1x16xf32>,
        %get3A_215 = vector.shape_cast %get3A_214 : vector<1x16xf32> to vector<16xf32>
        %get3A_216 = arith.index_cast %scan3A_212 : i32 to index
        %get3A_217 = arith.constant 0 : index
        %get3A_218 = tpu.vector_load %arg13[%get3A_216, %get3A_217] {strides = array<i32>} : memref<125x64xf32, #tpu.memory_space<vmem>>, vector<1x16xf32>,
        %get3A_219 = vector.shape_cast %get3A_218 : vector<1x16xf32> to vector<16xf32>
        %add3A_220 = arith.addf %get3A_215, %get3A_219 : vector<16xf32>
        %max3A = arith.constant 0.000000e+00 : f32
        %max3A_221 = vector.broadcast %max3A : f32 to vector<16xf32>
        %max3A_222 = arith.maximumf %add3A_220, %max3A_221 : vector<16xf32>
        %swap3A = arith.index_cast %scan3A_212 : i32 to index
        %swap3A_223 = arith.constant 0 : index
        %swap3A_224 = tpu.vector_load %arg9[%swap3A, %swap3A_223] {strides = array<i32>} : memref<125x64xf32, #tpu.memory_space<vmem>>, vector<1x16xf32>,
        %swap3A_225 = vector.shape_cast %swap3A_224 : vector<1x16xf32> to vector<16xf32>
        %swap3A_226 = vector.shape_cast %max3A_222 : vector<16xf32> to vector<1x16xf32>
        tpu.vector_store %arg9[%swap3A, %swap3A_223], %swap3A_226 {strides = array<i32>} : memref<125x64xf32, #tpu.memory_space<vmem>>, vector<1x16xf32>,
        %get3A_227 = arith.index_cast %scan3A_212 : i32 to index
        %get3A_228 = arith.constant 16 : index
        %get3A_229 = tpu.vector_load %arg9[%get3A_227, %get3A_228] {strides = array<i32>} : memref<125x64xf32, #tpu.memory_space<vmem>>, vector<1x16xf32>,
        %get3A_230 = vector.shape_cast %get3A_229 : vector<1x16xf32> to vector<16xf32>
        %get3A_231 = arith.index_cast %scan3A_212 : i32 to index
        %get3A_232 = arith.constant 16 : index
        %get3A_233 = tpu.vector_load %arg13[%get3A_231, %get3A_232] {strides = array<i32>} : memref<125x64xf32, #tpu.memory_space<vmem>>, vector<1x16xf32>,
        %get3A_234 = vector.shape_cast %get3A_233 : vector<1x16xf32> to vector<16xf32>
        %add3A_235 = arith.addf %get3A_230, %get3A_234 : vector<16xf32>
        %max3A_236 = arith.constant 0.000000e+00 : f32
        %max3A_237 = vector.broadcast %max3A_236 : f32 to vector<16xf32>
        %max3A_238 = arith.maximumf %add3A_235, %max3A_237 : vector<16xf32>
        %swap3A_239 = arith.index_cast %scan3A_212 : i32 to index
        %swap3A_240 = arith.constant 16 : index
        %swap3A_241 = tpu.vector_load %arg9[%swap3A_239, %swap3A_240] {strides = array<i32>} : memref<125x64xf32, #tpu.memory_space<vmem>>, vector<1x16xf32>,
        %swap3A_242 = vector.shape_cast %swap3A_241 : vector<1x16xf32> to vector<16xf32>
        %swap3A_243 = vector.shape_cast %max3A_238 : vector<16xf32> to vector<1x16xf32>
        tpu.vector_store %arg9[%swap3A_239, %swap3A_240], %swap3A_243 {strides = array<i32>} : memref<125x64xf32, #tpu.memory_space<vmem>>, vector<1x16xf32>,
        %get3A_244 = arith.index_cast %scan3A_212 : i32 to index
        %get3A_245 = arith.constant 32 : index
        %get3A_246 = tpu.vector_load %arg9[%get3A_244, %get3A_245] {strides = array<i32>} : memref<125x64xf32, #tpu.memory_space<vmem>>, vector<1x16xf32>,
        %get3A_247 = vector.shape_cast %get3A_246 : vector<1x16xf32> to vector<16xf32>
        %get3A_248 = arith.index_cast %scan3A_212 : i32 to index
        %get3A_249 = arith.constant 32 : index
        %get3A_250 = tpu.vector_load %arg13[%get3A_248, %get3A_249] {strides = array<i32>} : memref<125x64xf32, #tpu.memory_space<vmem>>, vector<1x16xf32>,
        %get3A_251 = vector.shape_cast %get3A_250 : vector<1x16xf32> to vector<16xf32>
        %add3A_252 = arith.addf %get3A_247, %get3A_251 : vector<16xf32>
        %max3A_253 = arith.constant 0.000000e+00 : f32
        %max3A_254 = vector.broadcast %max3A_253 : f32 to vector<16xf32>
        %max3A_255 = arith.maximumf %add3A_252, %max3A_254 : vector<16xf32>
        %swap3A_256 = arith.index_cast %scan3A_212 : i32 to index
        %swap3A_257 = arith.constant 32 : index
        %swap3A_258 = tpu.vector_load %arg9[%swap3A_256, %swap3A_257] {strides = array<i32>} : memref<125x64xf32, #tpu.memory_space<vmem>>, vector<1x16xf32>,
        %swap3A_259 = vector.shape_cast %swap3A_258 : vector<1x16xf32> to vector<16xf32>
        %swap3A_260 = vector.shape_cast %max3A_255 : vector<16xf32> to vector<1x16xf32>
        tpu.vector_store %arg9[%swap3A_256, %swap3A_257], %swap3A_260 {strides = array<i32>} : memref<125x64xf32, #tpu.memory_space<vmem>>, vector<1x16xf32>,
        %get3A_261 = arith.index_cast %scan3A_212 : i32 to index
        %get3A_262 = arith.constant 48 : index
        %get3A_263 = tpu.vector_load %arg9[%get3A_261, %get3A_262] {strides = array<i32>} : memref<125x64xf32, #tpu.memory_space<vmem>>, vector<1x16xf32>,
        %get3A_264 = vector.shape_cast %get3A_263 : vector<1x16xf32> to vector<16xf32>
        %get3A_265 = arith.index_cast %scan3A_212 : i32 to index
        %get3A_266 = arith.constant 48 : index
        %get3A_267 = tpu.vector_load %arg13[%get3A_265, %get3A_266] {strides = array<i32>} : memref<125x64xf32, #tpu.memory_space<vmem>>, vector<1x16xf32>,
        %get3A_268 = vector.shape_cast %get3A_267 : vector<1x16xf32> to vector<16xf32>
        %add3A_269 = arith.addf %get3A_264, %get3A_268 : vector<16xf32>
        %max3A_270 = arith.constant 0.000000e+00 : f32
        %max3A_271 = vector.broadcast %max3A_270 : f32 to vector<16xf32>
        %max3A_272 = arith.maximumf %add3A_269, %max3A_271 : vector<16xf32>
        %swap3A_273 = arith.index_cast %scan3A_212 : i32 to index
        %swap3A_274 = arith.constant 48 : index
        %swap3A_275 = tpu.vector_load %arg9[%swap3A_273, %swap3A_274] {strides = array<i32>} : memref<125x64xf32, #tpu.memory_space<vmem>>, vector<1x16xf32>,
        %swap3A_276 = vector.shape_cast %swap3A_275 : vector<1x16xf32> to vector<16xf32>
        %swap3A_277 = vector.shape_cast %max3A_272 : vector<16xf32> to vector<1x16xf32>
        tpu.vector_store %arg9[%swap3A_273, %swap3A_274], %swap3A_277 {strides = array<i32>} : memref<125x64xf32, #tpu.memory_space<vmem>>, vector<1x16xf32>,
      }
      %scan3A_145 = arith.constant 125 : i32
      %dma_start3A_146 = arith.constant 0 : i32
      %dma_start3A_147 = tpu.memref_slice %arg17[%add3A_126, %dma_start3A_146] : memref<80x125xi32, #tpu.memory_space<vmem>> -> memref<1x125xi32, #tpu.memory_space<vmem>>
      %dma_start3A_148 = tpu.memref_squeeze %dma_start3A_147 : memref<1x125xi32, #tpu.memory_space<vmem>> -> memref<125xi32, #tpu.memory_space<vmem>>
      %dma_start3A_149 = arith.constant 0 : i32
      %dma_start3A_150 = arith.constant 0 : i32
      %dma_start3A_151 = tpu.memref_slice %arg18[%dma_start3A_149, %dma_start3A_150] : memref<10240x64xf32, #tpu.memory_space<vmem_shared>> -> memref<10240x64xf32, #tpu.memory_space<vmem_shared>>
      tpu.enqueue_indirect_dma source(%arg9 : memref<125x64xf32, #tpu.memory_space<vmem>>) target(%dma_start3A_151 : memref<10240x64xf32, #tpu.memory_space<vmem_shared>>) offsets(%dma_start3A_148 : memref<125xi32, #tpu.memory_space<vmem>>) semaphore(%arg28 : memref<!tpu.dma_semaphore, #tpu.memory_space<semaphore_mem>>) {add = true}
      %mul3A_152 = arith.constant 4 : i32
      %mul3A_153 = arith.muli %scan3A_93, %mul3A_152 : i32
      %add3A_154 = arith.constant 2 : i32
      %add3A_155 = arith.addi %mul3A_153, %add3A_154 : i32
      %dma_wait3A_156 = arith.constant 0 : i32
      %dma_wait3A_157 = tpu.memref_slice %arg16[%add3A_155, %dma_wait3A_156] : memref<80x125xi32, #tpu.memory_space<vmem>> -> memref<1x125xi32, #tpu.memory_space<vmem>>
      %dma_wait3A_158 = tpu.memref_squeeze %dma_wait3A_157 : memref<1x125xi32, #tpu.memory_space<vmem>> -> memref<125xi32, #tpu.memory_space<vmem>>
      %dma_wait3A_159 = arith.constant 0 : i32
      %dma_wait3A_160 = arith.constant 0 : i32
      %dma_wait3A_161 = tpu.memref_slice %arg2[%dma_wait3A_159, %dma_wait3A_160] : memref<10000x64xf32, #tpu.memory_space<hbm>> -> memref<10000x64xf32, #tpu.memory_space<hbm>>
      tpu.wait_indirect_dma semaphore(%arg21 : memref<!tpu.dma_semaphore, #tpu.memory_space<semaphore_mem>>) src(%dma_wait3A_161 : memref<10000x64xf32, #tpu.memory_space<hbm>>) dst(%arg10 : memref<125x64xf32, #tpu.memory_space<vmem>>)
      %mul3A_162 = arith.constant 125 : i32
      %mul3A_163 = arith.muli %add3A_155, %mul3A_162 : i32
      %add3A_164 = arith.addi %mul3A_4, %mul3A_163 : i32
      %dma_wait3A_165 = arith.constant 0 : i32
      %dma_wait3A_166 = tpu.memref_slice %arg3[%add3A_164, %dma_wait3A_165] : memref<320000x128xf32, #tpu.memory_space<hbm>> -> memref<125x64xf32, #tpu.memory_space<hbm>>
      %dma_wait3A_167 = arith.constant 0 : i32
      %dma_wait3A_168 = tpu.memref_slice %arg3[%add3A_164, %dma_wait3A_167] : memref<320000x128xf32, #tpu.memory_space<hbm>> -> memref<125x64xf32, #tpu.memory_space<hbm>>
      tpu.wait_dma2 semaphore(%arg25 : memref<!tpu.dma_semaphore, #tpu.memory_space<semaphore_mem>>) src(%dma_wait3A_168 : memref<125x64xf32, #tpu.memory_space<hbm>>) dst(%arg14 : memref<125x64xf32, #tpu.memory_space<vmem>>)
      %scan3A_169 = arith.constant 0 : i32
      %scan3A_170 = arith.constant 0 : i32
      %scan3A_171 = arith.constant 125 : i32
      %scan3A_172 = arith.addi %scan3A_170, %scan3A_171 : i32
      %scan3A_173 = arith.constant 1 : i32
      scf.for %scan3A_212 = %scan3A_170 to %scan3A_172 step %scan3A_173  : i32 {
        %get3A = arith.index_cast %scan3A_212 : i32 to index
        %get3A_213 = arith.constant 0 : index
        %get3A_214 = tpu.vector_load %arg10[%get3A, %get3A_213] {strides = array<i32>} : memref<125x64xf32, #tpu.memory_space<vmem>>, vector<1x16xf32>,
        %get3A_215 = vector.shape_cast %get3A_214 : vector<1x16xf32> to vector<16xf32>
        %get3A_216 = arith.index_cast %scan3A_212 : i32 to index
        %get3A_217 = arith.constant 0 : index
        %get3A_218 = tpu.vector_load %arg14[%get3A_216, %get3A_217] {strides = array<i32>} : memref<125x64xf32, #tpu.memory_space<vmem>>, vector<1x16xf32>,
        %get3A_219 = vector.shape_cast %get3A_218 : vector<1x16xf32> to vector<16xf32>
        %add3A_220 = arith.addf %get3A_215, %get3A_219 : vector<16xf32>
        %max3A = arith.constant 0.000000e+00 : f32
        %max3A_221 = vector.broadcast %max3A : f32 to vector<16xf32>
        %max3A_222 = arith.maximumf %add3A_220, %max3A_221 : vector<16xf32>
        %swap3A = arith.index_cast %scan3A_212 : i32 to index
        %swap3A_223 = arith.constant 0 : index
        %swap3A_224 = tpu.vector_load %arg10[%swap3A, %swap3A_223] {strides = array<i32>} : memref<125x64xf32, #tpu.memory_space<vmem>>, vector<1x16xf32>,
        %swap3A_225 = vector.shape_cast %swap3A_224 : vector<1x16xf32> to vector<16xf32>
        %swap3A_226 = vector.shape_cast %max3A_222 : vector<16xf32> to vector<1x16xf32>
        tpu.vector_store %arg10[%swap3A, %swap3A_223], %swap3A_226 {strides = array<i32>} : memref<125x64xf32, #tpu.memory_space<vmem>>, vector<1x16xf32>,
        %get3A_227 = arith.index_cast %scan3A_212 : i32 to index
        %get3A_228 = arith.constant 16 : index
        %get3A_229 = tpu.vector_load %arg10[%get3A_227, %get3A_228] {strides = array<i32>} : memref<125x64xf32, #tpu.memory_space<vmem>>, vector<1x16xf32>,
        %get3A_230 = vector.shape_cast %get3A_229 : vector<1x16xf32> to vector<16xf32>
        %get3A_231 = arith.index_cast %scan3A_212 : i32 to index
        %get3A_232 = arith.constant 16 : index
        %get3A_233 = tpu.vector_load %arg14[%get3A_231, %get3A_232] {strides = array<i32>} : memref<125x64xf32, #tpu.memory_space<vmem>>, vector<1x16xf32>,
        %get3A_234 = vector.shape_cast %get3A_233 : vector<1x16xf32> to vector<16xf32>
        %add3A_235 = arith.addf %get3A_230, %get3A_234 : vector<16xf32>
        %max3A_236 = arith.constant 0.000000e+00 : f32
        %max3A_237 = vector.broadcast %max3A_236 : f32 to vector<16xf32>
        %max3A_238 = arith.maximumf %add3A_235, %max3A_237 : vector<16xf32>
        %swap3A_239 = arith.index_cast %scan3A_212 : i32 to index
        %swap3A_240 = arith.constant 16 : index
        %swap3A_241 = tpu.vector_load %arg10[%swap3A_239, %swap3A_240] {strides = array<i32>} : memref<125x64xf32, #tpu.memory_space<vmem>>, vector<1x16xf32>,
        %swap3A_242 = vector.shape_cast %swap3A_241 : vector<1x16xf32> to vector<16xf32>
        %swap3A_243 = vector.shape_cast %max3A_238 : vector<16xf32> to vector<1x16xf32>
        tpu.vector_store %arg10[%swap3A_239, %swap3A_240], %swap3A_243 {strides = array<i32>} : memref<125x64xf32, #tpu.memory_space<vmem>>, vector<1x16xf32>,
        %get3A_244 = arith.index_cast %scan3A_212 : i32 to index
        %get3A_245 = arith.constant 32 : index
        %get3A_246 = tpu.vector_load %arg10[%get3A_244, %get3A_245] {strides = array<i32>} : memref<125x64xf32, #tpu.memory_space<vmem>>, vector<1x16xf32>,
        %get3A_247 = vector.shape_cast %get3A_246 : vector<1x16xf32> to vector<16xf32>
        %get3A_248 = arith.index_cast %scan3A_212 : i32 to index
        %get3A_249 = arith.constant 32 : index
        %get3A_250 = tpu.vector_load %arg14[%get3A_248, %get3A_249] {strides = array<i32>} : memref<125x64xf32, #tpu.memory_space<vmem>>, vector<1x16xf32>,
        %get3A_251 = vector.shape_cast %get3A_250 : vector<1x16xf32> to vector<16xf32>
        %add3A_252 = arith.addf %get3A_247, %get3A_251 : vector<16xf32>
        %max3A_253 = arith.constant 0.000000e+00 : f32
        %max3A_254 = vector.broadcast %max3A_253 : f32 to vector<16xf32>
        %max3A_255 = arith.maximumf %add3A_252, %max3A_254 : vector<16xf32>
        %swap3A_256 = arith.index_cast %scan3A_212 : i32 to index
        %swap3A_257 = arith.constant 32 : index
        %swap3A_258 = tpu.vector_load %arg10[%swap3A_256, %swap3A_257] {strides = array<i32>} : memref<125x64xf32, #tpu.memory_space<vmem>>, vector<1x16xf32>,
        %swap3A_259 = vector.shape_cast %swap3A_258 : vector<1x16xf32> to vector<16xf32>
        %swap3A_260 = vector.shape_cast %max3A_255 : vector<16xf32> to vector<1x16xf32>
        tpu.vector_store %arg10[%swap3A_256, %swap3A_257], %swap3A_260 {strides = array<i32>} : memref<125x64xf32, #tpu.memory_space<vmem>>, vector<1x16xf32>,
        %get3A_261 = arith.index_cast %scan3A_212 : i32 to index
        %get3A_262 = arith.constant 48 : index
        %get3A_263 = tpu.vector_load %arg10[%get3A_261, %get3A_262] {strides = array<i32>} : memref<125x64xf32, #tpu.memory_space<vmem>>, vector<1x16xf32>,
        %get3A_264 = vector.shape_cast %get3A_263 : vector<1x16xf32> to vector<16xf32>
        %get3A_265 = arith.index_cast %scan3A_212 : i32 to index
        %get3A_266 = arith.constant 48 : index
        %get3A_267 = tpu.vector_load %arg14[%get3A_265, %get3A_266] {strides = array<i32>} : memref<125x64xf32, #tpu.memory_space<vmem>>, vector<1x16xf32>,
        %get3A_268 = vector.shape_cast %get3A_267 : vector<1x16xf32> to vector<16xf32>
        %add3A_269 = arith.addf %get3A_264, %get3A_268 : vector<16xf32>
        %max3A_270 = arith.constant 0.000000e+00 : f32
        %max3A_271 = vector.broadcast %max3A_270 : f32 to vector<16xf32>
        %max3A_272 = arith.maximumf %add3A_269, %max3A_271 : vector<16xf32>
        %swap3A_273 = arith.index_cast %scan3A_212 : i32 to index
        %swap3A_274 = arith.constant 48 : index
        %swap3A_275 = tpu.vector_load %arg10[%swap3A_273, %swap3A_274] {strides = array<i32>} : memref<125x64xf32, #tpu.memory_space<vmem>>, vector<1x16xf32>,
        %swap3A_276 = vector.shape_cast %swap3A_275 : vector<1x16xf32> to vector<16xf32>
        %swap3A_277 = vector.shape_cast %max3A_272 : vector<16xf32> to vector<1x16xf32>
        tpu.vector_store %arg10[%swap3A_273, %swap3A_274], %swap3A_277 {strides = array<i32>} : memref<125x64xf32, #tpu.memory_space<vmem>>, vector<1x16xf32>,
      }
      %scan3A_174 = arith.constant 125 : i32
      %dma_start3A_175 = arith.constant 0 : i32
      %dma_start3A_176 = tpu.memref_slice %arg17[%add3A_155, %dma_start3A_175] : memref<80x125xi32, #tpu.memory_space<vmem>> -> memref<1x125xi32, #tpu.memory_space<vmem>>
      %dma_start3A_177 = tpu.memref_squeeze %dma_start3A_176 : memref<1x125xi32, #tpu.memory_space<vmem>> -> memref<125xi32, #tpu.memory_space<vmem>>
      %dma_start3A_178 = arith.constant 0 : i32
      %dma_start3A_179 = arith.constant 0 : i32
      %dma_start3A_180 = tpu.memref_slice %arg18[%dma_start3A_178, %dma_start3A_179] : memref<10240x64xf32, #tpu.memory_space<vmem_shared>> -> memref<10240x64xf32, #tpu.memory_space<vmem_shared>>
      tpu.enqueue_indirect_dma source(%arg10 : memref<125x64xf32, #tpu.memory_space<vmem>>) target(%dma_start3A_180 : memref<10240x64xf32, #tpu.memory_space<vmem_shared>>) offsets(%dma_start3A_177 : memref<125xi32, #tpu.memory_space<vmem>>) semaphore(%arg29 : memref<!tpu.dma_semaphore, #tpu.memory_space<semaphore_mem>>) {add = true}
      %mul3A_181 = arith.constant 4 : i32
      %mul3A_182 = arith.muli %scan3A_93, %mul3A_181 : i32
      %add3A_183 = arith.constant 3 : i32
      %add3A_184 = arith.addi %mul3A_182, %add3A_183 : i32
      %dma_wait3A_185 = arith.constant 0 : i32
      %dma_wait3A_186 = tpu.memref_slice %arg16[%add3A_184, %dma_wait3A_185] : memref<80x125xi32, #tpu.memory_space<vmem>> -> memref<1x125xi32, #tpu.memory_space<vmem>>
      %dma_wait3A_187 = tpu.memref_squeeze %dma_wait3A_186 : memref<1x125xi32, #tpu.memory_space<vmem>> -> memref<125xi32, #tpu.memory_space<vmem>>
      %dma_wait3A_188 = arith.constant 0 : i32
      %dma_wait3A_189 = arith.constant 0 : i32
      %dma_wait3A_190 = tpu.memref_slice %arg2[%dma_wait3A_188, %dma_wait3A_189] : memref<10000x64xf32, #tpu.memory_space<hbm>> -> memref<10000x64xf32, #tpu.memory_space<hbm>>
      tpu.wait_indirect_dma semaphore(%arg22 : memref<!tpu.dma_semaphore, #tpu.memory_space<semaphore_mem>>) src(%dma_wait3A_190 : memref<10000x64xf32, #tpu.memory_space<hbm>>) dst(%arg11 : memref<125x64xf32, #tpu.memory_space<vmem>>)
      %mul3A_191 = arith.constant 125 : i32
      %mul3A_192 = arith.muli %add3A_184, %mul3A_191 : i32
      %add3A_193 = arith.addi %mul3A_4, %mul3A_192 : i32
      %dma_wait3A_194 = arith.constant 0 : i32
      %dma_wait3A_195 = tpu.memref_slice %arg3[%add3A_193, %dma_wait3A_194] : memref<320000x128xf32, #tpu.memory_space<hbm>> -> memref<125x64xf32, #tpu.memory_space<hbm>>
      %dma_wait3A_196 = arith.constant 0 : i32
      %dma_wait3A_197 = tpu.memref_slice %arg3[%add3A_193, %dma_wait3A_196] : memref<320000x128xf32, #tpu.memory_space<hbm>> -> memref<125x64xf32, #tpu.memory_space<hbm>>
      tpu.wait_dma2 semaphore(%arg26 : memref<!tpu.dma_semaphore, #tpu.memory_space<semaphore_mem>>) src(%dma_wait3A_197 : memref<125x64xf32, #tpu.memory_space<hbm>>) dst(%arg15 : memref<125x64xf32, #tpu.memory_space<vmem>>)
      %scan3A_198 = arith.constant 0 : i32
      %scan3A_199 = arith.constant 0 : i32
      %scan3A_200 = arith.constant 125 : i32
      %scan3A_201 = arith.addi %scan3A_199, %scan3A_200 : i32
      %scan3A_202 = arith.constant 1 : i32
      scf.for %scan3A_212 = %scan3A_199 to %scan3A_201 step %scan3A_202  : i32 {
        %get3A = arith.index_cast %scan3A_212 : i32 to index
        %get3A_213 = arith.constant 0 : index
        %get3A_214 = tpu.vector_load %arg11[%get3A, %get3A_213] {strides = array<i32>} : memref<125x64xf32, #tpu.memory_space<vmem>>, vector<1x16xf32>,
        %get3A_215 = vector.shape_cast %get3A_214 : vector<1x16xf32> to vector<16xf32>
        %get3A_216 = arith.index_cast %scan3A_212 : i32 to index
        %get3A_217 = arith.constant 0 : index
        %get3A_218 = tpu.vector_load %arg15[%get3A_216, %get3A_217] {strides = array<i32>} : memref<125x64xf32, #tpu.memory_space<vmem>>, vector<1x16xf32>,
        %get3A_219 = vector.shape_cast %get3A_218 : vector<1x16xf32> to vector<16xf32>
        %add3A_220 = arith.addf %get3A_215, %get3A_219 : vector<16xf32>
        %max3A = arith.constant 0.000000e+00 : f32
        %max3A_221 = vector.broadcast %max3A : f32 to vector<16xf32>
        %max3A_222 = arith.maximumf %add3A_220, %max3A_221 : vector<16xf32>
        %swap3A = arith.index_cast %scan3A_212 : i32 to index
        %swap3A_223 = arith.constant 0 : index
        %swap3A_224 = tpu.vector_load %arg11[%swap3A, %swap3A_223] {strides = array<i32>} : memref<125x64xf32, #tpu.memory_space<vmem>>, vector<1x16xf32>,
        %swap3A_225 = vector.shape_cast %swap3A_224 : vector<1x16xf32> to vector<16xf32>
        %swap3A_226 = vector.shape_cast %max3A_222 : vector<16xf32> to vector<1x16xf32>
        tpu.vector_store %arg11[%swap3A, %swap3A_223], %swap3A_226 {strides = array<i32>} : memref<125x64xf32, #tpu.memory_space<vmem>>, vector<1x16xf32>,
        %get3A_227 = arith.index_cast %scan3A_212 : i32 to index
        %get3A_228 = arith.constant 16 : index
        %get3A_229 = tpu.vector_load %arg11[%get3A_227, %get3A_228] {strides = array<i32>} : memref<125x64xf32, #tpu.memory_space<vmem>>, vector<1x16xf32>,
        %get3A_230 = vector.shape_cast %get3A_229 : vector<1x16xf32> to vector<16xf32>
        %get3A_231 = arith.index_cast %scan3A_212 : i32 to index
        %get3A_232 = arith.constant 16 : index
        %get3A_233 = tpu.vector_load %arg15[%get3A_231, %get3A_232] {strides = array<i32>} : memref<125x64xf32, #tpu.memory_space<vmem>>, vector<1x16xf32>,
        %get3A_234 = vector.shape_cast %get3A_233 : vector<1x16xf32> to vector<16xf32>
        %add3A_235 = arith.addf %get3A_230, %get3A_234 : vector<16xf32>
        %max3A_236 = arith.constant 0.000000e+00 : f32
        %max3A_237 = vector.broadcast %max3A_236 : f32 to vector<16xf32>
        %max3A_238 = arith.maximumf %add3A_235, %max3A_237 : vector<16xf32>
        %swap3A_239 = arith.index_cast %scan3A_212 : i32 to index
        %swap3A_240 = arith.constant 16 : index
        %swap3A_241 = tpu.vector_load %arg11[%swap3A_239, %swap3A_240] {strides = array<i32>} : memref<125x64xf32, #tpu.memory_space<vmem>>, vector<1x16xf32>,
        %swap3A_242 = vector.shape_cast %swap3A_241 : vector<1x16xf32> to vector<16xf32>
        %swap3A_243 = vector.shape_cast %max3A_238 : vector<16xf32> to vector<1x16xf32>
        tpu.vector_store %arg11[%swap3A_239, %swap3A_240], %swap3A_243 {strides = array<i32>} : memref<125x64xf32, #tpu.memory_space<vmem>>, vector<1x16xf32>,
        %get3A_244 = arith.index_cast %scan3A_212 : i32 to index
        %get3A_245 = arith.constant 32 : index
        %get3A_246 = tpu.vector_load %arg11[%get3A_244, %get3A_245] {strides = array<i32>} : memref<125x64xf32, #tpu.memory_space<vmem>>, vector<1x16xf32>,
        %get3A_247 = vector.shape_cast %get3A_246 : vector<1x16xf32> to vector<16xf32>
        %get3A_248 = arith.index_cast %scan3A_212 : i32 to index
        %get3A_249 = arith.constant 32 : index
        %get3A_250 = tpu.vector_load %arg15[%get3A_248, %get3A_249] {strides = array<i32>} : memref<125x64xf32, #tpu.memory_space<vmem>>, vector<1x16xf32>,
        %get3A_251 = vector.shape_cast %get3A_250 : vector<1x16xf32> to vector<16xf32>
        %add3A_252 = arith.addf %get3A_247, %get3A_251 : vector<16xf32>
        %max3A_253 = arith.constant 0.000000e+00 : f32
        %max3A_254 = vector.broadcast %max3A_253 : f32 to vector<16xf32>
        %max3A_255 = arith.maximumf %add3A_252, %max3A_254 : vector<16xf32>
        %swap3A_256 = arith.index_cast %scan3A_212 : i32 to index
        %swap3A_257 = arith.constant 32 : index
        %swap3A_258 = tpu.vector_load %arg11[%swap3A_256, %swap3A_257] {strides = array<i32>} : memref<125x64xf32, #tpu.memory_space<vmem>>, vector<1x16xf32>,
        %swap3A_259 = vector.shape_cast %swap3A_258 : vector<1x16xf32> to vector<16xf32>
        %swap3A_260 = vector.shape_cast %max3A_255 : vector<16xf32> to vector<1x16xf32>
        tpu.vector_store %arg11[%swap3A_256, %swap3A_257], %swap3A_260 {strides = array<i32>} : memref<125x64xf32, #tpu.memory_space<vmem>>, vector<1x16xf32>,
        %get3A_261 = arith.index_cast %scan3A_212 : i32 to index
        %get3A_262 = arith.constant 48 : index
        %get3A_263 = tpu.vector_load %arg11[%get3A_261, %get3A_262] {strides = array<i32>} : memref<125x64xf32, #tpu.memory_space<vmem>>, vector<1x16xf32>,
        %get3A_264 = vector.shape_cast %get3A_263 : vector<1x16xf32> to vector<16xf32>
        %get3A_265 = arith.index_cast %scan3A_212 : i32 to index
        %get3A_266 = arith.constant 48 : index
        %get3A_267 = tpu.vector_load %arg15[%get3A_265, %get3A_266] {strides = array<i32>} : memref<125x64xf32, #tpu.memory_space<vmem>>, vector<1x16xf32>,
        %get3A_268 = vector.shape_cast %get3A_267 : vector<1x16xf32> to vector<16xf32>
        %add3A_269 = arith.addf %get3A_264, %get3A_268 : vector<16xf32>
        %max3A_270 = arith.constant 0.000000e+00 : f32
        %max3A_271 = vector.broadcast %max3A_270 : f32 to vector<16xf32>
        %max3A_272 = arith.maximumf %add3A_269, %max3A_271 : vector<16xf32>
        %swap3A_273 = arith.index_cast %scan3A_212 : i32 to index
        %swap3A_274 = arith.constant 48 : index
        %swap3A_275 = tpu.vector_load %arg11[%swap3A_273, %swap3A_274] {strides = array<i32>} : memref<125x64xf32, #tpu.memory_space<vmem>>, vector<1x16xf32>,
        %swap3A_276 = vector.shape_cast %swap3A_275 : vector<1x16xf32> to vector<16xf32>
        %swap3A_277 = vector.shape_cast %max3A_272 : vector<16xf32> to vector<1x16xf32>
        tpu.vector_store %arg11[%swap3A_273, %swap3A_274], %swap3A_277 {strides = array<i32>} : memref<125x64xf32, #tpu.memory_space<vmem>>, vector<1x16xf32>,
      }
      %scan3A_203 = arith.constant 125 : i32
      %dma_start3A_204 = arith.constant 0 : i32
      %dma_start3A_205 = tpu.memref_slice %arg17[%add3A_184, %dma_start3A_204] : memref<80x125xi32, #tpu.memory_space<vmem>> -> memref<1x125xi32, #tpu.memory_space<vmem>>
      %dma_start3A_206 = tpu.memref_squeeze %dma_start3A_205 : memref<1x125xi32, #tpu.memory_space<vmem>> -> memref<125xi32, #tpu.memory_space<vmem>>
      %dma_start3A_207 = arith.constant 0 : i32
      %dma_start3A_208 = arith.constant 0 : i32
      %dma_start3A_209 = tpu.memref_slice %arg18[%dma_start3A_207, %dma_start3A_208] : memref<10240x64xf32, #tpu.memory_space<vmem_shared>> -> memref<10240x64xf32, #tpu.memory_space<vmem_shared>>
      tpu.enqueue_indirect_dma source(%arg11 : memref<125x64xf32, #tpu.memory_space<vmem>>) target(%dma_start3A_209 : memref<10240x64xf32, #tpu.memory_space<vmem_shared>>) offsets(%dma_start3A_206 : memref<125xi32, #tpu.memory_space<vmem>>) semaphore(%arg30 : memref<!tpu.dma_semaphore, #tpu.memory_space<semaphore_mem>>) {add = true}
      %lt3A = arith.constant 19 : i32
      %lt3A_210 = arith.cmpi slt, %scan3A_93, %lt3A : i32
      %convert_element_type3A = arith.extui %lt3A_210 : i1 to i32
      %cond3A = arith.constant 0 : i32
      %cond3A_211 = arith.cmpi ne, %convert_element_type3A, %cond3A : i32
      scf.if %cond3A_211 {
        %mul3A_212 = arith.constant 4 : i32
        %mul3A_213 = arith.muli %scan3A_93, %mul3A_212 : i32
        %add3A_214 = arith.constant 0 : i32
        %add3A_215 = arith.addi %mul3A_213, %add3A_214 : i32
        %dma_wait3A_216 = arith.constant 0 : i32
        %dma_wait3A_217 = tpu.memref_slice %arg17[%add3A_215, %dma_wait3A_216] : memref<80x125xi32, #tpu.memory_space<vmem>> -> memref<1x125xi32, #tpu.memory_space<vmem>>
        %dma_wait3A_218 = tpu.memref_squeeze %dma_wait3A_217 : memref<1x125xi32, #tpu.memory_space<vmem>> -> memref<125xi32, #tpu.memory_space<vmem>>
        %dma_wait3A_219 = arith.constant 0 : i32
        %dma_wait3A_220 = arith.constant 0 : i32
        %dma_wait3A_221 = tpu.memref_slice %arg18[%dma_wait3A_219, %dma_wait3A_220] : memref<10240x64xf32, #tpu.memory_space<vmem_shared>> -> memref<10240x64xf32, #tpu.memory_space<vmem_shared>>
        tpu.wait_indirect_dma semaphore(%arg27 : memref<!tpu.dma_semaphore, #tpu.memory_space<semaphore_mem>>) src(%arg8 : memref<125x64xf32, #tpu.memory_space<vmem>>) dst(%dma_wait3A_221 : memref<10240x64xf32, #tpu.memory_space<vmem_shared>>)
        %add3A_222 = arith.constant 1 : i32
        %add3A_223 = arith.addi %scan3A_93, %add3A_222 : i32
        %mul3A_224 = arith.constant 4 : i32
        %mul3A_225 = arith.muli %add3A_223, %mul3A_224 : i32
        %add3A_226 = arith.constant 0 : i32
        %add3A_227 = arith.addi %mul3A_225, %add3A_226 : i32
        %dma_start3A_228 = arith.constant 0 : i32
        %dma_start3A_229 = tpu.memref_slice %arg16[%add3A_227, %dma_start3A_228] : memref<80x125xi32, #tpu.memory_space<vmem>> -> memref<1x125xi32, #tpu.memory_space<vmem>>
        %dma_start3A_230 = tpu.memref_squeeze %dma_start3A_229 : memref<1x125xi32, #tpu.memory_space<vmem>> -> memref<125xi32, #tpu.memory_space<vmem>>
        %dma_start3A_231 = arith.constant 0 : i32
        %dma_start3A_232 = arith.constant 0 : i32
        %dma_start3A_233 = tpu.memref_slice %arg2[%dma_start3A_231, %dma_start3A_232] : memref<10000x64xf32, #tpu.memory_space<hbm>> -> memref<10000x64xf32, #tpu.memory_space<hbm>>
        tpu.enqueue_indirect_dma source(%dma_start3A_233 : memref<10000x64xf32, #tpu.memory_space<hbm>>) target(%arg8 : memref<125x64xf32, #tpu.memory_space<vmem>>) offsets(%dma_start3A_230 : memref<125xi32, #tpu.memory_space<vmem>>) semaphore(%arg19 : memref<!tpu.dma_semaphore, #tpu.memory_space<semaphore_mem>>)
        %mul3A_234 = arith.constant 125 : i32
        %mul3A_235 = arith.muli %add3A_227, %mul3A_234 : i32
        %add3A_236 = arith.addi %mul3A_4, %mul3A_235 : i32
        %dma_start3A_237 = arith.constant 0 : i32
        %dma_start3A_238 = tpu.memref_slice %arg3[%add3A_236, %dma_start3A_237] : memref<320000x128xf32, #tpu.memory_space<hbm>> -> memref<125x64xf32, #tpu.memory_space<hbm>>
        %dma_start3A_239 = arith.constant 0 : i32
        %dma_start3A_240 = tpu.memref_slice %arg3[%add3A_236, %dma_start3A_239] : memref<320000x128xf32, #tpu.memory_space<hbm>> -> memref<125x64xf32, #tpu.memory_space<hbm>>
        tpu.enqueue_dma source(%dma_start3A_240 : memref<125x64xf32, #tpu.memory_space<hbm>>) target(%arg12 : memref<125x64xf32, #tpu.memory_space<vmem>>) target_semaphore(%arg23 : memref<!tpu.dma_semaphore, #tpu.memory_space<semaphore_mem>>)
        %mul3A_241 = arith.constant 4 : i32
        %mul3A_242 = arith.muli %scan3A_93, %mul3A_241 : i32
        %add3A_243 = arith.constant 1 : i32
        %add3A_244 = arith.addi %mul3A_242, %add3A_243 : i32
        %dma_wait3A_245 = arith.constant 0 : i32
        %dma_wait3A_246 = tpu.memref_slice %arg17[%add3A_244, %dma_wait3A_245] : memref<80x125xi32, #tpu.memory_space<vmem>> -> memref<1x125xi32, #tpu.memory_space<vmem>>
        %dma_wait3A_247 = tpu.memref_squeeze %dma_wait3A_246 : memref<1x125xi32, #tpu.memory_space<vmem>> -> memref<125xi32, #tpu.memory_space<vmem>>
        %dma_wait3A_248 = arith.constant 0 : i32
        %dma_wait3A_249 = arith.constant 0 : i32
        %dma_wait3A_250 = tpu.memref_slice %arg18[%dma_wait3A_248, %dma_wait3A_249] : memref<10240x64xf32, #tpu.memory_space<vmem_shared>> -> memref<10240x64xf32, #tpu.memory_space<vmem_shared>>
        tpu.wait_indirect_dma semaphore(%arg28 : memref<!tpu.dma_semaphore, #tpu.memory_space<semaphore_mem>>) src(%arg9 : memref<125x64xf32, #tpu.memory_space<vmem>>) dst(%dma_wait3A_250 : memref<10240x64xf32, #tpu.memory_space<vmem_shared>>)
        %add3A_251 = arith.constant 1 : i32
        %add3A_252 = arith.addi %scan3A_93, %add3A_251 : i32
        %mul3A_253 = arith.constant 4 : i32
        %mul3A_254 = arith.muli %add3A_252, %mul3A_253 : i32
        %add3A_255 = arith.constant 1 : i32
        %add3A_256 = arith.addi %mul3A_254, %add3A_255 : i32
        %dma_start3A_257 = arith.constant 0 : i32
        %dma_start3A_258 = tpu.memref_slice %arg16[%add3A_256, %dma_start3A_257] : memref<80x125xi32, #tpu.memory_space<vmem>> -> memref<1x125xi32, #tpu.memory_space<vmem>>
        %dma_start3A_259 = tpu.memref_squeeze %dma_start3A_258 : memref<1x125xi32, #tpu.memory_space<vmem>> -> memref<125xi32, #tpu.memory_space<vmem>>
        %dma_start3A_260 = arith.constant 0 : i32
        %dma_start3A_261 = arith.constant 0 : i32
        %dma_start3A_262 = tpu.memref_slice %arg2[%dma_start3A_260, %dma_start3A_261] : memref<10000x64xf32, #tpu.memory_space<hbm>> -> memref<10000x64xf32, #tpu.memory_space<hbm>>
        tpu.enqueue_indirect_dma source(%dma_start3A_262 : memref<10000x64xf32, #tpu.memory_space<hbm>>) target(%arg9 : memref<125x64xf32, #tpu.memory_space<vmem>>) offsets(%dma_start3A_259 : memref<125xi32, #tpu.memory_space<vmem>>) semaphore(%arg20 : memref<!tpu.dma_semaphore, #tpu.memory_space<semaphore_mem>>)
        %mul3A_263 = arith.constant 125 : i32
        %mul3A_264 = arith.muli %add3A_256, %mul3A_263 : i32
        %add3A_265 = arith.addi %mul3A_4, %mul3A_264 : i32
        %dma_start3A_266 = arith.constant 0 : i32
        %dma_start3A_267 = tpu.memref_slice %arg3[%add3A_265, %dma_start3A_266] : memref<320000x128xf32, #tpu.memory_space<hbm>> -> memref<125x64xf32, #tpu.memory_space<hbm>>
        %dma_start3A_268 = arith.constant 0 : i32
        %dma_start3A_269 = tpu.memref_slice %arg3[%add3A_265, %dma_start3A_268] : memref<320000x128xf32, #tpu.memory_space<hbm>> -> memref<125x64xf32, #tpu.memory_space<hbm>>
        tpu.enqueue_dma source(%dma_start3A_269 : memref<125x64xf32, #tpu.memory_space<hbm>>) target(%arg13 : memref<125x64xf32, #tpu.memory_space<vmem>>) target_semaphore(%arg24 : memref<!tpu.dma_semaphore, #tpu.memory_space<semaphore_mem>>)
        %mul3A_270 = arith.constant 4 : i32
        %mul3A_271 = arith.muli %scan3A_93, %mul3A_270 : i32
        %add3A_272 = arith.constant 2 : i32
        %add3A_273 = arith.addi %mul3A_271, %add3A_272 : i32
        %dma_wait3A_274 = arith.constant 0 : i32
        %dma_wait3A_275 = tpu.memref_slice %arg17[%add3A_273, %dma_wait3A_274] : memref<80x125xi32, #tpu.memory_space<vmem>> -> memref<1x125xi32, #tpu.memory_space<vmem>>
        %dma_wait3A_276 = tpu.memref_squeeze %dma_wait3A_275 : memref<1x125xi32, #tpu.memory_space<vmem>> -> memref<125xi32, #tpu.memory_space<vmem>>
        %dma_wait3A_277 = arith.constant 0 : i32
        %dma_wait3A_278 = arith.constant 0 : i32
        %dma_wait3A_279 = tpu.memref_slice %arg18[%dma_wait3A_277, %dma_wait3A_278] : memref<10240x64xf32, #tpu.memory_space<vmem_shared>> -> memref<10240x64xf32, #tpu.memory_space<vmem_shared>>
        tpu.wait_indirect_dma semaphore(%arg29 : memref<!tpu.dma_semaphore, #tpu.memory_space<semaphore_mem>>) src(%arg10 : memref<125x64xf32, #tpu.memory_space<vmem>>) dst(%dma_wait3A_279 : memref<10240x64xf32, #tpu.memory_space<vmem_shared>>)
        %add3A_280 = arith.constant 1 : i32
        %add3A_281 = arith.addi %scan3A_93, %add3A_280 : i32
        %mul3A_282 = arith.constant 4 : i32
        %mul3A_283 = arith.muli %add3A_281, %mul3A_282 : i32
        %add3A_284 = arith.constant 2 : i32
        %add3A_285 = arith.addi %mul3A_283, %add3A_284 : i32
        %dma_start3A_286 = arith.constant 0 : i32
        %dma_start3A_287 = tpu.memref_slice %arg16[%add3A_285, %dma_start3A_286] : memref<80x125xi32, #tpu.memory_space<vmem>> -> memref<1x125xi32, #tpu.memory_space<vmem>>
        %dma_start3A_288 = tpu.memref_squeeze %dma_start3A_287 : memref<1x125xi32, #tpu.memory_space<vmem>> -> memref<125xi32, #tpu.memory_space<vmem>>
        %dma_start3A_289 = arith.constant 0 : i32
        %dma_start3A_290 = arith.constant 0 : i32
        %dma_start3A_291 = tpu.memref_slice %arg2[%dma_start3A_289, %dma_start3A_290] : memref<10000x64xf32, #tpu.memory_space<hbm>> -> memref<10000x64xf32, #tpu.memory_space<hbm>>
        tpu.enqueue_indirect_dma source(%dma_start3A_291 : memref<10000x64xf32, #tpu.memory_space<hbm>>) target(%arg10 : memref<125x64xf32, #tpu.memory_space<vmem>>) offsets(%dma_start3A_288 : memref<125xi32, #tpu.memory_space<vmem>>) semaphore(%arg21 : memref<!tpu.dma_semaphore, #tpu.memory_space<semaphore_mem>>)
        %mul3A_292 = arith.constant 125 : i32
        %mul3A_293 = arith.muli %add3A_285, %mul3A_292 : i32
        %add3A_294 = arith.addi %mul3A_4, %mul3A_293 : i32
        %dma_start3A_295 = arith.constant 0 : i32
        %dma_start3A_296 = tpu.memref_slice %arg3[%add3A_294, %dma_start3A_295] : memref<320000x128xf32, #tpu.memory_space<hbm>> -> memref<125x64xf32, #tpu.memory_space<hbm>>
        %dma_start3A_297 = arith.constant 0 : i32
        %dma_start3A_298 = tpu.memref_slice %arg3[%add3A_294, %dma_start3A_297] : memref<320000x128xf32, #tpu.memory_space<hbm>> -> memref<125x64xf32, #tpu.memory_space<hbm>>
        tpu.enqueue_dma source(%dma_start3A_298 : memref<125x64xf32, #tpu.memory_space<hbm>>) target(%arg14 : memref<125x64xf32, #tpu.memory_space<vmem>>) target_semaphore(%arg25 : memref<!tpu.dma_semaphore, #tpu.memory_space<semaphore_mem>>)
        %mul3A_299 = arith.constant 4 : i32
        %mul3A_300 = arith.muli %scan3A_93, %mul3A_299 : i32
        %add3A_301 = arith.constant 3 : i32
        %add3A_302 = arith.addi %mul3A_300, %add3A_301 : i32
        %dma_wait3A_303 = arith.constant 0 : i32
        %dma_wait3A_304 = tpu.memref_slice %arg17[%add3A_302, %dma_wait3A_303] : memref<80x125xi32, #tpu.memory_space<vmem>> -> memref<1x125xi32, #tpu.memory_space<vmem>>
        %dma_wait3A_305 = tpu.memref_squeeze %dma_wait3A_304 : memref<1x125xi32, #tpu.memory_space<vmem>> -> memref<125xi32, #tpu.memory_space<vmem>>
        %dma_wait3A_306 = arith.constant 0 : i32
        %dma_wait3A_307 = arith.constant 0 : i32
        %dma_wait3A_308 = tpu.memref_slice %arg18[%dma_wait3A_306, %dma_wait3A_307] : memref<10240x64xf32, #tpu.memory_space<vmem_shared>> -> memref<10240x64xf32, #tpu.memory_space<vmem_shared>>
        tpu.wait_indirect_dma semaphore(%arg30 : memref<!tpu.dma_semaphore, #tpu.memory_space<semaphore_mem>>) src(%arg11 : memref<125x64xf32, #tpu.memory_space<vmem>>) dst(%dma_wait3A_308 : memref<10240x64xf32, #tpu.memory_space<vmem_shared>>)
        %add3A_309 = arith.constant 1 : i32
        %add3A_310 = arith.addi %scan3A_93, %add3A_309 : i32
        %mul3A_311 = arith.constant 4 : i32
        %mul3A_312 = arith.muli %add3A_310, %mul3A_311 : i32
        %add3A_313 = arith.constant 3 : i32
        %add3A_314 = arith.addi %mul3A_312, %add3A_313 : i32
        %dma_start3A_315 = arith.constant 0 : i32
        %dma_start3A_316 = tpu.memref_slice %arg16[%add3A_314, %dma_start3A_315] : memref<80x125xi32, #tpu.memory_space<vmem>> -> memref<1x125xi32, #tpu.memory_space<vmem>>
        %dma_start3A_317 = tpu.memref_squeeze %dma_start3A_316 : memref<1x125xi32, #tpu.memory_space<vmem>> -> memref<125xi32, #tpu.memory_space<vmem>>
        %dma_start3A_318 = arith.constant 0 : i32
        %dma_start3A_319 = arith.constant 0 : i32
        %dma_start3A_320 = tpu.memref_slice %arg2[%dma_start3A_318, %dma_start3A_319] : memref<10000x64xf32, #tpu.memory_space<hbm>> -> memref<10000x64xf32, #tpu.memory_space<hbm>>
        tpu.enqueue_indirect_dma source(%dma_start3A_320 : memref<10000x64xf32, #tpu.memory_space<hbm>>) target(%arg11 : memref<125x64xf32, #tpu.memory_space<vmem>>) offsets(%dma_start3A_317 : memref<125xi32, #tpu.memory_space<vmem>>) semaphore(%arg22 : memref<!tpu.dma_semaphore, #tpu.memory_space<semaphore_mem>>)
        %mul3A_321 = arith.constant 125 : i32
        %mul3A_322 = arith.muli %add3A_314, %mul3A_321 : i32
        %add3A_323 = arith.addi %mul3A_4, %mul3A_322 : i32
        %dma_start3A_324 = arith.constant 0 : i32
        %dma_start3A_325 = tpu.memref_slice %arg3[%add3A_323, %dma_start3A_324] : memref<320000x128xf32, #tpu.memory_space<hbm>> -> memref<125x64xf32, #tpu.memory_space<hbm>>
        %dma_start3A_326 = arith.constant 0 : i32
        %dma_start3A_327 = tpu.memref_slice %arg3[%add3A_323, %dma_start3A_326] : memref<320000x128xf32, #tpu.memory_space<hbm>> -> memref<125x64xf32, #tpu.memory_space<hbm>>
        tpu.enqueue_dma source(%dma_start3A_327 : memref<125x64xf32, #tpu.memory_space<hbm>>) target(%arg15 : memref<125x64xf32, #tpu.memory_space<vmem>>) target_semaphore(%arg26 : memref<!tpu.dma_semaphore, #tpu.memory_space<semaphore_mem>>)
      } else {
      }
    }
    %scan3A_60 = arith.constant 20 : i32
    %dma_wait3A = arith.constant 76 : i32
    %dma_wait3A_61 = arith.constant 0 : i32
    %dma_wait3A_62 = tpu.memref_slice %arg17[%dma_wait3A, %dma_wait3A_61] : memref<80x125xi32, #tpu.memory_space<vmem>> -> memref<1x125xi32, #tpu.memory_space<vmem>>
    %dma_wait3A_63 = tpu.memref_squeeze %dma_wait3A_62 : memref<1x125xi32, #tpu.memory_space<vmem>> -> memref<125xi32, #tpu.memory_space<vmem>>
    %dma_wait3A_64 = arith.constant 0 : i32
    %dma_wait3A_65 = arith.constant 0 : i32
    %dma_wait3A_66 = tpu.memref_slice %arg18[%dma_wait3A_64, %dma_wait3A_65] : memref<10240x64xf32, #tpu.memory_space<vmem_shared>> -> memref<10240x64xf32, #tpu.memory_space<vmem_shared>>
    tpu.wait_indirect_dma semaphore(%arg27 : memref<!tpu.dma_semaphore, #tpu.memory_space<semaphore_mem>>) src(%arg8 : memref<125x64xf32, #tpu.memory_space<vmem>>) dst(%dma_wait3A_66 : memref<10240x64xf32, #tpu.memory_space<vmem_shared>>)
    %dma_wait3A_67 = arith.constant 77 : i32
    %dma_wait3A_68 = arith.constant 0 : i32
    %dma_wait3A_69 = tpu.memref_slice %arg17[%dma_wait3A_67, %dma_wait3A_68] : memref<80x125xi32, #tpu.memory_space<vmem>> -> memref<1x125xi32, #tpu.memory_space<vmem>>
    %dma_wait3A_70 = tpu.memref_squeeze %dma_wait3A_69 : memref<1x125xi32, #tpu.memory_space<vmem>> -> memref<125xi32, #tpu.memory_space<vmem>>
    %dma_wait3A_71 = arith.constant 0 : i32
    %dma_wait3A_72 = arith.constant 0 : i32
    %dma_wait3A_73 = tpu.memref_slice %arg18[%dma_wait3A_71, %dma_wait3A_72] : memref<10240x64xf32, #tpu.memory_space<vmem_shared>> -> memref<10240x64xf32, #tpu.memory_space<vmem_shared>>
    tpu.wait_indirect_dma semaphore(%arg28 : memref<!tpu.dma_semaphore, #tpu.memory_space<semaphore_mem>>) src(%arg9 : memref<125x64xf32, #tpu.memory_space<vmem>>) dst(%dma_wait3A_73 : memref<10240x64xf32, #tpu.memory_space<vmem_shared>>)
    %dma_wait3A_74 = arith.constant 78 : i32
    %dma_wait3A_75 = arith.constant 0 : i32
    %dma_wait3A_76 = tpu.memref_slice %arg17[%dma_wait3A_74, %dma_wait3A_75] : memref<80x125xi32, #tpu.memory_space<vmem>> -> memref<1x125xi32, #tpu.memory_space<vmem>>
    %dma_wait3A_77 = tpu.memref_squeeze %dma_wait3A_76 : memref<1x125xi32, #tpu.memory_space<vmem>> -> memref<125xi32, #tpu.memory_space<vmem>>
    %dma_wait3A_78 = arith.constant 0 : i32
    %dma_wait3A_79 = arith.constant 0 : i32
    %dma_wait3A_80 = tpu.memref_slice %arg18[%dma_wait3A_78, %dma_wait3A_79] : memref<10240x64xf32, #tpu.memory_space<vmem_shared>> -> memref<10240x64xf32, #tpu.memory_space<vmem_shared>>
    tpu.wait_indirect_dma semaphore(%arg29 : memref<!tpu.dma_semaphore, #tpu.memory_space<semaphore_mem>>) src(%arg10 : memref<125x64xf32, #tpu.memory_space<vmem>>) dst(%dma_wait3A_80 : memref<10240x64xf32, #tpu.memory_space<vmem_shared>>)
    %dma_wait3A_81 = arith.constant 79 : i32
    %dma_wait3A_82 = arith.constant 0 : i32
    %dma_wait3A_83 = tpu.memref_slice %arg17[%dma_wait3A_81, %dma_wait3A_82] : memref<80x125xi32, #tpu.memory_space<vmem>> -> memref<1x125xi32, #tpu.memory_space<vmem>>
    %dma_wait3A_84 = tpu.memref_squeeze %dma_wait3A_83 : memref<1x125xi32, #tpu.memory_space<vmem>> -> memref<125xi32, #tpu.memory_space<vmem>>
    %dma_wait3A_85 = arith.constant 0 : i32
    %dma_wait3A_86 = arith.constant 0 : i32
    %dma_wait3A_87 = tpu.memref_slice %arg18[%dma_wait3A_85, %dma_wait3A_86] : memref<10240x64xf32, #tpu.memory_space<vmem_shared>> -> memref<10240x64xf32, #tpu.memory_space<vmem_shared>>
    tpu.wait_indirect_dma semaphore(%arg30 : memref<!tpu.dma_semaphore, #tpu.memory_space<semaphore_mem>>) src(%arg11 : memref<125x64xf32, #tpu.memory_space<vmem>>) dst(%dma_wait3A_87 : memref<10240x64xf32, #tpu.memory_space<vmem_shared>>)
    %barrier3A_88 = arith.constant 0 : index
    tpu.barrier barrier_id(%barrier3A_88)
    %mul3A_89 = arith.constant 640 : i32
    %mul3A_90 = arith.muli %arg1, %mul3A_89 : i32
    %mul3A_91 = arith.constant 640 : i32
    %mul3A_92 = arith.muli %arg1, %mul3A_91 : i32
    "tpu.region"() ({
      %run_scoped3A = tpu.sem_alloc : memref<!tpu.dma_semaphore, #tpu.memory_space<semaphore_mem>>
      %dma_start3A_93 = arith.constant 0 : i32
      %dma_start3A_94 = tpu.memref_slice %arg7[%arg0, %mul3A_92, %dma_start3A_93] : memref<2x10240x64xf32, #tpu.memory_space<hbm>> -> memref<1x640x64xf32, #tpu.memory_space<hbm>>
      %dma_start3A_95 = tpu.memref_squeeze %dma_start3A_94 : memref<1x640x64xf32, #tpu.memory_space<hbm>> -> memref<640x64xf32, #tpu.memory_space<hbm>>
      %dma_start3A_96 = arith.constant 0 : i32
      %dma_start3A_97 = tpu.memref_slice %arg18[%mul3A_90, %dma_start3A_96] : memref<10240x64xf32, #tpu.memory_space<vmem_shared>> -> memref<640x64xf32, #tpu.memory_space<vmem_shared>>
      tpu.enqueue_dma source(%dma_start3A_97 : memref<640x64xf32, #tpu.memory_space<vmem_shared>>) target(%dma_start3A_95 : memref<640x64xf32, #tpu.memory_space<hbm>>) target_semaphore(%run_scoped3A : memref<!tpu.dma_semaphore, #tpu.memory_space<semaphore_mem>>)
      %dma_wait3A_98 = arith.constant 0 : i32
      %dma_wait3A_99 = tpu.memref_slice %arg7[%arg0, %mul3A_92, %dma_wait3A_98] : memref<2x10240x64xf32, #tpu.memory_space<hbm>> -> memref<1x640x64xf32, #tpu.memory_space<hbm>>
      %dma_wait3A_100 = tpu.memref_squeeze %dma_wait3A_99 : memref<1x640x64xf32, #tpu.memory_space<hbm>> -> memref<640x64xf32, #tpu.memory_space<hbm>>
      %dma_wait3A_101 = arith.constant 0 : i32
      %dma_wait3A_102 = tpu.memref_slice %arg18[%mul3A_90, %dma_wait3A_101] : memref<10240x64xf32, #tpu.memory_space<vmem_shared>> -> memref<640x64xf32, #tpu.memory_space<vmem_shared>>
      tpu.wait_dma2 semaphore(%run_scoped3A : memref<!tpu.dma_semaphore, #tpu.memory_space<semaphore_mem>>) src(%dma_wait3A_102 : memref<640x64xf32, #tpu.memory_space<vmem_shared>>) dst(%dma_wait3A_100 : memref<640x64xf32, #tpu.memory_space<hbm>>)
      tpu.yield
    }) : () -> ()
    return
  }
}

#map = affine_map<(d0, d1) -> (0, 0)>
#map1 = affine_map<(d0, d1) -> (0, 0, 0)>
module attributes {stable_mosaic.version = 14 : i64} {
  func.func @_sc_body(%arg0: i32, %arg1: i32, %arg2: memref<10000x64xf32, #tpu.memory_space<hbm>>, %arg3: memref<320000x128xf32, #tpu.memory_space<hbm>>, %arg4: memref<32x80x125xi32, #tpu.memory_space<hbm>>, %arg5: memref<32x80x125xi32, #tpu.memory_space<hbm>>, %arg6: memref<640x64xf32, #tpu.memory_space<hbm>>, %arg7: memref<2x10240x64xf32, #tpu.memory_space<hbm>>, %arg8: memref<125x64xf32, #tpu.memory_space<vmem>>, %arg9: memref<125x64xf32, #tpu.memory_space<vmem>>, %arg10: memref<125x64xf32, #tpu.memory_space<vmem>>, %arg11: memref<125x64xf32, #tpu.memory_space<vmem>>, %arg12: memref<125x64xf32, #tpu.memory_space<vmem>>, %arg13: memref<125x64xf32, #tpu.memory_space<vmem>>, %arg14: memref<125x64xf32, #tpu.memory_space<vmem>>, %arg15: memref<125x64xf32, #tpu.memory_space<vmem>>, %arg16: memref<80x125xi32, #tpu.memory_space<vmem>>, %arg17: memref<80x125xi32, #tpu.memory_space<vmem>>, %arg18: memref<10240x64xf32, #tpu.memory_space<vmem_shared>>, %arg19: memref<!tpu.dma_semaphore, #tpu.memory_space<semaphore_mem>>, %arg20: memref<!tpu.dma_semaphore, #tpu.memory_space<semaphore_mem>>, %arg21: memref<!tpu.dma_semaphore, #tpu.memory_space<semaphore_mem>>, %arg22: memref<!tpu.dma_semaphore, #tpu.memory_space<semaphore_mem>>, %arg23: memref<!tpu.dma_semaphore, #tpu.memory_space<semaphore_mem>>, %arg24: memref<!tpu.dma_semaphore, #tpu.memory_space<semaphore_mem>>, %arg25: memref<!tpu.dma_semaphore, #tpu.memory_space<semaphore_mem>>, %arg26: memref<!tpu.dma_semaphore, #tpu.memory_space<semaphore_mem>>, %arg27: memref<!tpu.dma_semaphore, #tpu.memory_space<semaphore_mem>>, %arg28: memref<!tpu.dma_semaphore, #tpu.memory_space<semaphore_mem>>, %arg29: memref<!tpu.dma_semaphore, #tpu.memory_space<semaphore_mem>>, %arg30: memref<!tpu.dma_semaphore, #tpu.memory_space<semaphore_mem>>) attributes {dimension_semantics = [#tpu.dimension_semantics<core_parallel>, #tpu.dimension_semantics<subcore_parallel>], iteration_bounds = array<i64: 2, 16>, scalar_prefetch = 0 : i64, scratch_operands = 23 : i64, tpu.core_type = #tpu.core_type<sc_vector_subcore>, window_params = [{transform_indices = #map}, {transform_indices = #map}, {transform_indices = #map1}, {transform_indices = #map1}, {transform_indices = #map}, {transform_indices = #map1}]} {
    %mul3A = arith.constant 16 : i32
    %mul3A_0 = arith.muli %arg0, %mul3A : i32
    %add3A = arith.addi %mul3A_0, %arg1 : i32
    %mul3A_1 = arith.constant 640 : i32
    %mul3A_2 = arith.muli %arg1, %mul3A_1 : i32
    "tpu.region"() ({
      %run_scoped3A = tpu.sem_alloc : memref<!tpu.dma_semaphore, #tpu.memory_space<semaphore_mem>>
      %dma_start3A_93 = arith.constant 0 : i32
      %dma_start3A_94 = tpu.memref_slice %arg18[%mul3A_2, %dma_start3A_93] : memref<10240x64xf32, #tpu.memory_space<vmem_shared>> -> memref<640x64xf32, #tpu.memory_space<vmem_shared>>
      tpu.enqueue_dma source(%arg6 : memref<640x64xf32, #tpu.memory_space<hbm>>) target(%dma_start3A_94 : memref<640x64xf32, #tpu.memory_space<vmem_shared>>) target_semaphore(%run_scoped3A : memref<!tpu.dma_semaphore, #tpu.memory_space<semaphore_mem>>)
      %dma_wait3A_95 = arith.constant 0 : i32
      %dma_wait3A_96 = tpu.memref_slice %arg18[%mul3A_2, %dma_wait3A_95] : memref<10240x64xf32, #tpu.memory_space<vmem_shared>> -> memref<640x64xf32, #tpu.memory_space<vmem_shared>>
      tpu.wait_dma2 semaphore(%run_scoped3A : memref<!tpu.dma_semaphore, #tpu.memory_space<semaphore_mem>>) src(%arg6 : memref<640x64xf32, #tpu.memory_space<hbm>>) dst(%dma_wait3A_96 : memref<640x64xf32, #tpu.memory_space<vmem_shared>>)
      tpu.yield
    }) : () -> ()
    %barrier3A = arith.constant 0 : index
    tpu.barrier barrier_id(%barrier3A)
    %mul3A_3 = arith.constant 10000 : i32
    %mul3A_4 = arith.muli %add3A, %mul3A_3 : i32
    "tpu.region"() ({
      %run_scoped3A = tpu.sem_alloc : memref<!tpu.dma_semaphore, #tpu.memory_space<semaphore_mem>>
      %dma_start3A_93 = arith.constant 0 : i32
      %dma_start3A_94 = arith.constant 0 : i32
      %dma_start3A_95 = tpu.memref_slice %arg4[%add3A, %dma_start3A_93, %dma_start3A_94] : memref<32x80x125xi32, #tpu.memory_space<hbm>> -> memref<1x80x125xi32, #tpu.memory_space<hbm>>
      %dma_start3A_96 = tpu.memref_squeeze %dma_start3A_95 : memref<1x80x125xi32, #tpu.memory_space<hbm>> -> memref<80x125xi32, #tpu.memory_space<hbm>>
      %dma_start3A_97 = arith.constant 0 : i32
      %dma_start3A_98 = arith.constant 0 : i32
      %dma_start3A_99 = tpu.memref_slice %arg4[%add3A, %dma_start3A_97, %dma_start3A_98] : memref<32x80x125xi32, #tpu.memory_space<hbm>> -> memref<1x80x125xi32, #tpu.memory_space<hbm>>
      %dma_start3A_100 = tpu.memref_squeeze %dma_start3A_99 : memref<1x80x125xi32, #tpu.memory_space<hbm>> -> memref<80x125xi32, #tpu.memory_space<hbm>>
      tpu.enqueue_dma source(%dma_start3A_100 : memref<80x125xi32, #tpu.memory_space<hbm>>) target(%arg16 : memref<80x125xi32, #tpu.memory_space<vmem>>) target_semaphore(%run_scoped3A : memref<!tpu.dma_semaphore, #tpu.memory_space<semaphore_mem>>)
      %dma_wait3A_101 = arith.constant 0 : i32
      %dma_wait3A_102 = arith.constant 0 : i32
      %dma_wait3A_103 = tpu.memref_slice %arg4[%add3A, %dma_wait3A_101, %dma_wait3A_102] : memref<32x80x125xi32, #tpu.memory_space<hbm>> -> memref<1x80x125xi32, #tpu.memory_space<hbm>>
      %dma_wait3A_104 = tpu.memref_squeeze %dma_wait3A_103 : memref<1x80x125xi32, #tpu.memory_space<hbm>> -> memref<80x125xi32, #tpu.memory_space<hbm>>
      %dma_wait3A_105 = arith.constant 0 : i32
      %dma_wait3A_106 = arith.constant 0 : i32
      %dma_wait3A_107 = tpu.memref_slice %arg4[%add3A, %dma_wait3A_105, %dma_wait3A_106] : memref<32x80x125xi32, #tpu.memory_space<hbm>> -> memref<1x80x125xi32, #tpu.memory_space<hbm>>
      %dma_wait3A_108 = tpu.memref_squeeze %dma_wait3A_107 : memref<1x80x125xi32, #tpu.memory_space<hbm>> -> memref<80x125xi32, #tpu.memory_space<hbm>>
      tpu.wait_dma2 semaphore(%run_scoped3A : memref<!tpu.dma_semaphore, #tpu.memory_space<semaphore_mem>>) src(%dma_wait3A_108 : memref<80x125xi32, #tpu.memory_space<hbm>>) dst(%arg16 : memref<80x125xi32, #tpu.memory_space<vmem>>)
      tpu.yield
    }) : () -> ()
    "tpu.region"() ({
      %run_scoped3A = tpu.sem_alloc : memref<!tpu.dma_semaphore, #tpu.memory_space<semaphore_mem>>
      %dma_start3A_93 = arith.constant 0 : i32
      %dma_start3A_94 = arith.constant 0 : i32
      %dma_start3A_95 = tpu.memref_slice %arg5[%add3A, %dma_start3A_93, %dma_start3A_94] : memref<32x80x125xi32, #tpu.memory_space<hbm>> -> memref<1x80x125xi32, #tpu.memory_space<hbm>>
      %dma_start3A_96 = tpu.memref_squeeze %dma_start3A_95 : memref<1x80x125xi32, #tpu.memory_space<hbm>> -> memref<80x125xi32, #tpu.memory_space<hbm>>
      %dma_start3A_97 = arith.constant 0 : i32
      %dma_start3A_98 = arith.constant 0 : i32
      %dma_start3A_99 = tpu.memref_slice %arg5[%add3A, %dma_start3A_97, %dma_start3A_98] : memref<32x80x125xi32, #tpu.memory_space<hbm>> -> memref<1x80x125xi32, #tpu.memory_space<hbm>>
      %dma_start3A_100 = tpu.memref_squeeze %dma_start3A_99 : memref<1x80x125xi32, #tpu.memory_space<hbm>> -> memref<80x125xi32, #tpu.memory_space<hbm>>
      tpu.enqueue_dma source(%dma_start3A_100 : memref<80x125xi32, #tpu.memory_space<hbm>>) target(%arg17 : memref<80x125xi32, #tpu.memory_space<vmem>>) target_semaphore(%run_scoped3A : memref<!tpu.dma_semaphore, #tpu.memory_space<semaphore_mem>>)
      %dma_wait3A_101 = arith.constant 0 : i32
      %dma_wait3A_102 = arith.constant 0 : i32
      %dma_wait3A_103 = tpu.memref_slice %arg5[%add3A, %dma_wait3A_101, %dma_wait3A_102] : memref<32x80x125xi32, #tpu.memory_space<hbm>> -> memref<1x80x125xi32, #tpu.memory_space<hbm>>
      %dma_wait3A_104 = tpu.memref_squeeze %dma_wait3A_103 : memref<1x80x125xi32, #tpu.memory_space<hbm>> -> memref<80x125xi32, #tpu.memory_space<hbm>>
      %dma_wait3A_105 = arith.constant 0 : i32
      %dma_wait3A_106 = arith.constant 0 : i32
      %dma_wait3A_107 = tpu.memref_slice %arg5[%add3A, %dma_wait3A_105, %dma_wait3A_106] : memref<32x80x125xi32, #tpu.memory_space<hbm>> -> memref<1x80x125xi32, #tpu.memory_space<hbm>>
      %dma_wait3A_108 = tpu.memref_squeeze %dma_wait3A_107 : memref<1x80x125xi32, #tpu.memory_space<hbm>> -> memref<80x125xi32, #tpu.memory_space<hbm>>
      tpu.wait_dma2 semaphore(%run_scoped3A : memref<!tpu.dma_semaphore, #tpu.memory_space<semaphore_mem>>) src(%dma_wait3A_108 : memref<80x125xi32, #tpu.memory_space<hbm>>) dst(%arg17 : memref<80x125xi32, #tpu.memory_space<vmem>>)
      tpu.yield
    }) : () -> ()
    %dma_start3A = arith.constant 0 : i32
    %dma_start3A_5 = arith.constant 0 : i32
    %dma_start3A_6 = tpu.memref_slice %arg16[%dma_start3A, %dma_start3A_5] : memref<80x125xi32, #tpu.memory_space<vmem>> -> memref<1x125xi32, #tpu.memory_space<vmem>>
    %dma_start3A_7 = tpu.memref_squeeze %dma_start3A_6 : memref<1x125xi32, #tpu.memory_space<vmem>> -> memref<125xi32, #tpu.memory_space<vmem>>
    %dma_start3A_8 = arith.constant 0 : i32
    %dma_start3A_9 = arith.constant 0 : i32
    %dma_start3A_10 = tpu.memref_slice %arg2[%dma_start3A_8, %dma_start3A_9] : memref<10000x64xf32, #tpu.memory_space<hbm>> -> memref<10000x64xf32, #tpu.memory_space<hbm>>
    tpu.enqueue_indirect_dma source(%dma_start3A_10 : memref<10000x64xf32, #tpu.memory_space<hbm>>) target(%arg8 : memref<125x64xf32, #tpu.memory_space<vmem>>) offsets(%dma_start3A_7 : memref<125xi32, #tpu.memory_space<vmem>>) semaphore(%arg19 : memref<!tpu.dma_semaphore, #tpu.memory_space<semaphore_mem>>)
    %add3A_11 = arith.constant 0 : i32
    %add3A_12 = arith.addi %mul3A_4, %add3A_11 : i32
    %dma_start3A_13 = arith.constant 0 : i32
    %dma_start3A_14 = tpu.memref_slice %arg3[%add3A_12, %dma_start3A_13] : memref<320000x128xf32, #tpu.memory_space<hbm>> -> memref<125x64xf32, #tpu.memory_space<hbm>>
    %dma_start3A_15 = arith.constant 0 : i32
    %dma_start3A_16 = tpu.memref_slice %arg3[%add3A_12, %dma_start3A_15] : memref<320000x128xf32, #tpu.memory_space<hbm>> -> memref<125x64xf32, #tpu.memory_space<hbm>>
    tpu.enqueue_dma source(%dma_start3A_16 : memref<125x64xf32, #tpu.memory_space<hbm>>) target(%arg12 : memref<125x64xf32, #tpu.memory_space<vmem>>) target_semaphore(%arg23 : memref<!tpu.dma_semaphore, #tpu.memory_space<semaphore_mem>>)
    %dma_start3A_17 = arith.constant 1 : i32
    %dma_start3A_18 = arith.constant 0 : i32
    %dma_start3A_19 = tpu.memref_slice %arg16[%dma_start3A_17, %dma_start3A_18] : memref<80x125xi32, #tpu.memory_space<vmem>> -> memref<1x125xi32, #tpu.memory_space<vmem>>
    %dma_start3A_20 = tpu.memref_squeeze %dma_start3A_19 : memref<1x125xi32, #tpu.memory_space<vmem>> -> memref<125xi32, #tpu.memory_space<vmem>>
    %dma_start3A_21 = arith.constant 0 : i32
    %dma_start3A_22 = arith.constant 0 : i32
    %dma_start3A_23 = tpu.memref_slice %arg2[%dma_start3A_21, %dma_start3A_22] : memref<10000x64xf32, #tpu.memory_space<hbm>> -> memref<10000x64xf32, #tpu.memory_space<hbm>>
    tpu.enqueue_indirect_dma source(%dma_start3A_23 : memref<10000x64xf32, #tpu.memory_space<hbm>>) target(%arg9 : memref<125x64xf32, #tpu.memory_space<vmem>>) offsets(%dma_start3A_20 : memref<125xi32, #tpu.memory_space<vmem>>) semaphore(%arg20 : memref<!tpu.dma_semaphore, #tpu.memory_space<semaphore_mem>>)
    %add3A_24 = arith.constant 125 : i32
    %add3A_25 = arith.addi %mul3A_4, %add3A_24 : i32
    %dma_start3A_26 = arith.constant 0 : i32
    %dma_start3A_27 = tpu.memref_slice %arg3[%add3A_25, %dma_start3A_26] : memref<320000x128xf32, #tpu.memory_space<hbm>> -> memref<125x64xf32, #tpu.memory_space<hbm>>
    %dma_start3A_28 = arith.constant 0 : i32
    %dma_start3A_29 = tpu.memref_slice %arg3[%add3A_25, %dma_start3A_28] : memref<320000x128xf32, #tpu.memory_space<hbm>> -> memref<125x64xf32, #tpu.memory_space<hbm>>
    tpu.enqueue_dma source(%dma_start3A_29 : memref<125x64xf32, #tpu.memory_space<hbm>>) target(%arg13 : memref<125x64xf32, #tpu.memory_space<vmem>>) target_semaphore(%arg24 : memref<!tpu.dma_semaphore, #tpu.memory_space<semaphore_mem>>)
    %dma_start3A_30 = arith.constant 2 : i32
    %dma_start3A_31 = arith.constant 0 : i32
    %dma_start3A_32 = tpu.memref_slice %arg16[%dma_start3A_30, %dma_start3A_31] : memref<80x125xi32, #tpu.memory_space<vmem>> -> memref<1x125xi32, #tpu.memory_space<vmem>>
    %dma_start3A_33 = tpu.memref_squeeze %dma_start3A_32 : memref<1x125xi32, #tpu.memory_space<vmem>> -> memref<125xi32, #tpu.memory_space<vmem>>
    %dma_start3A_34 = arith.constant 0 : i32
    %dma_start3A_35 = arith.constant 0 : i32
    %dma_start3A_36 = tpu.memref_slice %arg2[%dma_start3A_34, %dma_start3A_35] : memref<10000x64xf32, #tpu.memory_space<hbm>> -> memref<10000x64xf32, #tpu.memory_space<hbm>>
    tpu.enqueue_indirect_dma source(%dma_start3A_36 : memref<10000x64xf32, #tpu.memory_space<hbm>>) target(%arg10 : memref<125x64xf32, #tpu.memory_space<vmem>>) offsets(%dma_start3A_33 : memref<125xi32, #tpu.memory_space<vmem>>) semaphore(%arg21 : memref<!tpu.dma_semaphore, #tpu.memory_space<semaphore_mem>>)
    %add3A_37 = arith.constant 250 : i32
    %add3A_38 = arith.addi %mul3A_4, %add3A_37 : i32
    %dma_start3A_39 = arith.constant 0 : i32
    %dma_start3A_40 = tpu.memref_slice %arg3[%add3A_38, %dma_start3A_39] : memref<320000x128xf32, #tpu.memory_space<hbm>> -> memref<125x64xf32, #tpu.memory_space<hbm>>
    %dma_start3A_41 = arith.constant 0 : i32
    %dma_start3A_42 = tpu.memref_slice %arg3[%add3A_38, %dma_start3A_41] : memref<320000x128xf32, #tpu.memory_space<hbm>> -> memref<125x64xf32, #tpu.memory_space<hbm>>
    tpu.enqueue_dma source(%dma_start3A_42 : memref<125x64xf32, #tpu.memory_space<hbm>>) target(%arg14 : memref<125x64xf32, #tpu.memory_space<vmem>>) target_semaphore(%arg25 : memref<!tpu.dma_semaphore, #tpu.memory_space<semaphore_mem>>)
    %dma_start3A_43 = arith.constant 3 : i32
    %dma_start3A_44 = arith.constant 0 : i32
    %dma_start3A_45 = tpu.memref_slice %arg16[%dma_start3A_43, %dma_start3A_44] : memref<80x125xi32, #tpu.memory_space<vmem>> -> memref<1x125xi32, #tpu.memory_space<vmem>>
    %dma_start3A_46 = tpu.memref_squeeze %dma_start3A_45 : memref<1x125xi32, #tpu.memory_space<vmem>> -> memref<125xi32, #tpu.memory_space<vmem>>
    %dma_start3A_47 = arith.constant 0 : i32
    %dma_start3A_48 = arith.constant 0 : i32
    %dma_start3A_49 = tpu.memref_slice %arg2[%dma_start3A_47, %dma_start3A_48] : memref<10000x64xf32, #tpu.memory_space<hbm>> -> memref<10000x64xf32, #tpu.memory_space<hbm>>
    tpu.enqueue_indirect_dma source(%dma_start3A_49 : memref<10000x64xf32, #tpu.memory_space<hbm>>) target(%arg11 : memref<125x64xf32, #tpu.memory_space<vmem>>) offsets(%dma_start3A_46 : memref<125xi32, #tpu.memory_space<vmem>>) semaphore(%arg22 : memref<!tpu.dma_semaphore, #tpu.memory_space<semaphore_mem>>)
    %add3A_50 = arith.constant 375 : i32
    %add3A_51 = arith.addi %mul3A_4, %add3A_50 : i32
    %dma_start3A_52 = arith.constant 0 : i32
    %dma_start3A_53 = tpu.memref_slice %arg3[%add3A_51, %dma_start3A_52] : memref<320000x128xf32, #tpu.memory_space<hbm>> -> memref<125x64xf32, #tpu.memory_space<hbm>>
    %dma_start3A_54 = arith.constant 0 : i32
    %dma_start3A_55 = tpu.memref_slice %arg3[%add3A_51, %dma_start3A_54] : memref<320000x128xf32, #tpu.memory_space<hbm>> -> memref<125x64xf32, #tpu.memory_space<hbm>>
    tpu.enqueue_dma source(%dma_start3A_55 : memref<125x64xf32, #tpu.memory_space<hbm>>) target(%arg15 : memref<125x64xf32, #tpu.memory_space<vmem>>) target_semaphore(%arg26 : memref<!tpu.dma_semaphore, #tpu.memory_space<semaphore_mem>>)
    %scan3A = arith.constant 0 : i32
    %scan3A_56 = arith.constant 0 : i32
    %scan3A_57 = arith.constant 20 : i32
    %scan3A_58 = arith.addi %scan3A_56, %scan3A_57 : i32
    %scan3A_59 = arith.constant 1 : i32
    scf.for %scan3A_93 = %scan3A_56 to %scan3A_58 step %scan3A_59  : i32 {
      %mul3A_94 = arith.constant 4 : i32
      %mul3A_95 = arith.muli %scan3A_93, %mul3A_94 : i32
      %add3A_96 = arith.constant 0 : i32
      %add3A_97 = arith.addi %mul3A_95, %add3A_96 : i32
      %dma_wait3A_98 = arith.constant 0 : i32
      %dma_wait3A_99 = tpu.memref_slice %arg16[%add3A_97, %dma_wait3A_98] : memref<80x125xi32, #tpu.memory_space<vmem>> -> memref<1x125xi32, #tpu.memory_space<vmem>>
      %dma_wait3A_100 = tpu.memref_squeeze %dma_wait3A_99 : memref<1x125xi32, #tpu.memory_space<vmem>> -> memref<125xi32, #tpu.memory_space<vmem>>
      %dma_wait3A_101 = arith.constant 0 : i32
      %dma_wait3A_102 = arith.constant 0 : i32
      %dma_wait3A_103 = tpu.memref_slice %arg2[%dma_wait3A_101, %dma_wait3A_102] : memref<10000x64xf32, #tpu.memory_space<hbm>> -> memref<10000x64xf32, #tpu.memory_space<hbm>>
      tpu.wait_indirect_dma semaphore(%arg19 : memref<!tpu.dma_semaphore, #tpu.memory_space<semaphore_mem>>) src(%dma_wait3A_103 : memref<10000x64xf32, #tpu.memory_space<hbm>>) dst(%arg8 : memref<125x64xf32, #tpu.memory_space<vmem>>)
      %mul3A_104 = arith.constant 125 : i32
      %mul3A_105 = arith.muli %add3A_97, %mul3A_104 : i32
      %add3A_106 = arith.addi %mul3A_4, %mul3A_105 : i32
      %dma_wait3A_107 = arith.constant 0 : i32
      %dma_wait3A_108 = tpu.memref_slice %arg3[%add3A_106, %dma_wait3A_107] : memref<320000x128xf32, #tpu.memory_space<hbm>> -> memref<125x64xf32, #tpu.memory_space<hbm>>
      %dma_wait3A_109 = arith.constant 0 : i32
      %dma_wait3A_110 = tpu.memref_slice %arg3[%add3A_106, %dma_wait3A_109] : memref<320000x128xf32, #tpu.memory_space<hbm>> -> memref<125x64xf32, #tpu.memory_space<hbm>>
      tpu.wait_dma2 semaphore(%arg23 : memref<!tpu.dma_semaphore, #tpu.memory_space<semaphore_mem>>) src(%dma_wait3A_110 : memref<125x64xf32, #tpu.memory_space<hbm>>) dst(%arg12 : memref<125x64xf32, #tpu.memory_space<vmem>>)
      %scan3A_111 = arith.constant 0 : i32
      %scan3A_112 = arith.constant 0 : i32
      %scan3A_113 = arith.constant 125 : i32
      %scan3A_114 = arith.addi %scan3A_112, %scan3A_113 : i32
      %scan3A_115 = arith.constant 1 : i32
      scf.for %scan3A_212 = %scan3A_112 to %scan3A_114 step %scan3A_115  : i32 {
        %get3A = arith.index_cast %scan3A_212 : i32 to index
        %get3A_213 = arith.constant 0 : index
        %get3A_214 = tpu.vector_load %arg8[%get3A, %get3A_213] {strides = array<i32>} : memref<125x64xf32, #tpu.memory_space<vmem>>, vector<1x16xf32>,
        %get3A_215 = vector.shape_cast %get3A_214 : vector<1x16xf32> to vector<16xf32>
        %get3A_216 = arith.index_cast %scan3A_212 : i32 to index
        %get3A_217 = arith.constant 0 : index
        %get3A_218 = tpu.vector_load %arg12[%get3A_216, %get3A_217] {strides = array<i32>} : memref<125x64xf32, #tpu.memory_space<vmem>>, vector<1x16xf32>,
        %get3A_219 = vector.shape_cast %get3A_218 : vector<1x16xf32> to vector<16xf32>
        %add3A_220 = arith.addf %get3A_215, %get3A_219 : vector<16xf32>
        %max3A = arith.constant 0.000000e+00 : f32
        %max3A_221 = vector.broadcast %max3A : f32 to vector<16xf32>
        %max3A_222 = arith.maximumf %add3A_220, %max3A_221 : vector<16xf32>
        %swap3A = arith.index_cast %scan3A_212 : i32 to index
        %swap3A_223 = arith.constant 0 : index
        %swap3A_224 = tpu.vector_load %arg8[%swap3A, %swap3A_223] {strides = array<i32>} : memref<125x64xf32, #tpu.memory_space<vmem>>, vector<1x16xf32>,
        %swap3A_225 = vector.shape_cast %swap3A_224 : vector<1x16xf32> to vector<16xf32>
        %swap3A_226 = vector.shape_cast %max3A_222 : vector<16xf32> to vector<1x16xf32>
        tpu.vector_store %arg8[%swap3A, %swap3A_223], %swap3A_226 {strides = array<i32>} : memref<125x64xf32, #tpu.memory_space<vmem>>, vector<1x16xf32>,
        %get3A_227 = arith.index_cast %scan3A_212 : i32 to index
        %get3A_228 = arith.constant 16 : index
        %get3A_229 = tpu.vector_load %arg8[%get3A_227, %get3A_228] {strides = array<i32>} : memref<125x64xf32, #tpu.memory_space<vmem>>, vector<1x16xf32>,
        %get3A_230 = vector.shape_cast %get3A_229 : vector<1x16xf32> to vector<16xf32>
        %get3A_231 = arith.index_cast %scan3A_212 : i32 to index
        %get3A_232 = arith.constant 16 : index
        %get3A_233 = tpu.vector_load %arg12[%get3A_231, %get3A_232] {strides = array<i32>} : memref<125x64xf32, #tpu.memory_space<vmem>>, vector<1x16xf32>,
        %get3A_234 = vector.shape_cast %get3A_233 : vector<1x16xf32> to vector<16xf32>
        %add3A_235 = arith.addf %get3A_230, %get3A_234 : vector<16xf32>
        %max3A_236 = arith.constant 0.000000e+00 : f32
        %max3A_237 = vector.broadcast %max3A_236 : f32 to vector<16xf32>
        %max3A_238 = arith.maximumf %add3A_235, %max3A_237 : vector<16xf32>
        %swap3A_239 = arith.index_cast %scan3A_212 : i32 to index
        %swap3A_240 = arith.constant 16 : index
        %swap3A_241 = tpu.vector_load %arg8[%swap3A_239, %swap3A_240] {strides = array<i32>} : memref<125x64xf32, #tpu.memory_space<vmem>>, vector<1x16xf32>,
        %swap3A_242 = vector.shape_cast %swap3A_241 : vector<1x16xf32> to vector<16xf32>
        %swap3A_243 = vector.shape_cast %max3A_238 : vector<16xf32> to vector<1x16xf32>
        tpu.vector_store %arg8[%swap3A_239, %swap3A_240], %swap3A_243 {strides = array<i32>} : memref<125x64xf32, #tpu.memory_space<vmem>>, vector<1x16xf32>,
        %get3A_244 = arith.index_cast %scan3A_212 : i32 to index
        %get3A_245 = arith.constant 32 : index
        %get3A_246 = tpu.vector_load %arg8[%get3A_244, %get3A_245] {strides = array<i32>} : memref<125x64xf32, #tpu.memory_space<vmem>>, vector<1x16xf32>,
        %get3A_247 = vector.shape_cast %get3A_246 : vector<1x16xf32> to vector<16xf32>
        %get3A_248 = arith.index_cast %scan3A_212 : i32 to index
        %get3A_249 = arith.constant 32 : index
        %get3A_250 = tpu.vector_load %arg12[%get3A_248, %get3A_249] {strides = array<i32>} : memref<125x64xf32, #tpu.memory_space<vmem>>, vector<1x16xf32>,
        %get3A_251 = vector.shape_cast %get3A_250 : vector<1x16xf32> to vector<16xf32>
        %add3A_252 = arith.addf %get3A_247, %get3A_251 : vector<16xf32>
        %max3A_253 = arith.constant 0.000000e+00 : f32
        %max3A_254 = vector.broadcast %max3A_253 : f32 to vector<16xf32>
        %max3A_255 = arith.maximumf %add3A_252, %max3A_254 : vector<16xf32>
        %swap3A_256 = arith.index_cast %scan3A_212 : i32 to index
        %swap3A_257 = arith.constant 32 : index
        %swap3A_258 = tpu.vector_load %arg8[%swap3A_256, %swap3A_257] {strides = array<i32>} : memref<125x64xf32, #tpu.memory_space<vmem>>, vector<1x16xf32>,
        %swap3A_259 = vector.shape_cast %swap3A_258 : vector<1x16xf32> to vector<16xf32>
        %swap3A_260 = vector.shape_cast %max3A_255 : vector<16xf32> to vector<1x16xf32>
        tpu.vector_store %arg8[%swap3A_256, %swap3A_257], %swap3A_260 {strides = array<i32>} : memref<125x64xf32, #tpu.memory_space<vmem>>, vector<1x16xf32>,
        %get3A_261 = arith.index_cast %scan3A_212 : i32 to index
        %get3A_262 = arith.constant 48 : index
        %get3A_263 = tpu.vector_load %arg8[%get3A_261, %get3A_262] {strides = array<i32>} : memref<125x64xf32, #tpu.memory_space<vmem>>, vector<1x16xf32>,
        %get3A_264 = vector.shape_cast %get3A_263 : vector<1x16xf32> to vector<16xf32>
        %get3A_265 = arith.index_cast %scan3A_212 : i32 to index
        %get3A_266 = arith.constant 48 : index
        %get3A_267 = tpu.vector_load %arg12[%get3A_265, %get3A_266] {strides = array<i32>} : memref<125x64xf32, #tpu.memory_space<vmem>>, vector<1x16xf32>,
        %get3A_268 = vector.shape_cast %get3A_267 : vector<1x16xf32> to vector<16xf32>
        %add3A_269 = arith.addf %get3A_264, %get3A_268 : vector<16xf32>
        %max3A_270 = arith.constant 0.000000e+00 : f32
        %max3A_271 = vector.broadcast %max3A_270 : f32 to vector<16xf32>
        %max3A_272 = arith.maximumf %add3A_269, %max3A_271 : vector<16xf32>
        %swap3A_273 = arith.index_cast %scan3A_212 : i32 to index
        %swap3A_274 = arith.constant 48 : index
        %swap3A_275 = tpu.vector_load %arg8[%swap3A_273, %swap3A_274] {strides = array<i32>} : memref<125x64xf32, #tpu.memory_space<vmem>>, vector<1x16xf32>,
        %swap3A_276 = vector.shape_cast %swap3A_275 : vector<1x16xf32> to vector<16xf32>
        %swap3A_277 = vector.shape_cast %max3A_272 : vector<16xf32> to vector<1x16xf32>
        tpu.vector_store %arg8[%swap3A_273, %swap3A_274], %swap3A_277 {strides = array<i32>} : memref<125x64xf32, #tpu.memory_space<vmem>>, vector<1x16xf32>,
      }
      %scan3A_116 = arith.constant 125 : i32
      %dma_start3A_117 = arith.constant 0 : i32
      %dma_start3A_118 = tpu.memref_slice %arg17[%add3A_97, %dma_start3A_117] : memref<80x125xi32, #tpu.memory_space<vmem>> -> memref<1x125xi32, #tpu.memory_space<vmem>>
      %dma_start3A_119 = tpu.memref_squeeze %dma_start3A_118 : memref<1x125xi32, #tpu.memory_space<vmem>> -> memref<125xi32, #tpu.memory_space<vmem>>
      %dma_start3A_120 = arith.constant 0 : i32
      %dma_start3A_121 = arith.constant 0 : i32
      %dma_start3A_122 = tpu.memref_slice %arg18[%dma_start3A_120, %dma_start3A_121] : memref<10240x64xf32, #tpu.memory_space<vmem_shared>> -> memref<10240x64xf32, #tpu.memory_space<vmem_shared>>
      tpu.enqueue_indirect_dma source(%arg8 : memref<125x64xf32, #tpu.memory_space<vmem>>) target(%dma_start3A_122 : memref<10240x64xf32, #tpu.memory_space<vmem_shared>>) offsets(%dma_start3A_119 : memref<125xi32, #tpu.memory_space<vmem>>) semaphore(%arg27 : memref<!tpu.dma_semaphore, #tpu.memory_space<semaphore_mem>>) {add = true}
      %mul3A_123 = arith.constant 4 : i32
      %mul3A_124 = arith.muli %scan3A_93, %mul3A_123 : i32
      %add3A_125 = arith.constant 1 : i32
      %add3A_126 = arith.addi %mul3A_124, %add3A_125 : i32
      %dma_wait3A_127 = arith.constant 0 : i32
      %dma_wait3A_128 = tpu.memref_slice %arg16[%add3A_126, %dma_wait3A_127] : memref<80x125xi32, #tpu.memory_space<vmem>> -> memref<1x125xi32, #tpu.memory_space<vmem>>
      %dma_wait3A_129 = tpu.memref_squeeze %dma_wait3A_128 : memref<1x125xi32, #tpu.memory_space<vmem>> -> memref<125xi32, #tpu.memory_space<vmem>>
      %dma_wait3A_130 = arith.constant 0 : i32
      %dma_wait3A_131 = arith.constant 0 : i32
      %dma_wait3A_132 = tpu.memref_slice %arg2[%dma_wait3A_130, %dma_wait3A_131] : memref<10000x64xf32, #tpu.memory_space<hbm>> -> memref<10000x64xf32, #tpu.memory_space<hbm>>
      tpu.wait_indirect_dma semaphore(%arg20 : memref<!tpu.dma_semaphore, #tpu.memory_space<semaphore_mem>>) src(%dma_wait3A_132 : memref<10000x64xf32, #tpu.memory_space<hbm>>) dst(%arg9 : memref<125x64xf32, #tpu.memory_space<vmem>>)
      %mul3A_133 = arith.constant 125 : i32
      %mul3A_134 = arith.muli %add3A_126, %mul3A_133 : i32
      %add3A_135 = arith.addi %mul3A_4, %mul3A_134 : i32
      %dma_wait3A_136 = arith.constant 0 : i32
      %dma_wait3A_137 = tpu.memref_slice %arg3[%add3A_135, %dma_wait3A_136] : memref<320000x128xf32, #tpu.memory_space<hbm>> -> memref<125x64xf32, #tpu.memory_space<hbm>>
      %dma_wait3A_138 = arith.constant 0 : i32
      %dma_wait3A_139 = tpu.memref_slice %arg3[%add3A_135, %dma_wait3A_138] : memref<320000x128xf32, #tpu.memory_space<hbm>> -> memref<125x64xf32, #tpu.memory_space<hbm>>
      tpu.wait_dma2 semaphore(%arg24 : memref<!tpu.dma_semaphore, #tpu.memory_space<semaphore_mem>>) src(%dma_wait3A_139 : memref<125x64xf32, #tpu.memory_space<hbm>>) dst(%arg13 : memref<125x64xf32, #tpu.memory_space<vmem>>)
      %scan3A_140 = arith.constant 0 : i32
      %scan3A_141 = arith.constant 0 : i32
      %scan3A_142 = arith.constant 125 : i32
      %scan3A_143 = arith.addi %scan3A_141, %scan3A_142 : i32
      %scan3A_144 = arith.constant 1 : i32
      scf.for %scan3A_212 = %scan3A_141 to %scan3A_143 step %scan3A_144  : i32 {
        %get3A = arith.index_cast %scan3A_212 : i32 to index
        %get3A_213 = arith.constant 0 : index
        %get3A_214 = tpu.vector_load %arg9[%get3A, %get3A_213] {strides = array<i32>} : memref<125x64xf32, #tpu.memory_space<vmem>>, vector<1x16xf32>,
        %get3A_215 = vector.shape_cast %get3A_214 : vector<1x16xf32> to vector<16xf32>
        %get3A_216 = arith.index_cast %scan3A_212 : i32 to index
        %get3A_217 = arith.constant 0 : index
        %get3A_218 = tpu.vector_load %arg13[%get3A_216, %get3A_217] {strides = array<i32>} : memref<125x64xf32, #tpu.memory_space<vmem>>, vector<1x16xf32>,
        %get3A_219 = vector.shape_cast %get3A_218 : vector<1x16xf32> to vector<16xf32>
        %add3A_220 = arith.addf %get3A_215, %get3A_219 : vector<16xf32>
        %max3A = arith.constant 0.000000e+00 : f32
        %max3A_221 = vector.broadcast %max3A : f32 to vector<16xf32>
        %max3A_222 = arith.maximumf %add3A_220, %max3A_221 : vector<16xf32>
        %swap3A = arith.index_cast %scan3A_212 : i32 to index
        %swap3A_223 = arith.constant 0 : index
        %swap3A_224 = tpu.vector_load %arg9[%swap3A, %swap3A_223] {strides = array<i32>} : memref<125x64xf32, #tpu.memory_space<vmem>>, vector<1x16xf32>,
        %swap3A_225 = vector.shape_cast %swap3A_224 : vector<1x16xf32> to vector<16xf32>
        %swap3A_226 = vector.shape_cast %max3A_222 : vector<16xf32> to vector<1x16xf32>
        tpu.vector_store %arg9[%swap3A, %swap3A_223], %swap3A_226 {strides = array<i32>} : memref<125x64xf32, #tpu.memory_space<vmem>>, vector<1x16xf32>,
        %get3A_227 = arith.index_cast %scan3A_212 : i32 to index
        %get3A_228 = arith.constant 16 : index
        %get3A_229 = tpu.vector_load %arg9[%get3A_227, %get3A_228] {strides = array<i32>} : memref<125x64xf32, #tpu.memory_space<vmem>>, vector<1x16xf32>,
        %get3A_230 = vector.shape_cast %get3A_229 : vector<1x16xf32> to vector<16xf32>
        %get3A_231 = arith.index_cast %scan3A_212 : i32 to index
        %get3A_232 = arith.constant 16 : index
        %get3A_233 = tpu.vector_load %arg13[%get3A_231, %get3A_232] {strides = array<i32>} : memref<125x64xf32, #tpu.memory_space<vmem>>, vector<1x16xf32>,
        %get3A_234 = vector.shape_cast %get3A_233 : vector<1x16xf32> to vector<16xf32>
        %add3A_235 = arith.addf %get3A_230, %get3A_234 : vector<16xf32>
        %max3A_236 = arith.constant 0.000000e+00 : f32
        %max3A_237 = vector.broadcast %max3A_236 : f32 to vector<16xf32>
        %max3A_238 = arith.maximumf %add3A_235, %max3A_237 : vector<16xf32>
        %swap3A_239 = arith.index_cast %scan3A_212 : i32 to index
        %swap3A_240 = arith.constant 16 : index
        %swap3A_241 = tpu.vector_load %arg9[%swap3A_239, %swap3A_240] {strides = array<i32>} : memref<125x64xf32, #tpu.memory_space<vmem>>, vector<1x16xf32>,
        %swap3A_242 = vector.shape_cast %swap3A_241 : vector<1x16xf32> to vector<16xf32>
        %swap3A_243 = vector.shape_cast %max3A_238 : vector<16xf32> to vector<1x16xf32>
        tpu.vector_store %arg9[%swap3A_239, %swap3A_240], %swap3A_243 {strides = array<i32>} : memref<125x64xf32, #tpu.memory_space<vmem>>, vector<1x16xf32>,
        %get3A_244 = arith.index_cast %scan3A_212 : i32 to index
        %get3A_245 = arith.constant 32 : index
        %get3A_246 = tpu.vector_load %arg9[%get3A_244, %get3A_245] {strides = array<i32>} : memref<125x64xf32, #tpu.memory_space<vmem>>, vector<1x16xf32>,
        %get3A_247 = vector.shape_cast %get3A_246 : vector<1x16xf32> to vector<16xf32>
        %get3A_248 = arith.index_cast %scan3A_212 : i32 to index
        %get3A_249 = arith.constant 32 : index
        %get3A_250 = tpu.vector_load %arg13[%get3A_248, %get3A_249] {strides = array<i32>} : memref<125x64xf32, #tpu.memory_space<vmem>>, vector<1x16xf32>,
        %get3A_251 = vector.shape_cast %get3A_250 : vector<1x16xf32> to vector<16xf32>
        %add3A_252 = arith.addf %get3A_247, %get3A_251 : vector<16xf32>
        %max3A_253 = arith.constant 0.000000e+00 : f32
        %max3A_254 = vector.broadcast %max3A_253 : f32 to vector<16xf32>
        %max3A_255 = arith.maximumf %add3A_252, %max3A_254 : vector<16xf32>
        %swap3A_256 = arith.index_cast %scan3A_212 : i32 to index
        %swap3A_257 = arith.constant 32 : index
        %swap3A_258 = tpu.vector_load %arg9[%swap3A_256, %swap3A_257] {strides = array<i32>} : memref<125x64xf32, #tpu.memory_space<vmem>>, vector<1x16xf32>,
        %swap3A_259 = vector.shape_cast %swap3A_258 : vector<1x16xf32> to vector<16xf32>
        %swap3A_260 = vector.shape_cast %max3A_255 : vector<16xf32> to vector<1x16xf32>
        tpu.vector_store %arg9[%swap3A_256, %swap3A_257], %swap3A_260 {strides = array<i32>} : memref<125x64xf32, #tpu.memory_space<vmem>>, vector<1x16xf32>,
        %get3A_261 = arith.index_cast %scan3A_212 : i32 to index
        %get3A_262 = arith.constant 48 : index
        %get3A_263 = tpu.vector_load %arg9[%get3A_261, %get3A_262] {strides = array<i32>} : memref<125x64xf32, #tpu.memory_space<vmem>>, vector<1x16xf32>,
        %get3A_264 = vector.shape_cast %get3A_263 : vector<1x16xf32> to vector<16xf32>
        %get3A_265 = arith.index_cast %scan3A_212 : i32 to index
        %get3A_266 = arith.constant 48 : index
        %get3A_267 = tpu.vector_load %arg13[%get3A_265, %get3A_266] {strides = array<i32>} : memref<125x64xf32, #tpu.memory_space<vmem>>, vector<1x16xf32>,
        %get3A_268 = vector.shape_cast %get3A_267 : vector<1x16xf32> to vector<16xf32>
        %add3A_269 = arith.addf %get3A_264, %get3A_268 : vector<16xf32>
        %max3A_270 = arith.constant 0.000000e+00 : f32
        %max3A_271 = vector.broadcast %max3A_270 : f32 to vector<16xf32>
        %max3A_272 = arith.maximumf %add3A_269, %max3A_271 : vector<16xf32>
        %swap3A_273 = arith.index_cast %scan3A_212 : i32 to index
        %swap3A_274 = arith.constant 48 : index
        %swap3A_275 = tpu.vector_load %arg9[%swap3A_273, %swap3A_274] {strides = array<i32>} : memref<125x64xf32, #tpu.memory_space<vmem>>, vector<1x16xf32>,
        %swap3A_276 = vector.shape_cast %swap3A_275 : vector<1x16xf32> to vector<16xf32>
        %swap3A_277 = vector.shape_cast %max3A_272 : vector<16xf32> to vector<1x16xf32>
        tpu.vector_store %arg9[%swap3A_273, %swap3A_274], %swap3A_277 {strides = array<i32>} : memref<125x64xf32, #tpu.memory_space<vmem>>, vector<1x16xf32>,
      }
      %scan3A_145 = arith.constant 125 : i32
      %dma_start3A_146 = arith.constant 0 : i32
      %dma_start3A_147 = tpu.memref_slice %arg17[%add3A_126, %dma_start3A_146] : memref<80x125xi32, #tpu.memory_space<vmem>> -> memref<1x125xi32, #tpu.memory_space<vmem>>
      %dma_start3A_148 = tpu.memref_squeeze %dma_start3A_147 : memref<1x125xi32, #tpu.memory_space<vmem>> -> memref<125xi32, #tpu.memory_space<vmem>>
      %dma_start3A_149 = arith.constant 0 : i32
      %dma_start3A_150 = arith.constant 0 : i32
      %dma_start3A_151 = tpu.memref_slice %arg18[%dma_start3A_149, %dma_start3A_150] : memref<10240x64xf32, #tpu.memory_space<vmem_shared>> -> memref<10240x64xf32, #tpu.memory_space<vmem_shared>>
      tpu.enqueue_indirect_dma source(%arg9 : memref<125x64xf32, #tpu.memory_space<vmem>>) target(%dma_start3A_151 : memref<10240x64xf32, #tpu.memory_space<vmem_shared>>) offsets(%dma_start3A_148 : memref<125xi32, #tpu.memory_space<vmem>>) semaphore(%arg28 : memref<!tpu.dma_semaphore, #tpu.memory_space<semaphore_mem>>) {add = true}
      %mul3A_152 = arith.constant 4 : i32
      %mul3A_153 = arith.muli %scan3A_93, %mul3A_152 : i32
      %add3A_154 = arith.constant 2 : i32
      %add3A_155 = arith.addi %mul3A_153, %add3A_154 : i32
      %dma_wait3A_156 = arith.constant 0 : i32
      %dma_wait3A_157 = tpu.memref_slice %arg16[%add3A_155, %dma_wait3A_156] : memref<80x125xi32, #tpu.memory_space<vmem>> -> memref<1x125xi32, #tpu.memory_space<vmem>>
      %dma_wait3A_158 = tpu.memref_squeeze %dma_wait3A_157 : memref<1x125xi32, #tpu.memory_space<vmem>> -> memref<125xi32, #tpu.memory_space<vmem>>
      %dma_wait3A_159 = arith.constant 0 : i32
      %dma_wait3A_160 = arith.constant 0 : i32
      %dma_wait3A_161 = tpu.memref_slice %arg2[%dma_wait3A_159, %dma_wait3A_160] : memref<10000x64xf32, #tpu.memory_space<hbm>> -> memref<10000x64xf32, #tpu.memory_space<hbm>>
      tpu.wait_indirect_dma semaphore(%arg21 : memref<!tpu.dma_semaphore, #tpu.memory_space<semaphore_mem>>) src(%dma_wait3A_161 : memref<10000x64xf32, #tpu.memory_space<hbm>>) dst(%arg10 : memref<125x64xf32, #tpu.memory_space<vmem>>)
      %mul3A_162 = arith.constant 125 : i32
      %mul3A_163 = arith.muli %add3A_155, %mul3A_162 : i32
      %add3A_164 = arith.addi %mul3A_4, %mul3A_163 : i32
      %dma_wait3A_165 = arith.constant 0 : i32
      %dma_wait3A_166 = tpu.memref_slice %arg3[%add3A_164, %dma_wait3A_165] : memref<320000x128xf32, #tpu.memory_space<hbm>> -> memref<125x64xf32, #tpu.memory_space<hbm>>
      %dma_wait3A_167 = arith.constant 0 : i32
      %dma_wait3A_168 = tpu.memref_slice %arg3[%add3A_164, %dma_wait3A_167] : memref<320000x128xf32, #tpu.memory_space<hbm>> -> memref<125x64xf32, #tpu.memory_space<hbm>>
      tpu.wait_dma2 semaphore(%arg25 : memref<!tpu.dma_semaphore, #tpu.memory_space<semaphore_mem>>) src(%dma_wait3A_168 : memref<125x64xf32, #tpu.memory_space<hbm>>) dst(%arg14 : memref<125x64xf32, #tpu.memory_space<vmem>>)
      %scan3A_169 = arith.constant 0 : i32
      %scan3A_170 = arith.constant 0 : i32
      %scan3A_171 = arith.constant 125 : i32
      %scan3A_172 = arith.addi %scan3A_170, %scan3A_171 : i32
      %scan3A_173 = arith.constant 1 : i32
      scf.for %scan3A_212 = %scan3A_170 to %scan3A_172 step %scan3A_173  : i32 {
        %get3A = arith.index_cast %scan3A_212 : i32 to index
        %get3A_213 = arith.constant 0 : index
        %get3A_214 = tpu.vector_load %arg10[%get3A, %get3A_213] {strides = array<i32>} : memref<125x64xf32, #tpu.memory_space<vmem>>, vector<1x16xf32>,
        %get3A_215 = vector.shape_cast %get3A_214 : vector<1x16xf32> to vector<16xf32>
        %get3A_216 = arith.index_cast %scan3A_212 : i32 to index
        %get3A_217 = arith.constant 0 : index
        %get3A_218 = tpu.vector_load %arg14[%get3A_216, %get3A_217] {strides = array<i32>} : memref<125x64xf32, #tpu.memory_space<vmem>>, vector<1x16xf32>,
        %get3A_219 = vector.shape_cast %get3A_218 : vector<1x16xf32> to vector<16xf32>
        %add3A_220 = arith.addf %get3A_215, %get3A_219 : vector<16xf32>
        %max3A = arith.constant 0.000000e+00 : f32
        %max3A_221 = vector.broadcast %max3A : f32 to vector<16xf32>
        %max3A_222 = arith.maximumf %add3A_220, %max3A_221 : vector<16xf32>
        %swap3A = arith.index_cast %scan3A_212 : i32 to index
        %swap3A_223 = arith.constant 0 : index
        %swap3A_224 = tpu.vector_load %arg10[%swap3A, %swap3A_223] {strides = array<i32>} : memref<125x64xf32, #tpu.memory_space<vmem>>, vector<1x16xf32>,
        %swap3A_225 = vector.shape_cast %swap3A_224 : vector<1x16xf32> to vector<16xf32>
        %swap3A_226 = vector.shape_cast %max3A_222 : vector<16xf32> to vector<1x16xf32>
        tpu.vector_store %arg10[%swap3A, %swap3A_223], %swap3A_226 {strides = array<i32>} : memref<125x64xf32, #tpu.memory_space<vmem>>, vector<1x16xf32>,
        %get3A_227 = arith.index_cast %scan3A_212 : i32 to index
        %get3A_228 = arith.constant 16 : index
        %get3A_229 = tpu.vector_load %arg10[%get3A_227, %get3A_228] {strides = array<i32>} : memref<125x64xf32, #tpu.memory_space<vmem>>, vector<1x16xf32>,
        %get3A_230 = vector.shape_cast %get3A_229 : vector<1x16xf32> to vector<16xf32>
        %get3A_231 = arith.index_cast %scan3A_212 : i32 to index
        %get3A_232 = arith.constant 16 : index
        %get3A_233 = tpu.vector_load %arg14[%get3A_231, %get3A_232] {strides = array<i32>} : memref<125x64xf32, #tpu.memory_space<vmem>>, vector<1x16xf32>,
        %get3A_234 = vector.shape_cast %get3A_233 : vector<1x16xf32> to vector<16xf32>
        %add3A_235 = arith.addf %get3A_230, %get3A_234 : vector<16xf32>
        %max3A_236 = arith.constant 0.000000e+00 : f32
        %max3A_237 = vector.broadcast %max3A_236 : f32 to vector<16xf32>
        %max3A_238 = arith.maximumf %add3A_235, %max3A_237 : vector<16xf32>
        %swap3A_239 = arith.index_cast %scan3A_212 : i32 to index
        %swap3A_240 = arith.constant 16 : index
        %swap3A_241 = tpu.vector_load %arg10[%swap3A_239, %swap3A_240] {strides = array<i32>} : memref<125x64xf32, #tpu.memory_space<vmem>>, vector<1x16xf32>,
        %swap3A_242 = vector.shape_cast %swap3A_241 : vector<1x16xf32> to vector<16xf32>
        %swap3A_243 = vector.shape_cast %max3A_238 : vector<16xf32> to vector<1x16xf32>
        tpu.vector_store %arg10[%swap3A_239, %swap3A_240], %swap3A_243 {strides = array<i32>} : memref<125x64xf32, #tpu.memory_space<vmem>>, vector<1x16xf32>,
        %get3A_244 = arith.index_cast %scan3A_212 : i32 to index
        %get3A_245 = arith.constant 32 : index
        %get3A_246 = tpu.vector_load %arg10[%get3A_244, %get3A_245] {strides = array<i32>} : memref<125x64xf32, #tpu.memory_space<vmem>>, vector<1x16xf32>,
        %get3A_247 = vector.shape_cast %get3A_246 : vector<1x16xf32> to vector<16xf32>
        %get3A_248 = arith.index_cast %scan3A_212 : i32 to index
        %get3A_249 = arith.constant 32 : index
        %get3A_250 = tpu.vector_load %arg14[%get3A_248, %get3A_249] {strides = array<i32>} : memref<125x64xf32, #tpu.memory_space<vmem>>, vector<1x16xf32>,
        %get3A_251 = vector.shape_cast %get3A_250 : vector<1x16xf32> to vector<16xf32>
        %add3A_252 = arith.addf %get3A_247, %get3A_251 : vector<16xf32>
        %max3A_253 = arith.constant 0.000000e+00 : f32
        %max3A_254 = vector.broadcast %max3A_253 : f32 to vector<16xf32>
        %max3A_255 = arith.maximumf %add3A_252, %max3A_254 : vector<16xf32>
        %swap3A_256 = arith.index_cast %scan3A_212 : i32 to index
        %swap3A_257 = arith.constant 32 : index
        %swap3A_258 = tpu.vector_load %arg10[%swap3A_256, %swap3A_257] {strides = array<i32>} : memref<125x64xf32, #tpu.memory_space<vmem>>, vector<1x16xf32>,
        %swap3A_259 = vector.shape_cast %swap3A_258 : vector<1x16xf32> to vector<16xf32>
        %swap3A_260 = vector.shape_cast %max3A_255 : vector<16xf32> to vector<1x16xf32>
        tpu.vector_store %arg10[%swap3A_256, %swap3A_257], %swap3A_260 {strides = array<i32>} : memref<125x64xf32, #tpu.memory_space<vmem>>, vector<1x16xf32>,
        %get3A_261 = arith.index_cast %scan3A_212 : i32 to index
        %get3A_262 = arith.constant 48 : index
        %get3A_263 = tpu.vector_load %arg10[%get3A_261, %get3A_262] {strides = array<i32>} : memref<125x64xf32, #tpu.memory_space<vmem>>, vector<1x16xf32>,
        %get3A_264 = vector.shape_cast %get3A_263 : vector<1x16xf32> to vector<16xf32>
        %get3A_265 = arith.index_cast %scan3A_212 : i32 to index
        %get3A_266 = arith.constant 48 : index
        %get3A_267 = tpu.vector_load %arg14[%get3A_265, %get3A_266] {strides = array<i32>} : memref<125x64xf32, #tpu.memory_space<vmem>>, vector<1x16xf32>,
        %get3A_268 = vector.shape_cast %get3A_267 : vector<1x16xf32> to vector<16xf32>
        %add3A_269 = arith.addf %get3A_264, %get3A_268 : vector<16xf32>
        %max3A_270 = arith.constant 0.000000e+00 : f32
        %max3A_271 = vector.broadcast %max3A_270 : f32 to vector<16xf32>
        %max3A_272 = arith.maximumf %add3A_269, %max3A_271 : vector<16xf32>
        %swap3A_273 = arith.index_cast %scan3A_212 : i32 to index
        %swap3A_274 = arith.constant 48 : index
        %swap3A_275 = tpu.vector_load %arg10[%swap3A_273, %swap3A_274] {strides = array<i32>} : memref<125x64xf32, #tpu.memory_space<vmem>>, vector<1x16xf32>,
        %swap3A_276 = vector.shape_cast %swap3A_275 : vector<1x16xf32> to vector<16xf32>
        %swap3A_277 = vector.shape_cast %max3A_272 : vector<16xf32> to vector<1x16xf32>
        tpu.vector_store %arg10[%swap3A_273, %swap3A_274], %swap3A_277 {strides = array<i32>} : memref<125x64xf32, #tpu.memory_space<vmem>>, vector<1x16xf32>,
      }
      %scan3A_174 = arith.constant 125 : i32
      %dma_start3A_175 = arith.constant 0 : i32
      %dma_start3A_176 = tpu.memref_slice %arg17[%add3A_155, %dma_start3A_175] : memref<80x125xi32, #tpu.memory_space<vmem>> -> memref<1x125xi32, #tpu.memory_space<vmem>>
      %dma_start3A_177 = tpu.memref_squeeze %dma_start3A_176 : memref<1x125xi32, #tpu.memory_space<vmem>> -> memref<125xi32, #tpu.memory_space<vmem>>
      %dma_start3A_178 = arith.constant 0 : i32
      %dma_start3A_179 = arith.constant 0 : i32
      %dma_start3A_180 = tpu.memref_slice %arg18[%dma_start3A_178, %dma_start3A_179] : memref<10240x64xf32, #tpu.memory_space<vmem_shared>> -> memref<10240x64xf32, #tpu.memory_space<vmem_shared>>
      tpu.enqueue_indirect_dma source(%arg10 : memref<125x64xf32, #tpu.memory_space<vmem>>) target(%dma_start3A_180 : memref<10240x64xf32, #tpu.memory_space<vmem_shared>>) offsets(%dma_start3A_177 : memref<125xi32, #tpu.memory_space<vmem>>) semaphore(%arg29 : memref<!tpu.dma_semaphore, #tpu.memory_space<semaphore_mem>>) {add = true}
      %mul3A_181 = arith.constant 4 : i32
      %mul3A_182 = arith.muli %scan3A_93, %mul3A_181 : i32
      %add3A_183 = arith.constant 3 : i32
      %add3A_184 = arith.addi %mul3A_182, %add3A_183 : i32
      %dma_wait3A_185 = arith.constant 0 : i32
      %dma_wait3A_186 = tpu.memref_slice %arg16[%add3A_184, %dma_wait3A_185] : memref<80x125xi32, #tpu.memory_space<vmem>> -> memref<1x125xi32, #tpu.memory_space<vmem>>
      %dma_wait3A_187 = tpu.memref_squeeze %dma_wait3A_186 : memref<1x125xi32, #tpu.memory_space<vmem>> -> memref<125xi32, #tpu.memory_space<vmem>>
      %dma_wait3A_188 = arith.constant 0 : i32
      %dma_wait3A_189 = arith.constant 0 : i32
      %dma_wait3A_190 = tpu.memref_slice %arg2[%dma_wait3A_188, %dma_wait3A_189] : memref<10000x64xf32, #tpu.memory_space<hbm>> -> memref<10000x64xf32, #tpu.memory_space<hbm>>
      tpu.wait_indirect_dma semaphore(%arg22 : memref<!tpu.dma_semaphore, #tpu.memory_space<semaphore_mem>>) src(%dma_wait3A_190 : memref<10000x64xf32, #tpu.memory_space<hbm>>) dst(%arg11 : memref<125x64xf32, #tpu.memory_space<vmem>>)
      %mul3A_191 = arith.constant 125 : i32
      %mul3A_192 = arith.muli %add3A_184, %mul3A_191 : i32
      %add3A_193 = arith.addi %mul3A_4, %mul3A_192 : i32
      %dma_wait3A_194 = arith.constant 0 : i32
      %dma_wait3A_195 = tpu.memref_slice %arg3[%add3A_193, %dma_wait3A_194] : memref<320000x128xf32, #tpu.memory_space<hbm>> -> memref<125x64xf32, #tpu.memory_space<hbm>>
      %dma_wait3A_196 = arith.constant 0 : i32
      %dma_wait3A_197 = tpu.memref_slice %arg3[%add3A_193, %dma_wait3A_196] : memref<320000x128xf32, #tpu.memory_space<hbm>> -> memref<125x64xf32, #tpu.memory_space<hbm>>
      tpu.wait_dma2 semaphore(%arg26 : memref<!tpu.dma_semaphore, #tpu.memory_space<semaphore_mem>>) src(%dma_wait3A_197 : memref<125x64xf32, #tpu.memory_space<hbm>>) dst(%arg15 : memref<125x64xf32, #tpu.memory_space<vmem>>)
      %scan3A_198 = arith.constant 0 : i32
      %scan3A_199 = arith.constant 0 : i32
      %scan3A_200 = arith.constant 125 : i32
      %scan3A_201 = arith.addi %scan3A_199, %scan3A_200 : i32
      %scan3A_202 = arith.constant 1 : i32
      scf.for %scan3A_212 = %scan3A_199 to %scan3A_201 step %scan3A_202  : i32 {
        %get3A = arith.index_cast %scan3A_212 : i32 to index
        %get3A_213 = arith.constant 0 : index
        %get3A_214 = tpu.vector_load %arg11[%get3A, %get3A_213] {strides = array<i32>} : memref<125x64xf32, #tpu.memory_space<vmem>>, vector<1x16xf32>,
        %get3A_215 = vector.shape_cast %get3A_214 : vector<1x16xf32> to vector<16xf32>
        %get3A_216 = arith.index_cast %scan3A_212 : i32 to index
        %get3A_217 = arith.constant 0 : index
        %get3A_218 = tpu.vector_load %arg15[%get3A_216, %get3A_217] {strides = array<i32>} : memref<125x64xf32, #tpu.memory_space<vmem>>, vector<1x16xf32>,
        %get3A_219 = vector.shape_cast %get3A_218 : vector<1x16xf32> to vector<16xf32>
        %add3A_220 = arith.addf %get3A_215, %get3A_219 : vector<16xf32>
        %max3A = arith.constant 0.000000e+00 : f32
        %max3A_221 = vector.broadcast %max3A : f32 to vector<16xf32>
        %max3A_222 = arith.maximumf %add3A_220, %max3A_221 : vector<16xf32>
        %swap3A = arith.index_cast %scan3A_212 : i32 to index
        %swap3A_223 = arith.constant 0 : index
        %swap3A_224 = tpu.vector_load %arg11[%swap3A, %swap3A_223] {strides = array<i32>} : memref<125x64xf32, #tpu.memory_space<vmem>>, vector<1x16xf32>,
        %swap3A_225 = vector.shape_cast %swap3A_224 : vector<1x16xf32> to vector<16xf32>
        %swap3A_226 = vector.shape_cast %max3A_222 : vector<16xf32> to vector<1x16xf32>
        tpu.vector_store %arg11[%swap3A, %swap3A_223], %swap3A_226 {strides = array<i32>} : memref<125x64xf32, #tpu.memory_space<vmem>>, vector<1x16xf32>,
        %get3A_227 = arith.index_cast %scan3A_212 : i32 to index
        %get3A_228 = arith.constant 16 : index
        %get3A_229 = tpu.vector_load %arg11[%get3A_227, %get3A_228] {strides = array<i32>} : memref<125x64xf32, #tpu.memory_space<vmem>>, vector<1x16xf32>,
        %get3A_230 = vector.shape_cast %get3A_229 : vector<1x16xf32> to vector<16xf32>
        %get3A_231 = arith.index_cast %scan3A_212 : i32 to index
        %get3A_232 = arith.constant 16 : index
        %get3A_233 = tpu.vector_load %arg15[%get3A_231, %get3A_232] {strides = array<i32>} : memref<125x64xf32, #tpu.memory_space<vmem>>, vector<1x16xf32>,
        %get3A_234 = vector.shape_cast %get3A_233 : vector<1x16xf32> to vector<16xf32>
        %add3A_235 = arith.addf %get3A_230, %get3A_234 : vector<16xf32>
        %max3A_236 = arith.constant 0.000000e+00 : f32
        %max3A_237 = vector.broadcast %max3A_236 : f32 to vector<16xf32>
        %max3A_238 = arith.maximumf %add3A_235, %max3A_237 : vector<16xf32>
        %swap3A_239 = arith.index_cast %scan3A_212 : i32 to index
        %swap3A_240 = arith.constant 16 : index
        %swap3A_241 = tpu.vector_load %arg11[%swap3A_239, %swap3A_240] {strides = array<i32>} : memref<125x64xf32, #tpu.memory_space<vmem>>, vector<1x16xf32>,
        %swap3A_242 = vector.shape_cast %swap3A_241 : vector<1x16xf32> to vector<16xf32>
        %swap3A_243 = vector.shape_cast %max3A_238 : vector<16xf32> to vector<1x16xf32>
        tpu.vector_store %arg11[%swap3A_239, %swap3A_240], %swap3A_243 {strides = array<i32>} : memref<125x64xf32, #tpu.memory_space<vmem>>, vector<1x16xf32>,
        %get3A_244 = arith.index_cast %scan3A_212 : i32 to index
        %get3A_245 = arith.constant 32 : index
        %get3A_246 = tpu.vector_load %arg11[%get3A_244, %get3A_245] {strides = array<i32>} : memref<125x64xf32, #tpu.memory_space<vmem>>, vector<1x16xf32>,
        %get3A_247 = vector.shape_cast %get3A_246 : vector<1x16xf32> to vector<16xf32>
        %get3A_248 = arith.index_cast %scan3A_212 : i32 to index
        %get3A_249 = arith.constant 32 : index
        %get3A_250 = tpu.vector_load %arg15[%get3A_248, %get3A_249] {strides = array<i32>} : memref<125x64xf32, #tpu.memory_space<vmem>>, vector<1x16xf32>,
        %get3A_251 = vector.shape_cast %get3A_250 : vector<1x16xf32> to vector<16xf32>
        %add3A_252 = arith.addf %get3A_247, %get3A_251 : vector<16xf32>
        %max3A_253 = arith.constant 0.000000e+00 : f32
        %max3A_254 = vector.broadcast %max3A_253 : f32 to vector<16xf32>
        %max3A_255 = arith.maximumf %add3A_252, %max3A_254 : vector<16xf32>
        %swap3A_256 = arith.index_cast %scan3A_212 : i32 to index
        %swap3A_257 = arith.constant 32 : index
        %swap3A_258 = tpu.vector_load %arg11[%swap3A_256, %swap3A_257] {strides = array<i32>} : memref<125x64xf32, #tpu.memory_space<vmem>>, vector<1x16xf32>,
        %swap3A_259 = vector.shape_cast %swap3A_258 : vector<1x16xf32> to vector<16xf32>
        %swap3A_260 = vector.shape_cast %max3A_255 : vector<16xf32> to vector<1x16xf32>
        tpu.vector_store %arg11[%swap3A_256, %swap3A_257], %swap3A_260 {strides = array<i32>} : memref<125x64xf32, #tpu.memory_space<vmem>>, vector<1x16xf32>,
        %get3A_261 = arith.index_cast %scan3A_212 : i32 to index
        %get3A_262 = arith.constant 48 : index
        %get3A_263 = tpu.vector_load %arg11[%get3A_261, %get3A_262] {strides = array<i32>} : memref<125x64xf32, #tpu.memory_space<vmem>>, vector<1x16xf32>,
        %get3A_264 = vector.shape_cast %get3A_263 : vector<1x16xf32> to vector<16xf32>
        %get3A_265 = arith.index_cast %scan3A_212 : i32 to index
        %get3A_266 = arith.constant 48 : index
        %get3A_267 = tpu.vector_load %arg15[%get3A_265, %get3A_266] {strides = array<i32>} : memref<125x64xf32, #tpu.memory_space<vmem>>, vector<1x16xf32>,
        %get3A_268 = vector.shape_cast %get3A_267 : vector<1x16xf32> to vector<16xf32>
        %add3A_269 = arith.addf %get3A_264, %get3A_268 : vector<16xf32>
        %max3A_270 = arith.constant 0.000000e+00 : f32
        %max3A_271 = vector.broadcast %max3A_270 : f32 to vector<16xf32>
        %max3A_272 = arith.maximumf %add3A_269, %max3A_271 : vector<16xf32>
        %swap3A_273 = arith.index_cast %scan3A_212 : i32 to index
        %swap3A_274 = arith.constant 48 : index
        %swap3A_275 = tpu.vector_load %arg11[%swap3A_273, %swap3A_274] {strides = array<i32>} : memref<125x64xf32, #tpu.memory_space<vmem>>, vector<1x16xf32>,
        %swap3A_276 = vector.shape_cast %swap3A_275 : vector<1x16xf32> to vector<16xf32>
        %swap3A_277 = vector.shape_cast %max3A_272 : vector<16xf32> to vector<1x16xf32>
        tpu.vector_store %arg11[%swap3A_273, %swap3A_274], %swap3A_277 {strides = array<i32>} : memref<125x64xf32, #tpu.memory_space<vmem>>, vector<1x16xf32>,
      }
      %scan3A_203 = arith.constant 125 : i32
      %dma_start3A_204 = arith.constant 0 : i32
      %dma_start3A_205 = tpu.memref_slice %arg17[%add3A_184, %dma_start3A_204] : memref<80x125xi32, #tpu.memory_space<vmem>> -> memref<1x125xi32, #tpu.memory_space<vmem>>
      %dma_start3A_206 = tpu.memref_squeeze %dma_start3A_205 : memref<1x125xi32, #tpu.memory_space<vmem>> -> memref<125xi32, #tpu.memory_space<vmem>>
      %dma_start3A_207 = arith.constant 0 : i32
      %dma_start3A_208 = arith.constant 0 : i32
      %dma_start3A_209 = tpu.memref_slice %arg18[%dma_start3A_207, %dma_start3A_208] : memref<10240x64xf32, #tpu.memory_space<vmem_shared>> -> memref<10240x64xf32, #tpu.memory_space<vmem_shared>>
      tpu.enqueue_indirect_dma source(%arg11 : memref<125x64xf32, #tpu.memory_space<vmem>>) target(%dma_start3A_209 : memref<10240x64xf32, #tpu.memory_space<vmem_shared>>) offsets(%dma_start3A_206 : memref<125xi32, #tpu.memory_space<vmem>>) semaphore(%arg30 : memref<!tpu.dma_semaphore, #tpu.memory_space<semaphore_mem>>) {add = true}
      %lt3A = arith.constant 19 : i32
      %lt3A_210 = arith.cmpi slt, %scan3A_93, %lt3A : i32
      %convert_element_type3A = arith.extui %lt3A_210 : i1 to i32
      %cond3A = arith.constant 0 : i32
      %cond3A_211 = arith.cmpi ne, %convert_element_type3A, %cond3A : i32
      scf.if %cond3A_211 {
        %mul3A_212 = arith.constant 4 : i32
        %mul3A_213 = arith.muli %scan3A_93, %mul3A_212 : i32
        %add3A_214 = arith.constant 0 : i32
        %add3A_215 = arith.addi %mul3A_213, %add3A_214 : i32
        %dma_wait3A_216 = arith.constant 0 : i32
        %dma_wait3A_217 = tpu.memref_slice %arg17[%add3A_215, %dma_wait3A_216] : memref<80x125xi32, #tpu.memory_space<vmem>> -> memref<1x125xi32, #tpu.memory_space<vmem>>
        %dma_wait3A_218 = tpu.memref_squeeze %dma_wait3A_217 : memref<1x125xi32, #tpu.memory_space<vmem>> -> memref<125xi32, #tpu.memory_space<vmem>>
        %dma_wait3A_219 = arith.constant 0 : i32
        %dma_wait3A_220 = arith.constant 0 : i32
        %dma_wait3A_221 = tpu.memref_slice %arg18[%dma_wait3A_219, %dma_wait3A_220] : memref<10240x64xf32, #tpu.memory_space<vmem_shared>> -> memref<10240x64xf32, #tpu.memory_space<vmem_shared>>
        tpu.wait_indirect_dma semaphore(%arg27 : memref<!tpu.dma_semaphore, #tpu.memory_space<semaphore_mem>>) src(%arg8 : memref<125x64xf32, #tpu.memory_space<vmem>>) dst(%dma_wait3A_221 : memref<10240x64xf32, #tpu.memory_space<vmem_shared>>)
        %add3A_222 = arith.constant 1 : i32
        %add3A_223 = arith.addi %scan3A_93, %add3A_222 : i32
        %mul3A_224 = arith.constant 4 : i32
        %mul3A_225 = arith.muli %add3A_223, %mul3A_224 : i32
        %add3A_226 = arith.constant 0 : i32
        %add3A_227 = arith.addi %mul3A_225, %add3A_226 : i32
        %dma_start3A_228 = arith.constant 0 : i32
        %dma_start3A_229 = tpu.memref_slice %arg16[%add3A_227, %dma_start3A_228] : memref<80x125xi32, #tpu.memory_space<vmem>> -> memref<1x125xi32, #tpu.memory_space<vmem>>
        %dma_start3A_230 = tpu.memref_squeeze %dma_start3A_229 : memref<1x125xi32, #tpu.memory_space<vmem>> -> memref<125xi32, #tpu.memory_space<vmem>>
        %dma_start3A_231 = arith.constant 0 : i32
        %dma_start3A_232 = arith.constant 0 : i32
        %dma_start3A_233 = tpu.memref_slice %arg2[%dma_start3A_231, %dma_start3A_232] : memref<10000x64xf32, #tpu.memory_space<hbm>> -> memref<10000x64xf32, #tpu.memory_space<hbm>>
        tpu.enqueue_indirect_dma source(%dma_start3A_233 : memref<10000x64xf32, #tpu.memory_space<hbm>>) target(%arg8 : memref<125x64xf32, #tpu.memory_space<vmem>>) offsets(%dma_start3A_230 : memref<125xi32, #tpu.memory_space<vmem>>) semaphore(%arg19 : memref<!tpu.dma_semaphore, #tpu.memory_space<semaphore_mem>>)
        %mul3A_234 = arith.constant 125 : i32
        %mul3A_235 = arith.muli %add3A_227, %mul3A_234 : i32
        %add3A_236 = arith.addi %mul3A_4, %mul3A_235 : i32
        %dma_start3A_237 = arith.constant 0 : i32
        %dma_start3A_238 = tpu.memref_slice %arg3[%add3A_236, %dma_start3A_237] : memref<320000x128xf32, #tpu.memory_space<hbm>> -> memref<125x64xf32, #tpu.memory_space<hbm>>
        %dma_start3A_239 = arith.constant 0 : i32
        %dma_start3A_240 = tpu.memref_slice %arg3[%add3A_236, %dma_start3A_239] : memref<320000x128xf32, #tpu.memory_space<hbm>> -> memref<125x64xf32, #tpu.memory_space<hbm>>
        tpu.enqueue_dma source(%dma_start3A_240 : memref<125x64xf32, #tpu.memory_space<hbm>>) target(%arg12 : memref<125x64xf32, #tpu.memory_space<vmem>>) target_semaphore(%arg23 : memref<!tpu.dma_semaphore, #tpu.memory_space<semaphore_mem>>)
        %mul3A_241 = arith.constant 4 : i32
        %mul3A_242 = arith.muli %scan3A_93, %mul3A_241 : i32
        %add3A_243 = arith.constant 1 : i32
        %add3A_244 = arith.addi %mul3A_242, %add3A_243 : i32
        %dma_wait3A_245 = arith.constant 0 : i32
        %dma_wait3A_246 = tpu.memref_slice %arg17[%add3A_244, %dma_wait3A_245] : memref<80x125xi32, #tpu.memory_space<vmem>> -> memref<1x125xi32, #tpu.memory_space<vmem>>
        %dma_wait3A_247 = tpu.memref_squeeze %dma_wait3A_246 : memref<1x125xi32, #tpu.memory_space<vmem>> -> memref<125xi32, #tpu.memory_space<vmem>>
        %dma_wait3A_248 = arith.constant 0 : i32
        %dma_wait3A_249 = arith.constant 0 : i32
        %dma_wait3A_250 = tpu.memref_slice %arg18[%dma_wait3A_248, %dma_wait3A_249] : memref<10240x64xf32, #tpu.memory_space<vmem_shared>> -> memref<10240x64xf32, #tpu.memory_space<vmem_shared>>
        tpu.wait_indirect_dma semaphore(%arg28 : memref<!tpu.dma_semaphore, #tpu.memory_space<semaphore_mem>>) src(%arg9 : memref<125x64xf32, #tpu.memory_space<vmem>>) dst(%dma_wait3A_250 : memref<10240x64xf32, #tpu.memory_space<vmem_shared>>)
        %add3A_251 = arith.constant 1 : i32
        %add3A_252 = arith.addi %scan3A_93, %add3A_251 : i32
        %mul3A_253 = arith.constant 4 : i32
        %mul3A_254 = arith.muli %add3A_252, %mul3A_253 : i32
        %add3A_255 = arith.constant 1 : i32
        %add3A_256 = arith.addi %mul3A_254, %add3A_255 : i32
        %dma_start3A_257 = arith.constant 0 : i32
        %dma_start3A_258 = tpu.memref_slice %arg16[%add3A_256, %dma_start3A_257] : memref<80x125xi32, #tpu.memory_space<vmem>> -> memref<1x125xi32, #tpu.memory_space<vmem>>
        %dma_start3A_259 = tpu.memref_squeeze %dma_start3A_258 : memref<1x125xi32, #tpu.memory_space<vmem>> -> memref<125xi32, #tpu.memory_space<vmem>>
        %dma_start3A_260 = arith.constant 0 : i32
        %dma_start3A_261 = arith.constant 0 : i32
        %dma_start3A_262 = tpu.memref_slice %arg2[%dma_start3A_260, %dma_start3A_261] : memref<10000x64xf32, #tpu.memory_space<hbm>> -> memref<10000x64xf32, #tpu.memory_space<hbm>>
        tpu.enqueue_indirect_dma source(%dma_start3A_262 : memref<10000x64xf32, #tpu.memory_space<hbm>>) target(%arg9 : memref<125x64xf32, #tpu.memory_space<vmem>>) offsets(%dma_start3A_259 : memref<125xi32, #tpu.memory_space<vmem>>) semaphore(%arg20 : memref<!tpu.dma_semaphore, #tpu.memory_space<semaphore_mem>>)
        %mul3A_263 = arith.constant 125 : i32
        %mul3A_264 = arith.muli %add3A_256, %mul3A_263 : i32
        %add3A_265 = arith.addi %mul3A_4, %mul3A_264 : i32
        %dma_start3A_266 = arith.constant 0 : i32
        %dma_start3A_267 = tpu.memref_slice %arg3[%add3A_265, %dma_start3A_266] : memref<320000x128xf32, #tpu.memory_space<hbm>> -> memref<125x64xf32, #tpu.memory_space<hbm>>
        %dma_start3A_268 = arith.constant 0 : i32
        %dma_start3A_269 = tpu.memref_slice %arg3[%add3A_265, %dma_start3A_268] : memref<320000x128xf32, #tpu.memory_space<hbm>> -> memref<125x64xf32, #tpu.memory_space<hbm>>
        tpu.enqueue_dma source(%dma_start3A_269 : memref<125x64xf32, #tpu.memory_space<hbm>>) target(%arg13 : memref<125x64xf32, #tpu.memory_space<vmem>>) target_semaphore(%arg24 : memref<!tpu.dma_semaphore, #tpu.memory_space<semaphore_mem>>)
        %mul3A_270 = arith.constant 4 : i32
        %mul3A_271 = arith.muli %scan3A_93, %mul3A_270 : i32
        %add3A_272 = arith.constant 2 : i32
        %add3A_273 = arith.addi %mul3A_271, %add3A_272 : i32
        %dma_wait3A_274 = arith.constant 0 : i32
        %dma_wait3A_275 = tpu.memref_slice %arg17[%add3A_273, %dma_wait3A_274] : memref<80x125xi32, #tpu.memory_space<vmem>> -> memref<1x125xi32, #tpu.memory_space<vmem>>
        %dma_wait3A_276 = tpu.memref_squeeze %dma_wait3A_275 : memref<1x125xi32, #tpu.memory_space<vmem>> -> memref<125xi32, #tpu.memory_space<vmem>>
        %dma_wait3A_277 = arith.constant 0 : i32
        %dma_wait3A_278 = arith.constant 0 : i32
        %dma_wait3A_279 = tpu.memref_slice %arg18[%dma_wait3A_277, %dma_wait3A_278] : memref<10240x64xf32, #tpu.memory_space<vmem_shared>> -> memref<10240x64xf32, #tpu.memory_space<vmem_shared>>
        tpu.wait_indirect_dma semaphore(%arg29 : memref<!tpu.dma_semaphore, #tpu.memory_space<semaphore_mem>>) src(%arg10 : memref<125x64xf32, #tpu.memory_space<vmem>>) dst(%dma_wait3A_279 : memref<10240x64xf32, #tpu.memory_space<vmem_shared>>)
        %add3A_280 = arith.constant 1 : i32
        %add3A_281 = arith.addi %scan3A_93, %add3A_280 : i32
        %mul3A_282 = arith.constant 4 : i32
        %mul3A_283 = arith.muli %add3A_281, %mul3A_282 : i32
        %add3A_284 = arith.constant 2 : i32
        %add3A_285 = arith.addi %mul3A_283, %add3A_284 : i32
        %dma_start3A_286 = arith.constant 0 : i32
        %dma_start3A_287 = tpu.memref_slice %arg16[%add3A_285, %dma_start3A_286] : memref<80x125xi32, #tpu.memory_space<vmem>> -> memref<1x125xi32, #tpu.memory_space<vmem>>
        %dma_start3A_288 = tpu.memref_squeeze %dma_start3A_287 : memref<1x125xi32, #tpu.memory_space<vmem>> -> memref<125xi32, #tpu.memory_space<vmem>>
        %dma_start3A_289 = arith.constant 0 : i32
        %dma_start3A_290 = arith.constant 0 : i32
        %dma_start3A_291 = tpu.memref_slice %arg2[%dma_start3A_289, %dma_start3A_290] : memref<10000x64xf32, #tpu.memory_space<hbm>> -> memref<10000x64xf32, #tpu.memory_space<hbm>>
        tpu.enqueue_indirect_dma source(%dma_start3A_291 : memref<10000x64xf32, #tpu.memory_space<hbm>>) target(%arg10 : memref<125x64xf32, #tpu.memory_space<vmem>>) offsets(%dma_start3A_288 : memref<125xi32, #tpu.memory_space<vmem>>) semaphore(%arg21 : memref<!tpu.dma_semaphore, #tpu.memory_space<semaphore_mem>>)
        %mul3A_292 = arith.constant 125 : i32
        %mul3A_293 = arith.muli %add3A_285, %mul3A_292 : i32
        %add3A_294 = arith.addi %mul3A_4, %mul3A_293 : i32
        %dma_start3A_295 = arith.constant 0 : i32
        %dma_start3A_296 = tpu.memref_slice %arg3[%add3A_294, %dma_start3A_295] : memref<320000x128xf32, #tpu.memory_space<hbm>> -> memref<125x64xf32, #tpu.memory_space<hbm>>
        %dma_start3A_297 = arith.constant 0 : i32
        %dma_start3A_298 = tpu.memref_slice %arg3[%add3A_294, %dma_start3A_297] : memref<320000x128xf32, #tpu.memory_space<hbm>> -> memref<125x64xf32, #tpu.memory_space<hbm>>
        tpu.enqueue_dma source(%dma_start3A_298 : memref<125x64xf32, #tpu.memory_space<hbm>>) target(%arg14 : memref<125x64xf32, #tpu.memory_space<vmem>>) target_semaphore(%arg25 : memref<!tpu.dma_semaphore, #tpu.memory_space<semaphore_mem>>)
        %mul3A_299 = arith.constant 4 : i32
        %mul3A_300 = arith.muli %scan3A_93, %mul3A_299 : i32
        %add3A_301 = arith.constant 3 : i32
        %add3A_302 = arith.addi %mul3A_300, %add3A_301 : i32
        %dma_wait3A_303 = arith.constant 0 : i32
        %dma_wait3A_304 = tpu.memref_slice %arg17[%add3A_302, %dma_wait3A_303] : memref<80x125xi32, #tpu.memory_space<vmem>> -> memref<1x125xi32, #tpu.memory_space<vmem>>
        %dma_wait3A_305 = tpu.memref_squeeze %dma_wait3A_304 : memref<1x125xi32, #tpu.memory_space<vmem>> -> memref<125xi32, #tpu.memory_space<vmem>>
        %dma_wait3A_306 = arith.constant 0 : i32
        %dma_wait3A_307 = arith.constant 0 : i32
        %dma_wait3A_308 = tpu.memref_slice %arg18[%dma_wait3A_306, %dma_wait3A_307] : memref<10240x64xf32, #tpu.memory_space<vmem_shared>> -> memref<10240x64xf32, #tpu.memory_space<vmem_shared>>
        tpu.wait_indirect_dma semaphore(%arg30 : memref<!tpu.dma_semaphore, #tpu.memory_space<semaphore_mem>>) src(%arg11 : memref<125x64xf32, #tpu.memory_space<vmem>>) dst(%dma_wait3A_308 : memref<10240x64xf32, #tpu.memory_space<vmem_shared>>)
        %add3A_309 = arith.constant 1 : i32
        %add3A_310 = arith.addi %scan3A_93, %add3A_309 : i32
        %mul3A_311 = arith.constant 4 : i32
        %mul3A_312 = arith.muli %add3A_310, %mul3A_311 : i32
        %add3A_313 = arith.constant 3 : i32
        %add3A_314 = arith.addi %mul3A_312, %add3A_313 : i32
        %dma_start3A_315 = arith.constant 0 : i32
        %dma_start3A_316 = tpu.memref_slice %arg16[%add3A_314, %dma_start3A_315] : memref<80x125xi32, #tpu.memory_space<vmem>> -> memref<1x125xi32, #tpu.memory_space<vmem>>
        %dma_start3A_317 = tpu.memref_squeeze %dma_start3A_316 : memref<1x125xi32, #tpu.memory_space<vmem>> -> memref<125xi32, #tpu.memory_space<vmem>>
        %dma_start3A_318 = arith.constant 0 : i32
        %dma_start3A_319 = arith.constant 0 : i32
        %dma_start3A_320 = tpu.memref_slice %arg2[%dma_start3A_318, %dma_start3A_319] : memref<10000x64xf32, #tpu.memory_space<hbm>> -> memref<10000x64xf32, #tpu.memory_space<hbm>>
        tpu.enqueue_indirect_dma source(%dma_start3A_320 : memref<10000x64xf32, #tpu.memory_space<hbm>>) target(%arg11 : memref<125x64xf32, #tpu.memory_space<vmem>>) offsets(%dma_start3A_317 : memref<125xi32, #tpu.memory_space<vmem>>) semaphore(%arg22 : memref<!tpu.dma_semaphore, #tpu.memory_space<semaphore_mem>>)
        %mul3A_321 = arith.constant 125 : i32
        %mul3A_322 = arith.muli %add3A_314, %mul3A_321 : i32
        %add3A_323 = arith.addi %mul3A_4, %mul3A_322 : i32
        %dma_start3A_324 = arith.constant 0 : i32
        %dma_start3A_325 = tpu.memref_slice %arg3[%add3A_323, %dma_start3A_324] : memref<320000x128xf32, #tpu.memory_space<hbm>> -> memref<125x64xf32, #tpu.memory_space<hbm>>
        %dma_start3A_326 = arith.constant 0 : i32
        %dma_start3A_327 = tpu.memref_slice %arg3[%add3A_323, %dma_start3A_326] : memref<320000x128xf32, #tpu.memory_space<hbm>> -> memref<125x64xf32, #tpu.memory_space<hbm>>
        tpu.enqueue_dma source(%dma_start3A_327 : memref<125x64xf32, #tpu.memory_space<hbm>>) target(%arg15 : memref<125x64xf32, #tpu.memory_space<vmem>>) target_semaphore(%arg26 : memref<!tpu.dma_semaphore, #tpu.memory_space<semaphore_mem>>)
      } else {
      }
    }
    %scan3A_60 = arith.constant 20 : i32
    %dma_wait3A = arith.constant 76 : i32
    %dma_wait3A_61 = arith.constant 0 : i32
    %dma_wait3A_62 = tpu.memref_slice %arg17[%dma_wait3A, %dma_wait3A_61] : memref<80x125xi32, #tpu.memory_space<vmem>> -> memref<1x125xi32, #tpu.memory_space<vmem>>
    %dma_wait3A_63 = tpu.memref_squeeze %dma_wait3A_62 : memref<1x125xi32, #tpu.memory_space<vmem>> -> memref<125xi32, #tpu.memory_space<vmem>>
    %dma_wait3A_64 = arith.constant 0 : i32
    %dma_wait3A_65 = arith.constant 0 : i32
    %dma_wait3A_66 = tpu.memref_slice %arg18[%dma_wait3A_64, %dma_wait3A_65] : memref<10240x64xf32, #tpu.memory_space<vmem_shared>> -> memref<10240x64xf32, #tpu.memory_space<vmem_shared>>
    tpu.wait_indirect_dma semaphore(%arg27 : memref<!tpu.dma_semaphore, #tpu.memory_space<semaphore_mem>>) src(%arg8 : memref<125x64xf32, #tpu.memory_space<vmem>>) dst(%dma_wait3A_66 : memref<10240x64xf32, #tpu.memory_space<vmem_shared>>)
    %dma_wait3A_67 = arith.constant 77 : i32
    %dma_wait3A_68 = arith.constant 0 : i32
    %dma_wait3A_69 = tpu.memref_slice %arg17[%dma_wait3A_67, %dma_wait3A_68] : memref<80x125xi32, #tpu.memory_space<vmem>> -> memref<1x125xi32, #tpu.memory_space<vmem>>
    %dma_wait3A_70 = tpu.memref_squeeze %dma_wait3A_69 : memref<1x125xi32, #tpu.memory_space<vmem>> -> memref<125xi32, #tpu.memory_space<vmem>>
    %dma_wait3A_71 = arith.constant 0 : i32
    %dma_wait3A_72 = arith.constant 0 : i32
    %dma_wait3A_73 = tpu.memref_slice %arg18[%dma_wait3A_71, %dma_wait3A_72] : memref<10240x64xf32, #tpu.memory_space<vmem_shared>> -> memref<10240x64xf32, #tpu.memory_space<vmem_shared>>
    tpu.wait_indirect_dma semaphore(%arg28 : memref<!tpu.dma_semaphore, #tpu.memory_space<semaphore_mem>>) src(%arg9 : memref<125x64xf32, #tpu.memory_space<vmem>>) dst(%dma_wait3A_73 : memref<10240x64xf32, #tpu.memory_space<vmem_shared>>)
    %dma_wait3A_74 = arith.constant 78 : i32
    %dma_wait3A_75 = arith.constant 0 : i32
    %dma_wait3A_76 = tpu.memref_slice %arg17[%dma_wait3A_74, %dma_wait3A_75] : memref<80x125xi32, #tpu.memory_space<vmem>> -> memref<1x125xi32, #tpu.memory_space<vmem>>
    %dma_wait3A_77 = tpu.memref_squeeze %dma_wait3A_76 : memref<1x125xi32, #tpu.memory_space<vmem>> -> memref<125xi32, #tpu.memory_space<vmem>>
    %dma_wait3A_78 = arith.constant 0 : i32
    %dma_wait3A_79 = arith.constant 0 : i32
    %dma_wait3A_80 = tpu.memref_slice %arg18[%dma_wait3A_78, %dma_wait3A_79] : memref<10240x64xf32, #tpu.memory_space<vmem_shared>> -> memref<10240x64xf32, #tpu.memory_space<vmem_shared>>
    tpu.wait_indirect_dma semaphore(%arg29 : memref<!tpu.dma_semaphore, #tpu.memory_space<semaphore_mem>>) src(%arg10 : memref<125x64xf32, #tpu.memory_space<vmem>>) dst(%dma_wait3A_80 : memref<10240x64xf32, #tpu.memory_space<vmem_shared>>)
    %dma_wait3A_81 = arith.constant 79 : i32
    %dma_wait3A_82 = arith.constant 0 : i32
    %dma_wait3A_83 = tpu.memref_slice %arg17[%dma_wait3A_81, %dma_wait3A_82] : memref<80x125xi32, #tpu.memory_space<vmem>> -> memref<1x125xi32, #tpu.memory_space<vmem>>
    %dma_wait3A_84 = tpu.memref_squeeze %dma_wait3A_83 : memref<1x125xi32, #tpu.memory_space<vmem>> -> memref<125xi32, #tpu.memory_space<vmem>>
    %dma_wait3A_85 = arith.constant 0 : i32
    %dma_wait3A_86 = arith.constant 0 : i32
    %dma_wait3A_87 = tpu.memref_slice %arg18[%dma_wait3A_85, %dma_wait3A_86] : memref<10240x64xf32, #tpu.memory_space<vmem_shared>> -> memref<10240x64xf32, #tpu.memory_space<vmem_shared>>
    tpu.wait_indirect_dma semaphore(%arg30 : memref<!tpu.dma_semaphore, #tpu.memory_space<semaphore_mem>>) src(%arg11 : memref<125x64xf32, #tpu.memory_space<vmem>>) dst(%dma_wait3A_87 : memref<10240x64xf32, #tpu.memory_space<vmem_shared>>)
    %barrier3A_88 = arith.constant 0 : index
    tpu.barrier barrier_id(%barrier3A_88)
    %mul3A_89 = arith.constant 640 : i32
    %mul3A_90 = arith.muli %arg1, %mul3A_89 : i32
    %mul3A_91 = arith.constant 640 : i32
    %mul3A_92 = arith.muli %arg1, %mul3A_91 : i32
    "tpu.region"() ({
      %run_scoped3A = tpu.sem_alloc : memref<!tpu.dma_semaphore, #tpu.memory_space<semaphore_mem>>
      %dma_start3A_93 = arith.constant 0 : i32
      %dma_start3A_94 = tpu.memref_slice %arg7[%arg0, %mul3A_92, %dma_start3A_93] : memref<2x10240x64xf32, #tpu.memory_space<hbm>> -> memref<1x640x64xf32, #tpu.memory_space<hbm>>
      %dma_start3A_95 = tpu.memref_squeeze %dma_start3A_94 : memref<1x640x64xf32, #tpu.memory_space<hbm>> -> memref<640x64xf32, #tpu.memory_space<hbm>>
      %dma_start3A_96 = arith.constant 0 : i32
      %dma_start3A_97 = tpu.memref_slice %arg18[%mul3A_90, %dma_start3A_96] : memref<10240x64xf32, #tpu.memory_space<vmem_shared>> -> memref<640x64xf32, #tpu.memory_space<vmem_shared>>
      tpu.enqueue_dma source(%dma_start3A_97 : memref<640x64xf32, #tpu.memory_space<vmem_shared>>) target(%dma_start3A_95 : memref<640x64xf32, #tpu.memory_space<hbm>>) target_semaphore(%run_scoped3A : memref<!tpu.dma_semaphore, #tpu.memory_space<semaphore_mem>>)
      %dma_wait3A_98 = arith.constant 0 : i32
      %dma_wait3A_99 = tpu.memref_slice %arg7[%arg0, %mul3A_92, %dma_wait3A_98] : memref<2x10240x64xf32, #tpu.memory_space<hbm>> -> memref<1x640x64xf32, #tpu.memory_space<hbm>>
      %dma_wait3A_100 = tpu.memref_squeeze %dma_wait3A_99 : memref<1x640x64xf32, #tpu.memory_space<hbm>> -> memref<640x64xf32, #tpu.memory_space<hbm>>
      %dma_wait3A_101 = arith.constant 0 : i32
      %dma_wait3A_102 = tpu.memref_slice %arg18[%mul3A_90, %dma_wait3A_101] : memref<10240x64xf32, #tpu.memory_space<vmem_shared>> -> memref<640x64xf32, #tpu.memory_space<vmem_shared>>
      tpu.wait_dma2 semaphore(%run_scoped3A : memref<!tpu.dma_semaphore, #tpu.memory_space<semaphore_mem>>) src(%dma_wait3A_102 : memref<640x64xf32, #tpu.memory_space<vmem_shared>>) dst(%dma_wait3A_100 : memref<640x64xf32, #tpu.memory_space<hbm>>)
      tpu.yield
    }) : () -> ()
    return
  }
}

#map = affine_map<(d0, d1) -> (0, 0)>
#map1 = affine_map<(d0, d1) -> (0, 0, 0)>
module attributes {stable_mosaic.version = 14 : i64} {
  func.func @_sc_body(%arg0: i32, %arg1: i32, %arg2: memref<10000x64xf32, #tpu.memory_space<hbm>>, %arg3: memref<320000x128xf32, #tpu.memory_space<hbm>>, %arg4: memref<32x80x125xi32, #tpu.memory_space<hbm>>, %arg5: memref<32x80x125xi32, #tpu.memory_space<hbm>>, %arg6: memref<640x64xf32, #tpu.memory_space<hbm>>, %arg7: memref<2x10240x64xf32, #tpu.memory_space<hbm>>, %arg8: memref<125x64xf32, #tpu.memory_space<vmem>>, %arg9: memref<125x64xf32, #tpu.memory_space<vmem>>, %arg10: memref<125x64xf32, #tpu.memory_space<vmem>>, %arg11: memref<125x64xf32, #tpu.memory_space<vmem>>, %arg12: memref<125x64xf32, #tpu.memory_space<vmem>>, %arg13: memref<125x64xf32, #tpu.memory_space<vmem>>, %arg14: memref<125x64xf32, #tpu.memory_space<vmem>>, %arg15: memref<125x64xf32, #tpu.memory_space<vmem>>, %arg16: memref<80x125xi32, #tpu.memory_space<vmem>>, %arg17: memref<80x125xi32, #tpu.memory_space<vmem>>, %arg18: memref<10240x64xf32, #tpu.memory_space<vmem_shared>>, %arg19: memref<!tpu.dma_semaphore, #tpu.memory_space<semaphore_mem>>, %arg20: memref<!tpu.dma_semaphore, #tpu.memory_space<semaphore_mem>>, %arg21: memref<!tpu.dma_semaphore, #tpu.memory_space<semaphore_mem>>, %arg22: memref<!tpu.dma_semaphore, #tpu.memory_space<semaphore_mem>>, %arg23: memref<!tpu.dma_semaphore, #tpu.memory_space<semaphore_mem>>, %arg24: memref<!tpu.dma_semaphore, #tpu.memory_space<semaphore_mem>>, %arg25: memref<!tpu.dma_semaphore, #tpu.memory_space<semaphore_mem>>, %arg26: memref<!tpu.dma_semaphore, #tpu.memory_space<semaphore_mem>>, %arg27: memref<!tpu.dma_semaphore, #tpu.memory_space<semaphore_mem>>, %arg28: memref<!tpu.dma_semaphore, #tpu.memory_space<semaphore_mem>>, %arg29: memref<!tpu.dma_semaphore, #tpu.memory_space<semaphore_mem>>, %arg30: memref<!tpu.dma_semaphore, #tpu.memory_space<semaphore_mem>>) attributes {dimension_semantics = [#tpu.dimension_semantics<core_parallel>, #tpu.dimension_semantics<subcore_parallel>], iteration_bounds = array<i64: 2, 16>, scalar_prefetch = 0 : i64, scratch_operands = 23 : i64, tpu.core_type = #tpu.core_type<sc_vector_subcore>, window_params = [{transform_indices = #map}, {transform_indices = #map}, {transform_indices = #map1}, {transform_indices = #map1}, {transform_indices = #map}, {transform_indices = #map1}]} {
    %mul3A = arith.constant 16 : i32
    %mul3A_0 = arith.muli %arg0, %mul3A : i32
    %add3A = arith.addi %mul3A_0, %arg1 : i32
    %mul3A_1 = arith.constant 640 : i32
    %mul3A_2 = arith.muli %arg1, %mul3A_1 : i32
    "tpu.region"() ({
      %run_scoped3A = tpu.sem_alloc : memref<!tpu.dma_semaphore, #tpu.memory_space<semaphore_mem>>
      %dma_start3A_93 = arith.constant 0 : i32
      %dma_start3A_94 = tpu.memref_slice %arg18[%mul3A_2, %dma_start3A_93] : memref<10240x64xf32, #tpu.memory_space<vmem_shared>> -> memref<640x64xf32, #tpu.memory_space<vmem_shared>>
      tpu.enqueue_dma source(%arg6 : memref<640x64xf32, #tpu.memory_space<hbm>>) target(%dma_start3A_94 : memref<640x64xf32, #tpu.memory_space<vmem_shared>>) target_semaphore(%run_scoped3A : memref<!tpu.dma_semaphore, #tpu.memory_space<semaphore_mem>>)
      %dma_wait3A_95 = arith.constant 0 : i32
      %dma_wait3A_96 = tpu.memref_slice %arg18[%mul3A_2, %dma_wait3A_95] : memref<10240x64xf32, #tpu.memory_space<vmem_shared>> -> memref<640x64xf32, #tpu.memory_space<vmem_shared>>
      tpu.wait_dma2 semaphore(%run_scoped3A : memref<!tpu.dma_semaphore, #tpu.memory_space<semaphore_mem>>) src(%arg6 : memref<640x64xf32, #tpu.memory_space<hbm>>) dst(%dma_wait3A_96 : memref<640x64xf32, #tpu.memory_space<vmem_shared>>)
      tpu.yield
    }) : () -> ()
    %barrier3A = arith.constant 0 : index
    tpu.barrier barrier_id(%barrier3A)
    %mul3A_3 = arith.constant 10000 : i32
    %mul3A_4 = arith.muli %add3A, %mul3A_3 : i32
    "tpu.region"() ({
      %run_scoped3A = tpu.sem_alloc : memref<!tpu.dma_semaphore, #tpu.memory_space<semaphore_mem>>
      %dma_start3A_93 = arith.constant 0 : i32
      %dma_start3A_94 = arith.constant 0 : i32
      %dma_start3A_95 = tpu.memref_slice %arg4[%add3A, %dma_start3A_93, %dma_start3A_94] : memref<32x80x125xi32, #tpu.memory_space<hbm>> -> memref<1x80x125xi32, #tpu.memory_space<hbm>>
      %dma_start3A_96 = tpu.memref_squeeze %dma_start3A_95 : memref<1x80x125xi32, #tpu.memory_space<hbm>> -> memref<80x125xi32, #tpu.memory_space<hbm>>
      %dma_start3A_97 = arith.constant 0 : i32
      %dma_start3A_98 = arith.constant 0 : i32
      %dma_start3A_99 = tpu.memref_slice %arg4[%add3A, %dma_start3A_97, %dma_start3A_98] : memref<32x80x125xi32, #tpu.memory_space<hbm>> -> memref<1x80x125xi32, #tpu.memory_space<hbm>>
      %dma_start3A_100 = tpu.memref_squeeze %dma_start3A_99 : memref<1x80x125xi32, #tpu.memory_space<hbm>> -> memref<80x125xi32, #tpu.memory_space<hbm>>
      tpu.enqueue_dma source(%dma_start3A_100 : memref<80x125xi32, #tpu.memory_space<hbm>>) target(%arg16 : memref<80x125xi32, #tpu.memory_space<vmem>>) target_semaphore(%run_scoped3A : memref<!tpu.dma_semaphore, #tpu.memory_space<semaphore_mem>>)
      %dma_wait3A_101 = arith.constant 0 : i32
      %dma_wait3A_102 = arith.constant 0 : i32
      %dma_wait3A_103 = tpu.memref_slice %arg4[%add3A, %dma_wait3A_101, %dma_wait3A_102] : memref<32x80x125xi32, #tpu.memory_space<hbm>> -> memref<1x80x125xi32, #tpu.memory_space<hbm>>
      %dma_wait3A_104 = tpu.memref_squeeze %dma_wait3A_103 : memref<1x80x125xi32, #tpu.memory_space<hbm>> -> memref<80x125xi32, #tpu.memory_space<hbm>>
      %dma_wait3A_105 = arith.constant 0 : i32
      %dma_wait3A_106 = arith.constant 0 : i32
      %dma_wait3A_107 = tpu.memref_slice %arg4[%add3A, %dma_wait3A_105, %dma_wait3A_106] : memref<32x80x125xi32, #tpu.memory_space<hbm>> -> memref<1x80x125xi32, #tpu.memory_space<hbm>>
      %dma_wait3A_108 = tpu.memref_squeeze %dma_wait3A_107 : memref<1x80x125xi32, #tpu.memory_space<hbm>> -> memref<80x125xi32, #tpu.memory_space<hbm>>
      tpu.wait_dma2 semaphore(%run_scoped3A : memref<!tpu.dma_semaphore, #tpu.memory_space<semaphore_mem>>) src(%dma_wait3A_108 : memref<80x125xi32, #tpu.memory_space<hbm>>) dst(%arg16 : memref<80x125xi32, #tpu.memory_space<vmem>>)
      tpu.yield
    }) : () -> ()
    "tpu.region"() ({
      %run_scoped3A = tpu.sem_alloc : memref<!tpu.dma_semaphore, #tpu.memory_space<semaphore_mem>>
      %dma_start3A_93 = arith.constant 0 : i32
      %dma_start3A_94 = arith.constant 0 : i32
      %dma_start3A_95 = tpu.memref_slice %arg5[%add3A, %dma_start3A_93, %dma_start3A_94] : memref<32x80x125xi32, #tpu.memory_space<hbm>> -> memref<1x80x125xi32, #tpu.memory_space<hbm>>
      %dma_start3A_96 = tpu.memref_squeeze %dma_start3A_95 : memref<1x80x125xi32, #tpu.memory_space<hbm>> -> memref<80x125xi32, #tpu.memory_space<hbm>>
      %dma_start3A_97 = arith.constant 0 : i32
      %dma_start3A_98 = arith.constant 0 : i32
      %dma_start3A_99 = tpu.memref_slice %arg5[%add3A, %dma_start3A_97, %dma_start3A_98] : memref<32x80x125xi32, #tpu.memory_space<hbm>> -> memref<1x80x125xi32, #tpu.memory_space<hbm>>
      %dma_start3A_100 = tpu.memref_squeeze %dma_start3A_99 : memref<1x80x125xi32, #tpu.memory_space<hbm>> -> memref<80x125xi32, #tpu.memory_space<hbm>>
      tpu.enqueue_dma source(%dma_start3A_100 : memref<80x125xi32, #tpu.memory_space<hbm>>) target(%arg17 : memref<80x125xi32, #tpu.memory_space<vmem>>) target_semaphore(%run_scoped3A : memref<!tpu.dma_semaphore, #tpu.memory_space<semaphore_mem>>)
      %dma_wait3A_101 = arith.constant 0 : i32
      %dma_wait3A_102 = arith.constant 0 : i32
      %dma_wait3A_103 = tpu.memref_slice %arg5[%add3A, %dma_wait3A_101, %dma_wait3A_102] : memref<32x80x125xi32, #tpu.memory_space<hbm>> -> memref<1x80x125xi32, #tpu.memory_space<hbm>>
      %dma_wait3A_104 = tpu.memref_squeeze %dma_wait3A_103 : memref<1x80x125xi32, #tpu.memory_space<hbm>> -> memref<80x125xi32, #tpu.memory_space<hbm>>
      %dma_wait3A_105 = arith.constant 0 : i32
      %dma_wait3A_106 = arith.constant 0 : i32
      %dma_wait3A_107 = tpu.memref_slice %arg5[%add3A, %dma_wait3A_105, %dma_wait3A_106] : memref<32x80x125xi32, #tpu.memory_space<hbm>> -> memref<1x80x125xi32, #tpu.memory_space<hbm>>
      %dma_wait3A_108 = tpu.memref_squeeze %dma_wait3A_107 : memref<1x80x125xi32, #tpu.memory_space<hbm>> -> memref<80x125xi32, #tpu.memory_space<hbm>>
      tpu.wait_dma2 semaphore(%run_scoped3A : memref<!tpu.dma_semaphore, #tpu.memory_space<semaphore_mem>>) src(%dma_wait3A_108 : memref<80x125xi32, #tpu.memory_space<hbm>>) dst(%arg17 : memref<80x125xi32, #tpu.memory_space<vmem>>)
      tpu.yield
    }) : () -> ()
    %dma_start3A = arith.constant 0 : i32
    %dma_start3A_5 = arith.constant 0 : i32
    %dma_start3A_6 = tpu.memref_slice %arg16[%dma_start3A, %dma_start3A_5] : memref<80x125xi32, #tpu.memory_space<vmem>> -> memref<1x125xi32, #tpu.memory_space<vmem>>
    %dma_start3A_7 = tpu.memref_squeeze %dma_start3A_6 : memref<1x125xi32, #tpu.memory_space<vmem>> -> memref<125xi32, #tpu.memory_space<vmem>>
    %dma_start3A_8 = arith.constant 0 : i32
    %dma_start3A_9 = arith.constant 0 : i32
    %dma_start3A_10 = tpu.memref_slice %arg2[%dma_start3A_8, %dma_start3A_9] : memref<10000x64xf32, #tpu.memory_space<hbm>> -> memref<10000x64xf32, #tpu.memory_space<hbm>>
    tpu.enqueue_indirect_dma source(%dma_start3A_10 : memref<10000x64xf32, #tpu.memory_space<hbm>>) target(%arg8 : memref<125x64xf32, #tpu.memory_space<vmem>>) offsets(%dma_start3A_7 : memref<125xi32, #tpu.memory_space<vmem>>) semaphore(%arg19 : memref<!tpu.dma_semaphore, #tpu.memory_space<semaphore_mem>>)
    %add3A_11 = arith.constant 0 : i32
    %add3A_12 = arith.addi %mul3A_4, %add3A_11 : i32
    %dma_start3A_13 = arith.constant 64 : i32
    %dma_start3A_14 = tpu.memref_slice %arg3[%add3A_12, %dma_start3A_13] : memref<320000x128xf32, #tpu.memory_space<hbm>> -> memref<125x64xf32, #tpu.memory_space<hbm>>
    %dma_start3A_15 = arith.constant 64 : i32
    %dma_start3A_16 = tpu.memref_slice %arg3[%add3A_12, %dma_start3A_15] : memref<320000x128xf32, #tpu.memory_space<hbm>> -> memref<125x64xf32, #tpu.memory_space<hbm>>
    tpu.enqueue_dma source(%dma_start3A_16 : memref<125x64xf32, #tpu.memory_space<hbm>>) target(%arg12 : memref<125x64xf32, #tpu.memory_space<vmem>>) target_semaphore(%arg23 : memref<!tpu.dma_semaphore, #tpu.memory_space<semaphore_mem>>)
    %dma_start3A_17 = arith.constant 1 : i32
    %dma_start3A_18 = arith.constant 0 : i32
    %dma_start3A_19 = tpu.memref_slice %arg16[%dma_start3A_17, %dma_start3A_18] : memref<80x125xi32, #tpu.memory_space<vmem>> -> memref<1x125xi32, #tpu.memory_space<vmem>>
    %dma_start3A_20 = tpu.memref_squeeze %dma_start3A_19 : memref<1x125xi32, #tpu.memory_space<vmem>> -> memref<125xi32, #tpu.memory_space<vmem>>
    %dma_start3A_21 = arith.constant 0 : i32
    %dma_start3A_22 = arith.constant 0 : i32
    %dma_start3A_23 = tpu.memref_slice %arg2[%dma_start3A_21, %dma_start3A_22] : memref<10000x64xf32, #tpu.memory_space<hbm>> -> memref<10000x64xf32, #tpu.memory_space<hbm>>
    tpu.enqueue_indirect_dma source(%dma_start3A_23 : memref<10000x64xf32, #tpu.memory_space<hbm>>) target(%arg9 : memref<125x64xf32, #tpu.memory_space<vmem>>) offsets(%dma_start3A_20 : memref<125xi32, #tpu.memory_space<vmem>>) semaphore(%arg20 : memref<!tpu.dma_semaphore, #tpu.memory_space<semaphore_mem>>)
    %add3A_24 = arith.constant 125 : i32
    %add3A_25 = arith.addi %mul3A_4, %add3A_24 : i32
    %dma_start3A_26 = arith.constant 64 : i32
    %dma_start3A_27 = tpu.memref_slice %arg3[%add3A_25, %dma_start3A_26] : memref<320000x128xf32, #tpu.memory_space<hbm>> -> memref<125x64xf32, #tpu.memory_space<hbm>>
    %dma_start3A_28 = arith.constant 64 : i32
    %dma_start3A_29 = tpu.memref_slice %arg3[%add3A_25, %dma_start3A_28] : memref<320000x128xf32, #tpu.memory_space<hbm>> -> memref<125x64xf32, #tpu.memory_space<hbm>>
    tpu.enqueue_dma source(%dma_start3A_29 : memref<125x64xf32, #tpu.memory_space<hbm>>) target(%arg13 : memref<125x64xf32, #tpu.memory_space<vmem>>) target_semaphore(%arg24 : memref<!tpu.dma_semaphore, #tpu.memory_space<semaphore_mem>>)
    %dma_start3A_30 = arith.constant 2 : i32
    %dma_start3A_31 = arith.constant 0 : i32
    %dma_start3A_32 = tpu.memref_slice %arg16[%dma_start3A_30, %dma_start3A_31] : memref<80x125xi32, #tpu.memory_space<vmem>> -> memref<1x125xi32, #tpu.memory_space<vmem>>
    %dma_start3A_33 = tpu.memref_squeeze %dma_start3A_32 : memref<1x125xi32, #tpu.memory_space<vmem>> -> memref<125xi32, #tpu.memory_space<vmem>>
    %dma_start3A_34 = arith.constant 0 : i32
    %dma_start3A_35 = arith.constant 0 : i32
    %dma_start3A_36 = tpu.memref_slice %arg2[%dma_start3A_34, %dma_start3A_35] : memref<10000x64xf32, #tpu.memory_space<hbm>> -> memref<10000x64xf32, #tpu.memory_space<hbm>>
    tpu.enqueue_indirect_dma source(%dma_start3A_36 : memref<10000x64xf32, #tpu.memory_space<hbm>>) target(%arg10 : memref<125x64xf32, #tpu.memory_space<vmem>>) offsets(%dma_start3A_33 : memref<125xi32, #tpu.memory_space<vmem>>) semaphore(%arg21 : memref<!tpu.dma_semaphore, #tpu.memory_space<semaphore_mem>>)
    %add3A_37 = arith.constant 250 : i32
    %add3A_38 = arith.addi %mul3A_4, %add3A_37 : i32
    %dma_start3A_39 = arith.constant 64 : i32
    %dma_start3A_40 = tpu.memref_slice %arg3[%add3A_38, %dma_start3A_39] : memref<320000x128xf32, #tpu.memory_space<hbm>> -> memref<125x64xf32, #tpu.memory_space<hbm>>
    %dma_start3A_41 = arith.constant 64 : i32
    %dma_start3A_42 = tpu.memref_slice %arg3[%add3A_38, %dma_start3A_41] : memref<320000x128xf32, #tpu.memory_space<hbm>> -> memref<125x64xf32, #tpu.memory_space<hbm>>
    tpu.enqueue_dma source(%dma_start3A_42 : memref<125x64xf32, #tpu.memory_space<hbm>>) target(%arg14 : memref<125x64xf32, #tpu.memory_space<vmem>>) target_semaphore(%arg25 : memref<!tpu.dma_semaphore, #tpu.memory_space<semaphore_mem>>)
    %dma_start3A_43 = arith.constant 3 : i32
    %dma_start3A_44 = arith.constant 0 : i32
    %dma_start3A_45 = tpu.memref_slice %arg16[%dma_start3A_43, %dma_start3A_44] : memref<80x125xi32, #tpu.memory_space<vmem>> -> memref<1x125xi32, #tpu.memory_space<vmem>>
    %dma_start3A_46 = tpu.memref_squeeze %dma_start3A_45 : memref<1x125xi32, #tpu.memory_space<vmem>> -> memref<125xi32, #tpu.memory_space<vmem>>
    %dma_start3A_47 = arith.constant 0 : i32
    %dma_start3A_48 = arith.constant 0 : i32
    %dma_start3A_49 = tpu.memref_slice %arg2[%dma_start3A_47, %dma_start3A_48] : memref<10000x64xf32, #tpu.memory_space<hbm>> -> memref<10000x64xf32, #tpu.memory_space<hbm>>
    tpu.enqueue_indirect_dma source(%dma_start3A_49 : memref<10000x64xf32, #tpu.memory_space<hbm>>) target(%arg11 : memref<125x64xf32, #tpu.memory_space<vmem>>) offsets(%dma_start3A_46 : memref<125xi32, #tpu.memory_space<vmem>>) semaphore(%arg22 : memref<!tpu.dma_semaphore, #tpu.memory_space<semaphore_mem>>)
    %add3A_50 = arith.constant 375 : i32
    %add3A_51 = arith.addi %mul3A_4, %add3A_50 : i32
    %dma_start3A_52 = arith.constant 64 : i32
    %dma_start3A_53 = tpu.memref_slice %arg3[%add3A_51, %dma_start3A_52] : memref<320000x128xf32, #tpu.memory_space<hbm>> -> memref<125x64xf32, #tpu.memory_space<hbm>>
    %dma_start3A_54 = arith.constant 64 : i32
    %dma_start3A_55 = tpu.memref_slice %arg3[%add3A_51, %dma_start3A_54] : memref<320000x128xf32, #tpu.memory_space<hbm>> -> memref<125x64xf32, #tpu.memory_space<hbm>>
    tpu.enqueue_dma source(%dma_start3A_55 : memref<125x64xf32, #tpu.memory_space<hbm>>) target(%arg15 : memref<125x64xf32, #tpu.memory_space<vmem>>) target_semaphore(%arg26 : memref<!tpu.dma_semaphore, #tpu.memory_space<semaphore_mem>>)
    %scan3A = arith.constant 0 : i32
    %scan3A_56 = arith.constant 0 : i32
    %scan3A_57 = arith.constant 20 : i32
    %scan3A_58 = arith.addi %scan3A_56, %scan3A_57 : i32
    %scan3A_59 = arith.constant 1 : i32
    scf.for %scan3A_93 = %scan3A_56 to %scan3A_58 step %scan3A_59  : i32 {
      %mul3A_94 = arith.constant 4 : i32
      %mul3A_95 = arith.muli %scan3A_93, %mul3A_94 : i32
      %add3A_96 = arith.constant 0 : i32
      %add3A_97 = arith.addi %mul3A_95, %add3A_96 : i32
      %dma_wait3A_98 = arith.constant 0 : i32
      %dma_wait3A_99 = tpu.memref_slice %arg16[%add3A_97, %dma_wait3A_98] : memref<80x125xi32, #tpu.memory_space<vmem>> -> memref<1x125xi32, #tpu.memory_space<vmem>>
      %dma_wait3A_100 = tpu.memref_squeeze %dma_wait3A_99 : memref<1x125xi32, #tpu.memory_space<vmem>> -> memref<125xi32, #tpu.memory_space<vmem>>
      %dma_wait3A_101 = arith.constant 0 : i32
      %dma_wait3A_102 = arith.constant 0 : i32
      %dma_wait3A_103 = tpu.memref_slice %arg2[%dma_wait3A_101, %dma_wait3A_102] : memref<10000x64xf32, #tpu.memory_space<hbm>> -> memref<10000x64xf32, #tpu.memory_space<hbm>>
      tpu.wait_indirect_dma semaphore(%arg19 : memref<!tpu.dma_semaphore, #tpu.memory_space<semaphore_mem>>) src(%dma_wait3A_103 : memref<10000x64xf32, #tpu.memory_space<hbm>>) dst(%arg8 : memref<125x64xf32, #tpu.memory_space<vmem>>)
      %mul3A_104 = arith.constant 125 : i32
      %mul3A_105 = arith.muli %add3A_97, %mul3A_104 : i32
      %add3A_106 = arith.addi %mul3A_4, %mul3A_105 : i32
      %dma_wait3A_107 = arith.constant 64 : i32
      %dma_wait3A_108 = tpu.memref_slice %arg3[%add3A_106, %dma_wait3A_107] : memref<320000x128xf32, #tpu.memory_space<hbm>> -> memref<125x64xf32, #tpu.memory_space<hbm>>
      %dma_wait3A_109 = arith.constant 64 : i32
      %dma_wait3A_110 = tpu.memref_slice %arg3[%add3A_106, %dma_wait3A_109] : memref<320000x128xf32, #tpu.memory_space<hbm>> -> memref<125x64xf32, #tpu.memory_space<hbm>>
      tpu.wait_dma2 semaphore(%arg23 : memref<!tpu.dma_semaphore, #tpu.memory_space<semaphore_mem>>) src(%dma_wait3A_110 : memref<125x64xf32, #tpu.memory_space<hbm>>) dst(%arg12 : memref<125x64xf32, #tpu.memory_space<vmem>>)
      %scan3A_111 = arith.constant 0 : i32
      %scan3A_112 = arith.constant 0 : i32
      %scan3A_113 = arith.constant 125 : i32
      %scan3A_114 = arith.addi %scan3A_112, %scan3A_113 : i32
      %scan3A_115 = arith.constant 1 : i32
      scf.for %scan3A_212 = %scan3A_112 to %scan3A_114 step %scan3A_115  : i32 {
        %get3A = arith.index_cast %scan3A_212 : i32 to index
        %get3A_213 = arith.constant 0 : index
        %get3A_214 = tpu.vector_load %arg8[%get3A, %get3A_213] {strides = array<i32>} : memref<125x64xf32, #tpu.memory_space<vmem>>, vector<1x16xf32>,
        %get3A_215 = vector.shape_cast %get3A_214 : vector<1x16xf32> to vector<16xf32>
        %get3A_216 = arith.index_cast %scan3A_212 : i32 to index
        %get3A_217 = arith.constant 0 : index
        %get3A_218 = tpu.vector_load %arg12[%get3A_216, %get3A_217] {strides = array<i32>} : memref<125x64xf32, #tpu.memory_space<vmem>>, vector<1x16xf32>,
        %get3A_219 = vector.shape_cast %get3A_218 : vector<1x16xf32> to vector<16xf32>
        %add3A_220 = arith.addf %get3A_215, %get3A_219 : vector<16xf32>
        %max3A = arith.constant 0.000000e+00 : f32
        %max3A_221 = vector.broadcast %max3A : f32 to vector<16xf32>
        %max3A_222 = arith.maximumf %add3A_220, %max3A_221 : vector<16xf32>
        %swap3A = arith.index_cast %scan3A_212 : i32 to index
        %swap3A_223 = arith.constant 0 : index
        %swap3A_224 = tpu.vector_load %arg8[%swap3A, %swap3A_223] {strides = array<i32>} : memref<125x64xf32, #tpu.memory_space<vmem>>, vector<1x16xf32>,
        %swap3A_225 = vector.shape_cast %swap3A_224 : vector<1x16xf32> to vector<16xf32>
        %swap3A_226 = vector.shape_cast %max3A_222 : vector<16xf32> to vector<1x16xf32>
        tpu.vector_store %arg8[%swap3A, %swap3A_223], %swap3A_226 {strides = array<i32>} : memref<125x64xf32, #tpu.memory_space<vmem>>, vector<1x16xf32>,
        %get3A_227 = arith.index_cast %scan3A_212 : i32 to index
        %get3A_228 = arith.constant 16 : index
        %get3A_229 = tpu.vector_load %arg8[%get3A_227, %get3A_228] {strides = array<i32>} : memref<125x64xf32, #tpu.memory_space<vmem>>, vector<1x16xf32>,
        %get3A_230 = vector.shape_cast %get3A_229 : vector<1x16xf32> to vector<16xf32>
        %get3A_231 = arith.index_cast %scan3A_212 : i32 to index
        %get3A_232 = arith.constant 16 : index
        %get3A_233 = tpu.vector_load %arg12[%get3A_231, %get3A_232] {strides = array<i32>} : memref<125x64xf32, #tpu.memory_space<vmem>>, vector<1x16xf32>,
        %get3A_234 = vector.shape_cast %get3A_233 : vector<1x16xf32> to vector<16xf32>
        %add3A_235 = arith.addf %get3A_230, %get3A_234 : vector<16xf32>
        %max3A_236 = arith.constant 0.000000e+00 : f32
        %max3A_237 = vector.broadcast %max3A_236 : f32 to vector<16xf32>
        %max3A_238 = arith.maximumf %add3A_235, %max3A_237 : vector<16xf32>
        %swap3A_239 = arith.index_cast %scan3A_212 : i32 to index
        %swap3A_240 = arith.constant 16 : index
        %swap3A_241 = tpu.vector_load %arg8[%swap3A_239, %swap3A_240] {strides = array<i32>} : memref<125x64xf32, #tpu.memory_space<vmem>>, vector<1x16xf32>,
        %swap3A_242 = vector.shape_cast %swap3A_241 : vector<1x16xf32> to vector<16xf32>
        %swap3A_243 = vector.shape_cast %max3A_238 : vector<16xf32> to vector<1x16xf32>
        tpu.vector_store %arg8[%swap3A_239, %swap3A_240], %swap3A_243 {strides = array<i32>} : memref<125x64xf32, #tpu.memory_space<vmem>>, vector<1x16xf32>,
        %get3A_244 = arith.index_cast %scan3A_212 : i32 to index
        %get3A_245 = arith.constant 32 : index
        %get3A_246 = tpu.vector_load %arg8[%get3A_244, %get3A_245] {strides = array<i32>} : memref<125x64xf32, #tpu.memory_space<vmem>>, vector<1x16xf32>,
        %get3A_247 = vector.shape_cast %get3A_246 : vector<1x16xf32> to vector<16xf32>
        %get3A_248 = arith.index_cast %scan3A_212 : i32 to index
        %get3A_249 = arith.constant 32 : index
        %get3A_250 = tpu.vector_load %arg12[%get3A_248, %get3A_249] {strides = array<i32>} : memref<125x64xf32, #tpu.memory_space<vmem>>, vector<1x16xf32>,
        %get3A_251 = vector.shape_cast %get3A_250 : vector<1x16xf32> to vector<16xf32>
        %add3A_252 = arith.addf %get3A_247, %get3A_251 : vector<16xf32>
        %max3A_253 = arith.constant 0.000000e+00 : f32
        %max3A_254 = vector.broadcast %max3A_253 : f32 to vector<16xf32>
        %max3A_255 = arith.maximumf %add3A_252, %max3A_254 : vector<16xf32>
        %swap3A_256 = arith.index_cast %scan3A_212 : i32 to index
        %swap3A_257 = arith.constant 32 : index
        %swap3A_258 = tpu.vector_load %arg8[%swap3A_256, %swap3A_257] {strides = array<i32>} : memref<125x64xf32, #tpu.memory_space<vmem>>, vector<1x16xf32>,
        %swap3A_259 = vector.shape_cast %swap3A_258 : vector<1x16xf32> to vector<16xf32>
        %swap3A_260 = vector.shape_cast %max3A_255 : vector<16xf32> to vector<1x16xf32>
        tpu.vector_store %arg8[%swap3A_256, %swap3A_257], %swap3A_260 {strides = array<i32>} : memref<125x64xf32, #tpu.memory_space<vmem>>, vector<1x16xf32>,
        %get3A_261 = arith.index_cast %scan3A_212 : i32 to index
        %get3A_262 = arith.constant 48 : index
        %get3A_263 = tpu.vector_load %arg8[%get3A_261, %get3A_262] {strides = array<i32>} : memref<125x64xf32, #tpu.memory_space<vmem>>, vector<1x16xf32>,
        %get3A_264 = vector.shape_cast %get3A_263 : vector<1x16xf32> to vector<16xf32>
        %get3A_265 = arith.index_cast %scan3A_212 : i32 to index
        %get3A_266 = arith.constant 48 : index
        %get3A_267 = tpu.vector_load %arg12[%get3A_265, %get3A_266] {strides = array<i32>} : memref<125x64xf32, #tpu.memory_space<vmem>>, vector<1x16xf32>,
        %get3A_268 = vector.shape_cast %get3A_267 : vector<1x16xf32> to vector<16xf32>
        %add3A_269 = arith.addf %get3A_264, %get3A_268 : vector<16xf32>
        %max3A_270 = arith.constant 0.000000e+00 : f32
        %max3A_271 = vector.broadcast %max3A_270 : f32 to vector<16xf32>
        %max3A_272 = arith.maximumf %add3A_269, %max3A_271 : vector<16xf32>
        %swap3A_273 = arith.index_cast %scan3A_212 : i32 to index
        %swap3A_274 = arith.constant 48 : index
        %swap3A_275 = tpu.vector_load %arg8[%swap3A_273, %swap3A_274] {strides = array<i32>} : memref<125x64xf32, #tpu.memory_space<vmem>>, vector<1x16xf32>,
        %swap3A_276 = vector.shape_cast %swap3A_275 : vector<1x16xf32> to vector<16xf32>
        %swap3A_277 = vector.shape_cast %max3A_272 : vector<16xf32> to vector<1x16xf32>
        tpu.vector_store %arg8[%swap3A_273, %swap3A_274], %swap3A_277 {strides = array<i32>} : memref<125x64xf32, #tpu.memory_space<vmem>>, vector<1x16xf32>,
      }
      %scan3A_116 = arith.constant 125 : i32
      %dma_start3A_117 = arith.constant 0 : i32
      %dma_start3A_118 = tpu.memref_slice %arg17[%add3A_97, %dma_start3A_117] : memref<80x125xi32, #tpu.memory_space<vmem>> -> memref<1x125xi32, #tpu.memory_space<vmem>>
      %dma_start3A_119 = tpu.memref_squeeze %dma_start3A_118 : memref<1x125xi32, #tpu.memory_space<vmem>> -> memref<125xi32, #tpu.memory_space<vmem>>
      %dma_start3A_120 = arith.constant 0 : i32
      %dma_start3A_121 = arith.constant 0 : i32
      %dma_start3A_122 = tpu.memref_slice %arg18[%dma_start3A_120, %dma_start3A_121] : memref<10240x64xf32, #tpu.memory_space<vmem_shared>> -> memref<10240x64xf32, #tpu.memory_space<vmem_shared>>
      tpu.enqueue_indirect_dma source(%arg8 : memref<125x64xf32, #tpu.memory_space<vmem>>) target(%dma_start3A_122 : memref<10240x64xf32, #tpu.memory_space<vmem_shared>>) offsets(%dma_start3A_119 : memref<125xi32, #tpu.memory_space<vmem>>) semaphore(%arg27 : memref<!tpu.dma_semaphore, #tpu.memory_space<semaphore_mem>>) {add = true}
      %mul3A_123 = arith.constant 4 : i32
      %mul3A_124 = arith.muli %scan3A_93, %mul3A_123 : i32
      %add3A_125 = arith.constant 1 : i32
      %add3A_126 = arith.addi %mul3A_124, %add3A_125 : i32
      %dma_wait3A_127 = arith.constant 0 : i32
      %dma_wait3A_128 = tpu.memref_slice %arg16[%add3A_126, %dma_wait3A_127] : memref<80x125xi32, #tpu.memory_space<vmem>> -> memref<1x125xi32, #tpu.memory_space<vmem>>
      %dma_wait3A_129 = tpu.memref_squeeze %dma_wait3A_128 : memref<1x125xi32, #tpu.memory_space<vmem>> -> memref<125xi32, #tpu.memory_space<vmem>>
      %dma_wait3A_130 = arith.constant 0 : i32
      %dma_wait3A_131 = arith.constant 0 : i32
      %dma_wait3A_132 = tpu.memref_slice %arg2[%dma_wait3A_130, %dma_wait3A_131] : memref<10000x64xf32, #tpu.memory_space<hbm>> -> memref<10000x64xf32, #tpu.memory_space<hbm>>
      tpu.wait_indirect_dma semaphore(%arg20 : memref<!tpu.dma_semaphore, #tpu.memory_space<semaphore_mem>>) src(%dma_wait3A_132 : memref<10000x64xf32, #tpu.memory_space<hbm>>) dst(%arg9 : memref<125x64xf32, #tpu.memory_space<vmem>>)
      %mul3A_133 = arith.constant 125 : i32
      %mul3A_134 = arith.muli %add3A_126, %mul3A_133 : i32
      %add3A_135 = arith.addi %mul3A_4, %mul3A_134 : i32
      %dma_wait3A_136 = arith.constant 64 : i32
      %dma_wait3A_137 = tpu.memref_slice %arg3[%add3A_135, %dma_wait3A_136] : memref<320000x128xf32, #tpu.memory_space<hbm>> -> memref<125x64xf32, #tpu.memory_space<hbm>>
      %dma_wait3A_138 = arith.constant 64 : i32
      %dma_wait3A_139 = tpu.memref_slice %arg3[%add3A_135, %dma_wait3A_138] : memref<320000x128xf32, #tpu.memory_space<hbm>> -> memref<125x64xf32, #tpu.memory_space<hbm>>
      tpu.wait_dma2 semaphore(%arg24 : memref<!tpu.dma_semaphore, #tpu.memory_space<semaphore_mem>>) src(%dma_wait3A_139 : memref<125x64xf32, #tpu.memory_space<hbm>>) dst(%arg13 : memref<125x64xf32, #tpu.memory_space<vmem>>)
      %scan3A_140 = arith.constant 0 : i32
      %scan3A_141 = arith.constant 0 : i32
      %scan3A_142 = arith.constant 125 : i32
      %scan3A_143 = arith.addi %scan3A_141, %scan3A_142 : i32
      %scan3A_144 = arith.constant 1 : i32
      scf.for %scan3A_212 = %scan3A_141 to %scan3A_143 step %scan3A_144  : i32 {
        %get3A = arith.index_cast %scan3A_212 : i32 to index
        %get3A_213 = arith.constant 0 : index
        %get3A_214 = tpu.vector_load %arg9[%get3A, %get3A_213] {strides = array<i32>} : memref<125x64xf32, #tpu.memory_space<vmem>>, vector<1x16xf32>,
        %get3A_215 = vector.shape_cast %get3A_214 : vector<1x16xf32> to vector<16xf32>
        %get3A_216 = arith.index_cast %scan3A_212 : i32 to index
        %get3A_217 = arith.constant 0 : index
        %get3A_218 = tpu.vector_load %arg13[%get3A_216, %get3A_217] {strides = array<i32>} : memref<125x64xf32, #tpu.memory_space<vmem>>, vector<1x16xf32>,
        %get3A_219 = vector.shape_cast %get3A_218 : vector<1x16xf32> to vector<16xf32>
        %add3A_220 = arith.addf %get3A_215, %get3A_219 : vector<16xf32>
        %max3A = arith.constant 0.000000e+00 : f32
        %max3A_221 = vector.broadcast %max3A : f32 to vector<16xf32>
        %max3A_222 = arith.maximumf %add3A_220, %max3A_221 : vector<16xf32>
        %swap3A = arith.index_cast %scan3A_212 : i32 to index
        %swap3A_223 = arith.constant 0 : index
        %swap3A_224 = tpu.vector_load %arg9[%swap3A, %swap3A_223] {strides = array<i32>} : memref<125x64xf32, #tpu.memory_space<vmem>>, vector<1x16xf32>,
        %swap3A_225 = vector.shape_cast %swap3A_224 : vector<1x16xf32> to vector<16xf32>
        %swap3A_226 = vector.shape_cast %max3A_222 : vector<16xf32> to vector<1x16xf32>
        tpu.vector_store %arg9[%swap3A, %swap3A_223], %swap3A_226 {strides = array<i32>} : memref<125x64xf32, #tpu.memory_space<vmem>>, vector<1x16xf32>,
        %get3A_227 = arith.index_cast %scan3A_212 : i32 to index
        %get3A_228 = arith.constant 16 : index
        %get3A_229 = tpu.vector_load %arg9[%get3A_227, %get3A_228] {strides = array<i32>} : memref<125x64xf32, #tpu.memory_space<vmem>>, vector<1x16xf32>,
        %get3A_230 = vector.shape_cast %get3A_229 : vector<1x16xf32> to vector<16xf32>
        %get3A_231 = arith.index_cast %scan3A_212 : i32 to index
        %get3A_232 = arith.constant 16 : index
        %get3A_233 = tpu.vector_load %arg13[%get3A_231, %get3A_232] {strides = array<i32>} : memref<125x64xf32, #tpu.memory_space<vmem>>, vector<1x16xf32>,
        %get3A_234 = vector.shape_cast %get3A_233 : vector<1x16xf32> to vector<16xf32>
        %add3A_235 = arith.addf %get3A_230, %get3A_234 : vector<16xf32>
        %max3A_236 = arith.constant 0.000000e+00 : f32
        %max3A_237 = vector.broadcast %max3A_236 : f32 to vector<16xf32>
        %max3A_238 = arith.maximumf %add3A_235, %max3A_237 : vector<16xf32>
        %swap3A_239 = arith.index_cast %scan3A_212 : i32 to index
        %swap3A_240 = arith.constant 16 : index
        %swap3A_241 = tpu.vector_load %arg9[%swap3A_239, %swap3A_240] {strides = array<i32>} : memref<125x64xf32, #tpu.memory_space<vmem>>, vector<1x16xf32>,
        %swap3A_242 = vector.shape_cast %swap3A_241 : vector<1x16xf32> to vector<16xf32>
        %swap3A_243 = vector.shape_cast %max3A_238 : vector<16xf32> to vector<1x16xf32>
        tpu.vector_store %arg9[%swap3A_239, %swap3A_240], %swap3A_243 {strides = array<i32>} : memref<125x64xf32, #tpu.memory_space<vmem>>, vector<1x16xf32>,
        %get3A_244 = arith.index_cast %scan3A_212 : i32 to index
        %get3A_245 = arith.constant 32 : index
        %get3A_246 = tpu.vector_load %arg9[%get3A_244, %get3A_245] {strides = array<i32>} : memref<125x64xf32, #tpu.memory_space<vmem>>, vector<1x16xf32>,
        %get3A_247 = vector.shape_cast %get3A_246 : vector<1x16xf32> to vector<16xf32>
        %get3A_248 = arith.index_cast %scan3A_212 : i32 to index
        %get3A_249 = arith.constant 32 : index
        %get3A_250 = tpu.vector_load %arg13[%get3A_248, %get3A_249] {strides = array<i32>} : memref<125x64xf32, #tpu.memory_space<vmem>>, vector<1x16xf32>,
        %get3A_251 = vector.shape_cast %get3A_250 : vector<1x16xf32> to vector<16xf32>
        %add3A_252 = arith.addf %get3A_247, %get3A_251 : vector<16xf32>
        %max3A_253 = arith.constant 0.000000e+00 : f32
        %max3A_254 = vector.broadcast %max3A_253 : f32 to vector<16xf32>
        %max3A_255 = arith.maximumf %add3A_252, %max3A_254 : vector<16xf32>
        %swap3A_256 = arith.index_cast %scan3A_212 : i32 to index
        %swap3A_257 = arith.constant 32 : index
        %swap3A_258 = tpu.vector_load %arg9[%swap3A_256, %swap3A_257] {strides = array<i32>} : memref<125x64xf32, #tpu.memory_space<vmem>>, vector<1x16xf32>,
        %swap3A_259 = vector.shape_cast %swap3A_258 : vector<1x16xf32> to vector<16xf32>
        %swap3A_260 = vector.shape_cast %max3A_255 : vector<16xf32> to vector<1x16xf32>
        tpu.vector_store %arg9[%swap3A_256, %swap3A_257], %swap3A_260 {strides = array<i32>} : memref<125x64xf32, #tpu.memory_space<vmem>>, vector<1x16xf32>,
        %get3A_261 = arith.index_cast %scan3A_212 : i32 to index
        %get3A_262 = arith.constant 48 : index
        %get3A_263 = tpu.vector_load %arg9[%get3A_261, %get3A_262] {strides = array<i32>} : memref<125x64xf32, #tpu.memory_space<vmem>>, vector<1x16xf32>,
        %get3A_264 = vector.shape_cast %get3A_263 : vector<1x16xf32> to vector<16xf32>
        %get3A_265 = arith.index_cast %scan3A_212 : i32 to index
        %get3A_266 = arith.constant 48 : index
        %get3A_267 = tpu.vector_load %arg13[%get3A_265, %get3A_266] {strides = array<i32>} : memref<125x64xf32, #tpu.memory_space<vmem>>, vector<1x16xf32>,
        %get3A_268 = vector.shape_cast %get3A_267 : vector<1x16xf32> to vector<16xf32>
        %add3A_269 = arith.addf %get3A_264, %get3A_268 : vector<16xf32>
        %max3A_270 = arith.constant 0.000000e+00 : f32
        %max3A_271 = vector.broadcast %max3A_270 : f32 to vector<16xf32>
        %max3A_272 = arith.maximumf %add3A_269, %max3A_271 : vector<16xf32>
        %swap3A_273 = arith.index_cast %scan3A_212 : i32 to index
        %swap3A_274 = arith.constant 48 : index
        %swap3A_275 = tpu.vector_load %arg9[%swap3A_273, %swap3A_274] {strides = array<i32>} : memref<125x64xf32, #tpu.memory_space<vmem>>, vector<1x16xf32>,
        %swap3A_276 = vector.shape_cast %swap3A_275 : vector<1x16xf32> to vector<16xf32>
        %swap3A_277 = vector.shape_cast %max3A_272 : vector<16xf32> to vector<1x16xf32>
        tpu.vector_store %arg9[%swap3A_273, %swap3A_274], %swap3A_277 {strides = array<i32>} : memref<125x64xf32, #tpu.memory_space<vmem>>, vector<1x16xf32>,
      }
      %scan3A_145 = arith.constant 125 : i32
      %dma_start3A_146 = arith.constant 0 : i32
      %dma_start3A_147 = tpu.memref_slice %arg17[%add3A_126, %dma_start3A_146] : memref<80x125xi32, #tpu.memory_space<vmem>> -> memref<1x125xi32, #tpu.memory_space<vmem>>
      %dma_start3A_148 = tpu.memref_squeeze %dma_start3A_147 : memref<1x125xi32, #tpu.memory_space<vmem>> -> memref<125xi32, #tpu.memory_space<vmem>>
      %dma_start3A_149 = arith.constant 0 : i32
      %dma_start3A_150 = arith.constant 0 : i32
      %dma_start3A_151 = tpu.memref_slice %arg18[%dma_start3A_149, %dma_start3A_150] : memref<10240x64xf32, #tpu.memory_space<vmem_shared>> -> memref<10240x64xf32, #tpu.memory_space<vmem_shared>>
      tpu.enqueue_indirect_dma source(%arg9 : memref<125x64xf32, #tpu.memory_space<vmem>>) target(%dma_start3A_151 : memref<10240x64xf32, #tpu.memory_space<vmem_shared>>) offsets(%dma_start3A_148 : memref<125xi32, #tpu.memory_space<vmem>>) semaphore(%arg28 : memref<!tpu.dma_semaphore, #tpu.memory_space<semaphore_mem>>) {add = true}
      %mul3A_152 = arith.constant 4 : i32
      %mul3A_153 = arith.muli %scan3A_93, %mul3A_152 : i32
      %add3A_154 = arith.constant 2 : i32
      %add3A_155 = arith.addi %mul3A_153, %add3A_154 : i32
      %dma_wait3A_156 = arith.constant 0 : i32
      %dma_wait3A_157 = tpu.memref_slice %arg16[%add3A_155, %dma_wait3A_156] : memref<80x125xi32, #tpu.memory_space<vmem>> -> memref<1x125xi32, #tpu.memory_space<vmem>>
      %dma_wait3A_158 = tpu.memref_squeeze %dma_wait3A_157 : memref<1x125xi32, #tpu.memory_space<vmem>> -> memref<125xi32, #tpu.memory_space<vmem>>
      %dma_wait3A_159 = arith.constant 0 : i32
      %dma_wait3A_160 = arith.constant 0 : i32
      %dma_wait3A_161 = tpu.memref_slice %arg2[%dma_wait3A_159, %dma_wait3A_160] : memref<10000x64xf32, #tpu.memory_space<hbm>> -> memref<10000x64xf32, #tpu.memory_space<hbm>>
      tpu.wait_indirect_dma semaphore(%arg21 : memref<!tpu.dma_semaphore, #tpu.memory_space<semaphore_mem>>) src(%dma_wait3A_161 : memref<10000x64xf32, #tpu.memory_space<hbm>>) dst(%arg10 : memref<125x64xf32, #tpu.memory_space<vmem>>)
      %mul3A_162 = arith.constant 125 : i32
      %mul3A_163 = arith.muli %add3A_155, %mul3A_162 : i32
      %add3A_164 = arith.addi %mul3A_4, %mul3A_163 : i32
      %dma_wait3A_165 = arith.constant 64 : i32
      %dma_wait3A_166 = tpu.memref_slice %arg3[%add3A_164, %dma_wait3A_165] : memref<320000x128xf32, #tpu.memory_space<hbm>> -> memref<125x64xf32, #tpu.memory_space<hbm>>
      %dma_wait3A_167 = arith.constant 64 : i32
      %dma_wait3A_168 = tpu.memref_slice %arg3[%add3A_164, %dma_wait3A_167] : memref<320000x128xf32, #tpu.memory_space<hbm>> -> memref<125x64xf32, #tpu.memory_space<hbm>>
      tpu.wait_dma2 semaphore(%arg25 : memref<!tpu.dma_semaphore, #tpu.memory_space<semaphore_mem>>) src(%dma_wait3A_168 : memref<125x64xf32, #tpu.memory_space<hbm>>) dst(%arg14 : memref<125x64xf32, #tpu.memory_space<vmem>>)
      %scan3A_169 = arith.constant 0 : i32
      %scan3A_170 = arith.constant 0 : i32
      %scan3A_171 = arith.constant 125 : i32
      %scan3A_172 = arith.addi %scan3A_170, %scan3A_171 : i32
      %scan3A_173 = arith.constant 1 : i32
      scf.for %scan3A_212 = %scan3A_170 to %scan3A_172 step %scan3A_173  : i32 {
        %get3A = arith.index_cast %scan3A_212 : i32 to index
        %get3A_213 = arith.constant 0 : index
        %get3A_214 = tpu.vector_load %arg10[%get3A, %get3A_213] {strides = array<i32>} : memref<125x64xf32, #tpu.memory_space<vmem>>, vector<1x16xf32>,
        %get3A_215 = vector.shape_cast %get3A_214 : vector<1x16xf32> to vector<16xf32>
        %get3A_216 = arith.index_cast %scan3A_212 : i32 to index
        %get3A_217 = arith.constant 0 : index
        %get3A_218 = tpu.vector_load %arg14[%get3A_216, %get3A_217] {strides = array<i32>} : memref<125x64xf32, #tpu.memory_space<vmem>>, vector<1x16xf32>,
        %get3A_219 = vector.shape_cast %get3A_218 : vector<1x16xf32> to vector<16xf32>
        %add3A_220 = arith.addf %get3A_215, %get3A_219 : vector<16xf32>
        %max3A = arith.constant 0.000000e+00 : f32
        %max3A_221 = vector.broadcast %max3A : f32 to vector<16xf32>
        %max3A_222 = arith.maximumf %add3A_220, %max3A_221 : vector<16xf32>
        %swap3A = arith.index_cast %scan3A_212 : i32 to index
        %swap3A_223 = arith.constant 0 : index
        %swap3A_224 = tpu.vector_load %arg10[%swap3A, %swap3A_223] {strides = array<i32>} : memref<125x64xf32, #tpu.memory_space<vmem>>, vector<1x16xf32>,
        %swap3A_225 = vector.shape_cast %swap3A_224 : vector<1x16xf32> to vector<16xf32>
        %swap3A_226 = vector.shape_cast %max3A_222 : vector<16xf32> to vector<1x16xf32>
        tpu.vector_store %arg10[%swap3A, %swap3A_223], %swap3A_226 {strides = array<i32>} : memref<125x64xf32, #tpu.memory_space<vmem>>, vector<1x16xf32>,
        %get3A_227 = arith.index_cast %scan3A_212 : i32 to index
        %get3A_228 = arith.constant 16 : index
        %get3A_229 = tpu.vector_load %arg10[%get3A_227, %get3A_228] {strides = array<i32>} : memref<125x64xf32, #tpu.memory_space<vmem>>, vector<1x16xf32>,
        %get3A_230 = vector.shape_cast %get3A_229 : vector<1x16xf32> to vector<16xf32>
        %get3A_231 = arith.index_cast %scan3A_212 : i32 to index
        %get3A_232 = arith.constant 16 : index
        %get3A_233 = tpu.vector_load %arg14[%get3A_231, %get3A_232] {strides = array<i32>} : memref<125x64xf32, #tpu.memory_space<vmem>>, vector<1x16xf32>,
        %get3A_234 = vector.shape_cast %get3A_233 : vector<1x16xf32> to vector<16xf32>
        %add3A_235 = arith.addf %get3A_230, %get3A_234 : vector<16xf32>
        %max3A_236 = arith.constant 0.000000e+00 : f32
        %max3A_237 = vector.broadcast %max3A_236 : f32 to vector<16xf32>
        %max3A_238 = arith.maximumf %add3A_235, %max3A_237 : vector<16xf32>
        %swap3A_239 = arith.index_cast %scan3A_212 : i32 to index
        %swap3A_240 = arith.constant 16 : index
        %swap3A_241 = tpu.vector_load %arg10[%swap3A_239, %swap3A_240] {strides = array<i32>} : memref<125x64xf32, #tpu.memory_space<vmem>>, vector<1x16xf32>,
        %swap3A_242 = vector.shape_cast %swap3A_241 : vector<1x16xf32> to vector<16xf32>
        %swap3A_243 = vector.shape_cast %max3A_238 : vector<16xf32> to vector<1x16xf32>
        tpu.vector_store %arg10[%swap3A_239, %swap3A_240], %swap3A_243 {strides = array<i32>} : memref<125x64xf32, #tpu.memory_space<vmem>>, vector<1x16xf32>,
        %get3A_244 = arith.index_cast %scan3A_212 : i32 to index
        %get3A_245 = arith.constant 32 : index
        %get3A_246 = tpu.vector_load %arg10[%get3A_244, %get3A_245] {strides = array<i32>} : memref<125x64xf32, #tpu.memory_space<vmem>>, vector<1x16xf32>,
        %get3A_247 = vector.shape_cast %get3A_246 : vector<1x16xf32> to vector<16xf32>
        %get3A_248 = arith.index_cast %scan3A_212 : i32 to index
        %get3A_249 = arith.constant 32 : index
        %get3A_250 = tpu.vector_load %arg14[%get3A_248, %get3A_249] {strides = array<i32>} : memref<125x64xf32, #tpu.memory_space<vmem>>, vector<1x16xf32>,
        %get3A_251 = vector.shape_cast %get3A_250 : vector<1x16xf32> to vector<16xf32>
        %add3A_252 = arith.addf %get3A_247, %get3A_251 : vector<16xf32>
        %max3A_253 = arith.constant 0.000000e+00 : f32
        %max3A_254 = vector.broadcast %max3A_253 : f32 to vector<16xf32>
        %max3A_255 = arith.maximumf %add3A_252, %max3A_254 : vector<16xf32>
        %swap3A_256 = arith.index_cast %scan3A_212 : i32 to index
        %swap3A_257 = arith.constant 32 : index
        %swap3A_258 = tpu.vector_load %arg10[%swap3A_256, %swap3A_257] {strides = array<i32>} : memref<125x64xf32, #tpu.memory_space<vmem>>, vector<1x16xf32>,
        %swap3A_259 = vector.shape_cast %swap3A_258 : vector<1x16xf32> to vector<16xf32>
        %swap3A_260 = vector.shape_cast %max3A_255 : vector<16xf32> to vector<1x16xf32>
        tpu.vector_store %arg10[%swap3A_256, %swap3A_257], %swap3A_260 {strides = array<i32>} : memref<125x64xf32, #tpu.memory_space<vmem>>, vector<1x16xf32>,
        %get3A_261 = arith.index_cast %scan3A_212 : i32 to index
        %get3A_262 = arith.constant 48 : index
        %get3A_263 = tpu.vector_load %arg10[%get3A_261, %get3A_262] {strides = array<i32>} : memref<125x64xf32, #tpu.memory_space<vmem>>, vector<1x16xf32>,
        %get3A_264 = vector.shape_cast %get3A_263 : vector<1x16xf32> to vector<16xf32>
        %get3A_265 = arith.index_cast %scan3A_212 : i32 to index
        %get3A_266 = arith.constant 48 : index
        %get3A_267 = tpu.vector_load %arg14[%get3A_265, %get3A_266] {strides = array<i32>} : memref<125x64xf32, #tpu.memory_space<vmem>>, vector<1x16xf32>,
        %get3A_268 = vector.shape_cast %get3A_267 : vector<1x16xf32> to vector<16xf32>
        %add3A_269 = arith.addf %get3A_264, %get3A_268 : vector<16xf32>
        %max3A_270 = arith.constant 0.000000e+00 : f32
        %max3A_271 = vector.broadcast %max3A_270 : f32 to vector<16xf32>
        %max3A_272 = arith.maximumf %add3A_269, %max3A_271 : vector<16xf32>
        %swap3A_273 = arith.index_cast %scan3A_212 : i32 to index
        %swap3A_274 = arith.constant 48 : index
        %swap3A_275 = tpu.vector_load %arg10[%swap3A_273, %swap3A_274] {strides = array<i32>} : memref<125x64xf32, #tpu.memory_space<vmem>>, vector<1x16xf32>,
        %swap3A_276 = vector.shape_cast %swap3A_275 : vector<1x16xf32> to vector<16xf32>
        %swap3A_277 = vector.shape_cast %max3A_272 : vector<16xf32> to vector<1x16xf32>
        tpu.vector_store %arg10[%swap3A_273, %swap3A_274], %swap3A_277 {strides = array<i32>} : memref<125x64xf32, #tpu.memory_space<vmem>>, vector<1x16xf32>,
      }
      %scan3A_174 = arith.constant 125 : i32
      %dma_start3A_175 = arith.constant 0 : i32
      %dma_start3A_176 = tpu.memref_slice %arg17[%add3A_155, %dma_start3A_175] : memref<80x125xi32, #tpu.memory_space<vmem>> -> memref<1x125xi32, #tpu.memory_space<vmem>>
      %dma_start3A_177 = tpu.memref_squeeze %dma_start3A_176 : memref<1x125xi32, #tpu.memory_space<vmem>> -> memref<125xi32, #tpu.memory_space<vmem>>
      %dma_start3A_178 = arith.constant 0 : i32
      %dma_start3A_179 = arith.constant 0 : i32
      %dma_start3A_180 = tpu.memref_slice %arg18[%dma_start3A_178, %dma_start3A_179] : memref<10240x64xf32, #tpu.memory_space<vmem_shared>> -> memref<10240x64xf32, #tpu.memory_space<vmem_shared>>
      tpu.enqueue_indirect_dma source(%arg10 : memref<125x64xf32, #tpu.memory_space<vmem>>) target(%dma_start3A_180 : memref<10240x64xf32, #tpu.memory_space<vmem_shared>>) offsets(%dma_start3A_177 : memref<125xi32, #tpu.memory_space<vmem>>) semaphore(%arg29 : memref<!tpu.dma_semaphore, #tpu.memory_space<semaphore_mem>>) {add = true}
      %mul3A_181 = arith.constant 4 : i32
      %mul3A_182 = arith.muli %scan3A_93, %mul3A_181 : i32
      %add3A_183 = arith.constant 3 : i32
      %add3A_184 = arith.addi %mul3A_182, %add3A_183 : i32
      %dma_wait3A_185 = arith.constant 0 : i32
      %dma_wait3A_186 = tpu.memref_slice %arg16[%add3A_184, %dma_wait3A_185] : memref<80x125xi32, #tpu.memory_space<vmem>> -> memref<1x125xi32, #tpu.memory_space<vmem>>
      %dma_wait3A_187 = tpu.memref_squeeze %dma_wait3A_186 : memref<1x125xi32, #tpu.memory_space<vmem>> -> memref<125xi32, #tpu.memory_space<vmem>>
      %dma_wait3A_188 = arith.constant 0 : i32
      %dma_wait3A_189 = arith.constant 0 : i32
      %dma_wait3A_190 = tpu.memref_slice %arg2[%dma_wait3A_188, %dma_wait3A_189] : memref<10000x64xf32, #tpu.memory_space<hbm>> -> memref<10000x64xf32, #tpu.memory_space<hbm>>
      tpu.wait_indirect_dma semaphore(%arg22 : memref<!tpu.dma_semaphore, #tpu.memory_space<semaphore_mem>>) src(%dma_wait3A_190 : memref<10000x64xf32, #tpu.memory_space<hbm>>) dst(%arg11 : memref<125x64xf32, #tpu.memory_space<vmem>>)
      %mul3A_191 = arith.constant 125 : i32
      %mul3A_192 = arith.muli %add3A_184, %mul3A_191 : i32
      %add3A_193 = arith.addi %mul3A_4, %mul3A_192 : i32
      %dma_wait3A_194 = arith.constant 64 : i32
      %dma_wait3A_195 = tpu.memref_slice %arg3[%add3A_193, %dma_wait3A_194] : memref<320000x128xf32, #tpu.memory_space<hbm>> -> memref<125x64xf32, #tpu.memory_space<hbm>>
      %dma_wait3A_196 = arith.constant 64 : i32
      %dma_wait3A_197 = tpu.memref_slice %arg3[%add3A_193, %dma_wait3A_196] : memref<320000x128xf32, #tpu.memory_space<hbm>> -> memref<125x64xf32, #tpu.memory_space<hbm>>
      tpu.wait_dma2 semaphore(%arg26 : memref<!tpu.dma_semaphore, #tpu.memory_space<semaphore_mem>>) src(%dma_wait3A_197 : memref<125x64xf32, #tpu.memory_space<hbm>>) dst(%arg15 : memref<125x64xf32, #tpu.memory_space<vmem>>)
      %scan3A_198 = arith.constant 0 : i32
      %scan3A_199 = arith.constant 0 : i32
      %scan3A_200 = arith.constant 125 : i32
      %scan3A_201 = arith.addi %scan3A_199, %scan3A_200 : i32
      %scan3A_202 = arith.constant 1 : i32
      scf.for %scan3A_212 = %scan3A_199 to %scan3A_201 step %scan3A_202  : i32 {
        %get3A = arith.index_cast %scan3A_212 : i32 to index
        %get3A_213 = arith.constant 0 : index
        %get3A_214 = tpu.vector_load %arg11[%get3A, %get3A_213] {strides = array<i32>} : memref<125x64xf32, #tpu.memory_space<vmem>>, vector<1x16xf32>,
        %get3A_215 = vector.shape_cast %get3A_214 : vector<1x16xf32> to vector<16xf32>
        %get3A_216 = arith.index_cast %scan3A_212 : i32 to index
        %get3A_217 = arith.constant 0 : index
        %get3A_218 = tpu.vector_load %arg15[%get3A_216, %get3A_217] {strides = array<i32>} : memref<125x64xf32, #tpu.memory_space<vmem>>, vector<1x16xf32>,
        %get3A_219 = vector.shape_cast %get3A_218 : vector<1x16xf32> to vector<16xf32>
        %add3A_220 = arith.addf %get3A_215, %get3A_219 : vector<16xf32>
        %max3A = arith.constant 0.000000e+00 : f32
        %max3A_221 = vector.broadcast %max3A : f32 to vector<16xf32>
        %max3A_222 = arith.maximumf %add3A_220, %max3A_221 : vector<16xf32>
        %swap3A = arith.index_cast %scan3A_212 : i32 to index
        %swap3A_223 = arith.constant 0 : index
        %swap3A_224 = tpu.vector_load %arg11[%swap3A, %swap3A_223] {strides = array<i32>} : memref<125x64xf32, #tpu.memory_space<vmem>>, vector<1x16xf32>,
        %swap3A_225 = vector.shape_cast %swap3A_224 : vector<1x16xf32> to vector<16xf32>
        %swap3A_226 = vector.shape_cast %max3A_222 : vector<16xf32> to vector<1x16xf32>
        tpu.vector_store %arg11[%swap3A, %swap3A_223], %swap3A_226 {strides = array<i32>} : memref<125x64xf32, #tpu.memory_space<vmem>>, vector<1x16xf32>,
        %get3A_227 = arith.index_cast %scan3A_212 : i32 to index
        %get3A_228 = arith.constant 16 : index
        %get3A_229 = tpu.vector_load %arg11[%get3A_227, %get3A_228] {strides = array<i32>} : memref<125x64xf32, #tpu.memory_space<vmem>>, vector<1x16xf32>,
        %get3A_230 = vector.shape_cast %get3A_229 : vector<1x16xf32> to vector<16xf32>
        %get3A_231 = arith.index_cast %scan3A_212 : i32 to index
        %get3A_232 = arith.constant 16 : index
        %get3A_233 = tpu.vector_load %arg15[%get3A_231, %get3A_232] {strides = array<i32>} : memref<125x64xf32, #tpu.memory_space<vmem>>, vector<1x16xf32>,
        %get3A_234 = vector.shape_cast %get3A_233 : vector<1x16xf32> to vector<16xf32>
        %add3A_235 = arith.addf %get3A_230, %get3A_234 : vector<16xf32>
        %max3A_236 = arith.constant 0.000000e+00 : f32
        %max3A_237 = vector.broadcast %max3A_236 : f32 to vector<16xf32>
        %max3A_238 = arith.maximumf %add3A_235, %max3A_237 : vector<16xf32>
        %swap3A_239 = arith.index_cast %scan3A_212 : i32 to index
        %swap3A_240 = arith.constant 16 : index
        %swap3A_241 = tpu.vector_load %arg11[%swap3A_239, %swap3A_240] {strides = array<i32>} : memref<125x64xf32, #tpu.memory_space<vmem>>, vector<1x16xf32>,
        %swap3A_242 = vector.shape_cast %swap3A_241 : vector<1x16xf32> to vector<16xf32>
        %swap3A_243 = vector.shape_cast %max3A_238 : vector<16xf32> to vector<1x16xf32>
        tpu.vector_store %arg11[%swap3A_239, %swap3A_240], %swap3A_243 {strides = array<i32>} : memref<125x64xf32, #tpu.memory_space<vmem>>, vector<1x16xf32>,
        %get3A_244 = arith.index_cast %scan3A_212 : i32 to index
        %get3A_245 = arith.constant 32 : index
        %get3A_246 = tpu.vector_load %arg11[%get3A_244, %get3A_245] {strides = array<i32>} : memref<125x64xf32, #tpu.memory_space<vmem>>, vector<1x16xf32>,
        %get3A_247 = vector.shape_cast %get3A_246 : vector<1x16xf32> to vector<16xf32>
        %get3A_248 = arith.index_cast %scan3A_212 : i32 to index
        %get3A_249 = arith.constant 32 : index
        %get3A_250 = tpu.vector_load %arg15[%get3A_248, %get3A_249] {strides = array<i32>} : memref<125x64xf32, #tpu.memory_space<vmem>>, vector<1x16xf32>,
        %get3A_251 = vector.shape_cast %get3A_250 : vector<1x16xf32> to vector<16xf32>
        %add3A_252 = arith.addf %get3A_247, %get3A_251 : vector<16xf32>
        %max3A_253 = arith.constant 0.000000e+00 : f32
        %max3A_254 = vector.broadcast %max3A_253 : f32 to vector<16xf32>
        %max3A_255 = arith.maximumf %add3A_252, %max3A_254 : vector<16xf32>
        %swap3A_256 = arith.index_cast %scan3A_212 : i32 to index
        %swap3A_257 = arith.constant 32 : index
        %swap3A_258 = tpu.vector_load %arg11[%swap3A_256, %swap3A_257] {strides = array<i32>} : memref<125x64xf32, #tpu.memory_space<vmem>>, vector<1x16xf32>,
        %swap3A_259 = vector.shape_cast %swap3A_258 : vector<1x16xf32> to vector<16xf32>
        %swap3A_260 = vector.shape_cast %max3A_255 : vector<16xf32> to vector<1x16xf32>
        tpu.vector_store %arg11[%swap3A_256, %swap3A_257], %swap3A_260 {strides = array<i32>} : memref<125x64xf32, #tpu.memory_space<vmem>>, vector<1x16xf32>,
        %get3A_261 = arith.index_cast %scan3A_212 : i32 to index
        %get3A_262 = arith.constant 48 : index
        %get3A_263 = tpu.vector_load %arg11[%get3A_261, %get3A_262] {strides = array<i32>} : memref<125x64xf32, #tpu.memory_space<vmem>>, vector<1x16xf32>,
        %get3A_264 = vector.shape_cast %get3A_263 : vector<1x16xf32> to vector<16xf32>
        %get3A_265 = arith.index_cast %scan3A_212 : i32 to index
        %get3A_266 = arith.constant 48 : index
        %get3A_267 = tpu.vector_load %arg15[%get3A_265, %get3A_266] {strides = array<i32>} : memref<125x64xf32, #tpu.memory_space<vmem>>, vector<1x16xf32>,
        %get3A_268 = vector.shape_cast %get3A_267 : vector<1x16xf32> to vector<16xf32>
        %add3A_269 = arith.addf %get3A_264, %get3A_268 : vector<16xf32>
        %max3A_270 = arith.constant 0.000000e+00 : f32
        %max3A_271 = vector.broadcast %max3A_270 : f32 to vector<16xf32>
        %max3A_272 = arith.maximumf %add3A_269, %max3A_271 : vector<16xf32>
        %swap3A_273 = arith.index_cast %scan3A_212 : i32 to index
        %swap3A_274 = arith.constant 48 : index
        %swap3A_275 = tpu.vector_load %arg11[%swap3A_273, %swap3A_274] {strides = array<i32>} : memref<125x64xf32, #tpu.memory_space<vmem>>, vector<1x16xf32>,
        %swap3A_276 = vector.shape_cast %swap3A_275 : vector<1x16xf32> to vector<16xf32>
        %swap3A_277 = vector.shape_cast %max3A_272 : vector<16xf32> to vector<1x16xf32>
        tpu.vector_store %arg11[%swap3A_273, %swap3A_274], %swap3A_277 {strides = array<i32>} : memref<125x64xf32, #tpu.memory_space<vmem>>, vector<1x16xf32>,
      }
      %scan3A_203 = arith.constant 125 : i32
      %dma_start3A_204 = arith.constant 0 : i32
      %dma_start3A_205 = tpu.memref_slice %arg17[%add3A_184, %dma_start3A_204] : memref<80x125xi32, #tpu.memory_space<vmem>> -> memref<1x125xi32, #tpu.memory_space<vmem>>
      %dma_start3A_206 = tpu.memref_squeeze %dma_start3A_205 : memref<1x125xi32, #tpu.memory_space<vmem>> -> memref<125xi32, #tpu.memory_space<vmem>>
      %dma_start3A_207 = arith.constant 0 : i32
      %dma_start3A_208 = arith.constant 0 : i32
      %dma_start3A_209 = tpu.memref_slice %arg18[%dma_start3A_207, %dma_start3A_208] : memref<10240x64xf32, #tpu.memory_space<vmem_shared>> -> memref<10240x64xf32, #tpu.memory_space<vmem_shared>>
      tpu.enqueue_indirect_dma source(%arg11 : memref<125x64xf32, #tpu.memory_space<vmem>>) target(%dma_start3A_209 : memref<10240x64xf32, #tpu.memory_space<vmem_shared>>) offsets(%dma_start3A_206 : memref<125xi32, #tpu.memory_space<vmem>>) semaphore(%arg30 : memref<!tpu.dma_semaphore, #tpu.memory_space<semaphore_mem>>) {add = true}
      %lt3A = arith.constant 19 : i32
      %lt3A_210 = arith.cmpi slt, %scan3A_93, %lt3A : i32
      %convert_element_type3A = arith.extui %lt3A_210 : i1 to i32
      %cond3A = arith.constant 0 : i32
      %cond3A_211 = arith.cmpi ne, %convert_element_type3A, %cond3A : i32
      scf.if %cond3A_211 {
        %mul3A_212 = arith.constant 4 : i32
        %mul3A_213 = arith.muli %scan3A_93, %mul3A_212 : i32
        %add3A_214 = arith.constant 0 : i32
        %add3A_215 = arith.addi %mul3A_213, %add3A_214 : i32
        %dma_wait3A_216 = arith.constant 0 : i32
        %dma_wait3A_217 = tpu.memref_slice %arg17[%add3A_215, %dma_wait3A_216] : memref<80x125xi32, #tpu.memory_space<vmem>> -> memref<1x125xi32, #tpu.memory_space<vmem>>
        %dma_wait3A_218 = tpu.memref_squeeze %dma_wait3A_217 : memref<1x125xi32, #tpu.memory_space<vmem>> -> memref<125xi32, #tpu.memory_space<vmem>>
        %dma_wait3A_219 = arith.constant 0 : i32
        %dma_wait3A_220 = arith.constant 0 : i32
        %dma_wait3A_221 = tpu.memref_slice %arg18[%dma_wait3A_219, %dma_wait3A_220] : memref<10240x64xf32, #tpu.memory_space<vmem_shared>> -> memref<10240x64xf32, #tpu.memory_space<vmem_shared>>
        tpu.wait_indirect_dma semaphore(%arg27 : memref<!tpu.dma_semaphore, #tpu.memory_space<semaphore_mem>>) src(%arg8 : memref<125x64xf32, #tpu.memory_space<vmem>>) dst(%dma_wait3A_221 : memref<10240x64xf32, #tpu.memory_space<vmem_shared>>)
        %add3A_222 = arith.constant 1 : i32
        %add3A_223 = arith.addi %scan3A_93, %add3A_222 : i32
        %mul3A_224 = arith.constant 4 : i32
        %mul3A_225 = arith.muli %add3A_223, %mul3A_224 : i32
        %add3A_226 = arith.constant 0 : i32
        %add3A_227 = arith.addi %mul3A_225, %add3A_226 : i32
        %dma_start3A_228 = arith.constant 0 : i32
        %dma_start3A_229 = tpu.memref_slice %arg16[%add3A_227, %dma_start3A_228] : memref<80x125xi32, #tpu.memory_space<vmem>> -> memref<1x125xi32, #tpu.memory_space<vmem>>
        %dma_start3A_230 = tpu.memref_squeeze %dma_start3A_229 : memref<1x125xi32, #tpu.memory_space<vmem>> -> memref<125xi32, #tpu.memory_space<vmem>>
        %dma_start3A_231 = arith.constant 0 : i32
        %dma_start3A_232 = arith.constant 0 : i32
        %dma_start3A_233 = tpu.memref_slice %arg2[%dma_start3A_231, %dma_start3A_232] : memref<10000x64xf32, #tpu.memory_space<hbm>> -> memref<10000x64xf32, #tpu.memory_space<hbm>>
        tpu.enqueue_indirect_dma source(%dma_start3A_233 : memref<10000x64xf32, #tpu.memory_space<hbm>>) target(%arg8 : memref<125x64xf32, #tpu.memory_space<vmem>>) offsets(%dma_start3A_230 : memref<125xi32, #tpu.memory_space<vmem>>) semaphore(%arg19 : memref<!tpu.dma_semaphore, #tpu.memory_space<semaphore_mem>>)
        %mul3A_234 = arith.constant 125 : i32
        %mul3A_235 = arith.muli %add3A_227, %mul3A_234 : i32
        %add3A_236 = arith.addi %mul3A_4, %mul3A_235 : i32
        %dma_start3A_237 = arith.constant 64 : i32
        %dma_start3A_238 = tpu.memref_slice %arg3[%add3A_236, %dma_start3A_237] : memref<320000x128xf32, #tpu.memory_space<hbm>> -> memref<125x64xf32, #tpu.memory_space<hbm>>
        %dma_start3A_239 = arith.constant 64 : i32
        %dma_start3A_240 = tpu.memref_slice %arg3[%add3A_236, %dma_start3A_239] : memref<320000x128xf32, #tpu.memory_space<hbm>> -> memref<125x64xf32, #tpu.memory_space<hbm>>
        tpu.enqueue_dma source(%dma_start3A_240 : memref<125x64xf32, #tpu.memory_space<hbm>>) target(%arg12 : memref<125x64xf32, #tpu.memory_space<vmem>>) target_semaphore(%arg23 : memref<!tpu.dma_semaphore, #tpu.memory_space<semaphore_mem>>)
        %mul3A_241 = arith.constant 4 : i32
        %mul3A_242 = arith.muli %scan3A_93, %mul3A_241 : i32
        %add3A_243 = arith.constant 1 : i32
        %add3A_244 = arith.addi %mul3A_242, %add3A_243 : i32
        %dma_wait3A_245 = arith.constant 0 : i32
        %dma_wait3A_246 = tpu.memref_slice %arg17[%add3A_244, %dma_wait3A_245] : memref<80x125xi32, #tpu.memory_space<vmem>> -> memref<1x125xi32, #tpu.memory_space<vmem>>
        %dma_wait3A_247 = tpu.memref_squeeze %dma_wait3A_246 : memref<1x125xi32, #tpu.memory_space<vmem>> -> memref<125xi32, #tpu.memory_space<vmem>>
        %dma_wait3A_248 = arith.constant 0 : i32
        %dma_wait3A_249 = arith.constant 0 : i32
        %dma_wait3A_250 = tpu.memref_slice %arg18[%dma_wait3A_248, %dma_wait3A_249] : memref<10240x64xf32, #tpu.memory_space<vmem_shared>> -> memref<10240x64xf32, #tpu.memory_space<vmem_shared>>
        tpu.wait_indirect_dma semaphore(%arg28 : memref<!tpu.dma_semaphore, #tpu.memory_space<semaphore_mem>>) src(%arg9 : memref<125x64xf32, #tpu.memory_space<vmem>>) dst(%dma_wait3A_250 : memref<10240x64xf32, #tpu.memory_space<vmem_shared>>)
        %add3A_251 = arith.constant 1 : i32
        %add3A_252 = arith.addi %scan3A_93, %add3A_251 : i32
        %mul3A_253 = arith.constant 4 : i32
        %mul3A_254 = arith.muli %add3A_252, %mul3A_253 : i32
        %add3A_255 = arith.constant 1 : i32
        %add3A_256 = arith.addi %mul3A_254, %add3A_255 : i32
        %dma_start3A_257 = arith.constant 0 : i32
        %dma_start3A_258 = tpu.memref_slice %arg16[%add3A_256, %dma_start3A_257] : memref<80x125xi32, #tpu.memory_space<vmem>> -> memref<1x125xi32, #tpu.memory_space<vmem>>
        %dma_start3A_259 = tpu.memref_squeeze %dma_start3A_258 : memref<1x125xi32, #tpu.memory_space<vmem>> -> memref<125xi32, #tpu.memory_space<vmem>>
        %dma_start3A_260 = arith.constant 0 : i32
        %dma_start3A_261 = arith.constant 0 : i32
        %dma_start3A_262 = tpu.memref_slice %arg2[%dma_start3A_260, %dma_start3A_261] : memref<10000x64xf32, #tpu.memory_space<hbm>> -> memref<10000x64xf32, #tpu.memory_space<hbm>>
        tpu.enqueue_indirect_dma source(%dma_start3A_262 : memref<10000x64xf32, #tpu.memory_space<hbm>>) target(%arg9 : memref<125x64xf32, #tpu.memory_space<vmem>>) offsets(%dma_start3A_259 : memref<125xi32, #tpu.memory_space<vmem>>) semaphore(%arg20 : memref<!tpu.dma_semaphore, #tpu.memory_space<semaphore_mem>>)
        %mul3A_263 = arith.constant 125 : i32
        %mul3A_264 = arith.muli %add3A_256, %mul3A_263 : i32
        %add3A_265 = arith.addi %mul3A_4, %mul3A_264 : i32
        %dma_start3A_266 = arith.constant 64 : i32
        %dma_start3A_267 = tpu.memref_slice %arg3[%add3A_265, %dma_start3A_266] : memref<320000x128xf32, #tpu.memory_space<hbm>> -> memref<125x64xf32, #tpu.memory_space<hbm>>
        %dma_start3A_268 = arith.constant 64 : i32
        %dma_start3A_269 = tpu.memref_slice %arg3[%add3A_265, %dma_start3A_268] : memref<320000x128xf32, #tpu.memory_space<hbm>> -> memref<125x64xf32, #tpu.memory_space<hbm>>
        tpu.enqueue_dma source(%dma_start3A_269 : memref<125x64xf32, #tpu.memory_space<hbm>>) target(%arg13 : memref<125x64xf32, #tpu.memory_space<vmem>>) target_semaphore(%arg24 : memref<!tpu.dma_semaphore, #tpu.memory_space<semaphore_mem>>)
        %mul3A_270 = arith.constant 4 : i32
        %mul3A_271 = arith.muli %scan3A_93, %mul3A_270 : i32
        %add3A_272 = arith.constant 2 : i32
        %add3A_273 = arith.addi %mul3A_271, %add3A_272 : i32
        %dma_wait3A_274 = arith.constant 0 : i32
        %dma_wait3A_275 = tpu.memref_slice %arg17[%add3A_273, %dma_wait3A_274] : memref<80x125xi32, #tpu.memory_space<vmem>> -> memref<1x125xi32, #tpu.memory_space<vmem>>
        %dma_wait3A_276 = tpu.memref_squeeze %dma_wait3A_275 : memref<1x125xi32, #tpu.memory_space<vmem>> -> memref<125xi32, #tpu.memory_space<vmem>>
        %dma_wait3A_277 = arith.constant 0 : i32
        %dma_wait3A_278 = arith.constant 0 : i32
        %dma_wait3A_279 = tpu.memref_slice %arg18[%dma_wait3A_277, %dma_wait3A_278] : memref<10240x64xf32, #tpu.memory_space<vmem_shared>> -> memref<10240x64xf32, #tpu.memory_space<vmem_shared>>
        tpu.wait_indirect_dma semaphore(%arg29 : memref<!tpu.dma_semaphore, #tpu.memory_space<semaphore_mem>>) src(%arg10 : memref<125x64xf32, #tpu.memory_space<vmem>>) dst(%dma_wait3A_279 : memref<10240x64xf32, #tpu.memory_space<vmem_shared>>)
        %add3A_280 = arith.constant 1 : i32
        %add3A_281 = arith.addi %scan3A_93, %add3A_280 : i32
        %mul3A_282 = arith.constant 4 : i32
        %mul3A_283 = arith.muli %add3A_281, %mul3A_282 : i32
        %add3A_284 = arith.constant 2 : i32
        %add3A_285 = arith.addi %mul3A_283, %add3A_284 : i32
        %dma_start3A_286 = arith.constant 0 : i32
        %dma_start3A_287 = tpu.memref_slice %arg16[%add3A_285, %dma_start3A_286] : memref<80x125xi32, #tpu.memory_space<vmem>> -> memref<1x125xi32, #tpu.memory_space<vmem>>
        %dma_start3A_288 = tpu.memref_squeeze %dma_start3A_287 : memref<1x125xi32, #tpu.memory_space<vmem>> -> memref<125xi32, #tpu.memory_space<vmem>>
        %dma_start3A_289 = arith.constant 0 : i32
        %dma_start3A_290 = arith.constant 0 : i32
        %dma_start3A_291 = tpu.memref_slice %arg2[%dma_start3A_289, %dma_start3A_290] : memref<10000x64xf32, #tpu.memory_space<hbm>> -> memref<10000x64xf32, #tpu.memory_space<hbm>>
        tpu.enqueue_indirect_dma source(%dma_start3A_291 : memref<10000x64xf32, #tpu.memory_space<hbm>>) target(%arg10 : memref<125x64xf32, #tpu.memory_space<vmem>>) offsets(%dma_start3A_288 : memref<125xi32, #tpu.memory_space<vmem>>) semaphore(%arg21 : memref<!tpu.dma_semaphore, #tpu.memory_space<semaphore_mem>>)
        %mul3A_292 = arith.constant 125 : i32
        %mul3A_293 = arith.muli %add3A_285, %mul3A_292 : i32
        %add3A_294 = arith.addi %mul3A_4, %mul3A_293 : i32
        %dma_start3A_295 = arith.constant 64 : i32
        %dma_start3A_296 = tpu.memref_slice %arg3[%add3A_294, %dma_start3A_295] : memref<320000x128xf32, #tpu.memory_space<hbm>> -> memref<125x64xf32, #tpu.memory_space<hbm>>
        %dma_start3A_297 = arith.constant 64 : i32
        %dma_start3A_298 = tpu.memref_slice %arg3[%add3A_294, %dma_start3A_297] : memref<320000x128xf32, #tpu.memory_space<hbm>> -> memref<125x64xf32, #tpu.memory_space<hbm>>
        tpu.enqueue_dma source(%dma_start3A_298 : memref<125x64xf32, #tpu.memory_space<hbm>>) target(%arg14 : memref<125x64xf32, #tpu.memory_space<vmem>>) target_semaphore(%arg25 : memref<!tpu.dma_semaphore, #tpu.memory_space<semaphore_mem>>)
        %mul3A_299 = arith.constant 4 : i32
        %mul3A_300 = arith.muli %scan3A_93, %mul3A_299 : i32
        %add3A_301 = arith.constant 3 : i32
        %add3A_302 = arith.addi %mul3A_300, %add3A_301 : i32
        %dma_wait3A_303 = arith.constant 0 : i32
        %dma_wait3A_304 = tpu.memref_slice %arg17[%add3A_302, %dma_wait3A_303] : memref<80x125xi32, #tpu.memory_space<vmem>> -> memref<1x125xi32, #tpu.memory_space<vmem>>
        %dma_wait3A_305 = tpu.memref_squeeze %dma_wait3A_304 : memref<1x125xi32, #tpu.memory_space<vmem>> -> memref<125xi32, #tpu.memory_space<vmem>>
        %dma_wait3A_306 = arith.constant 0 : i32
        %dma_wait3A_307 = arith.constant 0 : i32
        %dma_wait3A_308 = tpu.memref_slice %arg18[%dma_wait3A_306, %dma_wait3A_307] : memref<10240x64xf32, #tpu.memory_space<vmem_shared>> -> memref<10240x64xf32, #tpu.memory_space<vmem_shared>>
        tpu.wait_indirect_dma semaphore(%arg30 : memref<!tpu.dma_semaphore, #tpu.memory_space<semaphore_mem>>) src(%arg11 : memref<125x64xf32, #tpu.memory_space<vmem>>) dst(%dma_wait3A_308 : memref<10240x64xf32, #tpu.memory_space<vmem_shared>>)
        %add3A_309 = arith.constant 1 : i32
        %add3A_310 = arith.addi %scan3A_93, %add3A_309 : i32
        %mul3A_311 = arith.constant 4 : i32
        %mul3A_312 = arith.muli %add3A_310, %mul3A_311 : i32
        %add3A_313 = arith.constant 3 : i32
        %add3A_314 = arith.addi %mul3A_312, %add3A_313 : i32
        %dma_start3A_315 = arith.constant 0 : i32
        %dma_start3A_316 = tpu.memref_slice %arg16[%add3A_314, %dma_start3A_315] : memref<80x125xi32, #tpu.memory_space<vmem>> -> memref<1x125xi32, #tpu.memory_space<vmem>>
        %dma_start3A_317 = tpu.memref_squeeze %dma_start3A_316 : memref<1x125xi32, #tpu.memory_space<vmem>> -> memref<125xi32, #tpu.memory_space<vmem>>
        %dma_start3A_318 = arith.constant 0 : i32
        %dma_start3A_319 = arith.constant 0 : i32
        %dma_start3A_320 = tpu.memref_slice %arg2[%dma_start3A_318, %dma_start3A_319] : memref<10000x64xf32, #tpu.memory_space<hbm>> -> memref<10000x64xf32, #tpu.memory_space<hbm>>
        tpu.enqueue_indirect_dma source(%dma_start3A_320 : memref<10000x64xf32, #tpu.memory_space<hbm>>) target(%arg11 : memref<125x64xf32, #tpu.memory_space<vmem>>) offsets(%dma_start3A_317 : memref<125xi32, #tpu.memory_space<vmem>>) semaphore(%arg22 : memref<!tpu.dma_semaphore, #tpu.memory_space<semaphore_mem>>)
        %mul3A_321 = arith.constant 125 : i32
        %mul3A_322 = arith.muli %add3A_314, %mul3A_321 : i32
        %add3A_323 = arith.addi %mul3A_4, %mul3A_322 : i32
        %dma_start3A_324 = arith.constant 64 : i32
        %dma_start3A_325 = tpu.memref_slice %arg3[%add3A_323, %dma_start3A_324] : memref<320000x128xf32, #tpu.memory_space<hbm>> -> memref<125x64xf32, #tpu.memory_space<hbm>>
        %dma_start3A_326 = arith.constant 64 : i32
        %dma_start3A_327 = tpu.memref_slice %arg3[%add3A_323, %dma_start3A_326] : memref<320000x128xf32, #tpu.memory_space<hbm>> -> memref<125x64xf32, #tpu.memory_space<hbm>>
        tpu.enqueue_dma source(%dma_start3A_327 : memref<125x64xf32, #tpu.memory_space<hbm>>) target(%arg15 : memref<125x64xf32, #tpu.memory_space<vmem>>) target_semaphore(%arg26 : memref<!tpu.dma_semaphore, #tpu.memory_space<semaphore_mem>>)
      } else {
      }
    }
    %scan3A_60 = arith.constant 20 : i32
    %dma_wait3A = arith.constant 76 : i32
    %dma_wait3A_61 = arith.constant 0 : i32
    %dma_wait3A_62 = tpu.memref_slice %arg17[%dma_wait3A, %dma_wait3A_61] : memref<80x125xi32, #tpu.memory_space<vmem>> -> memref<1x125xi32, #tpu.memory_space<vmem>>
    %dma_wait3A_63 = tpu.memref_squeeze %dma_wait3A_62 : memref<1x125xi32, #tpu.memory_space<vmem>> -> memref<125xi32, #tpu.memory_space<vmem>>
    %dma_wait3A_64 = arith.constant 0 : i32
    %dma_wait3A_65 = arith.constant 0 : i32
    %dma_wait3A_66 = tpu.memref_slice %arg18[%dma_wait3A_64, %dma_wait3A_65] : memref<10240x64xf32, #tpu.memory_space<vmem_shared>> -> memref<10240x64xf32, #tpu.memory_space<vmem_shared>>
    tpu.wait_indirect_dma semaphore(%arg27 : memref<!tpu.dma_semaphore, #tpu.memory_space<semaphore_mem>>) src(%arg8 : memref<125x64xf32, #tpu.memory_space<vmem>>) dst(%dma_wait3A_66 : memref<10240x64xf32, #tpu.memory_space<vmem_shared>>)
    %dma_wait3A_67 = arith.constant 77 : i32
    %dma_wait3A_68 = arith.constant 0 : i32
    %dma_wait3A_69 = tpu.memref_slice %arg17[%dma_wait3A_67, %dma_wait3A_68] : memref<80x125xi32, #tpu.memory_space<vmem>> -> memref<1x125xi32, #tpu.memory_space<vmem>>
    %dma_wait3A_70 = tpu.memref_squeeze %dma_wait3A_69 : memref<1x125xi32, #tpu.memory_space<vmem>> -> memref<125xi32, #tpu.memory_space<vmem>>
    %dma_wait3A_71 = arith.constant 0 : i32
    %dma_wait3A_72 = arith.constant 0 : i32
    %dma_wait3A_73 = tpu.memref_slice %arg18[%dma_wait3A_71, %dma_wait3A_72] : memref<10240x64xf32, #tpu.memory_space<vmem_shared>> -> memref<10240x64xf32, #tpu.memory_space<vmem_shared>>
    tpu.wait_indirect_dma semaphore(%arg28 : memref<!tpu.dma_semaphore, #tpu.memory_space<semaphore_mem>>) src(%arg9 : memref<125x64xf32, #tpu.memory_space<vmem>>) dst(%dma_wait3A_73 : memref<10240x64xf32, #tpu.memory_space<vmem_shared>>)
    %dma_wait3A_74 = arith.constant 78 : i32
    %dma_wait3A_75 = arith.constant 0 : i32
    %dma_wait3A_76 = tpu.memref_slice %arg17[%dma_wait3A_74, %dma_wait3A_75] : memref<80x125xi32, #tpu.memory_space<vmem>> -> memref<1x125xi32, #tpu.memory_space<vmem>>
    %dma_wait3A_77 = tpu.memref_squeeze %dma_wait3A_76 : memref<1x125xi32, #tpu.memory_space<vmem>> -> memref<125xi32, #tpu.memory_space<vmem>>
    %dma_wait3A_78 = arith.constant 0 : i32
    %dma_wait3A_79 = arith.constant 0 : i32
    %dma_wait3A_80 = tpu.memref_slice %arg18[%dma_wait3A_78, %dma_wait3A_79] : memref<10240x64xf32, #tpu.memory_space<vmem_shared>> -> memref<10240x64xf32, #tpu.memory_space<vmem_shared>>
    tpu.wait_indirect_dma semaphore(%arg29 : memref<!tpu.dma_semaphore, #tpu.memory_space<semaphore_mem>>) src(%arg10 : memref<125x64xf32, #tpu.memory_space<vmem>>) dst(%dma_wait3A_80 : memref<10240x64xf32, #tpu.memory_space<vmem_shared>>)
    %dma_wait3A_81 = arith.constant 79 : i32
    %dma_wait3A_82 = arith.constant 0 : i32
    %dma_wait3A_83 = tpu.memref_slice %arg17[%dma_wait3A_81, %dma_wait3A_82] : memref<80x125xi32, #tpu.memory_space<vmem>> -> memref<1x125xi32, #tpu.memory_space<vmem>>
    %dma_wait3A_84 = tpu.memref_squeeze %dma_wait3A_83 : memref<1x125xi32, #tpu.memory_space<vmem>> -> memref<125xi32, #tpu.memory_space<vmem>>
    %dma_wait3A_85 = arith.constant 0 : i32
    %dma_wait3A_86 = arith.constant 0 : i32
    %dma_wait3A_87 = tpu.memref_slice %arg18[%dma_wait3A_85, %dma_wait3A_86] : memref<10240x64xf32, #tpu.memory_space<vmem_shared>> -> memref<10240x64xf32, #tpu.memory_space<vmem_shared>>
    tpu.wait_indirect_dma semaphore(%arg30 : memref<!tpu.dma_semaphore, #tpu.memory_space<semaphore_mem>>) src(%arg11 : memref<125x64xf32, #tpu.memory_space<vmem>>) dst(%dma_wait3A_87 : memref<10240x64xf32, #tpu.memory_space<vmem_shared>>)
    %barrier3A_88 = arith.constant 0 : index
    tpu.barrier barrier_id(%barrier3A_88)
    %mul3A_89 = arith.constant 640 : i32
    %mul3A_90 = arith.muli %arg1, %mul3A_89 : i32
    %mul3A_91 = arith.constant 640 : i32
    %mul3A_92 = arith.muli %arg1, %mul3A_91 : i32
    "tpu.region"() ({
      %run_scoped3A = tpu.sem_alloc : memref<!tpu.dma_semaphore, #tpu.memory_space<semaphore_mem>>
      %dma_start3A_93 = arith.constant 0 : i32
      %dma_start3A_94 = tpu.memref_slice %arg7[%arg0, %mul3A_92, %dma_start3A_93] : memref<2x10240x64xf32, #tpu.memory_space<hbm>> -> memref<1x640x64xf32, #tpu.memory_space<hbm>>
      %dma_start3A_95 = tpu.memref_squeeze %dma_start3A_94 : memref<1x640x64xf32, #tpu.memory_space<hbm>> -> memref<640x64xf32, #tpu.memory_space<hbm>>
      %dma_start3A_96 = arith.constant 0 : i32
      %dma_start3A_97 = tpu.memref_slice %arg18[%mul3A_90, %dma_start3A_96] : memref<10240x64xf32, #tpu.memory_space<vmem_shared>> -> memref<640x64xf32, #tpu.memory_space<vmem_shared>>
      tpu.enqueue_dma source(%dma_start3A_97 : memref<640x64xf32, #tpu.memory_space<vmem_shared>>) target(%dma_start3A_95 : memref<640x64xf32, #tpu.memory_space<hbm>>) target_semaphore(%run_scoped3A : memref<!tpu.dma_semaphore, #tpu.memory_space<semaphore_mem>>)
      %dma_wait3A_98 = arith.constant 0 : i32
      %dma_wait3A_99 = tpu.memref_slice %arg7[%arg0, %mul3A_92, %dma_wait3A_98] : memref<2x10240x64xf32, #tpu.memory_space<hbm>> -> memref<1x640x64xf32, #tpu.memory_space<hbm>>
      %dma_wait3A_100 = tpu.memref_squeeze %dma_wait3A_99 : memref<1x640x64xf32, #tpu.memory_space<hbm>> -> memref<640x64xf32, #tpu.memory_space<hbm>>
      %dma_wait3A_101 = arith.constant 0 : i32
      %dma_wait3A_102 = tpu.memref_slice %arg18[%mul3A_90, %dma_wait3A_101] : memref<10240x64xf32, #tpu.memory_space<vmem_shared>> -> memref<640x64xf32, #tpu.memory_space<vmem_shared>>
      tpu.wait_dma2 semaphore(%run_scoped3A : memref<!tpu.dma_semaphore, #tpu.memory_space<semaphore_mem>>) src(%dma_wait3A_102 : memref<640x64xf32, #tpu.memory_space<vmem_shared>>) dst(%dma_wait3A_100 : memref<640x64xf32, #tpu.memory_space<hbm>>)
      tpu.yield
    }) : () -> ()
    return
  }
}

#map = affine_map<(d0, d1) -> (0, 0)>
#map1 = affine_map<(d0, d1) -> (0, 0, 0)>
module attributes {stable_mosaic.version = 14 : i64} {
  func.func @_sc_body(%arg0: i32, %arg1: i32, %arg2: memref<10000x64xf32, #tpu.memory_space<hbm>>, %arg3: memref<320000x128xf32, #tpu.memory_space<hbm>>, %arg4: memref<32x80x125xi32, #tpu.memory_space<hbm>>, %arg5: memref<32x80x125xi32, #tpu.memory_space<hbm>>, %arg6: memref<640x64xf32, #tpu.memory_space<hbm>>, %arg7: memref<2x10240x64xf32, #tpu.memory_space<hbm>>, %arg8: memref<125x64xf32, #tpu.memory_space<vmem>>, %arg9: memref<125x64xf32, #tpu.memory_space<vmem>>, %arg10: memref<125x64xf32, #tpu.memory_space<vmem>>, %arg11: memref<125x64xf32, #tpu.memory_space<vmem>>, %arg12: memref<125x64xf32, #tpu.memory_space<vmem>>, %arg13: memref<125x64xf32, #tpu.memory_space<vmem>>, %arg14: memref<125x64xf32, #tpu.memory_space<vmem>>, %arg15: memref<125x64xf32, #tpu.memory_space<vmem>>, %arg16: memref<80x125xi32, #tpu.memory_space<vmem>>, %arg17: memref<80x125xi32, #tpu.memory_space<vmem>>, %arg18: memref<10240x64xf32, #tpu.memory_space<vmem_shared>>, %arg19: memref<!tpu.dma_semaphore, #tpu.memory_space<semaphore_mem>>, %arg20: memref<!tpu.dma_semaphore, #tpu.memory_space<semaphore_mem>>, %arg21: memref<!tpu.dma_semaphore, #tpu.memory_space<semaphore_mem>>, %arg22: memref<!tpu.dma_semaphore, #tpu.memory_space<semaphore_mem>>, %arg23: memref<!tpu.dma_semaphore, #tpu.memory_space<semaphore_mem>>, %arg24: memref<!tpu.dma_semaphore, #tpu.memory_space<semaphore_mem>>, %arg25: memref<!tpu.dma_semaphore, #tpu.memory_space<semaphore_mem>>, %arg26: memref<!tpu.dma_semaphore, #tpu.memory_space<semaphore_mem>>, %arg27: memref<!tpu.dma_semaphore, #tpu.memory_space<semaphore_mem>>, %arg28: memref<!tpu.dma_semaphore, #tpu.memory_space<semaphore_mem>>, %arg29: memref<!tpu.dma_semaphore, #tpu.memory_space<semaphore_mem>>, %arg30: memref<!tpu.dma_semaphore, #tpu.memory_space<semaphore_mem>>) attributes {dimension_semantics = [#tpu.dimension_semantics<core_parallel>, #tpu.dimension_semantics<subcore_parallel>], iteration_bounds = array<i64: 2, 16>, scalar_prefetch = 0 : i64, scratch_operands = 23 : i64, tpu.core_type = #tpu.core_type<sc_vector_subcore>, window_params = [{transform_indices = #map}, {transform_indices = #map}, {transform_indices = #map1}, {transform_indices = #map1}, {transform_indices = #map}, {transform_indices = #map1}]} {
    %mul3A = arith.constant 16 : i32
    %mul3A_0 = arith.muli %arg0, %mul3A : i32
    %add3A = arith.addi %mul3A_0, %arg1 : i32
    %mul3A_1 = arith.constant 640 : i32
    %mul3A_2 = arith.muli %arg1, %mul3A_1 : i32
    "tpu.region"() ({
      %run_scoped3A = tpu.sem_alloc : memref<!tpu.dma_semaphore, #tpu.memory_space<semaphore_mem>>
      %dma_start3A_93 = arith.constant 0 : i32
      %dma_start3A_94 = tpu.memref_slice %arg18[%mul3A_2, %dma_start3A_93] : memref<10240x64xf32, #tpu.memory_space<vmem_shared>> -> memref<640x64xf32, #tpu.memory_space<vmem_shared>>
      tpu.enqueue_dma source(%arg6 : memref<640x64xf32, #tpu.memory_space<hbm>>) target(%dma_start3A_94 : memref<640x64xf32, #tpu.memory_space<vmem_shared>>) target_semaphore(%run_scoped3A : memref<!tpu.dma_semaphore, #tpu.memory_space<semaphore_mem>>)
      %dma_wait3A_95 = arith.constant 0 : i32
      %dma_wait3A_96 = tpu.memref_slice %arg18[%mul3A_2, %dma_wait3A_95] : memref<10240x64xf32, #tpu.memory_space<vmem_shared>> -> memref<640x64xf32, #tpu.memory_space<vmem_shared>>
      tpu.wait_dma2 semaphore(%run_scoped3A : memref<!tpu.dma_semaphore, #tpu.memory_space<semaphore_mem>>) src(%arg6 : memref<640x64xf32, #tpu.memory_space<hbm>>) dst(%dma_wait3A_96 : memref<640x64xf32, #tpu.memory_space<vmem_shared>>)
      tpu.yield
    }) : () -> ()
    %barrier3A = arith.constant 0 : index
    tpu.barrier barrier_id(%barrier3A)
    %mul3A_3 = arith.constant 10000 : i32
    %mul3A_4 = arith.muli %add3A, %mul3A_3 : i32
    "tpu.region"() ({
      %run_scoped3A = tpu.sem_alloc : memref<!tpu.dma_semaphore, #tpu.memory_space<semaphore_mem>>
      %dma_start3A_93 = arith.constant 0 : i32
      %dma_start3A_94 = arith.constant 0 : i32
      %dma_start3A_95 = tpu.memref_slice %arg4[%add3A, %dma_start3A_93, %dma_start3A_94] : memref<32x80x125xi32, #tpu.memory_space<hbm>> -> memref<1x80x125xi32, #tpu.memory_space<hbm>>
      %dma_start3A_96 = tpu.memref_squeeze %dma_start3A_95 : memref<1x80x125xi32, #tpu.memory_space<hbm>> -> memref<80x125xi32, #tpu.memory_space<hbm>>
      %dma_start3A_97 = arith.constant 0 : i32
      %dma_start3A_98 = arith.constant 0 : i32
      %dma_start3A_99 = tpu.memref_slice %arg4[%add3A, %dma_start3A_97, %dma_start3A_98] : memref<32x80x125xi32, #tpu.memory_space<hbm>> -> memref<1x80x125xi32, #tpu.memory_space<hbm>>
      %dma_start3A_100 = tpu.memref_squeeze %dma_start3A_99 : memref<1x80x125xi32, #tpu.memory_space<hbm>> -> memref<80x125xi32, #tpu.memory_space<hbm>>
      tpu.enqueue_dma source(%dma_start3A_100 : memref<80x125xi32, #tpu.memory_space<hbm>>) target(%arg16 : memref<80x125xi32, #tpu.memory_space<vmem>>) target_semaphore(%run_scoped3A : memref<!tpu.dma_semaphore, #tpu.memory_space<semaphore_mem>>)
      %dma_wait3A_101 = arith.constant 0 : i32
      %dma_wait3A_102 = arith.constant 0 : i32
      %dma_wait3A_103 = tpu.memref_slice %arg4[%add3A, %dma_wait3A_101, %dma_wait3A_102] : memref<32x80x125xi32, #tpu.memory_space<hbm>> -> memref<1x80x125xi32, #tpu.memory_space<hbm>>
      %dma_wait3A_104 = tpu.memref_squeeze %dma_wait3A_103 : memref<1x80x125xi32, #tpu.memory_space<hbm>> -> memref<80x125xi32, #tpu.memory_space<hbm>>
      %dma_wait3A_105 = arith.constant 0 : i32
      %dma_wait3A_106 = arith.constant 0 : i32
      %dma_wait3A_107 = tpu.memref_slice %arg4[%add3A, %dma_wait3A_105, %dma_wait3A_106] : memref<32x80x125xi32, #tpu.memory_space<hbm>> -> memref<1x80x125xi32, #tpu.memory_space<hbm>>
      %dma_wait3A_108 = tpu.memref_squeeze %dma_wait3A_107 : memref<1x80x125xi32, #tpu.memory_space<hbm>> -> memref<80x125xi32, #tpu.memory_space<hbm>>
      tpu.wait_dma2 semaphore(%run_scoped3A : memref<!tpu.dma_semaphore, #tpu.memory_space<semaphore_mem>>) src(%dma_wait3A_108 : memref<80x125xi32, #tpu.memory_space<hbm>>) dst(%arg16 : memref<80x125xi32, #tpu.memory_space<vmem>>)
      tpu.yield
    }) : () -> ()
    "tpu.region"() ({
      %run_scoped3A = tpu.sem_alloc : memref<!tpu.dma_semaphore, #tpu.memory_space<semaphore_mem>>
      %dma_start3A_93 = arith.constant 0 : i32
      %dma_start3A_94 = arith.constant 0 : i32
      %dma_start3A_95 = tpu.memref_slice %arg5[%add3A, %dma_start3A_93, %dma_start3A_94] : memref<32x80x125xi32, #tpu.memory_space<hbm>> -> memref<1x80x125xi32, #tpu.memory_space<hbm>>
      %dma_start3A_96 = tpu.memref_squeeze %dma_start3A_95 : memref<1x80x125xi32, #tpu.memory_space<hbm>> -> memref<80x125xi32, #tpu.memory_space<hbm>>
      %dma_start3A_97 = arith.constant 0 : i32
      %dma_start3A_98 = arith.constant 0 : i32
      %dma_start3A_99 = tpu.memref_slice %arg5[%add3A, %dma_start3A_97, %dma_start3A_98] : memref<32x80x125xi32, #tpu.memory_space<hbm>> -> memref<1x80x125xi32, #tpu.memory_space<hbm>>
      %dma_start3A_100 = tpu.memref_squeeze %dma_start3A_99 : memref<1x80x125xi32, #tpu.memory_space<hbm>> -> memref<80x125xi32, #tpu.memory_space<hbm>>
      tpu.enqueue_dma source(%dma_start3A_100 : memref<80x125xi32, #tpu.memory_space<hbm>>) target(%arg17 : memref<80x125xi32, #tpu.memory_space<vmem>>) target_semaphore(%run_scoped3A : memref<!tpu.dma_semaphore, #tpu.memory_space<semaphore_mem>>)
      %dma_wait3A_101 = arith.constant 0 : i32
      %dma_wait3A_102 = arith.constant 0 : i32
      %dma_wait3A_103 = tpu.memref_slice %arg5[%add3A, %dma_wait3A_101, %dma_wait3A_102] : memref<32x80x125xi32, #tpu.memory_space<hbm>> -> memref<1x80x125xi32, #tpu.memory_space<hbm>>
      %dma_wait3A_104 = tpu.memref_squeeze %dma_wait3A_103 : memref<1x80x125xi32, #tpu.memory_space<hbm>> -> memref<80x125xi32, #tpu.memory_space<hbm>>
      %dma_wait3A_105 = arith.constant 0 : i32
      %dma_wait3A_106 = arith.constant 0 : i32
      %dma_wait3A_107 = tpu.memref_slice %arg5[%add3A, %dma_wait3A_105, %dma_wait3A_106] : memref<32x80x125xi32, #tpu.memory_space<hbm>> -> memref<1x80x125xi32, #tpu.memory_space<hbm>>
      %dma_wait3A_108 = tpu.memref_squeeze %dma_wait3A_107 : memref<1x80x125xi32, #tpu.memory_space<hbm>> -> memref<80x125xi32, #tpu.memory_space<hbm>>
      tpu.wait_dma2 semaphore(%run_scoped3A : memref<!tpu.dma_semaphore, #tpu.memory_space<semaphore_mem>>) src(%dma_wait3A_108 : memref<80x125xi32, #tpu.memory_space<hbm>>) dst(%arg17 : memref<80x125xi32, #tpu.memory_space<vmem>>)
      tpu.yield
    }) : () -> ()
    %dma_start3A = arith.constant 0 : i32
    %dma_start3A_5 = arith.constant 0 : i32
    %dma_start3A_6 = tpu.memref_slice %arg16[%dma_start3A, %dma_start3A_5] : memref<80x125xi32, #tpu.memory_space<vmem>> -> memref<1x125xi32, #tpu.memory_space<vmem>>
    %dma_start3A_7 = tpu.memref_squeeze %dma_start3A_6 : memref<1x125xi32, #tpu.memory_space<vmem>> -> memref<125xi32, #tpu.memory_space<vmem>>
    %dma_start3A_8 = arith.constant 0 : i32
    %dma_start3A_9 = arith.constant 0 : i32
    %dma_start3A_10 = tpu.memref_slice %arg2[%dma_start3A_8, %dma_start3A_9] : memref<10000x64xf32, #tpu.memory_space<hbm>> -> memref<10000x64xf32, #tpu.memory_space<hbm>>
    tpu.enqueue_indirect_dma source(%dma_start3A_10 : memref<10000x64xf32, #tpu.memory_space<hbm>>) target(%arg8 : memref<125x64xf32, #tpu.memory_space<vmem>>) offsets(%dma_start3A_7 : memref<125xi32, #tpu.memory_space<vmem>>) semaphore(%arg19 : memref<!tpu.dma_semaphore, #tpu.memory_space<semaphore_mem>>)
    %add3A_11 = arith.constant 0 : i32
    %add3A_12 = arith.addi %mul3A_4, %add3A_11 : i32
    %dma_start3A_13 = arith.constant 64 : i32
    %dma_start3A_14 = tpu.memref_slice %arg3[%add3A_12, %dma_start3A_13] : memref<320000x128xf32, #tpu.memory_space<hbm>> -> memref<125x64xf32, #tpu.memory_space<hbm>>
    %dma_start3A_15 = arith.constant 64 : i32
    %dma_start3A_16 = tpu.memref_slice %arg3[%add3A_12, %dma_start3A_15] : memref<320000x128xf32, #tpu.memory_space<hbm>> -> memref<125x64xf32, #tpu.memory_space<hbm>>
    tpu.enqueue_dma source(%dma_start3A_16 : memref<125x64xf32, #tpu.memory_space<hbm>>) target(%arg12 : memref<125x64xf32, #tpu.memory_space<vmem>>) target_semaphore(%arg23 : memref<!tpu.dma_semaphore, #tpu.memory_space<semaphore_mem>>)
    %dma_start3A_17 = arith.constant 1 : i32
    %dma_start3A_18 = arith.constant 0 : i32
    %dma_start3A_19 = tpu.memref_slice %arg16[%dma_start3A_17, %dma_start3A_18] : memref<80x125xi32, #tpu.memory_space<vmem>> -> memref<1x125xi32, #tpu.memory_space<vmem>>
    %dma_start3A_20 = tpu.memref_squeeze %dma_start3A_19 : memref<1x125xi32, #tpu.memory_space<vmem>> -> memref<125xi32, #tpu.memory_space<vmem>>
    %dma_start3A_21 = arith.constant 0 : i32
    %dma_start3A_22 = arith.constant 0 : i32
    %dma_start3A_23 = tpu.memref_slice %arg2[%dma_start3A_21, %dma_start3A_22] : memref<10000x64xf32, #tpu.memory_space<hbm>> -> memref<10000x64xf32, #tpu.memory_space<hbm>>
    tpu.enqueue_indirect_dma source(%dma_start3A_23 : memref<10000x64xf32, #tpu.memory_space<hbm>>) target(%arg9 : memref<125x64xf32, #tpu.memory_space<vmem>>) offsets(%dma_start3A_20 : memref<125xi32, #tpu.memory_space<vmem>>) semaphore(%arg20 : memref<!tpu.dma_semaphore, #tpu.memory_space<semaphore_mem>>)
    %add3A_24 = arith.constant 125 : i32
    %add3A_25 = arith.addi %mul3A_4, %add3A_24 : i32
    %dma_start3A_26 = arith.constant 64 : i32
    %dma_start3A_27 = tpu.memref_slice %arg3[%add3A_25, %dma_start3A_26] : memref<320000x128xf32, #tpu.memory_space<hbm>> -> memref<125x64xf32, #tpu.memory_space<hbm>>
    %dma_start3A_28 = arith.constant 64 : i32
    %dma_start3A_29 = tpu.memref_slice %arg3[%add3A_25, %dma_start3A_28] : memref<320000x128xf32, #tpu.memory_space<hbm>> -> memref<125x64xf32, #tpu.memory_space<hbm>>
    tpu.enqueue_dma source(%dma_start3A_29 : memref<125x64xf32, #tpu.memory_space<hbm>>) target(%arg13 : memref<125x64xf32, #tpu.memory_space<vmem>>) target_semaphore(%arg24 : memref<!tpu.dma_semaphore, #tpu.memory_space<semaphore_mem>>)
    %dma_start3A_30 = arith.constant 2 : i32
    %dma_start3A_31 = arith.constant 0 : i32
    %dma_start3A_32 = tpu.memref_slice %arg16[%dma_start3A_30, %dma_start3A_31] : memref<80x125xi32, #tpu.memory_space<vmem>> -> memref<1x125xi32, #tpu.memory_space<vmem>>
    %dma_start3A_33 = tpu.memref_squeeze %dma_start3A_32 : memref<1x125xi32, #tpu.memory_space<vmem>> -> memref<125xi32, #tpu.memory_space<vmem>>
    %dma_start3A_34 = arith.constant 0 : i32
    %dma_start3A_35 = arith.constant 0 : i32
    %dma_start3A_36 = tpu.memref_slice %arg2[%dma_start3A_34, %dma_start3A_35] : memref<10000x64xf32, #tpu.memory_space<hbm>> -> memref<10000x64xf32, #tpu.memory_space<hbm>>
    tpu.enqueue_indirect_dma source(%dma_start3A_36 : memref<10000x64xf32, #tpu.memory_space<hbm>>) target(%arg10 : memref<125x64xf32, #tpu.memory_space<vmem>>) offsets(%dma_start3A_33 : memref<125xi32, #tpu.memory_space<vmem>>) semaphore(%arg21 : memref<!tpu.dma_semaphore, #tpu.memory_space<semaphore_mem>>)
    %add3A_37 = arith.constant 250 : i32
    %add3A_38 = arith.addi %mul3A_4, %add3A_37 : i32
    %dma_start3A_39 = arith.constant 64 : i32
    %dma_start3A_40 = tpu.memref_slice %arg3[%add3A_38, %dma_start3A_39] : memref<320000x128xf32, #tpu.memory_space<hbm>> -> memref<125x64xf32, #tpu.memory_space<hbm>>
    %dma_start3A_41 = arith.constant 64 : i32
    %dma_start3A_42 = tpu.memref_slice %arg3[%add3A_38, %dma_start3A_41] : memref<320000x128xf32, #tpu.memory_space<hbm>> -> memref<125x64xf32, #tpu.memory_space<hbm>>
    tpu.enqueue_dma source(%dma_start3A_42 : memref<125x64xf32, #tpu.memory_space<hbm>>) target(%arg14 : memref<125x64xf32, #tpu.memory_space<vmem>>) target_semaphore(%arg25 : memref<!tpu.dma_semaphore, #tpu.memory_space<semaphore_mem>>)
    %dma_start3A_43 = arith.constant 3 : i32
    %dma_start3A_44 = arith.constant 0 : i32
    %dma_start3A_45 = tpu.memref_slice %arg16[%dma_start3A_43, %dma_start3A_44] : memref<80x125xi32, #tpu.memory_space<vmem>> -> memref<1x125xi32, #tpu.memory_space<vmem>>
    %dma_start3A_46 = tpu.memref_squeeze %dma_start3A_45 : memref<1x125xi32, #tpu.memory_space<vmem>> -> memref<125xi32, #tpu.memory_space<vmem>>
    %dma_start3A_47 = arith.constant 0 : i32
    %dma_start3A_48 = arith.constant 0 : i32
    %dma_start3A_49 = tpu.memref_slice %arg2[%dma_start3A_47, %dma_start3A_48] : memref<10000x64xf32, #tpu.memory_space<hbm>> -> memref<10000x64xf32, #tpu.memory_space<hbm>>
    tpu.enqueue_indirect_dma source(%dma_start3A_49 : memref<10000x64xf32, #tpu.memory_space<hbm>>) target(%arg11 : memref<125x64xf32, #tpu.memory_space<vmem>>) offsets(%dma_start3A_46 : memref<125xi32, #tpu.memory_space<vmem>>) semaphore(%arg22 : memref<!tpu.dma_semaphore, #tpu.memory_space<semaphore_mem>>)
    %add3A_50 = arith.constant 375 : i32
    %add3A_51 = arith.addi %mul3A_4, %add3A_50 : i32
    %dma_start3A_52 = arith.constant 64 : i32
    %dma_start3A_53 = tpu.memref_slice %arg3[%add3A_51, %dma_start3A_52] : memref<320000x128xf32, #tpu.memory_space<hbm>> -> memref<125x64xf32, #tpu.memory_space<hbm>>
    %dma_start3A_54 = arith.constant 64 : i32
    %dma_start3A_55 = tpu.memref_slice %arg3[%add3A_51, %dma_start3A_54] : memref<320000x128xf32, #tpu.memory_space<hbm>> -> memref<125x64xf32, #tpu.memory_space<hbm>>
    tpu.enqueue_dma source(%dma_start3A_55 : memref<125x64xf32, #tpu.memory_space<hbm>>) target(%arg15 : memref<125x64xf32, #tpu.memory_space<vmem>>) target_semaphore(%arg26 : memref<!tpu.dma_semaphore, #tpu.memory_space<semaphore_mem>>)
    %scan3A = arith.constant 0 : i32
    %scan3A_56 = arith.constant 0 : i32
    %scan3A_57 = arith.constant 20 : i32
    %scan3A_58 = arith.addi %scan3A_56, %scan3A_57 : i32
    %scan3A_59 = arith.constant 1 : i32
    scf.for %scan3A_93 = %scan3A_56 to %scan3A_58 step %scan3A_59  : i32 {
      %mul3A_94 = arith.constant 4 : i32
      %mul3A_95 = arith.muli %scan3A_93, %mul3A_94 : i32
      %add3A_96 = arith.constant 0 : i32
      %add3A_97 = arith.addi %mul3A_95, %add3A_96 : i32
      %dma_wait3A_98 = arith.constant 0 : i32
      %dma_wait3A_99 = tpu.memref_slice %arg16[%add3A_97, %dma_wait3A_98] : memref<80x125xi32, #tpu.memory_space<vmem>> -> memref<1x125xi32, #tpu.memory_space<vmem>>
      %dma_wait3A_100 = tpu.memref_squeeze %dma_wait3A_99 : memref<1x125xi32, #tpu.memory_space<vmem>> -> memref<125xi32, #tpu.memory_space<vmem>>
      %dma_wait3A_101 = arith.constant 0 : i32
      %dma_wait3A_102 = arith.constant 0 : i32
      %dma_wait3A_103 = tpu.memref_slice %arg2[%dma_wait3A_101, %dma_wait3A_102] : memref<10000x64xf32, #tpu.memory_space<hbm>> -> memref<10000x64xf32, #tpu.memory_space<hbm>>
      tpu.wait_indirect_dma semaphore(%arg19 : memref<!tpu.dma_semaphore, #tpu.memory_space<semaphore_mem>>) src(%dma_wait3A_103 : memref<10000x64xf32, #tpu.memory_space<hbm>>) dst(%arg8 : memref<125x64xf32, #tpu.memory_space<vmem>>)
      %mul3A_104 = arith.constant 125 : i32
      %mul3A_105 = arith.muli %add3A_97, %mul3A_104 : i32
      %add3A_106 = arith.addi %mul3A_4, %mul3A_105 : i32
      %dma_wait3A_107 = arith.constant 64 : i32
      %dma_wait3A_108 = tpu.memref_slice %arg3[%add3A_106, %dma_wait3A_107] : memref<320000x128xf32, #tpu.memory_space<hbm>> -> memref<125x64xf32, #tpu.memory_space<hbm>>
      %dma_wait3A_109 = arith.constant 64 : i32
      %dma_wait3A_110 = tpu.memref_slice %arg3[%add3A_106, %dma_wait3A_109] : memref<320000x128xf32, #tpu.memory_space<hbm>> -> memref<125x64xf32, #tpu.memory_space<hbm>>
      tpu.wait_dma2 semaphore(%arg23 : memref<!tpu.dma_semaphore, #tpu.memory_space<semaphore_mem>>) src(%dma_wait3A_110 : memref<125x64xf32, #tpu.memory_space<hbm>>) dst(%arg12 : memref<125x64xf32, #tpu.memory_space<vmem>>)
      %scan3A_111 = arith.constant 0 : i32
      %scan3A_112 = arith.constant 0 : i32
      %scan3A_113 = arith.constant 125 : i32
      %scan3A_114 = arith.addi %scan3A_112, %scan3A_113 : i32
      %scan3A_115 = arith.constant 1 : i32
      scf.for %scan3A_212 = %scan3A_112 to %scan3A_114 step %scan3A_115  : i32 {
        %get3A = arith.index_cast %scan3A_212 : i32 to index
        %get3A_213 = arith.constant 0 : index
        %get3A_214 = tpu.vector_load %arg8[%get3A, %get3A_213] {strides = array<i32>} : memref<125x64xf32, #tpu.memory_space<vmem>>, vector<1x16xf32>,
        %get3A_215 = vector.shape_cast %get3A_214 : vector<1x16xf32> to vector<16xf32>
        %get3A_216 = arith.index_cast %scan3A_212 : i32 to index
        %get3A_217 = arith.constant 0 : index
        %get3A_218 = tpu.vector_load %arg12[%get3A_216, %get3A_217] {strides = array<i32>} : memref<125x64xf32, #tpu.memory_space<vmem>>, vector<1x16xf32>,
        %get3A_219 = vector.shape_cast %get3A_218 : vector<1x16xf32> to vector<16xf32>
        %add3A_220 = arith.addf %get3A_215, %get3A_219 : vector<16xf32>
        %max3A = arith.constant 0.000000e+00 : f32
        %max3A_221 = vector.broadcast %max3A : f32 to vector<16xf32>
        %max3A_222 = arith.maximumf %add3A_220, %max3A_221 : vector<16xf32>
        %swap3A = arith.index_cast %scan3A_212 : i32 to index
        %swap3A_223 = arith.constant 0 : index
        %swap3A_224 = tpu.vector_load %arg8[%swap3A, %swap3A_223] {strides = array<i32>} : memref<125x64xf32, #tpu.memory_space<vmem>>, vector<1x16xf32>,
        %swap3A_225 = vector.shape_cast %swap3A_224 : vector<1x16xf32> to vector<16xf32>
        %swap3A_226 = vector.shape_cast %max3A_222 : vector<16xf32> to vector<1x16xf32>
        tpu.vector_store %arg8[%swap3A, %swap3A_223], %swap3A_226 {strides = array<i32>} : memref<125x64xf32, #tpu.memory_space<vmem>>, vector<1x16xf32>,
        %get3A_227 = arith.index_cast %scan3A_212 : i32 to index
        %get3A_228 = arith.constant 16 : index
        %get3A_229 = tpu.vector_load %arg8[%get3A_227, %get3A_228] {strides = array<i32>} : memref<125x64xf32, #tpu.memory_space<vmem>>, vector<1x16xf32>,
        %get3A_230 = vector.shape_cast %get3A_229 : vector<1x16xf32> to vector<16xf32>
        %get3A_231 = arith.index_cast %scan3A_212 : i32 to index
        %get3A_232 = arith.constant 16 : index
        %get3A_233 = tpu.vector_load %arg12[%get3A_231, %get3A_232] {strides = array<i32>} : memref<125x64xf32, #tpu.memory_space<vmem>>, vector<1x16xf32>,
        %get3A_234 = vector.shape_cast %get3A_233 : vector<1x16xf32> to vector<16xf32>
        %add3A_235 = arith.addf %get3A_230, %get3A_234 : vector<16xf32>
        %max3A_236 = arith.constant 0.000000e+00 : f32
        %max3A_237 = vector.broadcast %max3A_236 : f32 to vector<16xf32>
        %max3A_238 = arith.maximumf %add3A_235, %max3A_237 : vector<16xf32>
        %swap3A_239 = arith.index_cast %scan3A_212 : i32 to index
        %swap3A_240 = arith.constant 16 : index
        %swap3A_241 = tpu.vector_load %arg8[%swap3A_239, %swap3A_240] {strides = array<i32>} : memref<125x64xf32, #tpu.memory_space<vmem>>, vector<1x16xf32>,
        %swap3A_242 = vector.shape_cast %swap3A_241 : vector<1x16xf32> to vector<16xf32>
        %swap3A_243 = vector.shape_cast %max3A_238 : vector<16xf32> to vector<1x16xf32>
        tpu.vector_store %arg8[%swap3A_239, %swap3A_240], %swap3A_243 {strides = array<i32>} : memref<125x64xf32, #tpu.memory_space<vmem>>, vector<1x16xf32>,
        %get3A_244 = arith.index_cast %scan3A_212 : i32 to index
        %get3A_245 = arith.constant 32 : index
        %get3A_246 = tpu.vector_load %arg8[%get3A_244, %get3A_245] {strides = array<i32>} : memref<125x64xf32, #tpu.memory_space<vmem>>, vector<1x16xf32>,
        %get3A_247 = vector.shape_cast %get3A_246 : vector<1x16xf32> to vector<16xf32>
        %get3A_248 = arith.index_cast %scan3A_212 : i32 to index
        %get3A_249 = arith.constant 32 : index
        %get3A_250 = tpu.vector_load %arg12[%get3A_248, %get3A_249] {strides = array<i32>} : memref<125x64xf32, #tpu.memory_space<vmem>>, vector<1x16xf32>,
        %get3A_251 = vector.shape_cast %get3A_250 : vector<1x16xf32> to vector<16xf32>
        %add3A_252 = arith.addf %get3A_247, %get3A_251 : vector<16xf32>
        %max3A_253 = arith.constant 0.000000e+00 : f32
        %max3A_254 = vector.broadcast %max3A_253 : f32 to vector<16xf32>
        %max3A_255 = arith.maximumf %add3A_252, %max3A_254 : vector<16xf32>
        %swap3A_256 = arith.index_cast %scan3A_212 : i32 to index
        %swap3A_257 = arith.constant 32 : index
        %swap3A_258 = tpu.vector_load %arg8[%swap3A_256, %swap3A_257] {strides = array<i32>} : memref<125x64xf32, #tpu.memory_space<vmem>>, vector<1x16xf32>,
        %swap3A_259 = vector.shape_cast %swap3A_258 : vector<1x16xf32> to vector<16xf32>
        %swap3A_260 = vector.shape_cast %max3A_255 : vector<16xf32> to vector<1x16xf32>
        tpu.vector_store %arg8[%swap3A_256, %swap3A_257], %swap3A_260 {strides = array<i32>} : memref<125x64xf32, #tpu.memory_space<vmem>>, vector<1x16xf32>,
        %get3A_261 = arith.index_cast %scan3A_212 : i32 to index
        %get3A_262 = arith.constant 48 : index
        %get3A_263 = tpu.vector_load %arg8[%get3A_261, %get3A_262] {strides = array<i32>} : memref<125x64xf32, #tpu.memory_space<vmem>>, vector<1x16xf32>,
        %get3A_264 = vector.shape_cast %get3A_263 : vector<1x16xf32> to vector<16xf32>
        %get3A_265 = arith.index_cast %scan3A_212 : i32 to index
        %get3A_266 = arith.constant 48 : index
        %get3A_267 = tpu.vector_load %arg12[%get3A_265, %get3A_266] {strides = array<i32>} : memref<125x64xf32, #tpu.memory_space<vmem>>, vector<1x16xf32>,
        %get3A_268 = vector.shape_cast %get3A_267 : vector<1x16xf32> to vector<16xf32>
        %add3A_269 = arith.addf %get3A_264, %get3A_268 : vector<16xf32>
        %max3A_270 = arith.constant 0.000000e+00 : f32
        %max3A_271 = vector.broadcast %max3A_270 : f32 to vector<16xf32>
        %max3A_272 = arith.maximumf %add3A_269, %max3A_271 : vector<16xf32>
        %swap3A_273 = arith.index_cast %scan3A_212 : i32 to index
        %swap3A_274 = arith.constant 48 : index
        %swap3A_275 = tpu.vector_load %arg8[%swap3A_273, %swap3A_274] {strides = array<i32>} : memref<125x64xf32, #tpu.memory_space<vmem>>, vector<1x16xf32>,
        %swap3A_276 = vector.shape_cast %swap3A_275 : vector<1x16xf32> to vector<16xf32>
        %swap3A_277 = vector.shape_cast %max3A_272 : vector<16xf32> to vector<1x16xf32>
        tpu.vector_store %arg8[%swap3A_273, %swap3A_274], %swap3A_277 {strides = array<i32>} : memref<125x64xf32, #tpu.memory_space<vmem>>, vector<1x16xf32>,
      }
      %scan3A_116 = arith.constant 125 : i32
      %dma_start3A_117 = arith.constant 0 : i32
      %dma_start3A_118 = tpu.memref_slice %arg17[%add3A_97, %dma_start3A_117] : memref<80x125xi32, #tpu.memory_space<vmem>> -> memref<1x125xi32, #tpu.memory_space<vmem>>
      %dma_start3A_119 = tpu.memref_squeeze %dma_start3A_118 : memref<1x125xi32, #tpu.memory_space<vmem>> -> memref<125xi32, #tpu.memory_space<vmem>>
      %dma_start3A_120 = arith.constant 0 : i32
      %dma_start3A_121 = arith.constant 0 : i32
      %dma_start3A_122 = tpu.memref_slice %arg18[%dma_start3A_120, %dma_start3A_121] : memref<10240x64xf32, #tpu.memory_space<vmem_shared>> -> memref<10240x64xf32, #tpu.memory_space<vmem_shared>>
      tpu.enqueue_indirect_dma source(%arg8 : memref<125x64xf32, #tpu.memory_space<vmem>>) target(%dma_start3A_122 : memref<10240x64xf32, #tpu.memory_space<vmem_shared>>) offsets(%dma_start3A_119 : memref<125xi32, #tpu.memory_space<vmem>>) semaphore(%arg27 : memref<!tpu.dma_semaphore, #tpu.memory_space<semaphore_mem>>) {add = true}
      %mul3A_123 = arith.constant 4 : i32
      %mul3A_124 = arith.muli %scan3A_93, %mul3A_123 : i32
      %add3A_125 = arith.constant 1 : i32
      %add3A_126 = arith.addi %mul3A_124, %add3A_125 : i32
      %dma_wait3A_127 = arith.constant 0 : i32
      %dma_wait3A_128 = tpu.memref_slice %arg16[%add3A_126, %dma_wait3A_127] : memref<80x125xi32, #tpu.memory_space<vmem>> -> memref<1x125xi32, #tpu.memory_space<vmem>>
      %dma_wait3A_129 = tpu.memref_squeeze %dma_wait3A_128 : memref<1x125xi32, #tpu.memory_space<vmem>> -> memref<125xi32, #tpu.memory_space<vmem>>
      %dma_wait3A_130 = arith.constant 0 : i32
      %dma_wait3A_131 = arith.constant 0 : i32
      %dma_wait3A_132 = tpu.memref_slice %arg2[%dma_wait3A_130, %dma_wait3A_131] : memref<10000x64xf32, #tpu.memory_space<hbm>> -> memref<10000x64xf32, #tpu.memory_space<hbm>>
      tpu.wait_indirect_dma semaphore(%arg20 : memref<!tpu.dma_semaphore, #tpu.memory_space<semaphore_mem>>) src(%dma_wait3A_132 : memref<10000x64xf32, #tpu.memory_space<hbm>>) dst(%arg9 : memref<125x64xf32, #tpu.memory_space<vmem>>)
      %mul3A_133 = arith.constant 125 : i32
      %mul3A_134 = arith.muli %add3A_126, %mul3A_133 : i32
      %add3A_135 = arith.addi %mul3A_4, %mul3A_134 : i32
      %dma_wait3A_136 = arith.constant 64 : i32
      %dma_wait3A_137 = tpu.memref_slice %arg3[%add3A_135, %dma_wait3A_136] : memref<320000x128xf32, #tpu.memory_space<hbm>> -> memref<125x64xf32, #tpu.memory_space<hbm>>
      %dma_wait3A_138 = arith.constant 64 : i32
      %dma_wait3A_139 = tpu.memref_slice %arg3[%add3A_135, %dma_wait3A_138] : memref<320000x128xf32, #tpu.memory_space<hbm>> -> memref<125x64xf32, #tpu.memory_space<hbm>>
      tpu.wait_dma2 semaphore(%arg24 : memref<!tpu.dma_semaphore, #tpu.memory_space<semaphore_mem>>) src(%dma_wait3A_139 : memref<125x64xf32, #tpu.memory_space<hbm>>) dst(%arg13 : memref<125x64xf32, #tpu.memory_space<vmem>>)
      %scan3A_140 = arith.constant 0 : i32
      %scan3A_141 = arith.constant 0 : i32
      %scan3A_142 = arith.constant 125 : i32
      %scan3A_143 = arith.addi %scan3A_141, %scan3A_142 : i32
      %scan3A_144 = arith.constant 1 : i32
      scf.for %scan3A_212 = %scan3A_141 to %scan3A_143 step %scan3A_144  : i32 {
        %get3A = arith.index_cast %scan3A_212 : i32 to index
        %get3A_213 = arith.constant 0 : index
        %get3A_214 = tpu.vector_load %arg9[%get3A, %get3A_213] {strides = array<i32>} : memref<125x64xf32, #tpu.memory_space<vmem>>, vector<1x16xf32>,
        %get3A_215 = vector.shape_cast %get3A_214 : vector<1x16xf32> to vector<16xf32>
        %get3A_216 = arith.index_cast %scan3A_212 : i32 to index
        %get3A_217 = arith.constant 0 : index
        %get3A_218 = tpu.vector_load %arg13[%get3A_216, %get3A_217] {strides = array<i32>} : memref<125x64xf32, #tpu.memory_space<vmem>>, vector<1x16xf32>,
        %get3A_219 = vector.shape_cast %get3A_218 : vector<1x16xf32> to vector<16xf32>
        %add3A_220 = arith.addf %get3A_215, %get3A_219 : vector<16xf32>
        %max3A = arith.constant 0.000000e+00 : f32
        %max3A_221 = vector.broadcast %max3A : f32 to vector<16xf32>
        %max3A_222 = arith.maximumf %add3A_220, %max3A_221 : vector<16xf32>
        %swap3A = arith.index_cast %scan3A_212 : i32 to index
        %swap3A_223 = arith.constant 0 : index
        %swap3A_224 = tpu.vector_load %arg9[%swap3A, %swap3A_223] {strides = array<i32>} : memref<125x64xf32, #tpu.memory_space<vmem>>, vector<1x16xf32>,
        %swap3A_225 = vector.shape_cast %swap3A_224 : vector<1x16xf32> to vector<16xf32>
        %swap3A_226 = vector.shape_cast %max3A_222 : vector<16xf32> to vector<1x16xf32>
        tpu.vector_store %arg9[%swap3A, %swap3A_223], %swap3A_226 {strides = array<i32>} : memref<125x64xf32, #tpu.memory_space<vmem>>, vector<1x16xf32>,
        %get3A_227 = arith.index_cast %scan3A_212 : i32 to index
        %get3A_228 = arith.constant 16 : index
        %get3A_229 = tpu.vector_load %arg9[%get3A_227, %get3A_228] {strides = array<i32>} : memref<125x64xf32, #tpu.memory_space<vmem>>, vector<1x16xf32>,
        %get3A_230 = vector.shape_cast %get3A_229 : vector<1x16xf32> to vector<16xf32>
        %get3A_231 = arith.index_cast %scan3A_212 : i32 to index
        %get3A_232 = arith.constant 16 : index
        %get3A_233 = tpu.vector_load %arg13[%get3A_231, %get3A_232] {strides = array<i32>} : memref<125x64xf32, #tpu.memory_space<vmem>>, vector<1x16xf32>,
        %get3A_234 = vector.shape_cast %get3A_233 : vector<1x16xf32> to vector<16xf32>
        %add3A_235 = arith.addf %get3A_230, %get3A_234 : vector<16xf32>
        %max3A_236 = arith.constant 0.000000e+00 : f32
        %max3A_237 = vector.broadcast %max3A_236 : f32 to vector<16xf32>
        %max3A_238 = arith.maximumf %add3A_235, %max3A_237 : vector<16xf32>
        %swap3A_239 = arith.index_cast %scan3A_212 : i32 to index
        %swap3A_240 = arith.constant 16 : index
        %swap3A_241 = tpu.vector_load %arg9[%swap3A_239, %swap3A_240] {strides = array<i32>} : memref<125x64xf32, #tpu.memory_space<vmem>>, vector<1x16xf32>,
        %swap3A_242 = vector.shape_cast %swap3A_241 : vector<1x16xf32> to vector<16xf32>
        %swap3A_243 = vector.shape_cast %max3A_238 : vector<16xf32> to vector<1x16xf32>
        tpu.vector_store %arg9[%swap3A_239, %swap3A_240], %swap3A_243 {strides = array<i32>} : memref<125x64xf32, #tpu.memory_space<vmem>>, vector<1x16xf32>,
        %get3A_244 = arith.index_cast %scan3A_212 : i32 to index
        %get3A_245 = arith.constant 32 : index
        %get3A_246 = tpu.vector_load %arg9[%get3A_244, %get3A_245] {strides = array<i32>} : memref<125x64xf32, #tpu.memory_space<vmem>>, vector<1x16xf32>,
        %get3A_247 = vector.shape_cast %get3A_246 : vector<1x16xf32> to vector<16xf32>
        %get3A_248 = arith.index_cast %scan3A_212 : i32 to index
        %get3A_249 = arith.constant 32 : index
        %get3A_250 = tpu.vector_load %arg13[%get3A_248, %get3A_249] {strides = array<i32>} : memref<125x64xf32, #tpu.memory_space<vmem>>, vector<1x16xf32>,
        %get3A_251 = vector.shape_cast %get3A_250 : vector<1x16xf32> to vector<16xf32>
        %add3A_252 = arith.addf %get3A_247, %get3A_251 : vector<16xf32>
        %max3A_253 = arith.constant 0.000000e+00 : f32
        %max3A_254 = vector.broadcast %max3A_253 : f32 to vector<16xf32>
        %max3A_255 = arith.maximumf %add3A_252, %max3A_254 : vector<16xf32>
        %swap3A_256 = arith.index_cast %scan3A_212 : i32 to index
        %swap3A_257 = arith.constant 32 : index
        %swap3A_258 = tpu.vector_load %arg9[%swap3A_256, %swap3A_257] {strides = array<i32>} : memref<125x64xf32, #tpu.memory_space<vmem>>, vector<1x16xf32>,
        %swap3A_259 = vector.shape_cast %swap3A_258 : vector<1x16xf32> to vector<16xf32>
        %swap3A_260 = vector.shape_cast %max3A_255 : vector<16xf32> to vector<1x16xf32>
        tpu.vector_store %arg9[%swap3A_256, %swap3A_257], %swap3A_260 {strides = array<i32>} : memref<125x64xf32, #tpu.memory_space<vmem>>, vector<1x16xf32>,
        %get3A_261 = arith.index_cast %scan3A_212 : i32 to index
        %get3A_262 = arith.constant 48 : index
        %get3A_263 = tpu.vector_load %arg9[%get3A_261, %get3A_262] {strides = array<i32>} : memref<125x64xf32, #tpu.memory_space<vmem>>, vector<1x16xf32>,
        %get3A_264 = vector.shape_cast %get3A_263 : vector<1x16xf32> to vector<16xf32>
        %get3A_265 = arith.index_cast %scan3A_212 : i32 to index
        %get3A_266 = arith.constant 48 : index
        %get3A_267 = tpu.vector_load %arg13[%get3A_265, %get3A_266] {strides = array<i32>} : memref<125x64xf32, #tpu.memory_space<vmem>>, vector<1x16xf32>,
        %get3A_268 = vector.shape_cast %get3A_267 : vector<1x16xf32> to vector<16xf32>
        %add3A_269 = arith.addf %get3A_264, %get3A_268 : vector<16xf32>
        %max3A_270 = arith.constant 0.000000e+00 : f32
        %max3A_271 = vector.broadcast %max3A_270 : f32 to vector<16xf32>
        %max3A_272 = arith.maximumf %add3A_269, %max3A_271 : vector<16xf32>
        %swap3A_273 = arith.index_cast %scan3A_212 : i32 to index
        %swap3A_274 = arith.constant 48 : index
        %swap3A_275 = tpu.vector_load %arg9[%swap3A_273, %swap3A_274] {strides = array<i32>} : memref<125x64xf32, #tpu.memory_space<vmem>>, vector<1x16xf32>,
        %swap3A_276 = vector.shape_cast %swap3A_275 : vector<1x16xf32> to vector<16xf32>
        %swap3A_277 = vector.shape_cast %max3A_272 : vector<16xf32> to vector<1x16xf32>
        tpu.vector_store %arg9[%swap3A_273, %swap3A_274], %swap3A_277 {strides = array<i32>} : memref<125x64xf32, #tpu.memory_space<vmem>>, vector<1x16xf32>,
      }
      %scan3A_145 = arith.constant 125 : i32
      %dma_start3A_146 = arith.constant 0 : i32
      %dma_start3A_147 = tpu.memref_slice %arg17[%add3A_126, %dma_start3A_146] : memref<80x125xi32, #tpu.memory_space<vmem>> -> memref<1x125xi32, #tpu.memory_space<vmem>>
      %dma_start3A_148 = tpu.memref_squeeze %dma_start3A_147 : memref<1x125xi32, #tpu.memory_space<vmem>> -> memref<125xi32, #tpu.memory_space<vmem>>
      %dma_start3A_149 = arith.constant 0 : i32
      %dma_start3A_150 = arith.constant 0 : i32
      %dma_start3A_151 = tpu.memref_slice %arg18[%dma_start3A_149, %dma_start3A_150] : memref<10240x64xf32, #tpu.memory_space<vmem_shared>> -> memref<10240x64xf32, #tpu.memory_space<vmem_shared>>
      tpu.enqueue_indirect_dma source(%arg9 : memref<125x64xf32, #tpu.memory_space<vmem>>) target(%dma_start3A_151 : memref<10240x64xf32, #tpu.memory_space<vmem_shared>>) offsets(%dma_start3A_148 : memref<125xi32, #tpu.memory_space<vmem>>) semaphore(%arg28 : memref<!tpu.dma_semaphore, #tpu.memory_space<semaphore_mem>>) {add = true}
      %mul3A_152 = arith.constant 4 : i32
      %mul3A_153 = arith.muli %scan3A_93, %mul3A_152 : i32
      %add3A_154 = arith.constant 2 : i32
      %add3A_155 = arith.addi %mul3A_153, %add3A_154 : i32
      %dma_wait3A_156 = arith.constant 0 : i32
      %dma_wait3A_157 = tpu.memref_slice %arg16[%add3A_155, %dma_wait3A_156] : memref<80x125xi32, #tpu.memory_space<vmem>> -> memref<1x125xi32, #tpu.memory_space<vmem>>
      %dma_wait3A_158 = tpu.memref_squeeze %dma_wait3A_157 : memref<1x125xi32, #tpu.memory_space<vmem>> -> memref<125xi32, #tpu.memory_space<vmem>>
      %dma_wait3A_159 = arith.constant 0 : i32
      %dma_wait3A_160 = arith.constant 0 : i32
      %dma_wait3A_161 = tpu.memref_slice %arg2[%dma_wait3A_159, %dma_wait3A_160] : memref<10000x64xf32, #tpu.memory_space<hbm>> -> memref<10000x64xf32, #tpu.memory_space<hbm>>
      tpu.wait_indirect_dma semaphore(%arg21 : memref<!tpu.dma_semaphore, #tpu.memory_space<semaphore_mem>>) src(%dma_wait3A_161 : memref<10000x64xf32, #tpu.memory_space<hbm>>) dst(%arg10 : memref<125x64xf32, #tpu.memory_space<vmem>>)
      %mul3A_162 = arith.constant 125 : i32
      %mul3A_163 = arith.muli %add3A_155, %mul3A_162 : i32
      %add3A_164 = arith.addi %mul3A_4, %mul3A_163 : i32
      %dma_wait3A_165 = arith.constant 64 : i32
      %dma_wait3A_166 = tpu.memref_slice %arg3[%add3A_164, %dma_wait3A_165] : memref<320000x128xf32, #tpu.memory_space<hbm>> -> memref<125x64xf32, #tpu.memory_space<hbm>>
      %dma_wait3A_167 = arith.constant 64 : i32
      %dma_wait3A_168 = tpu.memref_slice %arg3[%add3A_164, %dma_wait3A_167] : memref<320000x128xf32, #tpu.memory_space<hbm>> -> memref<125x64xf32, #tpu.memory_space<hbm>>
      tpu.wait_dma2 semaphore(%arg25 : memref<!tpu.dma_semaphore, #tpu.memory_space<semaphore_mem>>) src(%dma_wait3A_168 : memref<125x64xf32, #tpu.memory_space<hbm>>) dst(%arg14 : memref<125x64xf32, #tpu.memory_space<vmem>>)
      %scan3A_169 = arith.constant 0 : i32
      %scan3A_170 = arith.constant 0 : i32
      %scan3A_171 = arith.constant 125 : i32
      %scan3A_172 = arith.addi %scan3A_170, %scan3A_171 : i32
      %scan3A_173 = arith.constant 1 : i32
      scf.for %scan3A_212 = %scan3A_170 to %scan3A_172 step %scan3A_173  : i32 {
        %get3A = arith.index_cast %scan3A_212 : i32 to index
        %get3A_213 = arith.constant 0 : index
        %get3A_214 = tpu.vector_load %arg10[%get3A, %get3A_213] {strides = array<i32>} : memref<125x64xf32, #tpu.memory_space<vmem>>, vector<1x16xf32>,
        %get3A_215 = vector.shape_cast %get3A_214 : vector<1x16xf32> to vector<16xf32>
        %get3A_216 = arith.index_cast %scan3A_212 : i32 to index
        %get3A_217 = arith.constant 0 : index
        %get3A_218 = tpu.vector_load %arg14[%get3A_216, %get3A_217] {strides = array<i32>} : memref<125x64xf32, #tpu.memory_space<vmem>>, vector<1x16xf32>,
        %get3A_219 = vector.shape_cast %get3A_218 : vector<1x16xf32> to vector<16xf32>
        %add3A_220 = arith.addf %get3A_215, %get3A_219 : vector<16xf32>
        %max3A = arith.constant 0.000000e+00 : f32
        %max3A_221 = vector.broadcast %max3A : f32 to vector<16xf32>
        %max3A_222 = arith.maximumf %add3A_220, %max3A_221 : vector<16xf32>
        %swap3A = arith.index_cast %scan3A_212 : i32 to index
        %swap3A_223 = arith.constant 0 : index
        %swap3A_224 = tpu.vector_load %arg10[%swap3A, %swap3A_223] {strides = array<i32>} : memref<125x64xf32, #tpu.memory_space<vmem>>, vector<1x16xf32>,
        %swap3A_225 = vector.shape_cast %swap3A_224 : vector<1x16xf32> to vector<16xf32>
        %swap3A_226 = vector.shape_cast %max3A_222 : vector<16xf32> to vector<1x16xf32>
        tpu.vector_store %arg10[%swap3A, %swap3A_223], %swap3A_226 {strides = array<i32>} : memref<125x64xf32, #tpu.memory_space<vmem>>, vector<1x16xf32>,
        %get3A_227 = arith.index_cast %scan3A_212 : i32 to index
        %get3A_228 = arith.constant 16 : index
        %get3A_229 = tpu.vector_load %arg10[%get3A_227, %get3A_228] {strides = array<i32>} : memref<125x64xf32, #tpu.memory_space<vmem>>, vector<1x16xf32>,
        %get3A_230 = vector.shape_cast %get3A_229 : vector<1x16xf32> to vector<16xf32>
        %get3A_231 = arith.index_cast %scan3A_212 : i32 to index
        %get3A_232 = arith.constant 16 : index
        %get3A_233 = tpu.vector_load %arg14[%get3A_231, %get3A_232] {strides = array<i32>} : memref<125x64xf32, #tpu.memory_space<vmem>>, vector<1x16xf32>,
        %get3A_234 = vector.shape_cast %get3A_233 : vector<1x16xf32> to vector<16xf32>
        %add3A_235 = arith.addf %get3A_230, %get3A_234 : vector<16xf32>
        %max3A_236 = arith.constant 0.000000e+00 : f32
        %max3A_237 = vector.broadcast %max3A_236 : f32 to vector<16xf32>
        %max3A_238 = arith.maximumf %add3A_235, %max3A_237 : vector<16xf32>
        %swap3A_239 = arith.index_cast %scan3A_212 : i32 to index
        %swap3A_240 = arith.constant 16 : index
        %swap3A_241 = tpu.vector_load %arg10[%swap3A_239, %swap3A_240] {strides = array<i32>} : memref<125x64xf32, #tpu.memory_space<vmem>>, vector<1x16xf32>,
        %swap3A_242 = vector.shape_cast %swap3A_241 : vector<1x16xf32> to vector<16xf32>
        %swap3A_243 = vector.shape_cast %max3A_238 : vector<16xf32> to vector<1x16xf32>
        tpu.vector_store %arg10[%swap3A_239, %swap3A_240], %swap3A_243 {strides = array<i32>} : memref<125x64xf32, #tpu.memory_space<vmem>>, vector<1x16xf32>,
        %get3A_244 = arith.index_cast %scan3A_212 : i32 to index
        %get3A_245 = arith.constant 32 : index
        %get3A_246 = tpu.vector_load %arg10[%get3A_244, %get3A_245] {strides = array<i32>} : memref<125x64xf32, #tpu.memory_space<vmem>>, vector<1x16xf32>,
        %get3A_247 = vector.shape_cast %get3A_246 : vector<1x16xf32> to vector<16xf32>
        %get3A_248 = arith.index_cast %scan3A_212 : i32 to index
        %get3A_249 = arith.constant 32 : index
        %get3A_250 = tpu.vector_load %arg14[%get3A_248, %get3A_249] {strides = array<i32>} : memref<125x64xf32, #tpu.memory_space<vmem>>, vector<1x16xf32>,
        %get3A_251 = vector.shape_cast %get3A_250 : vector<1x16xf32> to vector<16xf32>
        %add3A_252 = arith.addf %get3A_247, %get3A_251 : vector<16xf32>
        %max3A_253 = arith.constant 0.000000e+00 : f32
        %max3A_254 = vector.broadcast %max3A_253 : f32 to vector<16xf32>
        %max3A_255 = arith.maximumf %add3A_252, %max3A_254 : vector<16xf32>
        %swap3A_256 = arith.index_cast %scan3A_212 : i32 to index
        %swap3A_257 = arith.constant 32 : index
        %swap3A_258 = tpu.vector_load %arg10[%swap3A_256, %swap3A_257] {strides = array<i32>} : memref<125x64xf32, #tpu.memory_space<vmem>>, vector<1x16xf32>,
        %swap3A_259 = vector.shape_cast %swap3A_258 : vector<1x16xf32> to vector<16xf32>
        %swap3A_260 = vector.shape_cast %max3A_255 : vector<16xf32> to vector<1x16xf32>
        tpu.vector_store %arg10[%swap3A_256, %swap3A_257], %swap3A_260 {strides = array<i32>} : memref<125x64xf32, #tpu.memory_space<vmem>>, vector<1x16xf32>,
        %get3A_261 = arith.index_cast %scan3A_212 : i32 to index
        %get3A_262 = arith.constant 48 : index
        %get3A_263 = tpu.vector_load %arg10[%get3A_261, %get3A_262] {strides = array<i32>} : memref<125x64xf32, #tpu.memory_space<vmem>>, vector<1x16xf32>,
        %get3A_264 = vector.shape_cast %get3A_263 : vector<1x16xf32> to vector<16xf32>
        %get3A_265 = arith.index_cast %scan3A_212 : i32 to index
        %get3A_266 = arith.constant 48 : index
        %get3A_267 = tpu.vector_load %arg14[%get3A_265, %get3A_266] {strides = array<i32>} : memref<125x64xf32, #tpu.memory_space<vmem>>, vector<1x16xf32>,
        %get3A_268 = vector.shape_cast %get3A_267 : vector<1x16xf32> to vector<16xf32>
        %add3A_269 = arith.addf %get3A_264, %get3A_268 : vector<16xf32>
        %max3A_270 = arith.constant 0.000000e+00 : f32
        %max3A_271 = vector.broadcast %max3A_270 : f32 to vector<16xf32>
        %max3A_272 = arith.maximumf %add3A_269, %max3A_271 : vector<16xf32>
        %swap3A_273 = arith.index_cast %scan3A_212 : i32 to index
        %swap3A_274 = arith.constant 48 : index
        %swap3A_275 = tpu.vector_load %arg10[%swap3A_273, %swap3A_274] {strides = array<i32>} : memref<125x64xf32, #tpu.memory_space<vmem>>, vector<1x16xf32>,
        %swap3A_276 = vector.shape_cast %swap3A_275 : vector<1x16xf32> to vector<16xf32>
        %swap3A_277 = vector.shape_cast %max3A_272 : vector<16xf32> to vector<1x16xf32>
        tpu.vector_store %arg10[%swap3A_273, %swap3A_274], %swap3A_277 {strides = array<i32>} : memref<125x64xf32, #tpu.memory_space<vmem>>, vector<1x16xf32>,
      }
      %scan3A_174 = arith.constant 125 : i32
      %dma_start3A_175 = arith.constant 0 : i32
      %dma_start3A_176 = tpu.memref_slice %arg17[%add3A_155, %dma_start3A_175] : memref<80x125xi32, #tpu.memory_space<vmem>> -> memref<1x125xi32, #tpu.memory_space<vmem>>
      %dma_start3A_177 = tpu.memref_squeeze %dma_start3A_176 : memref<1x125xi32, #tpu.memory_space<vmem>> -> memref<125xi32, #tpu.memory_space<vmem>>
      %dma_start3A_178 = arith.constant 0 : i32
      %dma_start3A_179 = arith.constant 0 : i32
      %dma_start3A_180 = tpu.memref_slice %arg18[%dma_start3A_178, %dma_start3A_179] : memref<10240x64xf32, #tpu.memory_space<vmem_shared>> -> memref<10240x64xf32, #tpu.memory_space<vmem_shared>>
      tpu.enqueue_indirect_dma source(%arg10 : memref<125x64xf32, #tpu.memory_space<vmem>>) target(%dma_start3A_180 : memref<10240x64xf32, #tpu.memory_space<vmem_shared>>) offsets(%dma_start3A_177 : memref<125xi32, #tpu.memory_space<vmem>>) semaphore(%arg29 : memref<!tpu.dma_semaphore, #tpu.memory_space<semaphore_mem>>) {add = true}
      %mul3A_181 = arith.constant 4 : i32
      %mul3A_182 = arith.muli %scan3A_93, %mul3A_181 : i32
      %add3A_183 = arith.constant 3 : i32
      %add3A_184 = arith.addi %mul3A_182, %add3A_183 : i32
      %dma_wait3A_185 = arith.constant 0 : i32
      %dma_wait3A_186 = tpu.memref_slice %arg16[%add3A_184, %dma_wait3A_185] : memref<80x125xi32, #tpu.memory_space<vmem>> -> memref<1x125xi32, #tpu.memory_space<vmem>>
      %dma_wait3A_187 = tpu.memref_squeeze %dma_wait3A_186 : memref<1x125xi32, #tpu.memory_space<vmem>> -> memref<125xi32, #tpu.memory_space<vmem>>
      %dma_wait3A_188 = arith.constant 0 : i32
      %dma_wait3A_189 = arith.constant 0 : i32
      %dma_wait3A_190 = tpu.memref_slice %arg2[%dma_wait3A_188, %dma_wait3A_189] : memref<10000x64xf32, #tpu.memory_space<hbm>> -> memref<10000x64xf32, #tpu.memory_space<hbm>>
      tpu.wait_indirect_dma semaphore(%arg22 : memref<!tpu.dma_semaphore, #tpu.memory_space<semaphore_mem>>) src(%dma_wait3A_190 : memref<10000x64xf32, #tpu.memory_space<hbm>>) dst(%arg11 : memref<125x64xf32, #tpu.memory_space<vmem>>)
      %mul3A_191 = arith.constant 125 : i32
      %mul3A_192 = arith.muli %add3A_184, %mul3A_191 : i32
      %add3A_193 = arith.addi %mul3A_4, %mul3A_192 : i32
      %dma_wait3A_194 = arith.constant 64 : i32
      %dma_wait3A_195 = tpu.memref_slice %arg3[%add3A_193, %dma_wait3A_194] : memref<320000x128xf32, #tpu.memory_space<hbm>> -> memref<125x64xf32, #tpu.memory_space<hbm>>
      %dma_wait3A_196 = arith.constant 64 : i32
      %dma_wait3A_197 = tpu.memref_slice %arg3[%add3A_193, %dma_wait3A_196] : memref<320000x128xf32, #tpu.memory_space<hbm>> -> memref<125x64xf32, #tpu.memory_space<hbm>>
      tpu.wait_dma2 semaphore(%arg26 : memref<!tpu.dma_semaphore, #tpu.memory_space<semaphore_mem>>) src(%dma_wait3A_197 : memref<125x64xf32, #tpu.memory_space<hbm>>) dst(%arg15 : memref<125x64xf32, #tpu.memory_space<vmem>>)
      %scan3A_198 = arith.constant 0 : i32
      %scan3A_199 = arith.constant 0 : i32
      %scan3A_200 = arith.constant 125 : i32
      %scan3A_201 = arith.addi %scan3A_199, %scan3A_200 : i32
      %scan3A_202 = arith.constant 1 : i32
      scf.for %scan3A_212 = %scan3A_199 to %scan3A_201 step %scan3A_202  : i32 {
        %get3A = arith.index_cast %scan3A_212 : i32 to index
        %get3A_213 = arith.constant 0 : index
        %get3A_214 = tpu.vector_load %arg11[%get3A, %get3A_213] {strides = array<i32>} : memref<125x64xf32, #tpu.memory_space<vmem>>, vector<1x16xf32>,
        %get3A_215 = vector.shape_cast %get3A_214 : vector<1x16xf32> to vector<16xf32>
        %get3A_216 = arith.index_cast %scan3A_212 : i32 to index
        %get3A_217 = arith.constant 0 : index
        %get3A_218 = tpu.vector_load %arg15[%get3A_216, %get3A_217] {strides = array<i32>} : memref<125x64xf32, #tpu.memory_space<vmem>>, vector<1x16xf32>,
        %get3A_219 = vector.shape_cast %get3A_218 : vector<1x16xf32> to vector<16xf32>
        %add3A_220 = arith.addf %get3A_215, %get3A_219 : vector<16xf32>
        %max3A = arith.constant 0.000000e+00 : f32
        %max3A_221 = vector.broadcast %max3A : f32 to vector<16xf32>
        %max3A_222 = arith.maximumf %add3A_220, %max3A_221 : vector<16xf32>
        %swap3A = arith.index_cast %scan3A_212 : i32 to index
        %swap3A_223 = arith.constant 0 : index
        %swap3A_224 = tpu.vector_load %arg11[%swap3A, %swap3A_223] {strides = array<i32>} : memref<125x64xf32, #tpu.memory_space<vmem>>, vector<1x16xf32>,
        %swap3A_225 = vector.shape_cast %swap3A_224 : vector<1x16xf32> to vector<16xf32>
        %swap3A_226 = vector.shape_cast %max3A_222 : vector<16xf32> to vector<1x16xf32>
        tpu.vector_store %arg11[%swap3A, %swap3A_223], %swap3A_226 {strides = array<i32>} : memref<125x64xf32, #tpu.memory_space<vmem>>, vector<1x16xf32>,
        %get3A_227 = arith.index_cast %scan3A_212 : i32 to index
        %get3A_228 = arith.constant 16 : index
        %get3A_229 = tpu.vector_load %arg11[%get3A_227, %get3A_228] {strides = array<i32>} : memref<125x64xf32, #tpu.memory_space<vmem>>, vector<1x16xf32>,
        %get3A_230 = vector.shape_cast %get3A_229 : vector<1x16xf32> to vector<16xf32>
        %get3A_231 = arith.index_cast %scan3A_212 : i32 to index
        %get3A_232 = arith.constant 16 : index
        %get3A_233 = tpu.vector_load %arg15[%get3A_231, %get3A_232] {strides = array<i32>} : memref<125x64xf32, #tpu.memory_space<vmem>>, vector<1x16xf32>,
        %get3A_234 = vector.shape_cast %get3A_233 : vector<1x16xf32> to vector<16xf32>
        %add3A_235 = arith.addf %get3A_230, %get3A_234 : vector<16xf32>
        %max3A_236 = arith.constant 0.000000e+00 : f32
        %max3A_237 = vector.broadcast %max3A_236 : f32 to vector<16xf32>
        %max3A_238 = arith.maximumf %add3A_235, %max3A_237 : vector<16xf32>
        %swap3A_239 = arith.index_cast %scan3A_212 : i32 to index
        %swap3A_240 = arith.constant 16 : index
        %swap3A_241 = tpu.vector_load %arg11[%swap3A_239, %swap3A_240] {strides = array<i32>} : memref<125x64xf32, #tpu.memory_space<vmem>>, vector<1x16xf32>,
        %swap3A_242 = vector.shape_cast %swap3A_241 : vector<1x16xf32> to vector<16xf32>
        %swap3A_243 = vector.shape_cast %max3A_238 : vector<16xf32> to vector<1x16xf32>
        tpu.vector_store %arg11[%swap3A_239, %swap3A_240], %swap3A_243 {strides = array<i32>} : memref<125x64xf32, #tpu.memory_space<vmem>>, vector<1x16xf32>,
        %get3A_244 = arith.index_cast %scan3A_212 : i32 to index
        %get3A_245 = arith.constant 32 : index
        %get3A_246 = tpu.vector_load %arg11[%get3A_244, %get3A_245] {strides = array<i32>} : memref<125x64xf32, #tpu.memory_space<vmem>>, vector<1x16xf32>,
        %get3A_247 = vector.shape_cast %get3A_246 : vector<1x16xf32> to vector<16xf32>
        %get3A_248 = arith.index_cast %scan3A_212 : i32 to index
        %get3A_249 = arith.constant 32 : index
        %get3A_250 = tpu.vector_load %arg15[%get3A_248, %get3A_249] {strides = array<i32>} : memref<125x64xf32, #tpu.memory_space<vmem>>, vector<1x16xf32>,
        %get3A_251 = vector.shape_cast %get3A_250 : vector<1x16xf32> to vector<16xf32>
        %add3A_252 = arith.addf %get3A_247, %get3A_251 : vector<16xf32>
        %max3A_253 = arith.constant 0.000000e+00 : f32
        %max3A_254 = vector.broadcast %max3A_253 : f32 to vector<16xf32>
        %max3A_255 = arith.maximumf %add3A_252, %max3A_254 : vector<16xf32>
        %swap3A_256 = arith.index_cast %scan3A_212 : i32 to index
        %swap3A_257 = arith.constant 32 : index
        %swap3A_258 = tpu.vector_load %arg11[%swap3A_256, %swap3A_257] {strides = array<i32>} : memref<125x64xf32, #tpu.memory_space<vmem>>, vector<1x16xf32>,
        %swap3A_259 = vector.shape_cast %swap3A_258 : vector<1x16xf32> to vector<16xf32>
        %swap3A_260 = vector.shape_cast %max3A_255 : vector<16xf32> to vector<1x16xf32>
        tpu.vector_store %arg11[%swap3A_256, %swap3A_257], %swap3A_260 {strides = array<i32>} : memref<125x64xf32, #tpu.memory_space<vmem>>, vector<1x16xf32>,
        %get3A_261 = arith.index_cast %scan3A_212 : i32 to index
        %get3A_262 = arith.constant 48 : index
        %get3A_263 = tpu.vector_load %arg11[%get3A_261, %get3A_262] {strides = array<i32>} : memref<125x64xf32, #tpu.memory_space<vmem>>, vector<1x16xf32>,
        %get3A_264 = vector.shape_cast %get3A_263 : vector<1x16xf32> to vector<16xf32>
        %get3A_265 = arith.index_cast %scan3A_212 : i32 to index
        %get3A_266 = arith.constant 48 : index
        %get3A_267 = tpu.vector_load %arg15[%get3A_265, %get3A_266] {strides = array<i32>} : memref<125x64xf32, #tpu.memory_space<vmem>>, vector<1x16xf32>,
        %get3A_268 = vector.shape_cast %get3A_267 : vector<1x16xf32> to vector<16xf32>
        %add3A_269 = arith.addf %get3A_264, %get3A_268 : vector<16xf32>
        %max3A_270 = arith.constant 0.000000e+00 : f32
        %max3A_271 = vector.broadcast %max3A_270 : f32 to vector<16xf32>
        %max3A_272 = arith.maximumf %add3A_269, %max3A_271 : vector<16xf32>
        %swap3A_273 = arith.index_cast %scan3A_212 : i32 to index
        %swap3A_274 = arith.constant 48 : index
        %swap3A_275 = tpu.vector_load %arg11[%swap3A_273, %swap3A_274] {strides = array<i32>} : memref<125x64xf32, #tpu.memory_space<vmem>>, vector<1x16xf32>,
        %swap3A_276 = vector.shape_cast %swap3A_275 : vector<1x16xf32> to vector<16xf32>
        %swap3A_277 = vector.shape_cast %max3A_272 : vector<16xf32> to vector<1x16xf32>
        tpu.vector_store %arg11[%swap3A_273, %swap3A_274], %swap3A_277 {strides = array<i32>} : memref<125x64xf32, #tpu.memory_space<vmem>>, vector<1x16xf32>,
      }
      %scan3A_203 = arith.constant 125 : i32
      %dma_start3A_204 = arith.constant 0 : i32
      %dma_start3A_205 = tpu.memref_slice %arg17[%add3A_184, %dma_start3A_204] : memref<80x125xi32, #tpu.memory_space<vmem>> -> memref<1x125xi32, #tpu.memory_space<vmem>>
      %dma_start3A_206 = tpu.memref_squeeze %dma_start3A_205 : memref<1x125xi32, #tpu.memory_space<vmem>> -> memref<125xi32, #tpu.memory_space<vmem>>
      %dma_start3A_207 = arith.constant 0 : i32
      %dma_start3A_208 = arith.constant 0 : i32
      %dma_start3A_209 = tpu.memref_slice %arg18[%dma_start3A_207, %dma_start3A_208] : memref<10240x64xf32, #tpu.memory_space<vmem_shared>> -> memref<10240x64xf32, #tpu.memory_space<vmem_shared>>
      tpu.enqueue_indirect_dma source(%arg11 : memref<125x64xf32, #tpu.memory_space<vmem>>) target(%dma_start3A_209 : memref<10240x64xf32, #tpu.memory_space<vmem_shared>>) offsets(%dma_start3A_206 : memref<125xi32, #tpu.memory_space<vmem>>) semaphore(%arg30 : memref<!tpu.dma_semaphore, #tpu.memory_space<semaphore_mem>>) {add = true}
      %lt3A = arith.constant 19 : i32
      %lt3A_210 = arith.cmpi slt, %scan3A_93, %lt3A : i32
      %convert_element_type3A = arith.extui %lt3A_210 : i1 to i32
      %cond3A = arith.constant 0 : i32
      %cond3A_211 = arith.cmpi ne, %convert_element_type3A, %cond3A : i32
      scf.if %cond3A_211 {
        %mul3A_212 = arith.constant 4 : i32
        %mul3A_213 = arith.muli %scan3A_93, %mul3A_212 : i32
        %add3A_214 = arith.constant 0 : i32
        %add3A_215 = arith.addi %mul3A_213, %add3A_214 : i32
        %dma_wait3A_216 = arith.constant 0 : i32
        %dma_wait3A_217 = tpu.memref_slice %arg17[%add3A_215, %dma_wait3A_216] : memref<80x125xi32, #tpu.memory_space<vmem>> -> memref<1x125xi32, #tpu.memory_space<vmem>>
        %dma_wait3A_218 = tpu.memref_squeeze %dma_wait3A_217 : memref<1x125xi32, #tpu.memory_space<vmem>> -> memref<125xi32, #tpu.memory_space<vmem>>
        %dma_wait3A_219 = arith.constant 0 : i32
        %dma_wait3A_220 = arith.constant 0 : i32
        %dma_wait3A_221 = tpu.memref_slice %arg18[%dma_wait3A_219, %dma_wait3A_220] : memref<10240x64xf32, #tpu.memory_space<vmem_shared>> -> memref<10240x64xf32, #tpu.memory_space<vmem_shared>>
        tpu.wait_indirect_dma semaphore(%arg27 : memref<!tpu.dma_semaphore, #tpu.memory_space<semaphore_mem>>) src(%arg8 : memref<125x64xf32, #tpu.memory_space<vmem>>) dst(%dma_wait3A_221 : memref<10240x64xf32, #tpu.memory_space<vmem_shared>>)
        %add3A_222 = arith.constant 1 : i32
        %add3A_223 = arith.addi %scan3A_93, %add3A_222 : i32
        %mul3A_224 = arith.constant 4 : i32
        %mul3A_225 = arith.muli %add3A_223, %mul3A_224 : i32
        %add3A_226 = arith.constant 0 : i32
        %add3A_227 = arith.addi %mul3A_225, %add3A_226 : i32
        %dma_start3A_228 = arith.constant 0 : i32
        %dma_start3A_229 = tpu.memref_slice %arg16[%add3A_227, %dma_start3A_228] : memref<80x125xi32, #tpu.memory_space<vmem>> -> memref<1x125xi32, #tpu.memory_space<vmem>>
        %dma_start3A_230 = tpu.memref_squeeze %dma_start3A_229 : memref<1x125xi32, #tpu.memory_space<vmem>> -> memref<125xi32, #tpu.memory_space<vmem>>
        %dma_start3A_231 = arith.constant 0 : i32
        %dma_start3A_232 = arith.constant 0 : i32
        %dma_start3A_233 = tpu.memref_slice %arg2[%dma_start3A_231, %dma_start3A_232] : memref<10000x64xf32, #tpu.memory_space<hbm>> -> memref<10000x64xf32, #tpu.memory_space<hbm>>
        tpu.enqueue_indirect_dma source(%dma_start3A_233 : memref<10000x64xf32, #tpu.memory_space<hbm>>) target(%arg8 : memref<125x64xf32, #tpu.memory_space<vmem>>) offsets(%dma_start3A_230 : memref<125xi32, #tpu.memory_space<vmem>>) semaphore(%arg19 : memref<!tpu.dma_semaphore, #tpu.memory_space<semaphore_mem>>)
        %mul3A_234 = arith.constant 125 : i32
        %mul3A_235 = arith.muli %add3A_227, %mul3A_234 : i32
        %add3A_236 = arith.addi %mul3A_4, %mul3A_235 : i32
        %dma_start3A_237 = arith.constant 64 : i32
        %dma_start3A_238 = tpu.memref_slice %arg3[%add3A_236, %dma_start3A_237] : memref<320000x128xf32, #tpu.memory_space<hbm>> -> memref<125x64xf32, #tpu.memory_space<hbm>>
        %dma_start3A_239 = arith.constant 64 : i32
        %dma_start3A_240 = tpu.memref_slice %arg3[%add3A_236, %dma_start3A_239] : memref<320000x128xf32, #tpu.memory_space<hbm>> -> memref<125x64xf32, #tpu.memory_space<hbm>>
        tpu.enqueue_dma source(%dma_start3A_240 : memref<125x64xf32, #tpu.memory_space<hbm>>) target(%arg12 : memref<125x64xf32, #tpu.memory_space<vmem>>) target_semaphore(%arg23 : memref<!tpu.dma_semaphore, #tpu.memory_space<semaphore_mem>>)
        %mul3A_241 = arith.constant 4 : i32
        %mul3A_242 = arith.muli %scan3A_93, %mul3A_241 : i32
        %add3A_243 = arith.constant 1 : i32
        %add3A_244 = arith.addi %mul3A_242, %add3A_243 : i32
        %dma_wait3A_245 = arith.constant 0 : i32
        %dma_wait3A_246 = tpu.memref_slice %arg17[%add3A_244, %dma_wait3A_245] : memref<80x125xi32, #tpu.memory_space<vmem>> -> memref<1x125xi32, #tpu.memory_space<vmem>>
        %dma_wait3A_247 = tpu.memref_squeeze %dma_wait3A_246 : memref<1x125xi32, #tpu.memory_space<vmem>> -> memref<125xi32, #tpu.memory_space<vmem>>
        %dma_wait3A_248 = arith.constant 0 : i32
        %dma_wait3A_249 = arith.constant 0 : i32
        %dma_wait3A_250 = tpu.memref_slice %arg18[%dma_wait3A_248, %dma_wait3A_249] : memref<10240x64xf32, #tpu.memory_space<vmem_shared>> -> memref<10240x64xf32, #tpu.memory_space<vmem_shared>>
        tpu.wait_indirect_dma semaphore(%arg28 : memref<!tpu.dma_semaphore, #tpu.memory_space<semaphore_mem>>) src(%arg9 : memref<125x64xf32, #tpu.memory_space<vmem>>) dst(%dma_wait3A_250 : memref<10240x64xf32, #tpu.memory_space<vmem_shared>>)
        %add3A_251 = arith.constant 1 : i32
        %add3A_252 = arith.addi %scan3A_93, %add3A_251 : i32
        %mul3A_253 = arith.constant 4 : i32
        %mul3A_254 = arith.muli %add3A_252, %mul3A_253 : i32
        %add3A_255 = arith.constant 1 : i32
        %add3A_256 = arith.addi %mul3A_254, %add3A_255 : i32
        %dma_start3A_257 = arith.constant 0 : i32
        %dma_start3A_258 = tpu.memref_slice %arg16[%add3A_256, %dma_start3A_257] : memref<80x125xi32, #tpu.memory_space<vmem>> -> memref<1x125xi32, #tpu.memory_space<vmem>>
        %dma_start3A_259 = tpu.memref_squeeze %dma_start3A_258 : memref<1x125xi32, #tpu.memory_space<vmem>> -> memref<125xi32, #tpu.memory_space<vmem>>
        %dma_start3A_260 = arith.constant 0 : i32
        %dma_start3A_261 = arith.constant 0 : i32
        %dma_start3A_262 = tpu.memref_slice %arg2[%dma_start3A_260, %dma_start3A_261] : memref<10000x64xf32, #tpu.memory_space<hbm>> -> memref<10000x64xf32, #tpu.memory_space<hbm>>
        tpu.enqueue_indirect_dma source(%dma_start3A_262 : memref<10000x64xf32, #tpu.memory_space<hbm>>) target(%arg9 : memref<125x64xf32, #tpu.memory_space<vmem>>) offsets(%dma_start3A_259 : memref<125xi32, #tpu.memory_space<vmem>>) semaphore(%arg20 : memref<!tpu.dma_semaphore, #tpu.memory_space<semaphore_mem>>)
        %mul3A_263 = arith.constant 125 : i32
        %mul3A_264 = arith.muli %add3A_256, %mul3A_263 : i32
        %add3A_265 = arith.addi %mul3A_4, %mul3A_264 : i32
        %dma_start3A_266 = arith.constant 64 : i32
        %dma_start3A_267 = tpu.memref_slice %arg3[%add3A_265, %dma_start3A_266] : memref<320000x128xf32, #tpu.memory_space<hbm>> -> memref<125x64xf32, #tpu.memory_space<hbm>>
        %dma_start3A_268 = arith.constant 64 : i32
        %dma_start3A_269 = tpu.memref_slice %arg3[%add3A_265, %dma_start3A_268] : memref<320000x128xf32, #tpu.memory_space<hbm>> -> memref<125x64xf32, #tpu.memory_space<hbm>>
        tpu.enqueue_dma source(%dma_start3A_269 : memref<125x64xf32, #tpu.memory_space<hbm>>) target(%arg13 : memref<125x64xf32, #tpu.memory_space<vmem>>) target_semaphore(%arg24 : memref<!tpu.dma_semaphore, #tpu.memory_space<semaphore_mem>>)
        %mul3A_270 = arith.constant 4 : i32
        %mul3A_271 = arith.muli %scan3A_93, %mul3A_270 : i32
        %add3A_272 = arith.constant 2 : i32
        %add3A_273 = arith.addi %mul3A_271, %add3A_272 : i32
        %dma_wait3A_274 = arith.constant 0 : i32
        %dma_wait3A_275 = tpu.memref_slice %arg17[%add3A_273, %dma_wait3A_274] : memref<80x125xi32, #tpu.memory_space<vmem>> -> memref<1x125xi32, #tpu.memory_space<vmem>>
        %dma_wait3A_276 = tpu.memref_squeeze %dma_wait3A_275 : memref<1x125xi32, #tpu.memory_space<vmem>> -> memref<125xi32, #tpu.memory_space<vmem>>
        %dma_wait3A_277 = arith.constant 0 : i32
        %dma_wait3A_278 = arith.constant 0 : i32
        %dma_wait3A_279 = tpu.memref_slice %arg18[%dma_wait3A_277, %dma_wait3A_278] : memref<10240x64xf32, #tpu.memory_space<vmem_shared>> -> memref<10240x64xf32, #tpu.memory_space<vmem_shared>>
        tpu.wait_indirect_dma semaphore(%arg29 : memref<!tpu.dma_semaphore, #tpu.memory_space<semaphore_mem>>) src(%arg10 : memref<125x64xf32, #tpu.memory_space<vmem>>) dst(%dma_wait3A_279 : memref<10240x64xf32, #tpu.memory_space<vmem_shared>>)
        %add3A_280 = arith.constant 1 : i32
        %add3A_281 = arith.addi %scan3A_93, %add3A_280 : i32
        %mul3A_282 = arith.constant 4 : i32
        %mul3A_283 = arith.muli %add3A_281, %mul3A_282 : i32
        %add3A_284 = arith.constant 2 : i32
        %add3A_285 = arith.addi %mul3A_283, %add3A_284 : i32
        %dma_start3A_286 = arith.constant 0 : i32
        %dma_start3A_287 = tpu.memref_slice %arg16[%add3A_285, %dma_start3A_286] : memref<80x125xi32, #tpu.memory_space<vmem>> -> memref<1x125xi32, #tpu.memory_space<vmem>>
        %dma_start3A_288 = tpu.memref_squeeze %dma_start3A_287 : memref<1x125xi32, #tpu.memory_space<vmem>> -> memref<125xi32, #tpu.memory_space<vmem>>
        %dma_start3A_289 = arith.constant 0 : i32
        %dma_start3A_290 = arith.constant 0 : i32
        %dma_start3A_291 = tpu.memref_slice %arg2[%dma_start3A_289, %dma_start3A_290] : memref<10000x64xf32, #tpu.memory_space<hbm>> -> memref<10000x64xf32, #tpu.memory_space<hbm>>
        tpu.enqueue_indirect_dma source(%dma_start3A_291 : memref<10000x64xf32, #tpu.memory_space<hbm>>) target(%arg10 : memref<125x64xf32, #tpu.memory_space<vmem>>) offsets(%dma_start3A_288 : memref<125xi32, #tpu.memory_space<vmem>>) semaphore(%arg21 : memref<!tpu.dma_semaphore, #tpu.memory_space<semaphore_mem>>)
        %mul3A_292 = arith.constant 125 : i32
        %mul3A_293 = arith.muli %add3A_285, %mul3A_292 : i32
        %add3A_294 = arith.addi %mul3A_4, %mul3A_293 : i32
        %dma_start3A_295 = arith.constant 64 : i32
        %dma_start3A_296 = tpu.memref_slice %arg3[%add3A_294, %dma_start3A_295] : memref<320000x128xf32, #tpu.memory_space<hbm>> -> memref<125x64xf32, #tpu.memory_space<hbm>>
        %dma_start3A_297 = arith.constant 64 : i32
        %dma_start3A_298 = tpu.memref_slice %arg3[%add3A_294, %dma_start3A_297] : memref<320000x128xf32, #tpu.memory_space<hbm>> -> memref<125x64xf32, #tpu.memory_space<hbm>>
        tpu.enqueue_dma source(%dma_start3A_298 : memref<125x64xf32, #tpu.memory_space<hbm>>) target(%arg14 : memref<125x64xf32, #tpu.memory_space<vmem>>) target_semaphore(%arg25 : memref<!tpu.dma_semaphore, #tpu.memory_space<semaphore_mem>>)
        %mul3A_299 = arith.constant 4 : i32
        %mul3A_300 = arith.muli %scan3A_93, %mul3A_299 : i32
        %add3A_301 = arith.constant 3 : i32
        %add3A_302 = arith.addi %mul3A_300, %add3A_301 : i32
        %dma_wait3A_303 = arith.constant 0 : i32
        %dma_wait3A_304 = tpu.memref_slice %arg17[%add3A_302, %dma_wait3A_303] : memref<80x125xi32, #tpu.memory_space<vmem>> -> memref<1x125xi32, #tpu.memory_space<vmem>>
        %dma_wait3A_305 = tpu.memref_squeeze %dma_wait3A_304 : memref<1x125xi32, #tpu.memory_space<vmem>> -> memref<125xi32, #tpu.memory_space<vmem>>
        %dma_wait3A_306 = arith.constant 0 : i32
        %dma_wait3A_307 = arith.constant 0 : i32
        %dma_wait3A_308 = tpu.memref_slice %arg18[%dma_wait3A_306, %dma_wait3A_307] : memref<10240x64xf32, #tpu.memory_space<vmem_shared>> -> memref<10240x64xf32, #tpu.memory_space<vmem_shared>>
        tpu.wait_indirect_dma semaphore(%arg30 : memref<!tpu.dma_semaphore, #tpu.memory_space<semaphore_mem>>) src(%arg11 : memref<125x64xf32, #tpu.memory_space<vmem>>) dst(%dma_wait3A_308 : memref<10240x64xf32, #tpu.memory_space<vmem_shared>>)
        %add3A_309 = arith.constant 1 : i32
        %add3A_310 = arith.addi %scan3A_93, %add3A_309 : i32
        %mul3A_311 = arith.constant 4 : i32
        %mul3A_312 = arith.muli %add3A_310, %mul3A_311 : i32
        %add3A_313 = arith.constant 3 : i32
        %add3A_314 = arith.addi %mul3A_312, %add3A_313 : i32
        %dma_start3A_315 = arith.constant 0 : i32
        %dma_start3A_316 = tpu.memref_slice %arg16[%add3A_314, %dma_start3A_315] : memref<80x125xi32, #tpu.memory_space<vmem>> -> memref<1x125xi32, #tpu.memory_space<vmem>>
        %dma_start3A_317 = tpu.memref_squeeze %dma_start3A_316 : memref<1x125xi32, #tpu.memory_space<vmem>> -> memref<125xi32, #tpu.memory_space<vmem>>
        %dma_start3A_318 = arith.constant 0 : i32
        %dma_start3A_319 = arith.constant 0 : i32
        %dma_start3A_320 = tpu.memref_slice %arg2[%dma_start3A_318, %dma_start3A_319] : memref<10000x64xf32, #tpu.memory_space<hbm>> -> memref<10000x64xf32, #tpu.memory_space<hbm>>
        tpu.enqueue_indirect_dma source(%dma_start3A_320 : memref<10000x64xf32, #tpu.memory_space<hbm>>) target(%arg11 : memref<125x64xf32, #tpu.memory_space<vmem>>) offsets(%dma_start3A_317 : memref<125xi32, #tpu.memory_space<vmem>>) semaphore(%arg22 : memref<!tpu.dma_semaphore, #tpu.memory_space<semaphore_mem>>)
        %mul3A_321 = arith.constant 125 : i32
        %mul3A_322 = arith.muli %add3A_314, %mul3A_321 : i32
        %add3A_323 = arith.addi %mul3A_4, %mul3A_322 : i32
        %dma_start3A_324 = arith.constant 64 : i32
        %dma_start3A_325 = tpu.memref_slice %arg3[%add3A_323, %dma_start3A_324] : memref<320000x128xf32, #tpu.memory_space<hbm>> -> memref<125x64xf32, #tpu.memory_space<hbm>>
        %dma_start3A_326 = arith.constant 64 : i32
        %dma_start3A_327 = tpu.memref_slice %arg3[%add3A_323, %dma_start3A_326] : memref<320000x128xf32, #tpu.memory_space<hbm>> -> memref<125x64xf32, #tpu.memory_space<hbm>>
        tpu.enqueue_dma source(%dma_start3A_327 : memref<125x64xf32, #tpu.memory_space<hbm>>) target(%arg15 : memref<125x64xf32, #tpu.memory_space<vmem>>) target_semaphore(%arg26 : memref<!tpu.dma_semaphore, #tpu.memory_space<semaphore_mem>>)
      } else {
      }
    }
    %scan3A_60 = arith.constant 20 : i32
    %dma_wait3A = arith.constant 76 : i32
    %dma_wait3A_61 = arith.constant 0 : i32
    %dma_wait3A_62 = tpu.memref_slice %arg17[%dma_wait3A, %dma_wait3A_61] : memref<80x125xi32, #tpu.memory_space<vmem>> -> memref<1x125xi32, #tpu.memory_space<vmem>>
    %dma_wait3A_63 = tpu.memref_squeeze %dma_wait3A_62 : memref<1x125xi32, #tpu.memory_space<vmem>> -> memref<125xi32, #tpu.memory_space<vmem>>
    %dma_wait3A_64 = arith.constant 0 : i32
    %dma_wait3A_65 = arith.constant 0 : i32
    %dma_wait3A_66 = tpu.memref_slice %arg18[%dma_wait3A_64, %dma_wait3A_65] : memref<10240x64xf32, #tpu.memory_space<vmem_shared>> -> memref<10240x64xf32, #tpu.memory_space<vmem_shared>>
    tpu.wait_indirect_dma semaphore(%arg27 : memref<!tpu.dma_semaphore, #tpu.memory_space<semaphore_mem>>) src(%arg8 : memref<125x64xf32, #tpu.memory_space<vmem>>) dst(%dma_wait3A_66 : memref<10240x64xf32, #tpu.memory_space<vmem_shared>>)
    %dma_wait3A_67 = arith.constant 77 : i32
    %dma_wait3A_68 = arith.constant 0 : i32
    %dma_wait3A_69 = tpu.memref_slice %arg17[%dma_wait3A_67, %dma_wait3A_68] : memref<80x125xi32, #tpu.memory_space<vmem>> -> memref<1x125xi32, #tpu.memory_space<vmem>>
    %dma_wait3A_70 = tpu.memref_squeeze %dma_wait3A_69 : memref<1x125xi32, #tpu.memory_space<vmem>> -> memref<125xi32, #tpu.memory_space<vmem>>
    %dma_wait3A_71 = arith.constant 0 : i32
    %dma_wait3A_72 = arith.constant 0 : i32
    %dma_wait3A_73 = tpu.memref_slice %arg18[%dma_wait3A_71, %dma_wait3A_72] : memref<10240x64xf32, #tpu.memory_space<vmem_shared>> -> memref<10240x64xf32, #tpu.memory_space<vmem_shared>>
    tpu.wait_indirect_dma semaphore(%arg28 : memref<!tpu.dma_semaphore, #tpu.memory_space<semaphore_mem>>) src(%arg9 : memref<125x64xf32, #tpu.memory_space<vmem>>) dst(%dma_wait3A_73 : memref<10240x64xf32, #tpu.memory_space<vmem_shared>>)
    %dma_wait3A_74 = arith.constant 78 : i32
    %dma_wait3A_75 = arith.constant 0 : i32
    %dma_wait3A_76 = tpu.memref_slice %arg17[%dma_wait3A_74, %dma_wait3A_75] : memref<80x125xi32, #tpu.memory_space<vmem>> -> memref<1x125xi32, #tpu.memory_space<vmem>>
    %dma_wait3A_77 = tpu.memref_squeeze %dma_wait3A_76 : memref<1x125xi32, #tpu.memory_space<vmem>> -> memref<125xi32, #tpu.memory_space<vmem>>
    %dma_wait3A_78 = arith.constant 0 : i32
    %dma_wait3A_79 = arith.constant 0 : i32
    %dma_wait3A_80 = tpu.memref_slice %arg18[%dma_wait3A_78, %dma_wait3A_79] : memref<10240x64xf32, #tpu.memory_space<vmem_shared>> -> memref<10240x64xf32, #tpu.memory_space<vmem_shared>>
    tpu.wait_indirect_dma semaphore(%arg29 : memref<!tpu.dma_semaphore, #tpu.memory_space<semaphore_mem>>) src(%arg10 : memref<125x64xf32, #tpu.memory_space<vmem>>) dst(%dma_wait3A_80 : memref<10240x64xf32, #tpu.memory_space<vmem_shared>>)
    %dma_wait3A_81 = arith.constant 79 : i32
    %dma_wait3A_82 = arith.constant 0 : i32
    %dma_wait3A_83 = tpu.memref_slice %arg17[%dma_wait3A_81, %dma_wait3A_82] : memref<80x125xi32, #tpu.memory_space<vmem>> -> memref<1x125xi32, #tpu.memory_space<vmem>>
    %dma_wait3A_84 = tpu.memref_squeeze %dma_wait3A_83 : memref<1x125xi32, #tpu.memory_space<vmem>> -> memref<125xi32, #tpu.memory_space<vmem>>
    %dma_wait3A_85 = arith.constant 0 : i32
    %dma_wait3A_86 = arith.constant 0 : i32
    %dma_wait3A_87 = tpu.memref_slice %arg18[%dma_wait3A_85, %dma_wait3A_86] : memref<10240x64xf32, #tpu.memory_space<vmem_shared>> -> memref<10240x64xf32, #tpu.memory_space<vmem_shared>>
    tpu.wait_indirect_dma semaphore(%arg30 : memref<!tpu.dma_semaphore, #tpu.memory_space<semaphore_mem>>) src(%arg11 : memref<125x64xf32, #tpu.memory_space<vmem>>) dst(%dma_wait3A_87 : memref<10240x64xf32, #tpu.memory_space<vmem_shared>>)
    %barrier3A_88 = arith.constant 0 : index
    tpu.barrier barrier_id(%barrier3A_88)
    %mul3A_89 = arith.constant 640 : i32
    %mul3A_90 = arith.muli %arg1, %mul3A_89 : i32
    %mul3A_91 = arith.constant 640 : i32
    %mul3A_92 = arith.muli %arg1, %mul3A_91 : i32
    "tpu.region"() ({
      %run_scoped3A = tpu.sem_alloc : memref<!tpu.dma_semaphore, #tpu.memory_space<semaphore_mem>>
      %dma_start3A_93 = arith.constant 0 : i32
      %dma_start3A_94 = tpu.memref_slice %arg7[%arg0, %mul3A_92, %dma_start3A_93] : memref<2x10240x64xf32, #tpu.memory_space<hbm>> -> memref<1x640x64xf32, #tpu.memory_space<hbm>>
      %dma_start3A_95 = tpu.memref_squeeze %dma_start3A_94 : memref<1x640x64xf32, #tpu.memory_space<hbm>> -> memref<640x64xf32, #tpu.memory_space<hbm>>
      %dma_start3A_96 = arith.constant 0 : i32
      %dma_start3A_97 = tpu.memref_slice %arg18[%mul3A_90, %dma_start3A_96] : memref<10240x64xf32, #tpu.memory_space<vmem_shared>> -> memref<640x64xf32, #tpu.memory_space<vmem_shared>>
      tpu.enqueue_dma source(%dma_start3A_97 : memref<640x64xf32, #tpu.memory_space<vmem_shared>>) target(%dma_start3A_95 : memref<640x64xf32, #tpu.memory_space<hbm>>) target_semaphore(%run_scoped3A : memref<!tpu.dma_semaphore, #tpu.memory_space<semaphore_mem>>)
      %dma_wait3A_98 = arith.constant 0 : i32
      %dma_wait3A_99 = tpu.memref_slice %arg7[%arg0, %mul3A_92, %dma_wait3A_98] : memref<2x10240x64xf32, #tpu.memory_space<hbm>> -> memref<1x640x64xf32, #tpu.memory_space<hbm>>
      %dma_wait3A_100 = tpu.memref_squeeze %dma_wait3A_99 : memref<1x640x64xf32, #tpu.memory_space<hbm>> -> memref<640x64xf32, #tpu.memory_space<hbm>>
      %dma_wait3A_101 = arith.constant 0 : i32
      %dma_wait3A_102 = tpu.memref_slice %arg18[%mul3A_90, %dma_wait3A_101] : memref<10240x64xf32, #tpu.memory_space<vmem_shared>> -> memref<640x64xf32, #tpu.memory_space<vmem_shared>>
      tpu.wait_dma2 semaphore(%run_scoped3A : memref<!tpu.dma_semaphore, #tpu.memory_space<semaphore_mem>>) src(%dma_wait3A_102 : memref<640x64xf32, #tpu.memory_space<vmem_shared>>) dst(%dma_wait3A_100 : memref<640x64xf32, #tpu.memory_space<hbm>>)
      tpu.yield
    }) : () -> ()
    return
  }
}

module attributes {stable_mosaic.version = 14 : i64} {
  func.func @_node_term_body(%arg0: i32, %arg1: memref<10000x128xf32, #tpu.memory_space<vmem>>, %arg2: memref<128x128xf32, #tpu.memory_space<vmem>>, %arg3: memref<10000x128xf32, #tpu.memory_space<vmem>>, %arg4: memref<10000x64xf32, #tpu.memory_space<vmem>>, %arg5: memref<10000x64xf32, #tpu.memory_space<vmem>>) attributes {dimension_semantics = [#tpu.dimension_semantics<arbitrary>], iteration_bounds = array<i64: 1>, scalar_prefetch = 0 : i64, scratch_operands = 0 : i64, tpu.core_type = #tpu.core_type<tc>, window_params = [{pipeline_mode = #tpu.pipeline_mode<synchronous>, transform_indices = @transform_0, window_bounds = array<i64: 10000, 128>}, {pipeline_mode = #tpu.pipeline_mode<synchronous>, transform_indices = @transform_1, window_bounds = array<i64: 128, 128>}, {pipeline_mode = #tpu.pipeline_mode<synchronous>, transform_indices = @transform_2, window_bounds = array<i64: 10000, 128>}, {pipeline_mode = #tpu.pipeline_mode<synchronous>, transform_indices = @transform_3, window_bounds = array<i64: 10000, 64>}, {pipeline_mode = #tpu.pipeline_mode<synchronous>, transform_indices = @transform_4, window_bounds = array<i64: 10000, 64>}]} {
    %get3A = arith.constant 0 : index
    %get3A_0 = arith.constant 0 : index
    %get3A_1 = vector.load %arg1[%get3A, %get3A_0] : memref<10000x128xf32, #tpu.memory_space<vmem>>, vector<10000x128xf32>
    %get3A_2 = arith.constant 0 : index
    %get3A_3 = arith.constant 0 : index
    %get3A_4 = vector.load %arg2[%get3A_2, %get3A_3] : memref<128x128xf32, #tpu.memory_space<vmem>>, vector<128x128xf32>
    %dot_general3A = arith.constant dense<0.000000e+00> : vector<10000x128xf32>
    %dot_general3A_5 = tpu.matmul %get3A_1, %get3A_4, %dot_general3A {dimension_numbers = #tpu.dot_dimension_numbers<[1], [0], [0], [1], [0, 0, 1, 1], [], []>, transpose_lhs_hint = false} : vector<10000x128xf32>, vector<128x128xf32>, vector<10000x128xf32> -> vector<10000x128xf32>
    %get3A_6 = arith.constant 0 : index
    %get3A_7 = arith.constant 0 : index
    %get3A_8 = vector.load %arg3[%get3A_6, %get3A_7] : memref<10000x128xf32, #tpu.memory_space<vmem>>, vector<10000x128xf32>
    %add3A = arith.addf %dot_general3A_5, %get3A_8 : vector<10000x128xf32>
    %slice3A = vector.extract_strided_slice %add3A {offsets = [0, 0], sizes = [10000, 64], strides = [1, 1]} : vector<10000x128xf32> to vector<10000x64xf32>
    %swap3A = arith.constant 0 : index
    %swap3A_9 = arith.constant 0 : index
    %swap3A_10 = vector.load %arg4[%swap3A, %swap3A_9] : memref<10000x64xf32, #tpu.memory_space<vmem>>, vector<10000x64xf32>
    tpu.vector_store %arg4[%swap3A, %swap3A_9], %slice3A {strides = array<i32>} : memref<10000x64xf32, #tpu.memory_space<vmem>>, vector<10000x64xf32>,
    %slice3A_11 = vector.extract_strided_slice %add3A {offsets = [0, 64], sizes = [10000, 64], strides = [1, 1]} : vector<10000x128xf32> to vector<10000x64xf32>
    %swap3A_12 = arith.constant 0 : index
    %swap3A_13 = arith.constant 0 : index
    %swap3A_14 = vector.load %arg5[%swap3A_12, %swap3A_13] : memref<10000x64xf32, #tpu.memory_space<vmem>>, vector<10000x64xf32>
    tpu.vector_store %arg5[%swap3A_12, %swap3A_13], %slice3A_11 {strides = array<i32>} : memref<10000x64xf32, #tpu.memory_space<vmem>>, vector<10000x64xf32>,
    return
  }
  func.func @transform_0(%arg0: i32) -> (i32, i32) {
    %c0_i32 = arith.constant 0 : i32
    %c0_i32_0 = arith.constant 0 : i32
    %c0_i32_1 = arith.constant 0 : i32
    return %c0_i32, %c0_i32_0 : i32, i32
  }
  func.func @transform_1(%arg0: i32) -> (i32, i32) {
    %c0_i32 = arith.constant 0 : i32
    %c0_i32_0 = arith.constant 0 : i32
    %c0_i32_1 = arith.constant 0 : i32
    return %c0_i32, %c0_i32_0 : i32, i32
  }
  func.func @transform_2(%arg0: i32) -> (i32, i32) {
    %c0_i32 = arith.constant 0 : i32
    %c0_i32_0 = arith.constant 0 : i32
    %c0_i32_1 = arith.constant 0 : i32
    return %c0_i32, %c0_i32_0 : i32, i32
  }
  func.func @transform_3(%arg0: i32) -> (i32, i32) {
    %c0_i32 = arith.constant 0 : i32
    %c0_i32_0 = arith.constant 0 : i32
    %c0_i32_1 = arith.constant 0 : i32
    return %c0_i32, %c0_i32_0 : i32, i32
  }
  func.func @transform_4(%arg0: i32) -> (i32, i32) {
    %c0_i32 = arith.constant 0 : i32
    %c0_i32_0 = arith.constant 0 : i32
    %c0_i32_1 = arith.constant 0 : i32
    return %c0_i32, %c0_i32_0 : i32, i32
  }
}

module attributes {stable_mosaic.version = 14 : i64} {
  func.func @_q_body(%arg0: i32, %arg1: memref<10000x128xf32, #tpu.memory_space<vmem>>, %arg2: memref<128x128xf32, #tpu.memory_space<vmem>>, %arg3: memref<10000x128xf32, #tpu.memory_space<vmem>>) attributes {dimension_semantics = [#tpu.dimension_semantics<arbitrary>], iteration_bounds = array<i64: 1>, scalar_prefetch = 0 : i64, scratch_operands = 0 : i64, tpu.core_type = #tpu.core_type<tc>, window_params = [{pipeline_mode = #tpu.pipeline_mode<synchronous>, transform_indices = @transform_0, window_bounds = array<i64: 10000, 128>}, {pipeline_mode = #tpu.pipeline_mode<synchronous>, transform_indices = @transform_1, window_bounds = array<i64: 128, 128>}, {pipeline_mode = #tpu.pipeline_mode<synchronous>, transform_indices = @transform_2, window_bounds = array<i64: 10000, 128>}]} {
    %get3A = arith.constant 0 : index
    %get3A_0 = arith.constant 0 : index
    %get3A_1 = vector.load %arg1[%get3A, %get3A_0] : memref<10000x128xf32, #tpu.memory_space<vmem>>, vector<10000x128xf32>
    %get3A_2 = arith.constant 0 : index
    %get3A_3 = arith.constant 0 : index
    %get3A_4 = vector.load %arg2[%get3A_2, %get3A_3] : memref<128x128xf32, #tpu.memory_space<vmem>>, vector<128x128xf32>
    %dot_general3A = arith.constant dense<0.000000e+00> : vector<10000x128xf32>
    %dot_general3A_5 = tpu.matmul %get3A_1, %get3A_4, %dot_general3A {dimension_numbers = #tpu.dot_dimension_numbers<[1], [0], [0], [1], [0, 0, 1, 1], [], []>, transpose_lhs_hint = false} : vector<10000x128xf32>, vector<128x128xf32>, vector<10000x128xf32> -> vector<10000x128xf32>
    %swap3A = arith.constant 0 : index
    %swap3A_6 = arith.constant 0 : index
    %swap3A_7 = vector.load %arg3[%swap3A, %swap3A_6] : memref<10000x128xf32, #tpu.memory_space<vmem>>, vector<10000x128xf32>
    tpu.vector_store %arg3[%swap3A, %swap3A_6], %dot_general3A_5 {strides = array<i32>} : memref<10000x128xf32, #tpu.memory_space<vmem>>, vector<10000x128xf32>,
    return
  }
  func.func @transform_0(%arg0: i32) -> (i32, i32) {
    %c0_i32 = arith.constant 0 : i32
    %c0_i32_0 = arith.constant 0 : i32
    %c0_i32_1 = arith.constant 0 : i32
    return %c0_i32, %c0_i32_0 : i32, i32
  }
  func.func @transform_1(%arg0: i32) -> (i32, i32) {
    %c0_i32 = arith.constant 0 : i32
    %c0_i32_0 = arith.constant 0 : i32
    %c0_i32_1 = arith.constant 0 : i32
    return %c0_i32, %c0_i32_0 : i32, i32
  }
  func.func @transform_2(%arg0: i32) -> (i32, i32) {
    %c0_i32 = arith.constant 0 : i32
    %c0_i32_0 = arith.constant 0 : i32
    %c0_i32_1 = arith.constant 0 : i32
    return %c0_i32, %c0_i32_0 : i32, i32
  }
}

module attributes {stable_mosaic.version = 14 : i64} {
  func.func @_edge_term_body(%arg0: i32, %arg1: memref<16x6400xf32, #tpu.memory_space<vmem>>, %arg2: memref<16x6400xf32, #tpu.memory_space<vmem>>, %arg3: memref<16x128xf32, #tpu.memory_space<vmem>>, %arg4: memref<16x128xf32, #tpu.memory_space<vmem>>, %arg5: memref<6400x128xf32, #tpu.memory_space<vmem>>) attributes {dimension_semantics = [#tpu.dimension_semantics<arbitrary>], iteration_bounds = array<i64: 50>, scalar_prefetch = 0 : i64, scratch_operands = 0 : i64, tpu.core_type = #tpu.core_type<tc>, window_params = [{transform_indices = @transform_0, window_bounds = array<i64: 16, 6400>}, {transform_indices = @transform_1, window_bounds = array<i64: 16, 6400>}, {pipeline_mode = #tpu.pipeline_mode<synchronous>, transform_indices = @transform_2, window_bounds = array<i64: 16, 128>}, {pipeline_mode = #tpu.pipeline_mode<synchronous>, transform_indices = @transform_3, window_bounds = array<i64: 16, 128>}, {transform_indices = @transform_4, window_bounds = array<i64: 6400, 128>}]} {
    %get3A = arith.constant 0 : index
    %get3A_0 = arith.constant 0 : index
    %get3A_1 = vector.load %arg1[%get3A, %get3A_0] : memref<16x6400xf32, #tpu.memory_space<vmem>>, vector<16x6400xf32>
    %get3A_2 = arith.constant 0 : index
    %get3A_3 = arith.constant 0 : index
    %get3A_4 = vector.load %arg3[%get3A_2, %get3A_3] : memref<16x128xf32, #tpu.memory_space<vmem>>, vector<16x128xf32>
    %dot_general3A = arith.constant dense<0.000000e+00> : vector<6400x128xf32>
    %dot_general3A_5 = tpu.matmul %get3A_1, %get3A_4, %dot_general3A {dimension_numbers = #tpu.dot_dimension_numbers<[0], [0], [1], [1], [0, 1, 1, 1], [], []>, transpose_lhs_hint = false} : vector<16x6400xf32>, vector<16x128xf32>, vector<6400x128xf32> -> vector<6400x128xf32>
    %get3A_6 = arith.constant 0 : index
    %get3A_7 = arith.constant 0 : index
    %get3A_8 = vector.load %arg2[%get3A_6, %get3A_7] : memref<16x6400xf32, #tpu.memory_space<vmem>>, vector<16x6400xf32>
    %get3A_9 = arith.constant 0 : index
    %get3A_10 = arith.constant 0 : index
    %get3A_11 = vector.load %arg4[%get3A_9, %get3A_10] : memref<16x128xf32, #tpu.memory_space<vmem>>, vector<16x128xf32>
    %dot_general3A_12 = arith.constant dense<0.000000e+00> : vector<6400x128xf32>
    %dot_general3A_13 = tpu.matmul %get3A_8, %get3A_11, %dot_general3A_12 {dimension_numbers = #tpu.dot_dimension_numbers<[0], [0], [1], [1], [0, 1, 1, 1], [], []>, transpose_lhs_hint = false} : vector<16x6400xf32>, vector<16x128xf32>, vector<6400x128xf32> -> vector<6400x128xf32>
    %add3A = arith.addf %dot_general3A_5, %dot_general3A_13 : vector<6400x128xf32>
    %swap3A = arith.constant 0 : index
    %swap3A_14 = arith.constant 0 : index
    %swap3A_15 = vector.load %arg5[%swap3A, %swap3A_14] : memref<6400x128xf32, #tpu.memory_space<vmem>>, vector<6400x128xf32>
    tpu.vector_store %arg5[%swap3A, %swap3A_14], %add3A {strides = array<i32>} : memref<6400x128xf32, #tpu.memory_space<vmem>>, vector<6400x128xf32>,
    return
  }
  func.func @transform_0(%arg0: i32) -> (i32, i32) {
    %c0_i32 = arith.constant 0 : i32
    %c0_i32_0 = arith.constant 0 : i32
    return %c0_i32, %arg0 : i32, i32
  }
  func.func @transform_1(%arg0: i32) -> (i32, i32) {
    %c0_i32 = arith.constant 0 : i32
    %c0_i32_0 = arith.constant 0 : i32
    return %c0_i32, %arg0 : i32, i32
  }
  func.func @transform_2(%arg0: i32) -> (i32, i32) {
    %c0_i32 = arith.constant 0 : i32
    %c0_i32_0 = arith.constant 0 : i32
    %c0_i32_1 = arith.constant 0 : i32
    return %c0_i32, %c0_i32_0 : i32, i32
  }
  func.func @transform_3(%arg0: i32) -> (i32, i32) {
    %c0_i32 = arith.constant 0 : i32
    %c0_i32_0 = arith.constant 0 : i32
    %c0_i32_1 = arith.constant 0 : i32
    return %c0_i32, %c0_i32_0 : i32, i32
  }
  func.func @transform_4(%arg0: i32) -> (i32, i32) {
    %c0_i32 = arith.constant 0 : i32
    %c0_i32_0 = arith.constant 0 : i32
    return %arg0, %c0_i32 : i32, i32
  }
}

module attributes {stable_mosaic.version = 14 : i64} {
  func.func @_update_body(%arg0: i32, %arg1: memref<2x10240x64xf32, #tpu.memory_space<vmem>>, %arg2: memref<2x10240x64xf32, #tpu.memory_space<vmem>>, %arg3: memref<10000x128xf32, #tpu.memory_space<vmem>>, %arg4: memref<128x128xf32, #tpu.memory_space<vmem>>, %arg5: memref<128x128xf32, #tpu.memory_space<vmem>>, %arg6: memref<1x128xf32, #tpu.memory_space<vmem>>, %arg7: memref<10000x128xf32, #tpu.memory_space<vmem>>, %arg8: memref<10000x128xf32, #tpu.memory_space<vmem>>) attributes {dimension_semantics = [#tpu.dimension_semantics<arbitrary>], iteration_bounds = array<i64: 1>, scalar_prefetch = 0 : i64, scratch_operands = 0 : i64, tpu.core_type = #tpu.core_type<tc>, window_params = [{pipeline_mode = #tpu.pipeline_mode<synchronous>, transform_indices = @transform_0, window_bounds = array<i64: 2, 10240, 64>}, {pipeline_mode = #tpu.pipeline_mode<synchronous>, transform_indices = @transform_1, window_bounds = array<i64: 2, 10240, 64>}, {pipeline_mode = #tpu.pipeline_mode<synchronous>, transform_indices = @transform_2, window_bounds = array<i64: 10000, 128>}, {pipeline_mode = #tpu.pipeline_mode<synchronous>, transform_indices = @transform_3, window_bounds = array<i64: 128, 128>}, {pipeline_mode = #tpu.pipeline_mode<synchronous>, transform_indices = @transform_4, window_bounds = array<i64: 128, 128>}, {pipeline_mode = #tpu.pipeline_mode<synchronous>, transform_indices = @transform_5, window_bounds = array<i64: 1, 128>}, {pipeline_mode = #tpu.pipeline_mode<synchronous>, transform_indices = @transform_6, window_bounds = array<i64: 10000, 128>}, {pipeline_mode = #tpu.pipeline_mode<synchronous>, transform_indices = @transform_7, window_bounds = array<i64: 10000, 128>}]} {
    %get3A = arith.constant 0 : index
    %get3A_0 = arith.constant 0 : index
    %get3A_1 = arith.constant 0 : index
    %get3A_2 = vector.load %arg1[%get3A, %get3A_0, %get3A_1] : memref<2x10240x64xf32, #tpu.memory_space<vmem>>, vector<1x10000x64xf32>
    %get3A_3 = vector.shape_cast %get3A_2 : vector<1x10000x64xf32> to vector<10000x64xf32>
    %get3A_4 = arith.constant 1 : index
    %get3A_5 = arith.constant 0 : index
    %get3A_6 = arith.constant 0 : index
    %get3A_7 = vector.load %arg1[%get3A_4, %get3A_5, %get3A_6] : memref<2x10240x64xf32, #tpu.memory_space<vmem>>, vector<1x10000x64xf32>
    %get3A_8 = vector.shape_cast %get3A_7 : vector<1x10000x64xf32> to vector<10000x64xf32>
    %add3A = arith.addf %get3A_3, %get3A_8 : vector<10000x64xf32>
    %get3A_9 = arith.constant 0 : index
    %get3A_10 = arith.constant 0 : index
    %get3A_11 = arith.constant 0 : index
    %get3A_12 = vector.load %arg2[%get3A_9, %get3A_10, %get3A_11] : memref<2x10240x64xf32, #tpu.memory_space<vmem>>, vector<1x10000x64xf32>
    %get3A_13 = vector.shape_cast %get3A_12 : vector<1x10000x64xf32> to vector<10000x64xf32>
    %get3A_14 = arith.constant 1 : index
    %get3A_15 = arith.constant 0 : index
    %get3A_16 = arith.constant 0 : index
    %get3A_17 = vector.load %arg2[%get3A_14, %get3A_15, %get3A_16] : memref<2x10240x64xf32, #tpu.memory_space<vmem>>, vector<1x10000x64xf32>
    %get3A_18 = vector.shape_cast %get3A_17 : vector<1x10000x64xf32> to vector<10000x64xf32>
    %add3A_19 = arith.addf %get3A_13, %get3A_18 : vector<10000x64xf32>
    %concatenate3A = tpu.concatenate %add3A, %add3A_19 in 1 : vector<10000x64xf32>, vector<10000x64xf32> -> vector<10000x128xf32>
    %get3A_20 = arith.constant 0 : index
    %get3A_21 = arith.constant 0 : index
    %get3A_22 = vector.load %arg4[%get3A_20, %get3A_21] : memref<128x128xf32, #tpu.memory_space<vmem>>, vector<128x128xf32>
    %dot_general3A = arith.constant dense<0.000000e+00> : vector<10000x128xf32>
    %dot_general3A_23 = tpu.matmul %concatenate3A, %get3A_22, %dot_general3A {dimension_numbers = #tpu.dot_dimension_numbers<[1], [0], [0], [1], [0, 0, 1, 1], [], []>, transpose_lhs_hint = false} : vector<10000x128xf32>, vector<128x128xf32>, vector<10000x128xf32> -> vector<10000x128xf32>
    %get3A_24 = arith.constant 0 : index
    %get3A_25 = arith.constant 0 : index
    %get3A_26 = vector.load %arg3[%get3A_24, %get3A_25] : memref<10000x128xf32, #tpu.memory_space<vmem>>, vector<10000x128xf32>
    %get3A_27 = arith.constant 0 : index
    %get3A_28 = arith.constant 0 : index
    %get3A_29 = vector.load %arg5[%get3A_27, %get3A_28] : memref<128x128xf32, #tpu.memory_space<vmem>>, vector<128x128xf32>
    %dot_general3A_30 = arith.constant dense<0.000000e+00> : vector<10000x128xf32>
    %dot_general3A_31 = tpu.matmul %get3A_26, %get3A_29, %dot_general3A_30 {dimension_numbers = #tpu.dot_dimension_numbers<[1], [0], [0], [1], [0, 0, 1, 1], [], []>, transpose_lhs_hint = false} : vector<10000x128xf32>, vector<128x128xf32>, vector<10000x128xf32> -> vector<10000x128xf32>
    %add3A_32 = arith.addf %dot_general3A_23, %dot_general3A_31 : vector<10000x128xf32>
    %get3A_33 = arith.constant 0 : index
    %get3A_34 = arith.constant 0 : index
    %get3A_35 = vector.load %arg6[%get3A_33, %get3A_34] : memref<1x128xf32, #tpu.memory_space<vmem>>, vector<1x128xf32>
    %add3A_36 = vector.broadcast %get3A_35 : vector<1x128xf32> to vector<10000x128xf32>
    %add3A_37 = arith.addf %add3A_32, %add3A_36 : vector<10000x128xf32>
    %tanh3A = math.tanh %add3A_37 : vector<10000x128xf32>
    %swap3A = arith.constant 0 : index
    %swap3A_38 = arith.constant 0 : index
    %swap3A_39 = vector.load %arg8[%swap3A, %swap3A_38] : memref<10000x128xf32, #tpu.memory_space<vmem>>, vector<10000x128xf32>
    tpu.vector_store %arg8[%swap3A, %swap3A_38], %tanh3A {strides = array<i32>} : memref<10000x128xf32, #tpu.memory_space<vmem>>, vector<10000x128xf32>,
    return
  }
  func.func @transform_0(%arg0: i32) -> (i32, i32, i32) {
    %c0_i32 = arith.constant 0 : i32
    %c0_i32_0 = arith.constant 0 : i32
    %c0_i32_1 = arith.constant 0 : i32
    %c0_i32_2 = arith.constant 0 : i32
    return %c0_i32, %c0_i32_0, %c0_i32_1 : i32, i32, i32
  }
  func.func @transform_1(%arg0: i32) -> (i32, i32, i32) {
    %c0_i32 = arith.constant 0 : i32
    %c0_i32_0 = arith.constant 0 : i32
    %c0_i32_1 = arith.constant 0 : i32
    %c0_i32_2 = arith.constant 0 : i32
    return %c0_i32, %c0_i32_0, %c0_i32_1 : i32, i32, i32
  }
  func.func @transform_2(%arg0: i32) -> (i32, i32) {
    %c0_i32 = arith.constant 0 : i32
    %c0_i32_0 = arith.constant 0 : i32
    %c0_i32_1 = arith.constant 0 : i32
    return %c0_i32, %c0_i32_0 : i32, i32
  }
  func.func @transform_3(%arg0: i32) -> (i32, i32) {
    %c0_i32 = arith.constant 0 : i32
    %c0_i32_0 = arith.constant 0 : i32
    %c0_i32_1 = arith.constant 0 : i32
    return %c0_i32, %c0_i32_0 : i32, i32
  }
  func.func @transform_4(%arg0: i32) -> (i32, i32) {
    %c0_i32 = arith.constant 0 : i32
    %c0_i32_0 = arith.constant 0 : i32
    %c0_i32_1 = arith.constant 0 : i32
    return %c0_i32, %c0_i32_0 : i32, i32
  }
  func.func @transform_5(%arg0: i32) -> (i32, i32) {
    %c0_i32 = arith.constant 0 : i32
    %c0_i32_0 = arith.constant 0 : i32
    %c0_i32_1 = arith.constant 0 : i32
    return %c0_i32, %c0_i32_0 : i32, i32
  }
  func.func @transform_6(%arg0: i32) -> (i32, i32) {
    %c0_i32 = arith.constant 0 : i32
    %c0_i32_0 = arith.constant 0 : i32
    %c0_i32_1 = arith.constant 0 : i32
    return %c0_i32, %c0_i32_0 : i32, i32
  }
  func.func @transform_7(%arg0: i32) -> (i32, i32) {
    %c0_i32 = arith.constant 0 : i32
    %c0_i32_0 = arith.constant 0 : i32
    %c0_i32_1 = arith.constant 0 : i32
    return %c0_i32, %c0_i32_0 : i32, i32
  }
}

module attributes {stable_mosaic.version = 14 : i64} {
  func.func @_update_body(%arg0: i32, %arg1: memref<2x10240x64xf32, #tpu.memory_space<vmem>>, %arg2: memref<2x10240x64xf32, #tpu.memory_space<vmem>>, %arg3: memref<10000x128xf32, #tpu.memory_space<vmem>>, %arg4: memref<128x128xf32, #tpu.memory_space<vmem>>, %arg5: memref<128x128xf32, #tpu.memory_space<vmem>>, %arg6: memref<1x128xf32, #tpu.memory_space<vmem>>, %arg7: memref<10000x128xf32, #tpu.memory_space<vmem>>, %arg8: memref<10000x128xf32, #tpu.memory_space<vmem>>) attributes {dimension_semantics = [#tpu.dimension_semantics<arbitrary>], iteration_bounds = array<i64: 1>, scalar_prefetch = 0 : i64, scratch_operands = 0 : i64, tpu.core_type = #tpu.core_type<tc>, window_params = [{pipeline_mode = #tpu.pipeline_mode<synchronous>, transform_indices = @transform_0, window_bounds = array<i64: 2, 10240, 64>}, {pipeline_mode = #tpu.pipeline_mode<synchronous>, transform_indices = @transform_1, window_bounds = array<i64: 2, 10240, 64>}, {pipeline_mode = #tpu.pipeline_mode<synchronous>, transform_indices = @transform_2, window_bounds = array<i64: 10000, 128>}, {pipeline_mode = #tpu.pipeline_mode<synchronous>, transform_indices = @transform_3, window_bounds = array<i64: 128, 128>}, {pipeline_mode = #tpu.pipeline_mode<synchronous>, transform_indices = @transform_4, window_bounds = array<i64: 128, 128>}, {pipeline_mode = #tpu.pipeline_mode<synchronous>, transform_indices = @transform_5, window_bounds = array<i64: 1, 128>}, {pipeline_mode = #tpu.pipeline_mode<synchronous>, transform_indices = @transform_6, window_bounds = array<i64: 10000, 128>}, {pipeline_mode = #tpu.pipeline_mode<synchronous>, transform_indices = @transform_7, window_bounds = array<i64: 10000, 128>}]} {
    %get3A = arith.constant 0 : index
    %get3A_0 = arith.constant 0 : index
    %get3A_1 = arith.constant 0 : index
    %get3A_2 = vector.load %arg1[%get3A, %get3A_0, %get3A_1] : memref<2x10240x64xf32, #tpu.memory_space<vmem>>, vector<1x10000x64xf32>
    %get3A_3 = vector.shape_cast %get3A_2 : vector<1x10000x64xf32> to vector<10000x64xf32>
    %get3A_4 = arith.constant 1 : index
    %get3A_5 = arith.constant 0 : index
    %get3A_6 = arith.constant 0 : index
    %get3A_7 = vector.load %arg1[%get3A_4, %get3A_5, %get3A_6] : memref<2x10240x64xf32, #tpu.memory_space<vmem>>, vector<1x10000x64xf32>
    %get3A_8 = vector.shape_cast %get3A_7 : vector<1x10000x64xf32> to vector<10000x64xf32>
    %add3A = arith.addf %get3A_3, %get3A_8 : vector<10000x64xf32>
    %get3A_9 = arith.constant 0 : index
    %get3A_10 = arith.constant 0 : index
    %get3A_11 = arith.constant 0 : index
    %get3A_12 = vector.load %arg2[%get3A_9, %get3A_10, %get3A_11] : memref<2x10240x64xf32, #tpu.memory_space<vmem>>, vector<1x10000x64xf32>
    %get3A_13 = vector.shape_cast %get3A_12 : vector<1x10000x64xf32> to vector<10000x64xf32>
    %get3A_14 = arith.constant 1 : index
    %get3A_15 = arith.constant 0 : index
    %get3A_16 = arith.constant 0 : index
    %get3A_17 = vector.load %arg2[%get3A_14, %get3A_15, %get3A_16] : memref<2x10240x64xf32, #tpu.memory_space<vmem>>, vector<1x10000x64xf32>
    %get3A_18 = vector.shape_cast %get3A_17 : vector<1x10000x64xf32> to vector<10000x64xf32>
    %add3A_19 = arith.addf %get3A_13, %get3A_18 : vector<10000x64xf32>
    %concatenate3A = tpu.concatenate %add3A, %add3A_19 in 1 : vector<10000x64xf32>, vector<10000x64xf32> -> vector<10000x128xf32>
    %get3A_20 = arith.constant 0 : index
    %get3A_21 = arith.constant 0 : index
    %get3A_22 = vector.load %arg4[%get3A_20, %get3A_21] : memref<128x128xf32, #tpu.memory_space<vmem>>, vector<128x128xf32>
    %dot_general3A = arith.constant dense<0.000000e+00> : vector<10000x128xf32>
    %dot_general3A_23 = tpu.matmul %concatenate3A, %get3A_22, %dot_general3A {dimension_numbers = #tpu.dot_dimension_numbers<[1], [0], [0], [1], [0, 0, 1, 1], [], []>, transpose_lhs_hint = false} : vector<10000x128xf32>, vector<128x128xf32>, vector<10000x128xf32> -> vector<10000x128xf32>
    %get3A_24 = arith.constant 0 : index
    %get3A_25 = arith.constant 0 : index
    %get3A_26 = vector.load %arg3[%get3A_24, %get3A_25] : memref<10000x128xf32, #tpu.memory_space<vmem>>, vector<10000x128xf32>
    %get3A_27 = arith.constant 0 : index
    %get3A_28 = arith.constant 0 : index
    %get3A_29 = vector.load %arg5[%get3A_27, %get3A_28] : memref<128x128xf32, #tpu.memory_space<vmem>>, vector<128x128xf32>
    %dot_general3A_30 = arith.constant dense<0.000000e+00> : vector<10000x128xf32>
    %dot_general3A_31 = tpu.matmul %get3A_26, %get3A_29, %dot_general3A_30 {dimension_numbers = #tpu.dot_dimension_numbers<[1], [0], [0], [1], [0, 0, 1, 1], [], []>, transpose_lhs_hint = false} : vector<10000x128xf32>, vector<128x128xf32>, vector<10000x128xf32> -> vector<10000x128xf32>
    %add3A_32 = arith.addf %dot_general3A_23, %dot_general3A_31 : vector<10000x128xf32>
    %get3A_33 = arith.constant 0 : index
    %get3A_34 = arith.constant 0 : index
    %get3A_35 = vector.load %arg6[%get3A_33, %get3A_34] : memref<1x128xf32, #tpu.memory_space<vmem>>, vector<1x128xf32>
    %add3A_36 = vector.broadcast %get3A_35 : vector<1x128xf32> to vector<10000x128xf32>
    %add3A_37 = arith.addf %add3A_32, %add3A_36 : vector<10000x128xf32>
    %tanh3A = math.tanh %add3A_37 : vector<10000x128xf32>
    %get3A_38 = arith.constant 0 : index
    %get3A_39 = arith.constant 0 : index
    %get3A_40 = vector.load %arg7[%get3A_38, %get3A_39] : memref<10000x128xf32, #tpu.memory_space<vmem>>, vector<10000x128xf32>
    %add3A_41 = arith.addf %get3A_40, %tanh3A : vector<10000x128xf32>
    %mul3A = arith.constant 5.000000e-01 : f32
    %mul3A_42 = vector.broadcast %mul3A : f32 to vector<10000x128xf32>
    %mul3A_43 = arith.mulf %mul3A_42, %add3A_41 : vector<10000x128xf32>
    %swap3A = arith.constant 0 : index
    %swap3A_44 = arith.constant 0 : index
    %swap3A_45 = vector.load %arg8[%swap3A, %swap3A_44] : memref<10000x128xf32, #tpu.memory_space<vmem>>, vector<10000x128xf32>
    tpu.vector_store %arg8[%swap3A, %swap3A_44], %mul3A_43 {strides = array<i32>} : memref<10000x128xf32, #tpu.memory_space<vmem>>, vector<10000x128xf32>,
    return
  }
  func.func @transform_0(%arg0: i32) -> (i32, i32, i32) {
    %c0_i32 = arith.constant 0 : i32
    %c0_i32_0 = arith.constant 0 : i32
    %c0_i32_1 = arith.constant 0 : i32
    %c0_i32_2 = arith.constant 0 : i32
    return %c0_i32, %c0_i32_0, %c0_i32_1 : i32, i32, i32
  }
  func.func @transform_1(%arg0: i32) -> (i32, i32, i32) {
    %c0_i32 = arith.constant 0 : i32
    %c0_i32_0 = arith.constant 0 : i32
    %c0_i32_1 = arith.constant 0 : i32
    %c0_i32_2 = arith.constant 0 : i32
    return %c0_i32, %c0_i32_0, %c0_i32_1 : i32, i32, i32
  }
  func.func @transform_2(%arg0: i32) -> (i32, i32) {
    %c0_i32 = arith.constant 0 : i32
    %c0_i32_0 = arith.constant 0 : i32
    %c0_i32_1 = arith.constant 0 : i32
    return %c0_i32, %c0_i32_0 : i32, i32
  }
  func.func @transform_3(%arg0: i32) -> (i32, i32) {
    %c0_i32 = arith.constant 0 : i32
    %c0_i32_0 = arith.constant 0 : i32
    %c0_i32_1 = arith.constant 0 : i32
    return %c0_i32, %c0_i32_0 : i32, i32
  }
  func.func @transform_4(%arg0: i32) -> (i32, i32) {
    %c0_i32 = arith.constant 0 : i32
    %c0_i32_0 = arith.constant 0 : i32
    %c0_i32_1 = arith.constant 0 : i32
    return %c0_i32, %c0_i32_0 : i32, i32
  }
  func.func @transform_5(%arg0: i32) -> (i32, i32) {
    %c0_i32 = arith.constant 0 : i32
    %c0_i32_0 = arith.constant 0 : i32
    %c0_i32_1 = arith.constant 0 : i32
    return %c0_i32, %c0_i32_0 : i32, i32
  }
  func.func @transform_6(%arg0: i32) -> (i32, i32) {
    %c0_i32 = arith.constant 0 : i32
    %c0_i32_0 = arith.constant 0 : i32
    %c0_i32_1 = arith.constant 0 : i32
    return %c0_i32, %c0_i32_0 : i32, i32
  }
  func.func @transform_7(%arg0: i32) -> (i32, i32) {
    %c0_i32 = arith.constant 0 : i32
    %c0_i32_0 = arith.constant 0 : i32
    %c0_i32_1 = arith.constant 0 : i32
    return %c0_i32, %c0_i32_0 : i32, i32
  }
}

</mosaic_0001>

<sc_bundles>
// kernel: kernel.12.cloned.1.call-start
scs
__scs_entry_jumppad:
0x0: {  	(pc) =	sbr.rel $0x88, $3  }
0x1: {  	(tag) =	ssettag $0x0;
	lr =	simm.s32 $0x1  }
0x2: {  	[smem:$0x3F97] =	sst lr;
	_ =	strace $0xD0000000  }
0x3: {  	_ = 	snop  }
0x4: {  	_ = 	snop  }
0x5: {  	_ = 	snop  }
0x6: {  	_ = 	snop  }
0x7: {  	_ = 	snop  }
__scs_overlays_trampoline_lowered:
0x8: {  	[smem:$0x3FA6] =	sst s0  }
0x9: {  	[smem:$0x3FA7] =	sst s1  }
0xa: {  	[smem:$0x3FA8] =	sst s2  }
0xb: {  	[smem:$0x3FA9] =	sst s3  }
0xc: {  	[smem:$0x3FAA] =	sst s4  }
0xd: {  	[smem:$0x3FAB] =	sst s5  }
0xe: {  	[smem:$0x3FAC] =	sst s6  }
0xf: {  	[smem:$0x3FAD] =	sst s7  }
0x10: {  	[smem:$0x3FAE] =	sst s8  }
0x11: {  	[smem:$0x3FAF] =	sst s9;
	s0 =	simm.s32 @!p0 $0x0  }
0x12: {  	s1 =	sld [smem:$0x3F95];
	s0 =	simm.s32 @p0 $0x1  }
0x13: {  	[smem:$0x3FB0] =	sst s0;
	s0 =	simm.s32 @!p1 $0x0  }
0x14: {  	s2 =	sld [smem:$0x3F94];
	s0 =	simm.s32 @p1 $0x1  }
0x15: {  	[smem:$0x3FB1] =	sst s0;
	s0 =	simm.s32 @!p2 $0x0  }
0x16: {  	s3 =	sld [smem:$0x3FDB];
	s0 =	simm.s32 @p2 $0x1  }
0x17: {  	s4 =	simm.s32 $0x1BF5;
	[smem:$0x3FB3] =	sst s0  }
0x18: {  	s0 =	sld [smem:$0x3F96];
	_ =	swait.ge [sflag:s4], $0x0  }
0x19: {  	s7 =	sld [smem:$0x3F97]  }
0x1a: {  	s8 =	sadd.s32 $0xFFFFE003, lr  }
0x1b: {  	s9 =	sadd.s32 $0xFFFFFEF7, lr;
	s5 =	simm.s32 $0xFFFFFFFF;
	p2 =	slt.u32 s8, $0xFFFFF086  }
0x1c: {  	p1 =	slt.u32 s9, $0xF7A;
	s5 =	simm.s32 @!p2 $0x0  }
0x1d: {  	s5 =	simm.s32 @p1 $0x1;
	p0 =	seq.s32 s7, s2  }
0x1e: {  	s7 =	smul.u32 @!p0 $0xF7A, s2;
	p2 =	seq.s32 @!p0 s5, $0x0  }
0x1f: {  	s9 =	smul.u32 $0xF7A, s1;
	s8 =	simm.s32 @!p0 $0x1BF5;
	p2 =	por !p2, p0  }
0x20: {  	[sflag:s8] =	ssyncset.s32 @!p0 $0xFFFFF086;
	s6 =	sadd.s32 @!p0 s3, s7;
	s7 =	simm.s32 @!p0 $0x108  }
0x21: {  	s3 =	sadd.s32 s3, s9;
	s6 =	sadd.s32 @!p0 $0x88, s6;
	s7 =	simm.s32 @p2 $0x1082  }
0x22: {  	[simem:s7], [sflag:s8] =	dma.local @!p0 [hbm:s6], $0xF7A  }
0x23: {  	s9 =	sor.u32 $0xD0000000, s2;
	s6 =	simm.s32 $0x108;
	_ =	swait.ge @!p0 [sflag:s8], $0x0  }
0x24: {  	s3 =	sadd.s32 $0x88, s3;
	s6 =	simm.s32 @!p1 $0x1082;
	[sflag:s4] =	ssyncset.s32 $0xFFFFF086  }
0x25: {  	[simem:s6], [sflag:s4] =	dma.local [hbm:s3], $0xF7A  }
0x26: {  	[smem:$0x3F97] =	sst s1;
	(tag) =	ssettag s2;
	_ =	strace s9  }
0x27: {  	s1 =	sld [smem:$0x3FA7]  }
0x28: {  	s2 =	sld [smem:$0x3FA8]  }
0x29: {  	s4 =	sld [smem:$0x3FAA]  }
0x2a: {  	p0 =	seq.s32 s5, $0x0;
	s5 =	sld [smem:$0x3FAB]  }
0x2b: {  	s6 =	sld [smem:$0x3FAC]  }
0x2c: {  	s7 =	sld [smem:$0x3FAD]  }
0x2d: {  	s3 =	simm.s32 $0x108;
	s8 =	sld [smem:$0x3FAE]  }
0x2e: {  	s3 =	simm.s32 @!p0 $0x1082;
	s9 =	sld [smem:$0x3FAF]  }
0x2f: {  	lr =	sadd.s32 s0, s3;
	s0 =	sld [smem:$0x3FA6]  }
0x30: {  	s3 =	sld [smem:$0x3FA9]  }
0x31: {  	[smem:$0x3FB2] =	sst s10  }
0x32: {  	s10 =	sld [smem:$0x3FB0];
	_ =	sdelay $0x3  }
0x33: {  	p0 =	seq.s32 s10, $0x1;
	s10 =	sld [smem:$0x3FB2];
	_ =	sdelay $0x3  }
0x34: {  	[smem:$0x3FB2] =	sst s10  }
0x35: {  	s10 =	sld [smem:$0x3FB1];
	_ =	sdelay $0x3  }
0x36: {  	p1 =	seq.s32 s10, $0x1;
	s10 =	sld [smem:$0x3FB2];
	_ =	sdelay $0x3  }
0x37: {  	[smem:$0x3FB2] =	sst s10  }
0x38: {  	s10 =	sld [smem:$0x3FB3]  }
0x39: {  	_ = 	snop;
	(pc) =	sbr.ind lr, $3  }
0x3a: {  	_ = 	snop  }
0x3b: {  	_ = 	snop  }
0x3c: {  	p2 =	seq.s32 s10, $0x1;
	s10 =	sld [smem:$0x3FB2]  }
0x3d: {  	_ =	shalt  }
0x3e: {  	_ =	shalt  }
0x3f: {  	_ =	shalt  }
0x40: {  	_ =	shalt  }
0x41: {  	_ =	shalt  }
0x42: {  	_ =	shalt  }
0x43: {  	_ =	shalt  }
0x44: {  	_ =	shalt  }
0x45: {  	_ =	shalt  }
0x46: {  	_ =	shalt  }
0x47: {  	_ =	shalt  }
0x48: {  	_ =	shalt  }
0x49: {  	_ =	shalt  }
0x4a: {  	_ =	shalt  }
0x4b: {  	_ =	shalt  }
0x4c: {  	_ =	shalt  }
0x4d: {  	_ =	shalt  }
0x4e: {  	_ =	shalt  }
0x4f: {  	_ =	shalt  }
0x50: {  	_ =	shalt  }
0x51: {  	_ =	shalt  }
0x52: {  	_ =	shalt  }
0x53: {  	_ =	shalt  }
0x54: {  	_ =	shalt  }
0x55: {  	_ =	shalt  }
0x56: {  	_ =	shalt  }
0x57: {  	_ =	shalt  }
0x58: {  	_ =	shalt  }
0x59: {  	_ =	shalt  }
0x5a: {  	_ =	shalt  }
0x5b: {  	_ =	shalt  }
0x5c: {  	_ =	shalt  }
0x5d: {  	_ =	shalt  }
0x5e: {  	_ =	shalt  }
0x5f: {  	_ =	shalt  }
0x60: {  	_ =	shalt  }
0x61: {  	_ =	shalt  }
0x62: {  	_ =	shalt  }
0x63: {  	_ =	shalt  }
0x64: {  	_ =	shalt  }
0x65: {  	_ =	shalt  }
0x66: {  	_ =	shalt  }
0x67: {  	_ =	shalt  }
0x68: {  	_ =	shalt  }
0x69: {  	_ =	shalt  }
0x6a: {  	_ =	shalt  }
0x6b: {  	_ =	shalt  }
0x6c: {  	_ =	shalt  }
0x6d: {  	_ =	shalt  }
0x6e: {  	_ =	shalt  }
0x6f: {  	_ =	shalt  }
0x70: {  	_ =	shalt  }
0x71: {  	_ =	shalt  }
0x72: {  	_ =	shalt  }
0x73: {  	_ =	shalt  }
0x74: {  	_ =	shalt  }
0x75: {  	_ =	shalt  }
0x76: {  	_ =	shalt  }
0x77: {  	_ =	shalt  }
0x78: {  	_ =	shalt  }
0x79: {  	_ =	shalt  }
0x7a: {  	_ =	shalt  }
0x7b: {  	_ =	shalt  }
0x7c: {  	_ =	shalt  }
0x7d: {  	_ =	shalt  }
0x7e: {  	_ =	shalt  }
0x7f: {  	_ =	shalt  }
0x80: {  	_ =	shalt  }
0x81: {  	_ =	shalt  }
0x82: {  	_ =	shalt  }
0x83: {  	_ =	shalt  }
0x84: {  	_ =	shalt  }
0x85: {  	_ =	shalt  }
0x86: {  	_ =	shalt  }
0x87: {  	_ =	shalt  }
.Lfunc_end0:
.L_simem_size_0:
called_computation_lowered:
.L_overlay_start_0:
0x88: {  	s2 =	sld [smem:$0x3FD9]  }
0x89: {  	s3 =	sld [smem:$0x3FFE];
	_ =	sdelay $0x1  }
0x8a: {  	s1 =	srdreg.scid  }
0x8b: {  	s0 =	sand.u32 $0x1, s1  }
0x8c: {  	s17 =	sshll.u32 s0, $0xA;
	s2 =	sadd.s32 s3, s2  }
0x8d: {  	s2 =	sadd.s32 s2, s17  }
0x8e: {  	[smem:$0x3FBE] =	sst s2  }
0x8f: {  	_ = 	snop  }
0x90: {  	s18 =	sld [smem:$0x3FD0];
	(tm) =	ssettm $0x1  }
0x91: {  	s19 =	sld [smem:$0x3FFB];
	_ =	sdelay $0x3  }
0x92: {  	_ =	strace s19  }
0x93: {  	s2 =	sld [smem:$0x3FFC];
	_ =	sdelay $0x3  }
0x94: {  	_ =	strace s2  }
0x95: {  	s2 =	sld [smem:$0x3FFD];
	_ =	sdelay $0x3  }
0x96: {  	_ =	strace s2  }
0x97: {  	_ =	strace $0x8FFFFFFF  }
0x98: {  	s20 =	sld [smem:$0x3FDB];
	_ =	sdelay $0x1  }
0x99: {  	s4 =	simm.s32 $_scs_section_size  }
0x9a: {  	s5 =	simm.s32 $_size__tile_overlayer_lowered;
	s6 =	simm.s32 $_tile_overlayer_lowered  }
0x9b: {  	s7 =	simm.s32 $0x1BFF;
	s21 =	sshll.u32 s6, $0x1;
	s4 =	sadd.s32 s4, s20  }
0x9c: {  	s22 =	simm.s32 $0x0;
	s5 =	sshll.u32 s5, $0x1;
	s6 =	sadd.s32 s21, s4  }
0x9d: {  	[timem:s22], [sflag:s7] =	dma.local [hbm:s6], s5  }
0x9e: {  	_ =	swait.ge [sflag:s7], s5  }
0x9f: {  	s5 =	ssub.s32 $0x0, s5;
	[sflag:s7] =	ssyncset.done $0x0  }
0xa0: {  	[sflag:s7] =	ssyncadd.s32 s5;
	_ =	sdelay $0x1  }
0xa1: {  	s23 =	simm.s32 $0x1B8B  }
0xa2: {  	_ =	swait.ge [sflag:s23], $0x1  }
0xa3: {  	[sflag:s23] =	ssyncset.done $0x0  }
0xa4: {  	[sflag:s23] =	ssyncadd.s32 $0xFFFFFFFF  }
0xa5: {  	s5 =	sld [smem:$0x0]  }
0xa6: {  	s6 =	sand.u32 $0xFFFFFFFE, s1  }
0xa7: {  	p0 =	sne.s32 s1, s6  }
0xa8: {  	s6 =	sshll.u32 @p0 s6, $0xE  }
0xa9: {  	s6 =	sadd.s32 @p0 $0x11B8D, s6;
	s7 =	sshll.u32 @p0 s5, $0x11  }
0xaa: {  	s6 =	sor.u32 @p0 s7, s6  }
0xab: {  	[sflag:s6] =	ssyncadd.remote.s32 @p0 $0x1;
	_ =	sdelay $0x1  }
0xac: {  	s6 =	simm.s32 @p0 $0x1B8D  }
0xad: {  	_ =	swait.eq @p0 [sflag:s6], $0x1  }
0xae: {  	[sflag:s6] =	ssyncadd.s32 @p0 $0xFFFFFFFF  }
0xaf: {  	s7 =	sshll.u32 @!p0 s1, $0xE  }
0xb0: {  	s7 =	sor.u32 @!p0 $0x4000, s7;
	s6 =	simm.s32 @!p0 $0x1B8D  }
0xb1: {  	s5 =	sshll.u32 @!p0 s5, $0x11;
	s7 =	sadd.s32 @!p0 $0x11B8D, s7;
	_ =	swait.eq @!p0 [sflag:s6], $0x1  }
0xb2: {  	s5 =	sor.u32 @!p0 s5, s7;
	[sflag:s6] =	ssyncadd.s32 @!p0 $0xFFFFFFFF  }
0xb3: {  	s25 =	simm.s32 $0x1B8E;
	s24 =	sld [smem:$0x3FFE];
	[sflag:s5] =	ssyncadd.remote.s32 @!p0 $0x1  }
0xb4: {  	s26 =	simm.s32 $execute0_lowered;
	[smem:$0x3FD2] =	sst s25  }
0xb5: {  	s6 =	sshll.u32 s26, $0x1;
	_ =	strace $0x80000049;
	[dreg:$0x1] =	wrdreg $0xFFFFFFFF  }
0xb6: {  	s28 =	simm.s32 $_size_execute0_lowered;
	s4 =	sadd.s32 s4, s6;
	[dreg:$0x0] =	wrdreg $0x0  }
0xb7: {  	s6 =	sshll.u32 s28, $0x1;
	[dreg:$0x2] =	wrdreg s4  }
0xb8: {  	[dreg:$0x3] =	wrdreg s6  }
0xb9: {  	[dreg:$0x4] =	wrdreg $0xC0  }
0xba: {  	_ =	task [dreg:s22], $0x5FFFF  }
0xbb: {  	[dreg:$0x1] =	wrdreg $0xFFFFFFFF  }
0xbc: {  	[dreg:$0x0] =	wrdreg $0x60  }
0xbd: {  	[dreg:$0x2] =	wrdreg s18  }
0xbe: {  	[dreg:$0x3] =	wrdreg s24  }
0xbf: {  	[dreg:$0x4] =	wrdreg $0x14A000  }
0xc0: {  	[dreg:$0x5] =	wrdreg $0x9  }
0xc1: {  	_ =	task.clear_ibuf [dreg:s22], $0x6FFFF;
	_ =	strace $0x90000049  }
0xc2: {  	s29 =	simm.s32 $0x9;
	_ =	strace $0x8000004B  }
0xc3: {  	_ =	swait.ge [sflag:s29], $0x1  }
0xc4: {  	[sflag:s29] =	ssyncadd.s32 $0xFFFFFFFF  }
0xc5: {  	_ =	strace $0x9000004B  }
0xc6: {  	_ =	sfence  }
0xc7: {  	s30 =	sld [smem:$0x0];
	_ =	sdelay $0x2  }
0xc8: {  	s31 =	sshll.u32 s1, $0xD;
	s1 =	sshrl.u32 s1, $0x2  }
0xc9: {  	s4 =	sand.u32 $0x4000, s31;
	s1 =	sadd.s32 s1, s30  }
0xca: {  	s0 =	sor.u32 s4, s0;
	s1 =	sshll.u32 s1, $0x11  }
0xcb: {  	s0 =	sor.u32 s1, s0  }
0xcc: {  	s0 =	sadd.s32 $0x8F2B, s0  }
0xcd: {  	[sflag:s0] =	ssyncadd.remote.s32 $0x1  }
0xce: {  	_ =	sfence.sel $0xFFFF  }
0xcf: {  	[dreg:$0x0] =	wrdreg $0xFFFFFFFF;
	(pc) =	sbr.abs _section_cstart, $3  }
0xd0: {  	[dreg:$0x1] =	wrdreg $0xFFFFFFFF  }
0xd1: {  	_ =	task.clear_ibuf [dreg:s22], $0x2FFFF;
	_ =	strace $0x9FFFFFFF  }
0xd2: {  	(tm) =	ssettm $0x7FFFFFFF  }
0xd3: {  	_ =	shalt  }
tec
execute0_lowered:
.L_overlay_start_1:
0x0: {  	(tag) =	ssettag $0x1  }
0x1: {  	s0 =	srdreg.scid;
	s1 =	rddreg [dreg:$0x0]  }
0x2: {  	s4 =	stileid.u32;
	s6 =	rddreg [dreg:$0x1]  }
0x3: {  	s3 =	rddreg [dreg:$0x2];
	s5 =	simm.s32 $0x0;
	s28 =	simm.s32 $0x9C40  }
0x4: {  	s30 =	simm.s32 $0x3E80;
	s31 =	simm.s32 $0xBB80;
	s29 =	simm.s32 $0x5  }
0x5: {  	s12 =	simm.s32 $0x8;
	s13 =	simm.s32 $0xA;
	s15 =	simm.s32 $0xB  }
0x6: {  	s0 =	sand.u32 $0x1, s0;
	s8 =	smul.u32 $0xA000, s4;
	[smem:$0x7FF] =	sst s5  }
0x7: {  	s5 =	sadd.s32 $0x54000, s6;
	s17 =	sadd.s32 $0x536000, s6;
	s11 =	sshll.u32 s4, $0x6  }
0x8: {  	s2 =	sshll.u32 s0, $0x4;
	s9 =	smul.u32 $0xA0000, s0;
	_ =	strace $0x8000004A  }
0x9: {  	s0 =	ssub.s32 $0x2, s0;
	[dreg:$0x4] =	wrdreg s17;
	s14 =	sor.u32 $0x1C0D, s11  }
0xa: {  	s17 =	simm.s32 $0xD;
	s11 =	simm.s32 $0x4;
	s2 =	sor.u32 s4, s2  }
0xb: {  	s18 =	sshrl.u32 s0, $0x1;
	[dreg:$0x5] =	wrdreg s14;
	s7 =	smul.u32 $0x500, s2  }
0xc: {  	s16 =	sadd.s32 s8, s9;
	s0 =	ssub.s32 s0, s18;
	s19 =	smul.u32 $0x138800, s2  }
0xd: {  	s8 =	sadd.s32 s8, s3;
	s18 =	simm.s32 $0x0;
	s0 =	smax.u32 s0, $0x1  }
0xe: {  	s8 =	sshrl.u32 s8, $0x3;
	s10 =	sadd.s32 s7, s6;
	s7 =	sshrl.u32 s16, $0x3  }
0xf: {  	s9 =	sshrl.u32 s19, $0x3;
	[dreg:$0xd] =	wrdreg s0;
	s0 =	simm.s32 $0x5DC0  }
0x10: {  	s19 =	simm.s32 $0x9;
	s6 =	sadd.s32 s7, s6;
	s7 =	smul.u32 $0x2710, s2  }
0x11: {  	s16 =	simm.s32 $0xC;
	[dreg:$0xe] =	wrdreg s8;
	s2 =	smul.u32 $0x27100, s2  }
0x12: {  	s20 =	sadd.s32 $0x4A000, s10;
	s21 =	sadd.s32 $0x40000, s10;
	s22 =	sadd.s32 s5, s9  }
0x13: {  	s25 =	sadd.s32 $0x1770, s9;
	s9 =	simm.s32 $0x3;
	[dreg:$0x6] =	wrdreg s20  }
0x14: {  	s10 =	simm.s32 $0x7;
	[dreg:$0x7] =	wrdreg s21;
	s23 =	sadd.s32 $0x7D0, s22  }
0x15: {  	s24 =	sadd.s32 $0xFA0, s22;
	[dreg:$0xb] =	wrdreg s25;
	s26 =	sadd.s32 $0x55F400, s6  }
.Ltmp0:
0x16: {  	s21 =	simm.s32 $0x7D;
	s22 =	simm.s32 $0x40;
	(pc) =	sbr.rel .LBB2_1-.Ltmp0, $4  }
0x17: {  	s20 =	simm.s32 $0xDAC0;
	s25 =	simm.s32 $0x1;
	[dreg:$0x9] =	wrdreg s23  }
0x18: {  	s6 =	simm.s32 $0x6;
	s2 =	sadd.s32 s5, s2;
	[dreg:$0xa] =	wrdreg s24  }
0x19: {  	[dreg:$0xc] =	wrdreg s26;
	s23 =	simm.s32 $0x80;
	s26 =	simm.s32 $0x1F40  }
0x1a: {  	s24 =	simm.s32 $0x0;
	[dreg:$0x8] =	wrdreg s2;
	s2 =	simm.s32 $0x2  }
.LBB2_12:
0x1b: {  	_ =	swait.ge [sflag:s13], $0x1F40  }
0x1c: {  	[sflag:s13] =	ssyncset.done $0x0  }
0x1d: {  	[sflag:s13] =	ssyncadd.s32 $0xFFFFE0C0  }
0x1e: {  	_ =	swait.ge [sflag:s15], $0x1F40  }
0x1f: {  	[sflag:s15] =	ssyncset.done $0x0  }
0x20: {  	[sflag:s15] =	ssyncadd.s32 $0xFFFFE0C0  }
0x21: {  	_ =	swait.ge [sflag:s16], $0x1F40  }
0x22: {  	[sflag:s16] =	ssyncset.done $0x0  }
0x23: {  	[sflag:s16] =	ssyncadd.s32 $0xFFFFE0C0  }
0x24: {  	[bflag:$0x0] =	sbarrier.arrive $0xFFFF  }
0x25: {  	s14 =	rddreg [dreg:$0x5]  }
0x26: {  	s4 =	rddreg [dreg:$0xc]  }
0x27: {  	s17 =	simm.s32 $0xD;
	s8 =	rddreg [dreg:$0xe]  }
0x28: {  	[hbm:s4], [sflag:s14] =	dma.local [spmem:s8], $0x1400  }
0x29: {  	_ =	swait.ge [sflag:s17], $0x1400  }
0x2a: {  	s18 =	rddreg [dreg:$0xf]  }
0x2b: {  	s4 =	rddreg [dreg:$0xd];
	s18 =	sadd.s32 $0x1, s18  }
0x2c: {  	p0 =	sne.s32 s18, s4  }
.Ltmp1:
0x2d: {  	_ = 	snop;
	(pc) =	sbr.rel @!p0 .LBB2_13-.Ltmp1, $3  }
0x2e: {  	_ =	sdelay $0x1  }
0x2f: {  	[sflag:s17] =	ssyncset.done $0x0  }
0x30: {  	[sflag:s17] =	ssyncadd.s32 $0xFFFFEC00  }
.LBB2_1:
0x31: {  	[dreg:$0xf] =	wrdreg s18  }
0x32: {  	s4 =	rddreg [dreg:$0x4]  }
0x33: {  	[spmem:s8], [sflag:s14] =	dma.local [hbm:s4], $0x1400  }
0x34: {  	_ =	swait.ge [sflag:s17], $0x1400  }
0x35: {  	[sflag:s17] =	ssyncset.done $0x0  }
0x36: {  	[sflag:s17] =	ssyncadd.s32 $0xFFFFEC00  }
0x37: {  	[bflag:$0x0] =	sbarrier.arrive $0xFFFF  }
0x38: {  	s4 =	simm.s32 $0x0;
	s14 =	simm.s32 $0xFA00;
	s18 =	rddreg [dreg:$0x6]  }
0x39: {  	[tilespmem:s14], [sflag:$0xD] =	stream.linear.gather [hbm4b:s18+s4], $0x2800, $0x38;
	[tilespmem:$0x1EA00] =	vst v63  }
0x3a: {  	_ =	swait.ge [sflag:s17], $0x2800  }
0x3b: {  	[sflag:s17] =	ssyncset.done $0x0  }
0x3c: {  	s18 =	simm.s32 $0x12200;
	s8 =	rddreg [dreg:$0x7];
	[sflag:s17] =	ssyncadd.s32 $0xFFFFD800  }
0x3d: {  	[tilespmem:s18], [sflag:$0xD] =	stream.linear.gather [hbm4b:s8+s4], $0x2800, $0x38;
	[tilespmem:$0x1EA00] =	vst v63  }
0x3e: {  	_ =	swait.ge [sflag:s17], $0x2800  }
0x3f: {  	[sflag:s17] =	ssyncset.done $0x0  }
0x40: {  	[sflag:s17] =	ssyncadd.s32 $0xFFFFD800  }
0x41: {  	[tilespmem:s4], [sflag:$0x1] =	stream.indirect.gather [hbm4b:s1+s21], $0x40, s14, s21, $0xb8;
	[tilespmem:$0x1EA00] =	vst v63  }
0x42: {  	s17 =	simm.s32 $0x7D00;
	s14 =	rddreg [dreg:$0x8]  }
0x43: {  	[tilespmem:s17], [sflag:$0x5] =	stream.strided.gather [hbm4b:s14+s22], $0x1F40, s23, s22, $0x38;
	[tilespmem:$0x1EA00] =	vst v63  }
0x44: {  	s18 =	simm.s32 $0xFA80  }
0x45: {  	[tilespmem:s26], [sflag:$0x2] =	stream.indirect.gather [hbm4b:s1+s21], $0x40, s18, s21, $0xb8;
	[tilespmem:$0x1EA00] =	vst v63  }
0x46: {  	s8 =	rddreg [dreg:$0x9]  }
0x47: {  	[tilespmem:s28], [sflag:$0x6] =	stream.strided.gather [hbm4b:s8+s22], $0x1F40, s23, s22, $0x38;
	[tilespmem:$0x1EA00] =	vst v63  }
0x48: {  	s14 =	simm.s32 $0xFB00  }
0x49: {  	[tilespmem:s30], [sflag:$0x3] =	stream.indirect.gather [hbm4b:s1+s21], $0x40, s14, s21, $0xb8;
	[tilespmem:$0x1EA00] =	vst v63  }
0x4a: {  	s17 =	rddreg [dreg:$0xa]  }
0x4b: {  	[tilespmem:s31], [sflag:$0x7] =	stream.strided.gather [hbm4b:s17+s22], $0x1F40, s23, s22, $0x38;
	[tilespmem:$0x1EA00] =	vst v63  }
0x4c: {  	s18 =	simm.s32 $0xFB80;
	s8 =	simm.s32 $0x0;
	s14 =	rddreg [dreg:$0xb]  }
0x4d: {  	[tilespmem:s0], [sflag:$0x4] =	stream.indirect.gather [hbm4b:s1+s21], $0x40, s18, s21, $0xb8;
	[tilespmem:$0x1EA00] =	vst v63  }
.LBB2_2:
0x4e: {  	s14 =	sadd.s32 s5, s14  }
0x4f: {  	[tilespmem:s20], [sflag:$0x8] =	stream.strided.gather [hbm4b:s14+s22], $0x1F40, s23, s22, $0x38;
	[tilespmem:$0x1EA00] =	vst v63  }
0x50: {  	_ =	swait.ge [sflag:s25], $0x1F40  }
0x51: {  	[sflag:s25] =	ssyncset.done $0x0  }
0x52: {  	[sflag:s25] =	ssyncadd.s32 $0xFFFFE0C0  }
0x53: {  	_ =	swait.ge [sflag:s29], $0x1F40  }
0x54: {  	[sflag:s29] =	ssyncset.done $0x0  }
0x55: {  	s18 =	simm.s32 $0x0;
	[sflag:s29] =	ssyncadd.s32 $0xFFFFE0C0  }
0x56: {  	v2 =	vld [tilespmem:s18+$0x7D00]  }
0x57: {  	v3 =	vld [tilespmem:s18+$0x7D10]  }
0x58: {  	v1 =	vld [tilespmem:s18+$0x7D20]  }
0x59: {  	v0 =	vld [tilespmem:s18+$0x7D30]  }
0x5a: {  	v4 =	vld [tilespmem:s18+$0x0]  }
0x5b: {  	v6 =	vld [tilespmem:s18+$0x10]  }
0x5c: {  	s17 =	simm.s32 $0x100;
	v5 =	vld [tilespmem:s18+$0x20]  }
.LBB2_3:
0x5d: {  	p0 =	sne.s32 s17, $0x7C00;
	v7 =	vld [tilespmem:s18+$0x30]  }
0x5e: {  	s14 =	sshra.s32 s17, $0x2  }
0x5f: {  	v4 =	vadd.f32 v2, v4;
	v2 =	vld [tilespmem:s14+$0x7D00]  }
0x60: {  	v6 =	vadd.f32 v3, v6;
	v3 =	vld [tilespmem:s14+$0x7D10]  }
.Ltmp2:
0x61: {  	v4 =	vmax.f32 v4, $0.0e+00;
	v5 =	vadd.f32 v1, v5;
	v1 =	vld [tilespmem:s14+$0x7D20];
	(pc) =	sbr.rel @p0 .LBB2_3-.Ltmp2, $4  }
0x62: {  	[tilespmem:s18+$0x0] =	vst v4;
	v6 =	vmax.f32 v6, $0.0e+00;
	v7 =	vadd.f32 v0, v7;
	v0 =	vld [tilespmem:s14+$0x7D30]  }
0x63: {  	v4 =	vld [tilespmem:s14+$0x0];
	[tilespmem:s18+$0x10] =	vst v6;
	v5 =	vmax.f32 v5, $0.0e+00  }
0x64: {  	v6 =	vld [tilespmem:s14+$0x10];
	[tilespmem:s18+$0x20] =	vst v5;
	v7 =	vmax.f32 v7, $0.0e+00  }
0x65: {  	s17 =	sadd.s32 $0x100, s17;
	v5 =	vld [tilespmem:s14+$0x20];
	[tilespmem:s18+$0x30] =	vst v7;
	s18 =	smov.u32 s14  }
0x66: {  	v7 =	vld [tilespmem:s18+$0x30];
	_ =	sdelay $0x1  }
0x67: {  	v2 =	vadd.f32 v2, v4  }
0x68: {  	v3 =	vadd.f32 v3, v6  }
0x69: {  	v2 =	vmax.f32 v2, $0.0e+00;
	v1 =	vadd.f32 v1, v5  }
0x6a: {  	[tilespmem:s18+$0x0] =	vst v2;
	v2 =	vmax.f32 v3, $0.0e+00;
	v0 =	vadd.f32 v0, v7  }
0x6b: {  	s14 =	sshll.u32 s8, $0x9;
	[tilespmem:s18+$0x10] =	vst v2;
	v1 =	vmax.f32 v1, $0.0e+00  }
0x6c: {  	s17 =	sand.u32 $0x3FFFFE00, s14;
	[tilespmem:s18+$0x20] =	vst v1;
	v0 =	vmax.f32 v0, $0.0e+00  }
0x6d: {  	s4 =	simm.s32 $0x0;
	s14 =	sadd.s32 $0x12200, s17;
	[tilespmem:s18+$0x30] =	vst v0  }
0x6e: {  	[spmem:s3] =	stream.indirect.scatter.add.f32 [tilespmem:s4], [sflag:$0x9], $0x40, s14, s21, $0xb8;
	[tilespmem:$0x1EA00] =	vst v63  }
0x6f: {  	_ =	swait.ge [sflag:s2], $0x1F40  }
0x70: {  	[sflag:s2] =	ssyncset.done $0x0  }
0x71: {  	[sflag:s2] =	ssyncadd.s32 $0xFFFFE0C0  }
0x72: {  	_ =	swait.ge [sflag:s6], $0x1F40  }
0x73: {  	[sflag:s6] =	ssyncset.done $0x0  }
0x74: {  	s18 =	simm.s32 $0x0;
	[sflag:s6] =	ssyncadd.s32 $0xFFFFE0C0  }
0x75: {  	v2 =	vld [tilespmem:s18+$0x9C40]  }
0x76: {  	v3 =	vld [tilespmem:s18+$0x9C50]  }
0x77: {  	v1 =	vld [tilespmem:s18+$0x9C60]  }
0x78: {  	v0 =	vld [tilespmem:s18+$0x9C70]  }
0x79: {  	v4 =	vld [tilespmem:s18+$0x1F40]  }
0x7a: {  	v6 =	vld [tilespmem:s18+$0x1F50]  }
0x7b: {  	s14 =	simm.s32 $0x100;
	v5 =	vld [tilespmem:s18+$0x1F60]  }
.LBB2_5:
0x7c: {  	p0 =	sne.s32 s14, $0x7C00;
	v7 =	vld [tilespmem:s18+$0x1F70]  }
0x7d: {  	s4 =	sshra.s32 s14, $0x2  }
0x7e: {  	v4 =	vadd.f32 v2, v4;
	v2 =	vld [tilespmem:s4+$0x9C40]  }
0x7f: {  	v6 =	vadd.f32 v3, v6;
	v3 =	vld [tilespmem:s4+$0x9C50]  }
.Ltmp3:
0x80: {  	v4 =	vmax.f32 v4, $0.0e+00;
	v5 =	vadd.f32 v1, v5;
	v1 =	vld [tilespmem:s4+$0x9C60];
	(pc) =	sbr.rel @p0 .LBB2_5-.Ltmp3, $4  }
0x81: {  	[tilespmem:s18+$0x1F40] =	vst v4;
	v6 =	vmax.f32 v6, $0.0e+00;
	v7 =	vadd.f32 v0, v7;
	v0 =	vld [tilespmem:s4+$0x9C70]  }
0x82: {  	v4 =	vld [tilespmem:s4+$0x1F40];
	[tilespmem:s18+$0x1F50] =	vst v6;
	v5 =	vmax.f32 v5, $0.0e+00  }
0x83: {  	v6 =	vld [tilespmem:s4+$0x1F50];
	[tilespmem:s18+$0x1F60] =	vst v5;
	v7 =	vmax.f32 v7, $0.0e+00  }
0x84: {  	s14 =	sadd.s32 $0x100, s14;
	v5 =	vld [tilespmem:s4+$0x1F60];
	[tilespmem:s18+$0x1F70] =	vst v7;
	s18 =	smov.u32 s4  }
0x85: {  	v7 =	vld [tilespmem:s18+$0x1F70];
	_ =	sdelay $0x1  }
0x86: {  	v2 =	vadd.f32 v2, v4  }
0x87: {  	v3 =	vadd.f32 v3, v6  }
0x88: {  	v2 =	vmax.f32 v2, $0.0e+00;
	v1 =	vadd.f32 v1, v5  }
0x89: {  	[tilespmem:s18+$0x1F40] =	vst v2;
	v2 =	vmax.f32 v3, $0.0e+00;
	v0 =	vadd.f32 v0, v7  }
0x8a: {  	[tilespmem:s18+$0x1F50] =	vst v2;
	v1 =	vmax.f32 v1, $0.0e+00  }
0x8b: {  	[tilespmem:s18+$0x1F60] =	vst v1;
	v0 =	vmax.f32 v0, $0.0e+00  }
0x8c: {  	s4 =	sadd.s32 $0x12280, s17;
	[tilespmem:s18+$0x1F70] =	vst v0  }
0x8d: {  	[spmem:s3] =	stream.indirect.scatter.add.f32 [tilespmem:s26], [sflag:$0xA], $0x40, s4, s21, $0xb8;
	[tilespmem:$0x1EA00] =	vst v63  }
0x8e: {  	_ =	swait.ge [sflag:s9], $0x1F40  }
0x8f: {  	[sflag:s9] =	ssyncset.done $0x0  }
0x90: {  	[sflag:s9] =	ssyncadd.s32 $0xFFFFE0C0  }
0x91: {  	_ =	swait.ge [sflag:s10], $0x1F40  }
0x92: {  	[sflag:s10] =	ssyncset.done $0x0  }
0x93: {  	s18 =	simm.s32 $0x0;
	[sflag:s10] =	ssyncadd.s32 $0xFFFFE0C0  }
0x94: {  	v2 =	vld [tilespmem:s18+$0xBB80]  }
0x95: {  	v3 =	vld [tilespmem:s18+$0xBB90]  }
0x96: {  	v1 =	vld [tilespmem:s18+$0xBBA0]  }
0x97: {  	v0 =	vld [tilespmem:s18+$0xBBB0]  }
0x98: {  	v4 =	vld [tilespmem:s18+$0x3E80]  }
0x99: {  	v6 =	vld [tilespmem:s18+$0x3E90]  }
0x9a: {  	s14 =	simm.s32 $0x100;
	v5 =	vld [tilespmem:s18+$0x3EA0]  }
.LBB2_7:
0x9b: {  	p0 =	sne.s32 s14, $0x7C00;
	v7 =	vld [tilespmem:s18+$0x3EB0]  }
0x9c: {  	s4 =	sshra.s32 s14, $0x2  }
0x9d: {  	v4 =	vadd.f32 v2, v4;
	v2 =	vld [tilespmem:s4+$0xBB80]  }
0x9e: {  	v6 =	vadd.f32 v3, v6;
	v3 =	vld [tilespmem:s4+$0xBB90]  }
.Ltmp4:
0x9f: {  	v4 =	vmax.f32 v4, $0.0e+00;
	v5 =	vadd.f32 v1, v5;
	v1 =	vld [tilespmem:s4+$0xBBA0];
	(pc) =	sbr.rel @p0 .LBB2_7-.Ltmp4, $4  }
0xa0: {  	[tilespmem:s18+$0x3E80] =	vst v4;
	v6 =	vmax.f32 v6, $0.0e+00;
	v7 =	vadd.f32 v0, v7;
	v0 =	vld [tilespmem:s4+$0xBBB0]  }
0xa1: {  	v4 =	vld [tilespmem:s4+$0x3E80];
	[tilespmem:s18+$0x3E90] =	vst v6;
	v5 =	vmax.f32 v5, $0.0e+00  }
0xa2: {  	v6 =	vld [tilespmem:s4+$0x3E90];
	[tilespmem:s18+$0x3EA0] =	vst v5;
	v7 =	vmax.f32 v7, $0.0e+00  }
0xa3: {  	s14 =	sadd.s32 $0x100, s14;
	v5 =	vld [tilespmem:s4+$0x3EA0];
	[tilespmem:s18+$0x3EB0] =	vst v7;
	s18 =	smov.u32 s4  }
0xa4: {  	v7 =	vld [tilespmem:s18+$0x3EB0];
	_ =	sdelay $0x1  }
0xa5: {  	v2 =	vadd.f32 v2, v4  }
0xa6: {  	v3 =	vadd.f32 v3, v6  }
0xa7: {  	v2 =	vmax.f32 v2, $0.0e+00;
	v1 =	vadd.f32 v1, v5  }
0xa8: {  	[tilespmem:s18+$0x3E80] =	vst v2;
	v2 =	vmax.f32 v3, $0.0e+00;
	v0 =	vadd.f32 v0, v7  }
0xa9: {  	[tilespmem:s18+$0x3E90] =	vst v2;
	v1 =	vmax.f32 v1, $0.0e+00  }
0xaa: {  	[tilespmem:s18+$0x3EA0] =	vst v1;
	v0 =	vmax.f32 v0, $0.0e+00  }
0xab: {  	s4 =	sadd.s32 $0x12300, s17;
	[tilespmem:s18+$0x3EB0] =	vst v0  }
0xac: {  	[spmem:s3] =	stream.indirect.scatter.add.f32 [tilespmem:s30], [sflag:$0xB], $0x40, s4, s21, $0xb8;
	[tilespmem:$0x1EA00] =	vst v63  }
0xad: {  	_ =	swait.ge [sflag:s11], $0x1F40  }
0xae: {  	[sflag:s11] =	ssyncset.done $0x0  }
0xaf: {  	[sflag:s11] =	ssyncadd.s32 $0xFFFFE0C0  }
0xb0: {  	_ =	swait.ge [sflag:s12], $0x1F40  }
0xb1: {  	[sflag:s12] =	ssyncset.done $0x0  }
0xb2: {  	s18 =	simm.s32 $0x0;
	[sflag:s12] =	ssyncadd.s32 $0xFFFFE0C0  }
0xb3: {  	v2 =	vld [tilespmem:s18+$0xDAC0]  }
0xb4: {  	v3 =	vld [tilespmem:s18+$0xDAD0]  }
0xb5: {  	v1 =	vld [tilespmem:s18+$0xDAE0]  }
0xb6: {  	v0 =	vld [tilespmem:s18+$0xDAF0]  }
0xb7: {  	v4 =	vld [tilespmem:s18+$0x5DC0]  }
0xb8: {  	v6 =	vld [tilespmem:s18+$0x5DD0]  }
0xb9: {  	s14 =	simm.s32 $0x100;
	v5 =	vld [tilespmem:s18+$0x5DE0]  }
.LBB2_9:
0xba: {  	p0 =	sne.s32 s14, $0x7C00;
	v7 =	vld [tilespmem:s18+$0x5DF0]  }
0xbb: {  	s4 =	sshra.s32 s14, $0x2  }
0xbc: {  	v4 =	vadd.f32 v2, v4;
	v2 =	vld [tilespmem:s4+$0xDAC0]  }
0xbd: {  	v6 =	vadd.f32 v3, v6;
	v3 =	vld [tilespmem:s4+$0xDAD0]  }
.Ltmp5:
0xbe: {  	v4 =	vmax.f32 v4, $0.0e+00;
	v5 =	vadd.f32 v1, v5;
	v1 =	vld [tilespmem:s4+$0xDAE0];
	(pc) =	sbr.rel @p0 .LBB2_9-.Ltmp5, $4  }
0xbf: {  	[tilespmem:s18+$0x5DC0] =	vst v4;
	v6 =	vmax.f32 v6, $0.0e+00;
	v7 =	vadd.f32 v0, v7;
	v0 =	vld [tilespmem:s4+$0xDAF0]  }
0xc0: {  	v4 =	vld [tilespmem:s4+$0x5DC0];
	[tilespmem:s18+$0x5DD0] =	vst v6;
	v5 =	vmax.f32 v5, $0.0e+00  }
0xc1: {  	v6 =	vld [tilespmem:s4+$0x5DD0];
	[tilespmem:s18+$0x5DE0] =	vst v5;
	v7 =	vmax.f32 v7, $0.0e+00  }
0xc2: {  	s14 =	sadd.s32 $0x100, s14;
	v5 =	vld [tilespmem:s4+$0x5DE0];
	[tilespmem:s18+$0x5DF0] =	vst v7;
	s18 =	smov.u32 s4  }
0xc3: {  	v7 =	vld [tilespmem:s18+$0x5DF0];
	_ =	sdelay $0x1  }
0xc4: {  	v2 =	vadd.f32 v2, v4  }
0xc5: {  	v3 =	vadd.f32 v3, v6  }
0xc6: {  	v2 =	vmax.f32 v2, $0.0e+00;
	v1 =	vadd.f32 v1, v5  }
0xc7: {  	[tilespmem:s18+$0x5DC0] =	vst v2;
	v63 =	vmax.f32 v3, $0.0e+00;
	v0 =	vadd.f32 v0, v7  }
0xc8: {  	[tilespmem:s18+$0x5DD0] =	vst v63;
	v1 =	vmax.f32 v1, $0.0e+00  }
0xc9: {  	p0 =	seq.s32 s8, $0x13;
	[tilespmem:s18+$0x5DE0] =	vst v1;
	v0 =	vmax.f32 v0, $0.0e+00  }
.Ltmp6:
0xca: {  	s4 =	sadd.s32 $0x12380, s17;
	[tilespmem:s18+$0x5DF0] =	vst v0;
	(pc) =	sbr.rel @p0 .LBB2_12-.Ltmp6, $4  }
0xcb: {  	[spmem:s3] =	stream.indirect.scatter.add.f32 [tilespmem:s0], [sflag:$0xC], $0x40, s4, s21, $0xb8;
	[tilespmem:$0x1EA00] =	vst v63  }
0xcc: {  	_ =	swait.ge [sflag:s19], $0x1F40  }
0xcd: {  	[sflag:s19] =	ssyncset.done $0x0  }
0xce: {  	[sflag:s19] =	ssyncadd.s32 $0xFFFFE0C0  }
0xcf: {  	s8 =	sadd.s32 $0x1, s8  }
0xd0: {  	s4 =	sshll.u32 s8, $0x9;
	s14 =	smul.u32 $0x1F4, s8  }
0xd1: {  	s4 =	sand.u32 $0x3FFFFE00, s4  }
0xd2: {  	s4 =	sadd.s32 $0xFA00, s4;
	s17 =	sadd.s32 s7, s14  }
0xd3: {  	[tilespmem:s24], [sflag:$0x1] =	stream.indirect.gather [hbm4b:s1+s21], $0x40, s4, s21, $0xb8;
	[tilespmem:$0x1EA00] =	vst v63  }
0xd4: {  	s4 =	sshll.u32 s17, $0x4  }
0xd5: {  	s4 =	sand.u32 $0x1FFFFFC0, s4  }
0xd6: {  	s14 =	sshll.u32 s8, $0x2;
	s17 =	simm.s32 $0x7D00;
	s4 =	sadd.s32 s5, s4  }
0xd7: {  	[tilespmem:s17], [sflag:$0x5] =	stream.strided.gather [hbm4b:s4+s22], $0x1F40, s23, s22, $0x38;
	[tilespmem:$0x1EA00] =	vst v63  }
0xd8: {  	s4 =	sor.u32 $0x1, s14  }
0xd9: {  	_ =	swait.ge [sflag:s13], $0x1F40;
	s18 =	sshll.u32 s4, $0x7;
	s4 =	smul.u32 $0x7D, s4  }
0xda: {  	[sflag:s13] =	ssyncset.done $0x0;
	s17 =	sand.u32 $0x3FFFFE80, s18  }
0xdb: {  	[sflag:s13] =	ssyncadd.s32 $0xFFFFE0C0;
	s17 =	sadd.s32 $0xFA00, s17;
	s4 =	sadd.s32 s7, s4  }
0xdc: {  	[tilespmem:s26], [sflag:$0x2] =	stream.indirect.gather [hbm4b:s1+s21], $0x40, s17, s21, $0xb8;
	[tilespmem:$0x1EA00] =	vst v63  }
0xdd: {  	s4 =	sshll.u32 s4, $0x4  }
0xde: {  	s4 =	sand.u32 $0x1FFFFFD0, s4  }
0xdf: {  	s18 =	sor.u32 $0x2, s14;
	s4 =	sadd.s32 s5, s4  }
0xe0: {  	[tilespmem:s28], [sflag:$0x6] =	stream.strided.gather [hbm4b:s4+s22], $0x1F40, s23, s22, $0x38;
	[tilespmem:$0x1EA00] =	vst v63  }
0xe1: {  	s4 =	smul.u32 $0x7D, s18  }
0xe2: {  	s14 =	sshll.u32 s18, $0x7;
	_ =	swait.ge [sflag:s15], $0x1F40  }
0xe3: {  	s14 =	sand.u32 $0x3FFFFF00, s14;
	[sflag:s15] =	ssyncset.done $0x0;
	s4 =	sadd.s32 s7, s4  }
0xe4: {  	s14 =	sadd.s32 $0xFA00, s14;
	[sflag:s15] =	ssyncadd.s32 $0xFFFFE0C0;
	s4 =	sshll.u32 s4, $0x4  }
0xe5: {  	[tilespmem:s30], [sflag:$0x3] =	stream.indirect.gather [hbm4b:s1+s21], $0x40, s14, s21, $0xb8;
	[tilespmem:$0x1EA00] =	vst v63  }
0xe6: {  	s4 =	sand.u32 $0x1FFFFFE0, s4  }
0xe7: {  	s17 =	sshllo.u32 s8, $0x2;
	s4 =	sadd.s32 s5, s4  }
0xe8: {  	[tilespmem:s31], [sflag:$0x7] =	stream.strided.gather [hbm4b:s4+s22], $0x1F40, s23, s22, $0x38;
	[tilespmem:$0x1EA00] =	vst v63  }
0xe9: {  	s4 =	smul.u32 $0x7D, s17  }
.Ltmp7:
0xea: {  	s18 =	sshll.u32 s17, $0x7;
	_ =	swait.ge [sflag:s16], $0x1F40;
	(pc) =	sbr.rel .LBB2_2-.Ltmp7, $4  }
0xeb: {  	s14 =	sand.u32 $0x3FFFFF80, s18;
	[sflag:s16] =	ssyncset.done $0x0;
	s4 =	sadd.s32 s7, s4  }
0xec: {  	s14 =	sadd.s32 $0xFA00, s14;
	[sflag:s16] =	ssyncadd.s32 $0xFFFFE0C0;
	s4 =	sshll.u32 s4, $0x4  }
0xed: {  	[tilespmem:s0], [sflag:$0x4] =	stream.indirect.gather [hbm4b:s1+s21], $0x40, s14, s21, $0xb8;
	[tilespmem:$0x1EA00] =	vst v63  }
0xee: {  	s14 =	sand.u32 $0x1FFFFFF0, s4  }
.LBB2_13:
0xef: {  	_ =	sfence.sel $0x180000  }
0xf0: {  	[bflag:$0x0] =	sbarrier.arrive $0xFFFF  }
0xf1: {  	_ =	strace $0x9000004A  }
0xf2: {  	s0 =	stileid.u32;
	[bflag:$0x2] =	sbarrier.arrive $0xFFFF  }
0xf3: {  	p0 =	sne.s32 s0, $0x0;
	s0 =	rddreg [dreg:$0x3]  }
0xf4: {  	s0 =	sadd.s32 @!p0 $0x100000, s0  }
0xf5: {  	[sflag:s0] =	ssyncadd.tile.s32 @!p0 $0x1;
	_ =	shalt  }
.Lfunc_end2:
_tile_overlayer_lowered:
.L_overlay_start_2:
0xf6: {  	(tag) =	ssettag $0x2  }
0xf7: {  	s0 =	rddreg [dreg:$0x0];
	s2 =	stileid.u32  }
0xf8: {  	s1 =	rddreg [dreg:$0x1];
	p0 =	sne.s32 s2, $0x0  }
0xf9: {  	s3 =	rddreg [dreg:$0x2];
	[bflag:$0x3] =	sbarrier.arrive $0xFFFF;
	s2 =	simm.s32 @!p0 $0x1C0D  }
0xfa: {  	[timem:s3], [sflag:s2] =	dma.local @!p0 [hbm:s0], s1  }
0xfb: {  	s0 =	simm.s32 @!p0 $0xD  }
0xfc: {  	_ =	swait.ge @!p0 [sflag:s0], s1  }
0xfd: {  	s1 =	ssub.s32 @!p0 $0x0, s1;
	[sflag:s0] =	ssyncset.done @!p0 $0x0  }
0xfe: {  	[sflag:s0] =	ssyncadd.s32 @!p0 s1  }
0xff: {  	[bflag:$0x3] =	sbarrier.arrive $0xFFFF  }
0x100: {  	_ =	shalt  }

// kernel: kernel.15.cloned.1.call-start
scs
__scs_entry_jumppad:
0x0: {  	(pc) =	sbr.rel $0x88, $3  }
0x1: {  	(tag) =	ssettag $0x0;
	lr =	simm.s32 $0x1  }
0x2: {  	[smem:$0x3F97] =	sst lr;
	_ =	strace $0xD0000000  }
0x3: {  	_ = 	snop  }
0x4: {  	_ = 	snop  }
0x5: {  	_ = 	snop  }
0x6: {  	_ = 	snop  }
0x7: {  	_ = 	snop  }
__scs_overlays_trampoline_lowered:
0x8: {  	[smem:$0x3FA6] =	sst s0  }
0x9: {  	[smem:$0x3FA7] =	sst s1  }
0xa: {  	[smem:$0x3FA8] =	sst s2  }
0xb: {  	[smem:$0x3FA9] =	sst s3  }
0xc: {  	[smem:$0x3FAA] =	sst s4  }
0xd: {  	[smem:$0x3FAB] =	sst s5  }
0xe: {  	[smem:$0x3FAC] =	sst s6  }
0xf: {  	[smem:$0x3FAD] =	sst s7  }
0x10: {  	[smem:$0x3FAE] =	sst s8  }
0x11: {  	[smem:$0x3FAF] =	sst s9;
	s0 =	simm.s32 @!p0 $0x0  }
0x12: {  	s1 =	sld [smem:$0x3F95];
	s0 =	simm.s32 @p0 $0x1  }
0x13: {  	[smem:$0x3FB0] =	sst s0;
	s0 =	simm.s32 @!p1 $0x0  }
0x14: {  	s2 =	sld [smem:$0x3F94];
	s0 =	simm.s32 @p1 $0x1  }
0x15: {  	[smem:$0x3FB1] =	sst s0;
	s0 =	simm.s32 @!p2 $0x0  }
0x16: {  	s3 =	sld [smem:$0x3FDB];
	s0 =	simm.s32 @p2 $0x1  }
0x17: {  	s4 =	simm.s32 $0x1BF5;
	[smem:$0x3FB3] =	sst s0  }
0x18: {  	s0 =	sld [smem:$0x3F96];
	_ =	swait.ge [sflag:s4], $0x0  }
0x19: {  	s7 =	sld [smem:$0x3F97]  }
0x1a: {  	s8 =	sadd.s32 $0xFFFFE003, lr  }
0x1b: {  	s9 =	sadd.s32 $0xFFFFFEF7, lr;
	s5 =	simm.s32 $0xFFFFFFFF;
	p2 =	slt.u32 s8, $0xFFFFF086  }
0x1c: {  	p1 =	slt.u32 s9, $0xF7A;
	s5 =	simm.s32 @!p2 $0x0  }
0x1d: {  	s5 =	simm.s32 @p1 $0x1;
	p0 =	seq.s32 s7, s2  }
0x1e: {  	s7 =	smul.u32 @!p0 $0xF7A, s2;
	p2 =	seq.s32 @!p0 s5, $0x0  }
0x1f: {  	s9 =	smul.u32 $0xF7A, s1;
	s8 =	simm.s32 @!p0 $0x1BF5;
	p2 =	por !p2, p0  }
0x20: {  	[sflag:s8] =	ssyncset.s32 @!p0 $0xFFFFF086;
	s6 =	sadd.s32 @!p0 s3, s7;
	s7 =	simm.s32 @!p0 $0x108  }
0x21: {  	s3 =	sadd.s32 s3, s9;
	s6 =	sadd.s32 @!p0 $0x88, s6;
	s7 =	simm.s32 @p2 $0x1082  }
0x22: {  	[simem:s7], [sflag:s8] =	dma.local @!p0 [hbm:s6], $0xF7A  }
0x23: {  	s9 =	sor.u32 $0xD0000000, s2;
	s6 =	simm.s32 $0x108;
	_ =	swait.ge @!p0 [sflag:s8], $0x0  }
0x24: {  	s3 =	sadd.s32 $0x88, s3;
	s6 =	simm.s32 @!p1 $0x1082;
	[sflag:s4] =	ssyncset.s32 $0xFFFFF086  }
0x25: {  	[simem:s6], [sflag:s4] =	dma.local [hbm:s3], $0xF7A  }
0x26: {  	[smem:$0x3F97] =	sst s1;
	(tag) =	ssettag s2;
	_ =	strace s9  }
0x27: {  	s1 =	sld [smem:$0x3FA7]  }
0x28: {  	s2 =	sld [smem:$0x3FA8]  }
0x29: {  	s4 =	sld [smem:$0x3FAA]  }
0x2a: {  	p0 =	seq.s32 s5, $0x0;
	s5 =	sld [smem:$0x3FAB]  }
0x2b: {  	s6 =	sld [smem:$0x3FAC]  }
0x2c: {  	s7 =	sld [smem:$0x3FAD]  }
0x2d: {  	s3 =	simm.s32 $0x108;
	s8 =	sld [smem:$0x3FAE]  }
0x2e: {  	s3 =	simm.s32 @!p0 $0x1082;
	s9 =	sld [smem:$0x3FAF]  }
0x2f: {  	lr =	sadd.s32 s0, s3;
	s0 =	sld [smem:$0x3FA6]  }
0x30: {  	s3 =	sld [smem:$0x3FA9]  }
0x31: {  	[smem:$0x3FB2] =	sst s10  }
0x32: {  	s10 =	sld [smem:$0x3FB0];
	_ =	sdelay $0x3  }
0x33: {  	p0 =	seq.s32 s10, $0x1;
	s10 =	sld [smem:$0x3FB2];
	_ =	sdelay $0x3  }
0x34: {  	[smem:$0x3FB2] =	sst s10  }
0x35: {  	s10 =	sld [smem:$0x3FB1];
	_ =	sdelay $0x3  }
0x36: {  	p1 =	seq.s32 s10, $0x1;
	s10 =	sld [smem:$0x3FB2];
	_ =	sdelay $0x3  }
0x37: {  	[smem:$0x3FB2] =	sst s10  }
0x38: {  	s10 =	sld [smem:$0x3FB3]  }
0x39: {  	_ = 	snop;
	(pc) =	sbr.ind lr, $3  }
0x3a: {  	_ = 	snop  }
0x3b: {  	_ = 	snop  }
0x3c: {  	p2 =	seq.s32 s10, $0x1;
	s10 =	sld [smem:$0x3FB2]  }
0x3d: {  	_ =	shalt  }
0x3e: {  	_ =	shalt  }
0x3f: {  	_ =	shalt  }
0x40: {  	_ =	shalt  }
0x41: {  	_ =	shalt  }
0x42: {  	_ =	shalt  }
0x43: {  	_ =	shalt  }
0x44: {  	_ =	shalt  }
0x45: {  	_ =	shalt  }
0x46: {  	_ =	shalt  }
0x47: {  	_ =	shalt  }
0x48: {  	_ =	shalt  }
0x49: {  	_ =	shalt  }
0x4a: {  	_ =	shalt  }
0x4b: {  	_ =	shalt  }
0x4c: {  	_ =	shalt  }
0x4d: {  	_ =	shalt  }
0x4e: {  	_ =	shalt  }
0x4f: {  	_ =	shalt  }
0x50: {  	_ =	shalt  }
0x51: {  	_ =	shalt  }
0x52: {  	_ =	shalt  }
0x53: {  	_ =	shalt  }
0x54: {  	_ =	shalt  }
0x55: {  	_ =	shalt  }
0x56: {  	_ =	shalt  }
0x57: {  	_ =	shalt  }
0x58: {  	_ =	shalt  }
0x59: {  	_ =	shalt  }
0x5a: {  	_ =	shalt  }
0x5b: {  	_ =	shalt  }
0x5c: {  	_ =	shalt  }
0x5d: {  	_ =	shalt  }
0x5e: {  	_ =	shalt  }
0x5f: {  	_ =	shalt  }
0x60: {  	_ =	shalt  }
0x61: {  	_ =	shalt  }
0x62: {  	_ =	shalt  }
0x63: {  	_ =	shalt  }
0x64: {  	_ =	shalt  }
0x65: {  	_ =	shalt  }
0x66: {  	_ =	shalt  }
0x67: {  	_ =	shalt  }
0x68: {  	_ =	shalt  }
0x69: {  	_ =	shalt  }
0x6a: {  	_ =	shalt  }
0x6b: {  	_ =	shalt  }
0x6c: {  	_ =	shalt  }
0x6d: {  	_ =	shalt  }
0x6e: {  	_ =	shalt  }
0x6f: {  	_ =	shalt  }
0x70: {  	_ =	shalt  }
0x71: {  	_ =	shalt  }
0x72: {  	_ =	shalt  }
0x73: {  	_ =	shalt  }
0x74: {  	_ =	shalt  }
0x75: {  	_ =	shalt  }
0x76: {  	_ =	shalt  }
0x77: {  	_ =	shalt  }
0x78: {  	_ =	shalt  }
0x79: {  	_ =	shalt  }
0x7a: {  	_ =	shalt  }
0x7b: {  	_ =	shalt  }
0x7c: {  	_ =	shalt  }
0x7d: {  	_ =	shalt  }
0x7e: {  	_ =	shalt  }
0x7f: {  	_ =	shalt  }
0x80: {  	_ =	shalt  }
0x81: {  	_ =	shalt  }
0x82: {  	_ =	shalt  }
0x83: {  	_ =	shalt  }
0x84: {  	_ =	shalt  }
0x85: {  	_ =	shalt  }
0x86: {  	_ =	shalt  }
0x87: {  	_ =	shalt  }
.Lfunc_end0:
.L_simem_size_0:
called_computation.1_lowered:
.L_overlay_start_0:
0x88: {  	s2 =	sld [smem:$0x3FD9]  }
0x89: {  	s3 =	sld [smem:$0x3FFE];
	_ =	sdelay $0x1  }
0x8a: {  	s1 =	srdreg.scid  }
0x8b: {  	s0 =	sand.u32 $0x1, s1  }
0x8c: {  	s16 =	sshll.u32 s0, $0xA;
	s2 =	sadd.s32 s3, s2  }
0x8d: {  	s2 =	sadd.s32 s2, s16  }
0x8e: {  	[smem:$0x3FBE] =	sst s2  }
0x8f: {  	_ = 	snop  }
0x90: {  	(tm) =	ssettm $0x1  }
0x91: {  	s17 =	sld [smem:$0x3FFB];
	_ =	sdelay $0x3  }
0x92: {  	_ =	strace s17  }
0x93: {  	s2 =	sld [smem:$0x3FFC];
	_ =	sdelay $0x3  }
0x94: {  	_ =	strace s2  }
0x95: {  	s2 =	sld [smem:$0x3FFD];
	_ =	sdelay $0x3  }
0x96: {  	_ =	strace s2  }
0x97: {  	_ =	strace $0x8FFFFFFF  }
0x98: {  	s18 =	sld [smem:$0x3FDB];
	_ =	sdelay $0x1  }
0x99: {  	s19 =	simm.s32 $_scs_section_size  }
0x9a: {  	s4 =	simm.s32 $_size__tile_overlayer_lowered;
	s5 =	simm.s32 $_tile_overlayer_lowered  }
0x9b: {  	s22 =	simm.s32 $0x1BFF;
	s21 =	sshll.u32 s5, $0x1;
	s2 =	sadd.s32 s19, s18  }
0x9c: {  	s6 =	simm.s32 $0x0;
	s20 =	sshll.u32 s4, $0x1;
	s4 =	sadd.s32 s21, s2  }
0x9d: {  	[timem:s6], [sflag:s22] =	dma.local [hbm:s4], s20  }
0x9e: {  	_ =	swait.ge [sflag:s22], s20  }
0x9f: {  	s3 =	ssub.s32 $0x0, s20;
	[sflag:s22] =	ssyncset.done $0x0  }
0xa0: {  	[sflag:s22] =	ssyncadd.s32 s3;
	_ =	sdelay $0x1  }
0xa1: {  	s23 =	simm.s32 $0x1B8B  }
0xa2: {  	_ =	swait.ge [sflag:s23], $0x1  }
0xa3: {  	[sflag:s23] =	ssyncset.done $0x0  }
0xa4: {  	s25 =	simm.s32 $0x1B8E;
	s24 =	sld [smem:$0x3FFE];
	[sflag:s23] =	ssyncadd.s32 $0xFFFFFFFF  }
0xa5: {  	s26 =	simm.s32 $execute0_lowered;
	[smem:$0x3FD2] =	sst s25  }
0xa6: {  	s4 =	sshll.u32 s26, $0x1;
	_ =	strace $0x80000046;
	[dreg:$0x1] =	wrdreg $0xFFFFFFFF  }
0xa7: {  	s28 =	simm.s32 $_size_execute0_lowered;
	s2 =	sadd.s32 s2, s4;
	[dreg:$0x0] =	wrdreg $0x0  }
0xa8: {  	s4 =	sshll.u32 s28, $0x1;
	[dreg:$0x2] =	wrdreg s2  }
0xa9: {  	[dreg:$0x3] =	wrdreg s4  }
0xaa: {  	[dreg:$0x4] =	wrdreg $0xC0  }
0xab: {  	_ =	task [dreg:s6], $0x5FFFF  }
0xac: {  	[dreg:$0x1] =	wrdreg $0xFFFFFFFF  }
0xad: {  	[dreg:$0x0] =	wrdreg $0x60  }
0xae: {  	[dreg:$0x2] =	wrdreg s24  }
0xaf: {  	[dreg:$0x3] =	wrdreg $0x14A000  }
0xb0: {  	[dreg:$0x4] =	wrdreg $0xA  }
0xb1: {  	_ =	task.clear_ibuf [dreg:s6], $0x5FFFF;
	_ =	strace $0x90000046  }
0xb2: {  	s29 =	simm.s32 $0xA;
	_ =	strace $0x80000048  }
0xb3: {  	_ =	swait.ge [sflag:s29], $0x1  }
0xb4: {  	[sflag:s29] =	ssyncadd.s32 $0xFFFFFFFF  }
0xb5: {  	_ =	strace $0x90000048  }
0xb6: {  	_ =	sfence  }
0xb7: {  	s30 =	sld [smem:$0x0];
	_ =	sdelay $0x2  }
0xb8: {  	s31 =	sshll.u32 s1, $0xD;
	s1 =	sshrl.u32 s1, $0x2  }
0xb9: {  	s3 =	sand.u32 $0x4000, s31;
	s1 =	sadd.s32 s1, s30  }
0xba: {  	s0 =	sor.u32 s3, s0;
	s1 =	sshll.u32 s1, $0x11  }
0xbb: {  	s0 =	sor.u32 s1, s0  }
0xbc: {  	s0 =	sadd.s32 $0x8F2B, s0  }
0xbd: {  	[sflag:s0] =	ssyncadd.remote.s32 $0x1  }
0xbe: {  	_ =	sfence.sel $0xFFFF  }
0xbf: {  	[dreg:$0x0] =	wrdreg $0xFFFFFFFF;
	(pc) =	sbr.abs _section_cstart, $3  }
0xc0: {  	[dreg:$0x1] =	wrdreg $0xFFFFFFFF  }
0xc1: {  	_ =	task.clear_ibuf [dreg:s6], $0x2FFFF;
	_ =	strace $0x9FFFFFFF  }
0xc2: {  	(tm) =	ssettm $0x7FFFFFFF  }
0xc3: {  	_ =	shalt  }
tec
execute0_lowered:
.L_overlay_start_1:
0x0: {  	(tag) =	ssettag $0x1  }
0x1: {  	s0 =	srdreg.scid;
	s5 =	rddreg [dreg:$0x0]  }
0x2: {  	s3 =	stileid.u32;
	s2 =	rddreg [dreg:$0x1]  }
0x3: {  	s6 =	simm.s32 $0x0;
	s17 =	simm.s32 $0xD;
	s28 =	simm.s32 $0x9C40  }
0x4: {  	s30 =	simm.s32 $0x3E80;
	s31 =	simm.s32 $0xBB80;
	s29 =	simm.s32 $0x5  }
0x5: {  	s12 =	simm.s32 $0x8;
	s13 =	simm.s32 $0xA;
	s15 =	simm.s32 $0xB  }
0x6: {  	s16 =	simm.s32 $0xC;
	s0 =	sand.u32 $0x1, s0;
	s7 =	smul.u32 $0xA000, s3  }
0x7: {  	[smem:$0x7FF] =	sst s6;
	s10 =	sadd.s32 $0x536000, s5;
	s20 =	sshll.u32 s3, $0x6  }
0x8: {  	s1 =	sshll.u32 s0, $0x4;
	s18 =	smul.u32 $0xA0000, s0;
	_ =	strace $0x80000047  }
0x9: {  	s0 =	ssub.s32 $0x2, s0;
	[dreg:$0x3] =	wrdreg s10;
	s14 =	sor.u32 $0x1C0D, s20  }
0xa: {  	s10 =	sadd.s32 $0x54008, s5;
	s20 =	simm.s32 $0xDAC0;
	s1 =	sor.u32 s3, s1  }
0xb: {  	s19 =	sshrl.u32 s0, $0x1;
	[dreg:$0x4] =	wrdreg s14;
	s4 =	smul.u32 $0x138800, s1  }
0xc: {  	s9 =	smul.u32 $0x500, s1;
	s6 =	sadd.s32 s7, s18;
	s0 =	ssub.s32 s0, s19  }
0xd: {  	s7 =	sadd.s32 s7, s2;
	s19 =	simm.s32 $0x9;
	s18 =	simm.s32 $0x0  }
0xe: {  	s6 =	sshrl.u32 s6, $0x3;
	s0 =	smax.u32 s0, $0x1;
	s7 =	sshrl.u32 s7, $0x3  }
0xf: {  	s8 =	sshrl.u32 s4, $0x3;
	s4 =	sadd.s32 $0x2C600, s5;
	s9 =	sadd.s32 s9, s5  }
0x10: {  	s11 =	sadd.s32 s6, s5;
	s6 =	smul.u32 $0x2710, s1;
	[dreg:$0xc] =	wrdreg s0  }
0x11: {  	s1 =	smul.u32 $0x27100, s1;
	s0 =	simm.s32 $0x5DC0;
	[dreg:$0xd] =	wrdreg s7  }
0x12: {  	s8 =	sadd.s32 s8, s5;
	s21 =	sadd.s32 $0x4A000, s9;
	s22 =	sadd.s32 $0x40000, s9  }
0x13: {  	s26 =	sadd.s32 $0x537400, s11;
	s5 =	simm.s32 $0x6;
	[dreg:$0x5] =	wrdreg s21  }
0x14: {  	s9 =	simm.s32 $0x7;
	s11 =	simm.s32 $0x4;
	[dreg:$0x6] =	wrdreg s22  }
0x15: {  	s1 =	sadd.s32 s1, s10;
	s23 =	sadd.s32 $0x547D8, s8;
	[dreg:$0xb] =	wrdreg s26  }
.Ltmp0:
0x16: {  	s24 =	sadd.s32 $0x54FA8, s8;
	[dreg:$0x7] =	wrdreg s1;
	(pc) =	sbr.rel .LBB2_1-.Ltmp0, $4  }
0x17: {  	s25 =	sadd.s32 $0x55778, s8;
	s21 =	simm.s32 $0x7D;
	[dreg:$0x8] =	wrdreg s23  }
0x18: {  	s22 =	simm.s32 $0x40;
	s26 =	simm.s32 $0x1F40;
	[dreg:$0x9] =	wrdreg s24  }
0x19: {  	s8 =	simm.s32 $0x3;
	[dreg:$0xa] =	wrdreg s25;
	s23 =	simm.s32 $0x80  }
0x1a: {  	s25 =	simm.s32 $0x1;
	s1 =	simm.s32 $0x2;
	s24 =	simm.s32 $0x0  }
.LBB2_12:
0x1b: {  	_ =	swait.ge [sflag:s13], $0x1F40  }
0x1c: {  	[sflag:s13] =	ssyncset.done $0x0  }
0x1d: {  	[sflag:s13] =	ssyncadd.s32 $0xFFFFE0C0  }
0x1e: {  	_ =	swait.ge [sflag:s15], $0x1F40  }
0x1f: {  	[sflag:s15] =	ssyncset.done $0x0  }
0x20: {  	[sflag:s15] =	ssyncadd.s32 $0xFFFFE0C0  }
0x21: {  	_ =	swait.ge [sflag:s16], $0x1F40  }
0x22: {  	[sflag:s16] =	ssyncset.done $0x0  }
0x23: {  	[sflag:s16] =	ssyncadd.s32 $0xFFFFE0C0  }
0x24: {  	[bflag:$0x0] =	sbarrier.arrive $0xFFFF  }
0x25: {  	s14 =	rddreg [dreg:$0x4]  }
0x26: {  	s3 =	rddreg [dreg:$0xb]  }
0x27: {  	s17 =	simm.s32 $0xD;
	s7 =	rddreg [dreg:$0xd]  }
0x28: {  	[hbm:s3], [sflag:s14] =	dma.local [spmem:s7], $0x1400  }
0x29: {  	_ =	swait.ge [sflag:s17], $0x1400  }
0x2a: {  	s18 =	rddreg [dreg:$0xe]  }
0x2b: {  	s3 =	rddreg [dreg:$0xc];
	s18 =	sadd.s32 $0x1, s18  }
0x2c: {  	p0 =	sne.s32 s18, s3  }
.Ltmp1:
0x2d: {  	_ = 	snop;
	(pc) =	sbr.rel @!p0 .LBB2_13-.Ltmp1, $3  }
0x2e: {  	_ =	sdelay $0x1  }
0x2f: {  	[sflag:s17] =	ssyncset.done $0x0  }
0x30: {  	[sflag:s17] =	ssyncadd.s32 $0xFFFFEC00  }
.LBB2_1:
0x31: {  	[dreg:$0xe] =	wrdreg s18  }
0x32: {  	s3 =	rddreg [dreg:$0x3]  }
0x33: {  	[spmem:s7], [sflag:s14] =	dma.local [hbm:s3], $0x1400  }
0x34: {  	_ =	swait.ge [sflag:s17], $0x1400  }
0x35: {  	[sflag:s17] =	ssyncset.done $0x0  }
0x36: {  	[sflag:s17] =	ssyncadd.s32 $0xFFFFEC00  }
0x37: {  	[bflag:$0x0] =	sbarrier.arrive $0xFFFF  }
0x38: {  	s3 =	simm.s32 $0x0;
	s14 =	simm.s32 $0xFA00;
	s18 =	rddreg [dreg:$0x5]  }
0x39: {  	[tilespmem:s14], [sflag:$0xD] =	stream.linear.gather [hbm4b:s18+s3], $0x2800, $0x38;
	[tilespmem:$0x1EA00] =	vst v63  }
0x3a: {  	_ =	swait.ge [sflag:s17], $0x2800  }
0x3b: {  	[sflag:s17] =	ssyncset.done $0x0  }
0x3c: {  	s18 =	simm.s32 $0x12200;
	s7 =	rddreg [dreg:$0x6];
	[sflag:s17] =	ssyncadd.s32 $0xFFFFD800  }
0x3d: {  	[tilespmem:s18], [sflag:$0xD] =	stream.linear.gather [hbm4b:s7+s3], $0x2800, $0x38;
	[tilespmem:$0x1EA00] =	vst v63  }
0x3e: {  	_ =	swait.ge [sflag:s17], $0x2800  }
0x3f: {  	[sflag:s17] =	ssyncset.done $0x0  }
0x40: {  	[sflag:s17] =	ssyncadd.s32 $0xFFFFD800  }
0x41: {  	[tilespmem:s3], [sflag:$0x1] =	stream.indirect.gather [hbm4b:s4+s21], $0x40, s14, s21, $0xb8;
	[tilespmem:$0x1EA00] =	vst v63  }
0x42: {  	s17 =	simm.s32 $0x7D00;
	s14 =	rddreg [dreg:$0x7]  }
0x43: {  	[tilespmem:s17], [sflag:$0x5] =	stream.strided.gather [hbm4b:s14+s22], $0x1F40, s23, s22, $0x38;
	[tilespmem:$0x1EA00] =	vst v63  }
0x44: {  	s18 =	simm.s32 $0xFA80  }
0x45: {  	[tilespmem:s26], [sflag:$0x2] =	stream.indirect.gather [hbm4b:s4+s21], $0x40, s18, s21, $0xb8;
	[tilespmem:$0x1EA00] =	vst v63  }
0x46: {  	s7 =	rddreg [dreg:$0x8]  }
0x47: {  	[tilespmem:s28], [sflag:$0x6] =	stream.strided.gather [hbm4b:s7+s22], $0x1F40, s23, s22, $0x38;
	[tilespmem:$0x1EA00] =	vst v63  }
0x48: {  	s14 =	simm.s32 $0xFB00  }
0x49: {  	[tilespmem:s30], [sflag:$0x3] =	stream.indirect.gather [hbm4b:s4+s21], $0x40, s14, s21, $0xb8;
	[tilespmem:$0x1EA00] =	vst v63  }
0x4a: {  	s17 =	rddreg [dreg:$0x9]  }
0x4b: {  	[tilespmem:s31], [sflag:$0x7] =	stream.strided.gather [hbm4b:s17+s22], $0x1F40, s23, s22, $0x38;
	[tilespmem:$0x1EA00] =	vst v63  }
0x4c: {  	s18 =	simm.s32 $0xFB80;
	s7 =	simm.s32 $0x0;
	s14 =	rddreg [dreg:$0xa]  }
0x4d: {  	[tilespmem:s0], [sflag:$0x4] =	stream.indirect.gather [hbm4b:s4+s21], $0x40, s18, s21, $0xb8;
	[tilespmem:$0x1EA00] =	vst v63  }
.LBB2_2:
0x4e: {  	[tilespmem:s20], [sflag:$0x8] =	stream.strided.gather [hbm4b:s14+s22], $0x1F40, s23, s22, $0x38;
	[tilespmem:$0x1EA00] =	vst v63  }
0x4f: {  	_ =	swait.ge [sflag:s25], $0x1F40  }
0x50: {  	[sflag:s25] =	ssyncset.done $0x0  }
0x51: {  	[sflag:s25] =	ssyncadd.s32 $0xFFFFE0C0  }
0x52: {  	_ =	swait.ge [sflag:s29], $0x1F40  }
0x53: {  	[sflag:s29] =	ssyncset.done $0x0  }
0x54: {  	s18 =	simm.s32 $0x0;
	[sflag:s29] =	ssyncadd.s32 $0xFFFFE0C0  }
0x55: {  	v2 =	vld [tilespmem:s18+$0x7D00]  }
0x56: {  	v3 =	vld [tilespmem:s18+$0x7D10]  }
0x57: {  	v1 =	vld [tilespmem:s18+$0x7D20]  }
0x58: {  	v0 =	vld [tilespmem:s18+$0x7D30]  }
0x59: {  	v4 =	vld [tilespmem:s18+$0x0]  }
0x5a: {  	v6 =	vld [tilespmem:s18+$0x10]  }
0x5b: {  	s17 =	simm.s32 $0x100;
	v5 =	vld [tilespmem:s18+$0x20]  }
.LBB2_3:
0x5c: {  	p0 =	sne.s32 s17, $0x7C00;
	v7 =	vld [tilespmem:s18+$0x30]  }
0x5d: {  	s14 =	sshra.s32 s17, $0x2  }
0x5e: {  	v4 =	vadd.f32 v2, v4;
	v2 =	vld [tilespmem:s14+$0x7D00]  }
0x5f: {  	v6 =	vadd.f32 v3, v6;
	v3 =	vld [tilespmem:s14+$0x7D10]  }
.Ltmp2:
0x60: {  	v4 =	vmax.f32 v4, $0.0e+00;
	v5 =	vadd.f32 v1, v5;
	v1 =	vld [tilespmem:s14+$0x7D20];
	(pc) =	sbr.rel @p0 .LBB2_3-.Ltmp2, $4  }
0x61: {  	[tilespmem:s18+$0x0] =	vst v4;
	v6 =	vmax.f32 v6, $0.0e+00;
	v7 =	vadd.f32 v0, v7;
	v0 =	vld [tilespmem:s14+$0x7D30]  }
0x62: {  	v4 =	vld [tilespmem:s14+$0x0];
	[tilespmem:s18+$0x10] =	vst v6;
	v5 =	vmax.f32 v5, $0.0e+00  }
0x63: {  	v6 =	vld [tilespmem:s14+$0x10];
	[tilespmem:s18+$0x20] =	vst v5;
	v7 =	vmax.f32 v7, $0.0e+00  }
0x64: {  	s17 =	sadd.s32 $0x100, s17;
	v5 =	vld [tilespmem:s14+$0x20];
	[tilespmem:s18+$0x30] =	vst v7;
	s18 =	smov.u32 s14  }
0x65: {  	v7 =	vld [tilespmem:s18+$0x30];
	_ =	sdelay $0x1  }
0x66: {  	v2 =	vadd.f32 v2, v4  }
0x67: {  	v3 =	vadd.f32 v3, v6  }
0x68: {  	v2 =	vmax.f32 v2, $0.0e+00;
	v1 =	vadd.f32 v1, v5  }
0x69: {  	[tilespmem:s18+$0x0] =	vst v2;
	v2 =	vmax.f32 v3, $0.0e+00;
	v0 =	vadd.f32 v0, v7  }
0x6a: {  	s14 =	sshll.u32 s7, $0x9;
	[tilespmem:s18+$0x10] =	vst v2;
	v1 =	vmax.f32 v1, $0.0e+00  }
0x6b: {  	s17 =	sand.u32 $0x3FFFFE00, s14;
	[tilespmem:s18+$0x20] =	vst v1;
	v0 =	vmax.f32 v0, $0.0e+00  }
0x6c: {  	s3 =	simm.s32 $0x0;
	s14 =	sadd.s32 $0x12200, s17;
	[tilespmem:s18+$0x30] =	vst v0  }
0x6d: {  	[spmem:s2] =	stream.indirect.scatter.add.f32 [tilespmem:s3], [sflag:$0x9], $0x40, s14, s21, $0xb8;
	[tilespmem:$0x1EA00] =	vst v63  }
0x6e: {  	_ =	swait.ge [sflag:s1], $0x1F40  }
0x6f: {  	[sflag:s1] =	ssyncset.done $0x0  }
0x70: {  	[sflag:s1] =	ssyncadd.s32 $0xFFFFE0C0  }
0x71: {  	_ =	swait.ge [sflag:s5], $0x1F40  }
0x72: {  	[sflag:s5] =	ssyncset.done $0x0  }
0x73: {  	s18 =	simm.s32 $0x0;
	[sflag:s5] =	ssyncadd.s32 $0xFFFFE0C0  }
0x74: {  	v2 =	vld [tilespmem:s18+$0x9C40]  }
0x75: {  	v3 =	vld [tilespmem:s18+$0x9C50]  }
0x76: {  	v1 =	vld [tilespmem:s18+$0x9C60]  }
0x77: {  	v0 =	vld [tilespmem:s18+$0x9C70]  }
0x78: {  	v4 =	vld [tilespmem:s18+$0x1F40]  }
0x79: {  	v6 =	vld [tilespmem:s18+$0x1F50]  }
0x7a: {  	s14 =	simm.s32 $0x100;
	v5 =	vld [tilespmem:s18+$0x1F60]  }
.LBB2_5:
0x7b: {  	p0 =	sne.s32 s14, $0x7C00;
	v7 =	vld [tilespmem:s18+$0x1F70]  }
0x7c: {  	s3 =	sshra.s32 s14, $0x2  }
0x7d: {  	v4 =	vadd.f32 v2, v4;
	v2 =	vld [tilespmem:s3+$0x9C40]  }
0x7e: {  	v6 =	vadd.f32 v3, v6;
	v3 =	vld [tilespmem:s3+$0x9C50]  }
.Ltmp3:
0x7f: {  	v4 =	vmax.f32 v4, $0.0e+00;
	v5 =	vadd.f32 v1, v5;
	v1 =	vld [tilespmem:s3+$0x9C60];
	(pc) =	sbr.rel @p0 .LBB2_5-.Ltmp3, $4  }
0x80: {  	[tilespmem:s18+$0x1F40] =	vst v4;
	v6 =	vmax.f32 v6, $0.0e+00;
	v7 =	vadd.f32 v0, v7;
	v0 =	vld [tilespmem:s3+$0x9C70]  }
0x81: {  	v4 =	vld [tilespmem:s3+$0x1F40];
	[tilespmem:s18+$0x1F50] =	vst v6;
	v5 =	vmax.f32 v5, $0.0e+00  }
0x82: {  	v6 =	vld [tilespmem:s3+$0x1F50];
	[tilespmem:s18+$0x1F60] =	vst v5;
	v7 =	vmax.f32 v7, $0.0e+00  }
0x83: {  	s14 =	sadd.s32 $0x100, s14;
	v5 =	vld [tilespmem:s3+$0x1F60];
	[tilespmem:s18+$0x1F70] =	vst v7;
	s18 =	smov.u32 s3  }
0x84: {  	v7 =	vld [tilespmem:s18+$0x1F70];
	_ =	sdelay $0x1  }
0x85: {  	v2 =	vadd.f32 v2, v4  }
0x86: {  	v3 =	vadd.f32 v3, v6  }
0x87: {  	v2 =	vmax.f32 v2, $0.0e+00;
	v1 =	vadd.f32 v1, v5  }
0x88: {  	[tilespmem:s18+$0x1F40] =	vst v2;
	v2 =	vmax.f32 v3, $0.0e+00;
	v0 =	vadd.f32 v0, v7  }
0x89: {  	[tilespmem:s18+$0x1F50] =	vst v2;
	v1 =	vmax.f32 v1, $0.0e+00  }
0x8a: {  	[tilespmem:s18+$0x1F60] =	vst v1;
	v0 =	vmax.f32 v0, $0.0e+00  }
0x8b: {  	s3 =	sadd.s32 $0x12280, s17;
	[tilespmem:s18+$0x1F70] =	vst v0  }
0x8c: {  	[spmem:s2] =	stream.indirect.scatter.add.f32 [tilespmem:s26], [sflag:$0xA], $0x40, s3, s21, $0xb8;
	[tilespmem:$0x1EA00] =	vst v63  }
0x8d: {  	_ =	swait.ge [sflag:s8], $0x1F40  }
0x8e: {  	[sflag:s8] =	ssyncset.done $0x0  }
0x8f: {  	[sflag:s8] =	ssyncadd.s32 $0xFFFFE0C0  }
0x90: {  	_ =	swait.ge [sflag:s9], $0x1F40  }
0x91: {  	[sflag:s9] =	ssyncset.done $0x0  }
0x92: {  	s18 =	simm.s32 $0x0;
	[sflag:s9] =	ssyncadd.s32 $0xFFFFE0C0  }
0x93: {  	v2 =	vld [tilespmem:s18+$0xBB80]  }
0x94: {  	v3 =	vld [tilespmem:s18+$0xBB90]  }
0x95: {  	v1 =	vld [tilespmem:s18+$0xBBA0]  }
0x96: {  	v0 =	vld [tilespmem:s18+$0xBBB0]  }
0x97: {  	v4 =	vld [tilespmem:s18+$0x3E80]  }
0x98: {  	v6 =	vld [tilespmem:s18+$0x3E90]  }
0x99: {  	s14 =	simm.s32 $0x100;
	v5 =	vld [tilespmem:s18+$0x3EA0]  }
.LBB2_7:
0x9a: {  	p0 =	sne.s32 s14, $0x7C00;
	v7 =	vld [tilespmem:s18+$0x3EB0]  }
0x9b: {  	s3 =	sshra.s32 s14, $0x2  }
0x9c: {  	v4 =	vadd.f32 v2, v4;
	v2 =	vld [tilespmem:s3+$0xBB80]  }
0x9d: {  	v6 =	vadd.f32 v3, v6;
	v3 =	vld [tilespmem:s3+$0xBB90]  }
.Ltmp4:
0x9e: {  	v4 =	vmax.f32 v4, $0.0e+00;
	v5 =	vadd.f32 v1, v5;
	v1 =	vld [tilespmem:s3+$0xBBA0];
	(pc) =	sbr.rel @p0 .LBB2_7-.Ltmp4, $4  }
0x9f: {  	[tilespmem:s18+$0x3E80] =	vst v4;
	v6 =	vmax.f32 v6, $0.0e+00;
	v7 =	vadd.f32 v0, v7;
	v0 =	vld [tilespmem:s3+$0xBBB0]  }
0xa0: {  	v4 =	vld [tilespmem:s3+$0x3E80];
	[tilespmem:s18+$0x3E90] =	vst v6;
	v5 =	vmax.f32 v5, $0.0e+00  }
0xa1: {  	v6 =	vld [tilespmem:s3+$0x3E90];
	[tilespmem:s18+$0x3EA0] =	vst v5;
	v7 =	vmax.f32 v7, $0.0e+00  }
0xa2: {  	s14 =	sadd.s32 $0x100, s14;
	v5 =	vld [tilespmem:s3+$0x3EA0];
	[tilespmem:s18+$0x3EB0] =	vst v7;
	s18 =	smov.u32 s3  }
0xa3: {  	v7 =	vld [tilespmem:s18+$0x3EB0];
	_ =	sdelay $0x1  }
0xa4: {  	v2 =	vadd.f32 v2, v4  }
0xa5: {  	v3 =	vadd.f32 v3, v6  }
0xa6: {  	v2 =	vmax.f32 v2, $0.0e+00;
	v1 =	vadd.f32 v1, v5  }
0xa7: {  	[tilespmem:s18+$0x3E80] =	vst v2;
	v2 =	vmax.f32 v3, $0.0e+00;
	v0 =	vadd.f32 v0, v7  }
0xa8: {  	[tilespmem:s18+$0x3E90] =	vst v2;
	v1 =	vmax.f32 v1, $0.0e+00  }
0xa9: {  	[tilespmem:s18+$0x3EA0] =	vst v1;
	v0 =	vmax.f32 v0, $0.0e+00  }
0xaa: {  	s3 =	sadd.s32 $0x12300, s17;
	[tilespmem:s18+$0x3EB0] =	vst v0  }
0xab: {  	[spmem:s2] =	stream.indirect.scatter.add.f32 [tilespmem:s30], [sflag:$0xB], $0x40, s3, s21, $0xb8;
	[tilespmem:$0x1EA00] =	vst v63  }
0xac: {  	_ =	swait.ge [sflag:s11], $0x1F40  }
0xad: {  	[sflag:s11] =	ssyncset.done $0x0  }
0xae: {  	[sflag:s11] =	ssyncadd.s32 $0xFFFFE0C0  }
0xaf: {  	_ =	swait.ge [sflag:s12], $0x1F40  }
0xb0: {  	[sflag:s12] =	ssyncset.done $0x0  }
0xb1: {  	s18 =	simm.s32 $0x0;
	[sflag:s12] =	ssyncadd.s32 $0xFFFFE0C0  }
0xb2: {  	v2 =	vld [tilespmem:s18+$0xDAC0]  }
0xb3: {  	v3 =	vld [tilespmem:s18+$0xDAD0]  }
0xb4: {  	v1 =	vld [tilespmem:s18+$0xDAE0]  }
0xb5: {  	v0 =	vld [tilespmem:s18+$0xDAF0]  }
0xb6: {  	v4 =	vld [tilespmem:s18+$0x5DC0]  }
0xb7: {  	v6 =	vld [tilespmem:s18+$0x5DD0]  }
0xb8: {  	s14 =	simm.s32 $0x100;
	v5 =	vld [tilespmem:s18+$0x5DE0]  }
.LBB2_9:
0xb9: {  	p0 =	sne.s32 s14, $0x7C00;
	v7 =	vld [tilespmem:s18+$0x5DF0]  }
0xba: {  	s3 =	sshra.s32 s14, $0x2  }
0xbb: {  	v4 =	vadd.f32 v2, v4;
	v2 =	vld [tilespmem:s3+$0xDAC0]  }
0xbc: {  	v6 =	vadd.f32 v3, v6;
	v3 =	vld [tilespmem:s3+$0xDAD0]  }
.Ltmp5:
0xbd: {  	v4 =	vmax.f32 v4, $0.0e+00;
	v5 =	vadd.f32 v1, v5;
	v1 =	vld [tilespmem:s3+$0xDAE0];
	(pc) =	sbr.rel @p0 .LBB2_9-.Ltmp5, $4  }
0xbe: {  	[tilespmem:s18+$0x5DC0] =	vst v4;
	v6 =	vmax.f32 v6, $0.0e+00;
	v7 =	vadd.f32 v0, v7;
	v0 =	vld [tilespmem:s3+$0xDAF0]  }
0xbf: {  	v4 =	vld [tilespmem:s3+$0x5DC0];
	[tilespmem:s18+$0x5DD0] =	vst v6;
	v5 =	vmax.f32 v5, $0.0e+00  }
0xc0: {  	v6 =	vld [tilespmem:s3+$0x5DD0];
	[tilespmem:s18+$0x5DE0] =	vst v5;
	v7 =	vmax.f32 v7, $0.0e+00  }
0xc1: {  	s14 =	sadd.s32 $0x100, s14;
	v5 =	vld [tilespmem:s3+$0x5DE0];
	[tilespmem:s18+$0x5DF0] =	vst v7;
	s18 =	smov.u32 s3  }
0xc2: {  	v7 =	vld [tilespmem:s18+$0x5DF0];
	_ =	sdelay $0x1  }
0xc3: {  	v2 =	vadd.f32 v2, v4  }
0xc4: {  	v3 =	vadd.f32 v3, v6  }
0xc5: {  	v2 =	vmax.f32 v2, $0.0e+00;
	v1 =	vadd.f32 v1, v5  }
0xc6: {  	[tilespmem:s18+$0x5DC0] =	vst v2;
	v63 =	vmax.f32 v3, $0.0e+00;
	v0 =	vadd.f32 v0, v7  }
0xc7: {  	[tilespmem:s18+$0x5DD0] =	vst v63;
	v1 =	vmax.f32 v1, $0.0e+00  }
0xc8: {  	p0 =	seq.s32 s7, $0x13;
	[tilespmem:s18+$0x5DE0] =	vst v1;
	v0 =	vmax.f32 v0, $0.0e+00  }
.Ltmp6:
0xc9: {  	s3 =	sadd.s32 $0x12380, s17;
	[tilespmem:s18+$0x5DF0] =	vst v0;
	(pc) =	sbr.rel @p0 .LBB2_12-.Ltmp6, $4  }
0xca: {  	[spmem:s2] =	stream.indirect.scatter.add.f32 [tilespmem:s0], [sflag:$0xC], $0x40, s3, s21, $0xb8;
	[tilespmem:$0x1EA00] =	vst v63  }
0xcb: {  	_ =	swait.ge [sflag:s19], $0x1F40  }
0xcc: {  	[sflag:s19] =	ssyncset.done $0x0  }
0xcd: {  	[sflag:s19] =	ssyncadd.s32 $0xFFFFE0C0  }
0xce: {  	s7 =	sadd.s32 $0x1, s7  }
0xcf: {  	s3 =	sshll.u32 s7, $0x9;
	s14 =	smul.u32 $0x1F4, s7  }
0xd0: {  	s3 =	sand.u32 $0x3FFFFE00, s3  }
0xd1: {  	s3 =	sadd.s32 $0xFA00, s3;
	s17 =	sadd.s32 s6, s14  }
0xd2: {  	[tilespmem:s24], [sflag:$0x1] =	stream.indirect.gather [hbm4b:s4+s21], $0x40, s3, s21, $0xb8;
	[tilespmem:$0x1EA00] =	vst v63  }
0xd3: {  	s3 =	sshll.u32 s17, $0x4  }
0xd4: {  	s3 =	sand.u32 $0x1FFFFFC0, s3  }
0xd5: {  	s14 =	sshll.u32 s7, $0x2;
	s17 =	simm.s32 $0x7D00;
	s3 =	sadd.s32 s3, s10  }
0xd6: {  	[tilespmem:s17], [sflag:$0x5] =	stream.strided.gather [hbm4b:s3+s22], $0x1F40, s23, s22, $0x38;
	[tilespmem:$0x1EA00] =	vst v63  }
0xd7: {  	s3 =	sor.u32 $0x1, s14  }
0xd8: {  	_ =	swait.ge [sflag:s13], $0x1F40;
	s18 =	sshll.u32 s3, $0x7;
	s3 =	smul.u32 $0x7D, s3  }
0xd9: {  	[sflag:s13] =	ssyncset.done $0x0;
	s17 =	sand.u32 $0x3FFFFE80, s18  }
0xda: {  	[sflag:s13] =	ssyncadd.s32 $0xFFFFE0C0;
	s17 =	sadd.s32 $0xFA00, s17;
	s3 =	sadd.s32 s6, s3  }
0xdb: {  	[tilespmem:s26], [sflag:$0x2] =	stream.indirect.gather [hbm4b:s4+s21], $0x40, s17, s21, $0xb8;
	[tilespmem:$0x1EA00] =	vst v63  }
0xdc: {  	s3 =	sshll.u32 s3, $0x4  }
0xdd: {  	s3 =	sand.u32 $0x1FFFFFD0, s3  }
0xde: {  	s18 =	sor.u32 $0x2, s14;
	s3 =	sadd.s32 s3, s10  }
0xdf: {  	[tilespmem:s28], [sflag:$0x6] =	stream.strided.gather [hbm4b:s3+s22], $0x1F40, s23, s22, $0x38;
	[tilespmem:$0x1EA00] =	vst v63  }
0xe0: {  	s3 =	smul.u32 $0x7D, s18  }
0xe1: {  	s14 =	sshll.u32 s18, $0x7;
	_ =	swait.ge [sflag:s15], $0x1F40  }
0xe2: {  	s14 =	sand.u32 $0x3FFFFF00, s14;
	[sflag:s15] =	ssyncset.done $0x0;
	s3 =	sadd.s32 s6, s3  }
0xe3: {  	s14 =	sadd.s32 $0xFA00, s14;
	[sflag:s15] =	ssyncadd.s32 $0xFFFFE0C0;
	s3 =	sshll.u32 s3, $0x4  }
0xe4: {  	[tilespmem:s30], [sflag:$0x3] =	stream.indirect.gather [hbm4b:s4+s21], $0x40, s14, s21, $0xb8;
	[tilespmem:$0x1EA00] =	vst v63  }
0xe5: {  	s3 =	sand.u32 $0x1FFFFFE0, s3  }
0xe6: {  	s17 =	sshllo.u32 s7, $0x2;
	s3 =	sadd.s32 s3, s10  }
0xe7: {  	[tilespmem:s31], [sflag:$0x7] =	stream.strided.gather [hbm4b:s3+s22], $0x1F40, s23, s22, $0x38;
	[tilespmem:$0x1EA00] =	vst v63  }
0xe8: {  	s18 =	sshll.u32 s17, $0x7;
	s3 =	smul.u32 $0x7D, s17  }
0xe9: {  	s14 =	sand.u32 $0x3FFFFF80, s18;
	_ =	swait.ge [sflag:s16], $0x1F40  }
.Ltmp7:
0xea: {  	[sflag:s16] =	ssyncset.done $0x0;
	s3 =	sadd.s32 s6, s3;
	(pc) =	sbr.rel .LBB2_2-.Ltmp7, $4  }
0xeb: {  	s14 =	sadd.s32 $0xFA00, s14;
	[sflag:s16] =	ssyncadd.s32 $0xFFFFE0C0;
	s3 =	sshll.u32 s3, $0x4  }
0xec: {  	[tilespmem:s0], [sflag:$0x4] =	stream.indirect.gather [hbm4b:s4+s21], $0x40, s14, s21, $0xb8;
	[tilespmem:$0x1EA00] =	vst v63  }
0xed: {  	s3 =	sand.u32 $0x1FFFFFF0, s3  }
0xee: {  	s14 =	sadd.s32 s3, s10  }
.LBB2_13:
0xef: {  	_ =	sfence.sel $0x180000  }
0xf0: {  	[bflag:$0x0] =	sbarrier.arrive $0xFFFF  }
0xf1: {  	_ =	strace $0x90000047  }
0xf2: {  	s0 =	stileid.u32;
	[bflag:$0x2] =	sbarrier.arrive $0xFFFF  }
0xf3: {  	p0 =	sne.s32 s0, $0x0;
	s0 =	rddreg [dreg:$0x2]  }
0xf4: {  	s0 =	sadd.s32 @!p0 $0x100000, s0  }
0xf5: {  	[sflag:s0] =	ssyncadd.tile.s32 @!p0 $0x1;
	_ =	shalt  }
.Lfunc_end2:
_tile_overlayer_lowered:
.L_overlay_start_2:
0xf6: {  	(tag) =	ssettag $0x2  }
0xf7: {  	s0 =	rddreg [dreg:$0x0];
	s2 =	stileid.u32  }
0xf8: {  	s1 =	rddreg [dreg:$0x1];
	p0 =	sne.s32 s2, $0x0  }
0xf9: {  	s3 =	rddreg [dreg:$0x2];
	[bflag:$0x3] =	sbarrier.arrive $0xFFFF;
	s2 =	simm.s32 @!p0 $0x1C0D  }
0xfa: {  	[timem:s3], [sflag:s2] =	dma.local @!p0 [hbm:s0], s1  }
0xfb: {  	s0 =	simm.s32 @!p0 $0xD  }
0xfc: {  	_ =	swait.ge @!p0 [sflag:s0], s1  }
0xfd: {  	s1 =	ssub.s32 @!p0 $0x0, s1;
	[sflag:s0] =	ssyncset.done @!p0 $0x0  }
0xfe: {  	[sflag:s0] =	ssyncadd.s32 @!p0 s1  }
0xff: {  	[bflag:$0x3] =	sbarrier.arrive $0xFFFF  }
0x100: {  	_ =	shalt  }

// kernel: kernel.18.cloned.1.call-start
scs
__scs_entry_jumppad:
0x0: {  	(pc) =	sbr.rel $0x88, $3  }
0x1: {  	(tag) =	ssettag $0x0;
	lr =	simm.s32 $0x1  }
0x2: {  	[smem:$0x3F97] =	sst lr;
	_ =	strace $0xD0000000  }
0x3: {  	_ = 	snop  }
0x4: {  	_ = 	snop  }
0x5: {  	_ = 	snop  }
0x6: {  	_ = 	snop  }
0x7: {  	_ = 	snop  }
__scs_overlays_trampoline_lowered:
0x8: {  	[smem:$0x3FA6] =	sst s0  }
0x9: {  	[smem:$0x3FA7] =	sst s1  }
0xa: {  	[smem:$0x3FA8] =	sst s2  }
0xb: {  	[smem:$0x3FA9] =	sst s3  }
0xc: {  	[smem:$0x3FAA] =	sst s4  }
0xd: {  	[smem:$0x3FAB] =	sst s5  }
0xe: {  	[smem:$0x3FAC] =	sst s6  }
0xf: {  	[smem:$0x3FAD] =	sst s7  }
0x10: {  	[smem:$0x3FAE] =	sst s8  }
0x11: {  	[smem:$0x3FAF] =	sst s9;
	s0 =	simm.s32 @!p0 $0x0  }
0x12: {  	s1 =	sld [smem:$0x3F95];
	s0 =	simm.s32 @p0 $0x1  }
0x13: {  	[smem:$0x3FB0] =	sst s0;
	s0 =	simm.s32 @!p1 $0x0  }
0x14: {  	s2 =	sld [smem:$0x3F94];
	s0 =	simm.s32 @p1 $0x1  }
0x15: {  	[smem:$0x3FB1] =	sst s0;
	s0 =	simm.s32 @!p2 $0x0  }
0x16: {  	s3 =	sld [smem:$0x3FDB];
	s0 =	simm.s32 @p2 $0x1  }
0x17: {  	s4 =	simm.s32 $0x1BF5;
	[smem:$0x3FB3] =	sst s0  }
0x18: {  	s0 =	sld [smem:$0x3F96];
	_ =	swait.ge [sflag:s4], $0x0  }
0x19: {  	s7 =	sld [smem:$0x3F97]  }
0x1a: {  	s8 =	sadd.s32 $0xFFFFE003, lr  }
0x1b: {  	s9 =	sadd.s32 $0xFFFFFEF7, lr;
	s5 =	simm.s32 $0xFFFFFFFF;
	p2 =	slt.u32 s8, $0xFFFFF086  }
0x1c: {  	p1 =	slt.u32 s9, $0xF7A;
	s5 =	simm.s32 @!p2 $0x0  }
0x1d: {  	s5 =	simm.s32 @p1 $0x1;
	p0 =	seq.s32 s7, s2  }
0x1e: {  	s7 =	smul.u32 @!p0 $0xF7A, s2;
	p2 =	seq.s32 @!p0 s5, $0x0  }
0x1f: {  	s9 =	smul.u32 $0xF7A, s1;
	s8 =	simm.s32 @!p0 $0x1BF5;
	p2 =	por !p2, p0  }
0x20: {  	[sflag:s8] =	ssyncset.s32 @!p0 $0xFFFFF086;
	s6 =	sadd.s32 @!p0 s3, s7;
	s7 =	simm.s32 @!p0 $0x108  }
0x21: {  	s3 =	sadd.s32 s3, s9;
	s6 =	sadd.s32 @!p0 $0x88, s6;
	s7 =	simm.s32 @p2 $0x1082  }
0x22: {  	[simem:s7], [sflag:s8] =	dma.local @!p0 [hbm:s6], $0xF7A  }
0x23: {  	s9 =	sor.u32 $0xD0000000, s2;
	s6 =	simm.s32 $0x108;
	_ =	swait.ge @!p0 [sflag:s8], $0x0  }
0x24: {  	s3 =	sadd.s32 $0x88, s3;
	s6 =	simm.s32 @!p1 $0x1082;
	[sflag:s4] =	ssyncset.s32 $0xFFFFF086  }
0x25: {  	[simem:s6], [sflag:s4] =	dma.local [hbm:s3], $0xF7A  }
0x26: {  	[smem:$0x3F97] =	sst s1;
	(tag) =	ssettag s2;
	_ =	strace s9  }
0x27: {  	s1 =	sld [smem:$0x3FA7]  }
0x28: {  	s2 =	sld [smem:$0x3FA8]  }
0x29: {  	s4 =	sld [smem:$0x3FAA]  }
0x2a: {  	p0 =	seq.s32 s5, $0x0;
	s5 =	sld [smem:$0x3FAB]  }
0x2b: {  	s6 =	sld [smem:$0x3FAC]  }
0x2c: {  	s7 =	sld [smem:$0x3FAD]  }
0x2d: {  	s3 =	simm.s32 $0x108;
	s8 =	sld [smem:$0x3FAE]  }
0x2e: {  	s3 =	simm.s32 @!p0 $0x1082;
	s9 =	sld [smem:$0x3FAF]  }
0x2f: {  	lr =	sadd.s32 s0, s3;
	s0 =	sld [smem:$0x3FA6]  }
0x30: {  	s3 =	sld [smem:$0x3FA9]  }
0x31: {  	[smem:$0x3FB2] =	sst s10  }
0x32: {  	s10 =	sld [smem:$0x3FB0];
	_ =	sdelay $0x3  }
0x33: {  	p0 =	seq.s32 s10, $0x1;
	s10 =	sld [smem:$0x3FB2];
	_ =	sdelay $0x3  }
0x34: {  	[smem:$0x3FB2] =	sst s10  }
0x35: {  	s10 =	sld [smem:$0x3FB1];
	_ =	sdelay $0x3  }
0x36: {  	p1 =	seq.s32 s10, $0x1;
	s10 =	sld [smem:$0x3FB2];
	_ =	sdelay $0x3  }
0x37: {  	[smem:$0x3FB2] =	sst s10  }
0x38: {  	s10 =	sld [smem:$0x3FB3]  }
0x39: {  	_ = 	snop;
	(pc) =	sbr.ind lr, $3  }
0x3a: {  	_ = 	snop  }
0x3b: {  	_ = 	snop  }
0x3c: {  	p2 =	seq.s32 s10, $0x1;
	s10 =	sld [smem:$0x3FB2]  }
0x3d: {  	_ =	shalt  }
0x3e: {  	_ =	shalt  }
0x3f: {  	_ =	shalt  }
0x40: {  	_ =	shalt  }
0x41: {  	_ =	shalt  }
0x42: {  	_ =	shalt  }
0x43: {  	_ =	shalt  }
0x44: {  	_ =	shalt  }
0x45: {  	_ =	shalt  }
0x46: {  	_ =	shalt  }
0x47: {  	_ =	shalt  }
0x48: {  	_ =	shalt  }
0x49: {  	_ =	shalt  }
0x4a: {  	_ =	shalt  }
0x4b: {  	_ =	shalt  }
0x4c: {  	_ =	shalt  }
0x4d: {  	_ =	shalt  }
0x4e: {  	_ =	shalt  }
0x4f: {  	_ =	shalt  }
0x50: {  	_ =	shalt  }
0x51: {  	_ =	shalt  }
0x52: {  	_ =	shalt  }
0x53: {  	_ =	shalt  }
0x54: {  	_ =	shalt  }
0x55: {  	_ =	shalt  }
0x56: {  	_ =	shalt  }
0x57: {  	_ =	shalt  }
0x58: {  	_ =	shalt  }
0x59: {  	_ =	shalt  }
0x5a: {  	_ =	shalt  }
0x5b: {  	_ =	shalt  }
0x5c: {  	_ =	shalt  }
0x5d: {  	_ =	shalt  }
0x5e: {  	_ =	shalt  }
0x5f: {  	_ =	shalt  }
0x60: {  	_ =	shalt  }
0x61: {  	_ =	shalt  }
0x62: {  	_ =	shalt  }
0x63: {  	_ =	shalt  }
0x64: {  	_ =	shalt  }
0x65: {  	_ =	shalt  }
0x66: {  	_ =	shalt  }
0x67: {  	_ =	shalt  }
0x68: {  	_ =	shalt  }
0x69: {  	_ =	shalt  }
0x6a: {  	_ =	shalt  }
0x6b: {  	_ =	shalt  }
0x6c: {  	_ =	shalt  }
0x6d: {  	_ =	shalt  }
0x6e: {  	_ =	shalt  }
0x6f: {  	_ =	shalt  }
0x70: {  	_ =	shalt  }
0x71: {  	_ =	shalt  }
0x72: {  	_ =	shalt  }
0x73: {  	_ =	shalt  }
0x74: {  	_ =	shalt  }
0x75: {  	_ =	shalt  }
0x76: {  	_ =	shalt  }
0x77: {  	_ =	shalt  }
0x78: {  	_ =	shalt  }
0x79: {  	_ =	shalt  }
0x7a: {  	_ =	shalt  }
0x7b: {  	_ =	shalt  }
0x7c: {  	_ =	shalt  }
0x7d: {  	_ =	shalt  }
0x7e: {  	_ =	shalt  }
0x7f: {  	_ =	shalt  }
0x80: {  	_ =	shalt  }
0x81: {  	_ =	shalt  }
0x82: {  	_ =	shalt  }
0x83: {  	_ =	shalt  }
0x84: {  	_ =	shalt  }
0x85: {  	_ =	shalt  }
0x86: {  	_ =	shalt  }
0x87: {  	_ =	shalt  }
.Lfunc_end0:
.L_simem_size_0:
called_computation.2_lowered:
.L_overlay_start_0:
0x88: {  	s2 =	sld [smem:$0x3FD9]  }
0x89: {  	s3 =	sld [smem:$0x3FFE];
	_ =	sdelay $0x1  }
0x8a: {  	s1 =	srdreg.scid  }
0x8b: {  	s0 =	sand.u32 $0x1, s1  }
0x8c: {  	s17 =	sshll.u32 s0, $0xA;
	s2 =	sadd.s32 s3, s2  }
0x8d: {  	s2 =	sadd.s32 s2, s17  }
0x8e: {  	[smem:$0x3FBE] =	sst s2  }
0x8f: {  	_ = 	snop  }
0x90: {  	(tm) =	ssettm $0x1  }
0x91: {  	s18 =	sld [smem:$0x3FFB];
	_ =	sdelay $0x3  }
0x92: {  	_ =	strace s18  }
0x93: {  	s2 =	sld [smem:$0x3FFC];
	_ =	sdelay $0x3  }
0x94: {  	_ =	strace s2  }
0x95: {  	s2 =	sld [smem:$0x3FFD];
	_ =	sdelay $0x3  }
0x96: {  	_ =	strace s2  }
0x97: {  	_ =	strace $0x8FFFFFFF  }
0x98: {  	s19 =	sld [smem:$0x3FDB];
	_ =	sdelay $0x1  }
0x99: {  	s20 =	simm.s32 $_scs_section_size  }
0x9a: {  	s4 =	simm.s32 $_size__tile_overlayer_lowered;
	s5 =	simm.s32 $_tile_overlayer_lowered  }
0x9b: {  	s6 =	simm.s32 $0x1BFF;
	s21 =	sshll.u32 s5, $0x1;
	s3 =	sadd.s32 s20, s19  }
0x9c: {  	s22 =	simm.s32 $0x0;
	s4 =	sshll.u32 s4, $0x1;
	s5 =	sadd.s32 s21, s3  }
0x9d: {  	[timem:s22], [sflag:s6] =	dma.local [hbm:s5], s4  }
0x9e: {  	_ =	swait.ge [sflag:s6], s4  }
0x9f: {  	s4 =	ssub.s32 $0x0, s4;
	[sflag:s6] =	ssyncset.done $0x0  }
0xa0: {  	[sflag:s6] =	ssyncadd.s32 s4;
	_ =	sdelay $0x1  }
0xa1: {  	s23 =	simm.s32 $0x1B8B  }
0xa2: {  	_ =	swait.ge [sflag:s23], $0x1  }
0xa3: {  	[sflag:s23] =	ssyncset.done $0x0  }
0xa4: {  	[sflag:s23] =	ssyncadd.s32 $0xFFFFFFFF  }
0xa5: {  	s4 =	sld [smem:$0x0]  }
0xa6: {  	s5 =	sand.u32 $0xFFFFFFFE, s1  }
0xa7: {  	p0 =	sne.s32 s1, s5  }
0xa8: {  	s5 =	sshll.u32 @p0 s5, $0xE  }
0xa9: {  	s5 =	sadd.s32 @p0 $0x11B8D, s5;
	s6 =	sshll.u32 @p0 s4, $0x11  }
0xaa: {  	s5 =	sor.u32 @p0 s6, s5  }
0xab: {  	[sflag:s5] =	ssyncadd.remote.s32 @p0 $0x1;
	_ =	sdelay $0x1  }
0xac: {  	s5 =	simm.s32 @p0 $0x1B8D  }
0xad: {  	_ =	swait.eq @p0 [sflag:s5], $0x1  }
0xae: {  	[sflag:s5] =	ssyncadd.s32 @p0 $0xFFFFFFFF  }
0xaf: {  	s6 =	sshll.u32 @!p0 s1, $0xE  }
0xb0: {  	s6 =	sor.u32 @!p0 $0x4000, s6;
	s5 =	simm.s32 @!p0 $0x1B8D  }
0xb1: {  	s4 =	sshll.u32 @!p0 s4, $0x11;
	s6 =	sadd.s32 @!p0 $0x11B8D, s6;
	_ =	swait.eq @!p0 [sflag:s5], $0x1  }
0xb2: {  	s4 =	sor.u32 @!p0 s4, s6;
	[sflag:s5] =	ssyncadd.s32 @!p0 $0xFFFFFFFF  }
0xb3: {  	s25 =	simm.s32 $0x1B8E;
	s24 =	sld [smem:$0x3FFE];
	[sflag:s4] =	ssyncadd.remote.s32 @!p0 $0x1  }
0xb4: {  	s26 =	simm.s32 $execute0_lowered;
	[smem:$0x3FD2] =	sst s25  }
0xb5: {  	s5 =	sshll.u32 s26, $0x1;
	_ =	strace $0x8000004F;
	[dreg:$0x1] =	wrdreg $0xFFFFFFFF  }
0xb6: {  	s28 =	simm.s32 $_size_execute0_lowered;
	s3 =	sadd.s32 s3, s5;
	[dreg:$0x0] =	wrdreg $0x0  }
0xb7: {  	s5 =	sshll.u32 s28, $0x1;
	[dreg:$0x2] =	wrdreg s3  }
0xb8: {  	[dreg:$0x3] =	wrdreg s5  }
0xb9: {  	[dreg:$0x4] =	wrdreg $0xC0  }
0xba: {  	_ =	task [dreg:s22], $0x5FFFF  }
0xbb: {  	[dreg:$0x1] =	wrdreg $0xFFFFFFFF  }
0xbc: {  	[dreg:$0x0] =	wrdreg $0x60  }
0xbd: {  	[dreg:$0x2] =	wrdreg s24  }
0xbe: {  	[dreg:$0x3] =	wrdreg $0x14A000  }
0xbf: {  	[dreg:$0x4] =	wrdreg $0x9  }
0xc0: {  	_ =	task.clear_ibuf [dreg:s22], $0x5FFFF;
	_ =	strace $0x9000004F  }
0xc1: {  	s29 =	simm.s32 $0x9;
	_ =	strace $0x80000051  }
0xc2: {  	_ =	swait.ge [sflag:s29], $0x1  }
0xc3: {  	[sflag:s29] =	ssyncadd.s32 $0xFFFFFFFF  }
0xc4: {  	_ =	strace $0x90000051  }
0xc5: {  	_ =	sfence  }
0xc6: {  	s30 =	sld [smem:$0x0];
	_ =	sdelay $0x2  }
0xc7: {  	s31 =	sshll.u32 s1, $0xD;
	s1 =	sshrl.u32 s1, $0x2  }
0xc8: {  	s4 =	sand.u32 $0x4000, s31;
	s1 =	sadd.s32 s1, s30  }
0xc9: {  	s0 =	sor.u32 s4, s0;
	s1 =	sshll.u32 s1, $0x11  }
0xca: {  	s0 =	sor.u32 s1, s0  }
0xcb: {  	s0 =	sadd.s32 $0x8F2B, s0  }
0xcc: {  	[sflag:s0] =	ssyncadd.remote.s32 $0x1  }
0xcd: {  	_ =	sfence.sel $0xFFFF  }
0xce: {  	[dreg:$0x0] =	wrdreg $0xFFFFFFFF;
	(pc) =	sbr.abs _section_cstart, $3  }
0xcf: {  	[dreg:$0x1] =	wrdreg $0xFFFFFFFF  }
0xd0: {  	_ =	task.clear_ibuf [dreg:s22], $0x2FFFF;
	_ =	strace $0x9FFFFFFF  }
0xd1: {  	(tm) =	ssettm $0x7FFFFFFF  }
tec
execute0_lowered:
.L_overlay_start_1:
0x0: {  	(tag) =	ssettag $0x1  }
0x1: {  	s0 =	srdreg.scid;
	s6 =	rddreg [dreg:$0x0]  }
0x2: {  	s3 =	stileid.u32;
	s2 =	rddreg [dreg:$0x1]  }
0x3: {  	s4 =	simm.s32 $0x0;
	s28 =	simm.s32 $0x9C40;
	s30 =	simm.s32 $0x3E80  }
0x4: {  	s31 =	simm.s32 $0xBB80;
	s29 =	simm.s32 $0x5;
	s12 =	simm.s32 $0x8  }
0x5: {  	s13 =	simm.s32 $0xA;
	s15 =	simm.s32 $0xB;
	s0 =	sand.u32 $0x1, s0  }
0x6: {  	s8 =	smul.u32 $0xA000, s3;
	[smem:$0x7FF] =	sst s4;
	s4 =	sadd.s32 $0x40600, s6  }
0x7: {  	s5 =	sadd.s32 $0x54000, s6;
	s17 =	sadd.s32 $0x536000, s6;
	s11 =	sshll.u32 s3, $0x6  }
0x8: {  	s1 =	sshll.u32 s0, $0x4;
	s9 =	smul.u32 $0xA0000, s0;
	_ =	strace $0x80000050  }
0x9: {  	s0 =	ssub.s32 $0x2, s0;
	[dreg:$0x3] =	wrdreg s17;
	s14 =	sor.u32 $0x1C0D, s11  }
0xa: {  	s17 =	simm.s32 $0xD;
	s11 =	simm.s32 $0x4;
	s1 =	sor.u32 s3, s1  }
0xb: {  	s18 =	sshrl.u32 s0, $0x1;
	[dreg:$0x4] =	wrdreg s14;
	s7 =	smul.u32 $0x500, s1  }
0xc: {  	s16 =	sadd.s32 s8, s9;
	s0 =	ssub.s32 s0, s18;
	s19 =	smul.u32 $0x138800, s1  }
0xd: {  	s8 =	sadd.s32 s8, s2;
	s18 =	simm.s32 $0x0;
	s0 =	smax.u32 s0, $0x1  }
0xe: {  	s8 =	sshrl.u32 s8, $0x3;
	s10 =	sadd.s32 s7, s6;
	s7 =	sshrl.u32 s16, $0x3  }
0xf: {  	s9 =	sshrl.u32 s19, $0x3;
	[dreg:$0xc] =	wrdreg s0;
	s0 =	simm.s32 $0x5DC0  }
0x10: {  	s19 =	simm.s32 $0x9;
	s6 =	sadd.s32 s7, s6;
	s7 =	smul.u32 $0x2710, s1  }
0x11: {  	s16 =	simm.s32 $0xC;
	[dreg:$0xd] =	wrdreg s8;
	s1 =	smul.u32 $0x27100, s1  }
0x12: {  	s20 =	sadd.s32 $0x591400, s10;
	s21 =	sadd.s32 $0x587400, s10;
	s22 =	sadd.s32 s5, s9  }
0x13: {  	s25 =	sadd.s32 $0x1770, s9;
	s9 =	simm.s32 $0x3;
	[dreg:$0x5] =	wrdreg s20  }
0x14: {  	s10 =	simm.s32 $0x7;
	[dreg:$0x6] =	wrdreg s21;
	s23 =	sadd.s32 $0x7D0, s22  }
0x15: {  	s24 =	sadd.s32 $0xFA0, s22;
	[dreg:$0xa] =	wrdreg s25;
	s26 =	sadd.s32 $0x537400, s6  }
.Ltmp0:
0x16: {  	s21 =	simm.s32 $0x7D;
	s22 =	simm.s32 $0x40;
	(pc) =	sbr.rel .LBB2_1-.Ltmp0, $4  }
0x17: {  	s20 =	simm.s32 $0xDAC0;
	s25 =	simm.s32 $0x1;
	[dreg:$0x8] =	wrdreg s23  }
0x18: {  	s6 =	simm.s32 $0x6;
	s1 =	sadd.s32 s5, s1;
	[dreg:$0x9] =	wrdreg s24  }
0x19: {  	[dreg:$0xb] =	wrdreg s26;
	s23 =	simm.s32 $0x80;
	s26 =	simm.s32 $0x1F40  }
0x1a: {  	s24 =	simm.s32 $0x0;
	[dreg:$0x7] =	wrdreg s1;
	s1 =	simm.s32 $0x2  }
.LBB2_12:
0x1b: {  	_ =	swait.ge [sflag:s13], $0x1F40  }
0x1c: {  	[sflag:s13] =	ssyncset.done $0x0  }
0x1d: {  	[sflag:s13] =	ssyncadd.s32 $0xFFFFE0C0  }
0x1e: {  	_ =	swait.ge [sflag:s15], $0x1F40  }
0x1f: {  	[sflag:s15] =	ssyncset.done $0x0  }
0x20: {  	[sflag:s15] =	ssyncadd.s32 $0xFFFFE0C0  }
0x21: {  	_ =	swait.ge [sflag:s16], $0x1F40  }
0x22: {  	[sflag:s16] =	ssyncset.done $0x0  }
0x23: {  	[sflag:s16] =	ssyncadd.s32 $0xFFFFE0C0  }
0x24: {  	[bflag:$0x0] =	sbarrier.arrive $0xFFFF  }
0x25: {  	s14 =	rddreg [dreg:$0x4]  }
0x26: {  	s3 =	rddreg [dreg:$0xb]  }
0x27: {  	s17 =	simm.s32 $0xD;
	s8 =	rddreg [dreg:$0xd]  }
0x28: {  	[hbm:s3], [sflag:s14] =	dma.local [spmem:s8], $0x1400  }
0x29: {  	_ =	swait.ge [sflag:s17], $0x1400  }
0x2a: {  	s18 =	rddreg [dreg:$0xe]  }
0x2b: {  	s3 =	rddreg [dreg:$0xc];
	s18 =	sadd.s32 $0x1, s18  }
0x2c: {  	p0 =	sne.s32 s18, s3  }
.Ltmp1:
0x2d: {  	_ = 	snop;
	(pc) =	sbr.rel @!p0 .LBB2_13-.Ltmp1, $3  }
0x2e: {  	_ =	sdelay $0x1  }
0x2f: {  	[sflag:s17] =	ssyncset.done $0x0  }
0x30: {  	[sflag:s17] =	ssyncadd.s32 $0xFFFFEC00  }
.LBB2_1:
0x31: {  	[dreg:$0xe] =	wrdreg s18  }
0x32: {  	s3 =	rddreg [dreg:$0x3]  }
0x33: {  	[spmem:s8], [sflag:s14] =	dma.local [hbm:s3], $0x1400  }
0x34: {  	_ =	swait.ge [sflag:s17], $0x1400  }
0x35: {  	[sflag:s17] =	ssyncset.done $0x0  }
0x36: {  	[sflag:s17] =	ssyncadd.s32 $0xFFFFEC00  }
0x37: {  	[bflag:$0x0] =	sbarrier.arrive $0xFFFF  }
0x38: {  	s3 =	simm.s32 $0x0;
	s14 =	simm.s32 $0xFA00;
	s18 =	rddreg [dreg:$0x5]  }
0x39: {  	[tilespmem:s14], [sflag:$0xD] =	stream.linear.gather [hbm4b:s18+s3], $0x2800, $0x38;
	[tilespmem:$0x1EA00] =	vst v63  }
0x3a: {  	_ =	swait.ge [sflag:s17], $0x2800  }
0x3b: {  	[sflag:s17] =	ssyncset.done $0x0  }
0x3c: {  	s18 =	simm.s32 $0x12200;
	s8 =	rddreg [dreg:$0x6];
	[sflag:s17] =	ssyncadd.s32 $0xFFFFD800  }
0x3d: {  	[tilespmem:s18], [sflag:$0xD] =	stream.linear.gather [hbm4b:s8+s3], $0x2800, $0x38;
	[tilespmem:$0x1EA00] =	vst v63  }
0x3e: {  	_ =	swait.ge [sflag:s17], $0x2800  }
0x3f: {  	[sflag:s17] =	ssyncset.done $0x0  }
0x40: {  	[sflag:s17] =	ssyncadd.s32 $0xFFFFD800  }
0x41: {  	[tilespmem:s3], [sflag:$0x1] =	stream.indirect.gather [hbm4b:s4+s21], $0x40, s14, s21, $0xb8;
	[tilespmem:$0x1EA00] =	vst v63  }
0x42: {  	s17 =	simm.s32 $0x7D00;
	s14 =	rddreg [dreg:$0x7]  }
0x43: {  	[tilespmem:s17], [sflag:$0x5] =	stream.strided.gather [hbm4b:s14+s22], $0x1F40, s23, s22, $0x38;
	[tilespmem:$0x1EA00] =	vst v63  }
0x44: {  	s18 =	simm.s32 $0xFA80  }
0x45: {  	[tilespmem:s26], [sflag:$0x2] =	stream.indirect.gather [hbm4b:s4+s21], $0x40, s18, s21, $0xb8;
	[tilespmem:$0x1EA00] =	vst v63  }
0x46: {  	s8 =	rddreg [dreg:$0x8]  }
0x47: {  	[tilespmem:s28], [sflag:$0x6] =	stream.strided.gather [hbm4b:s8+s22], $0x1F40, s23, s22, $0x38;
	[tilespmem:$0x1EA00] =	vst v63  }
0x48: {  	s14 =	simm.s32 $0xFB00  }
0x49: {  	[tilespmem:s30], [sflag:$0x3] =	stream.indirect.gather [hbm4b:s4+s21], $0x40, s14, s21, $0xb8;
	[tilespmem:$0x1EA00] =	vst v63  }
0x4a: {  	s17 =	rddreg [dreg:$0x9]  }
0x4b: {  	[tilespmem:s31], [sflag:$0x7] =	stream.strided.gather [hbm4b:s17+s22], $0x1F40, s23, s22, $0x38;
	[tilespmem:$0x1EA00] =	vst v63  }
0x4c: {  	s18 =	simm.s32 $0xFB80;
	s8 =	simm.s32 $0x0;
	s14 =	rddreg [dreg:$0xa]  }
0x4d: {  	[tilespmem:s0], [sflag:$0x4] =	stream.indirect.gather [hbm4b:s4+s21], $0x40, s18, s21, $0xb8;
	[tilespmem:$0x1EA00] =	vst v63  }
.LBB2_2:
0x4e: {  	s14 =	sadd.s32 s5, s14  }
0x4f: {  	[tilespmem:s20], [sflag:$0x8] =	stream.strided.gather [hbm4b:s14+s22], $0x1F40, s23, s22, $0x38;
	[tilespmem:$0x1EA00] =	vst v63  }
0x50: {  	_ =	swait.ge [sflag:s25], $0x1F40  }
0x51: {  	[sflag:s25] =	ssyncset.done $0x0  }
0x52: {  	[sflag:s25] =	ssyncadd.s32 $0xFFFFE0C0  }
0x53: {  	_ =	swait.ge [sflag:s29], $0x1F40  }
0x54: {  	[sflag:s29] =	ssyncset.done $0x0  }
0x55: {  	s18 =	simm.s32 $0x0;
	[sflag:s29] =	ssyncadd.s32 $0xFFFFE0C0  }
0x56: {  	v2 =	vld [tilespmem:s18+$0x7D00]  }
0x57: {  	v3 =	vld [tilespmem:s18+$0x7D10]  }
0x58: {  	v1 =	vld [tilespmem:s18+$0x7D20]  }
0x59: {  	v0 =	vld [tilespmem:s18+$0x7D30]  }
0x5a: {  	v4 =	vld [tilespmem:s18+$0x0]  }
0x5b: {  	v6 =	vld [tilespmem:s18+$0x10]  }
0x5c: {  	s17 =	simm.s32 $0x100;
	v5 =	vld [tilespmem:s18+$0x20]  }
.LBB2_3:
0x5d: {  	p0 =	sne.s32 s17, $0x7C00;
	v7 =	vld [tilespmem:s18+$0x30]  }
0x5e: {  	s14 =	sshra.s32 s17, $0x2  }
0x5f: {  	v4 =	vadd.f32 v2, v4;
	v2 =	vld [tilespmem:s14+$0x7D00]  }
0x60: {  	v6 =	vadd.f32 v3, v6;
	v3 =	vld [tilespmem:s14+$0x7D10]  }
.Ltmp2:
0x61: {  	v4 =	vmax.f32 v4, $0.0e+00;
	v5 =	vadd.f32 v1, v5;
	v1 =	vld [tilespmem:s14+$0x7D20];
	(pc) =	sbr.rel @p0 .LBB2_3-.Ltmp2, $4  }
0x62: {  	[tilespmem:s18+$0x0] =	vst v4;
	v6 =	vmax.f32 v6, $0.0e+00;
	v7 =	vadd.f32 v0, v7;
	v0 =	vld [tilespmem:s14+$0x7D30]  }
0x63: {  	v4 =	vld [tilespmem:s14+$0x0];
	[tilespmem:s18+$0x10] =	vst v6;
	v5 =	vmax.f32 v5, $0.0e+00  }
0x64: {  	v6 =	vld [tilespmem:s14+$0x10];
	[tilespmem:s18+$0x20] =	vst v5;
	v7 =	vmax.f32 v7, $0.0e+00  }
0x65: {  	s17 =	sadd.s32 $0x100, s17;
	v5 =	vld [tilespmem:s14+$0x20];
	[tilespmem:s18+$0x30] =	vst v7;
	s18 =	smov.u32 s14  }
0x66: {  	v7 =	vld [tilespmem:s18+$0x30];
	_ =	sdelay $0x1  }
0x67: {  	v2 =	vadd.f32 v2, v4  }
0x68: {  	v3 =	vadd.f32 v3, v6  }
0x69: {  	v2 =	vmax.f32 v2, $0.0e+00;
	v1 =	vadd.f32 v1, v5  }
0x6a: {  	[tilespmem:s18+$0x0] =	vst v2;
	v2 =	vmax.f32 v3, $0.0e+00;
	v0 =	vadd.f32 v0, v7  }
0x6b: {  	s14 =	sshll.u32 s8, $0x9;
	[tilespmem:s18+$0x10] =	vst v2;
	v1 =	vmax.f32 v1, $0.0e+00  }
0x6c: {  	s17 =	sand.u32 $0x3FFFFE00, s14;
	[tilespmem:s18+$0x20] =	vst v1;
	v0 =	vmax.f32 v0, $0.0e+00  }
0x6d: {  	s3 =	simm.s32 $0x0;
	s14 =	sadd.s32 $0x12200, s17;
	[tilespmem:s18+$0x30] =	vst v0  }
0x6e: {  	[spmem:s2] =	stream.indirect.scatter.add.f32 [tilespmem:s3], [sflag:$0x9], $0x40, s14, s21, $0xb8;
	[tilespmem:$0x1EA00] =	vst v63  }
0x6f: {  	_ =	swait.ge [sflag:s1], $0x1F40  }
0x70: {  	[sflag:s1] =	ssyncset.done $0x0  }
0x71: {  	[sflag:s1] =	ssyncadd.s32 $0xFFFFE0C0  }
0x72: {  	_ =	swait.ge [sflag:s6], $0x1F40  }
0x73: {  	[sflag:s6] =	ssyncset.done $0x0  }
0x74: {  	s18 =	simm.s32 $0x0;
	[sflag:s6] =	ssyncadd.s32 $0xFFFFE0C0  }
0x75: {  	v2 =	vld [tilespmem:s18+$0x9C40]  }
0x76: {  	v3 =	vld [tilespmem:s18+$0x9C50]  }
0x77: {  	v1 =	vld [tilespmem:s18+$0x9C60]  }
0x78: {  	v0 =	vld [tilespmem:s18+$0x9C70]  }
0x79: {  	v4 =	vld [tilespmem:s18+$0x1F40]  }
0x7a: {  	v6 =	vld [tilespmem:s18+$0x1F50]  }
0x7b: {  	s14 =	simm.s32 $0x100;
	v5 =	vld [tilespmem:s18+$0x1F60]  }
.LBB2_5:
0x7c: {  	p0 =	sne.s32 s14, $0x7C00;
	v7 =	vld [tilespmem:s18+$0x1F70]  }
0x7d: {  	s3 =	sshra.s32 s14, $0x2  }
0x7e: {  	v4 =	vadd.f32 v2, v4;
	v2 =	vld [tilespmem:s3+$0x9C40]  }
0x7f: {  	v6 =	vadd.f32 v3, v6;
	v3 =	vld [tilespmem:s3+$0x9C50]  }
.Ltmp3:
0x80: {  	v4 =	vmax.f32 v4, $0.0e+00;
	v5 =	vadd.f32 v1, v5;
	v1 =	vld [tilespmem:s3+$0x9C60];
	(pc) =	sbr.rel @p0 .LBB2_5-.Ltmp3, $4  }
0x81: {  	[tilespmem:s18+$0x1F40] =	vst v4;
	v6 =	vmax.f32 v6, $0.0e+00;
	v7 =	vadd.f32 v0, v7;
	v0 =	vld [tilespmem:s3+$0x9C70]  }
0x82: {  	v4 =	vld [tilespmem:s3+$0x1F40];
	[tilespmem:s18+$0x1F50] =	vst v6;
	v5 =	vmax.f32 v5, $0.0e+00  }
0x83: {  	v6 =	vld [tilespmem:s3+$0x1F50];
	[tilespmem:s18+$0x1F60] =	vst v5;
	v7 =	vmax.f32 v7, $0.0e+00  }
0x84: {  	s14 =	sadd.s32 $0x100, s14;
	v5 =	vld [tilespmem:s3+$0x1F60];
	[tilespmem:s18+$0x1F70] =	vst v7;
	s18 =	smov.u32 s3  }
0x85: {  	v7 =	vld [tilespmem:s18+$0x1F70];
	_ =	sdelay $0x1  }
0x86: {  	v2 =	vadd.f32 v2, v4  }
0x87: {  	v3 =	vadd.f32 v3, v6  }
0x88: {  	v2 =	vmax.f32 v2, $0.0e+00;
	v1 =	vadd.f32 v1, v5  }
0x89: {  	[tilespmem:s18+$0x1F40] =	vst v2;
	v2 =	vmax.f32 v3, $0.0e+00;
	v0 =	vadd.f32 v0, v7  }
0x8a: {  	[tilespmem:s18+$0x1F50] =	vst v2;
	v1 =	vmax.f32 v1, $0.0e+00  }
0x8b: {  	[tilespmem:s18+$0x1F60] =	vst v1;
	v0 =	vmax.f32 v0, $0.0e+00  }
0x8c: {  	s3 =	sadd.s32 $0x12280, s17;
	[tilespmem:s18+$0x1F70] =	vst v0  }
0x8d: {  	[spmem:s2] =	stream.indirect.scatter.add.f32 [tilespmem:s26], [sflag:$0xA], $0x40, s3, s21, $0xb8;
	[tilespmem:$0x1EA00] =	vst v63  }
0x8e: {  	_ =	swait.ge [sflag:s9], $0x1F40  }
0x8f: {  	[sflag:s9] =	ssyncset.done $0x0  }
0x90: {  	[sflag:s9] =	ssyncadd.s32 $0xFFFFE0C0  }
0x91: {  	_ =	swait.ge [sflag:s10], $0x1F40  }
0x92: {  	[sflag:s10] =	ssyncset.done $0x0  }
0x93: {  	s18 =	simm.s32 $0x0;
	[sflag:s10] =	ssyncadd.s32 $0xFFFFE0C0  }
0x94: {  	v2 =	vld [tilespmem:s18+$0xBB80]  }
0x95: {  	v3 =	vld [tilespmem:s18+$0xBB90]  }
0x96: {  	v1 =	vld [tilespmem:s18+$0xBBA0]  }
0x97: {  	v0 =	vld [tilespmem:s18+$0xBBB0]  }
0x98: {  	v4 =	vld [tilespmem:s18+$0x3E80]  }
0x99: {  	v6 =	vld [tilespmem:s18+$0x3E90]  }
0x9a: {  	s14 =	simm.s32 $0x100;
	v5 =	vld [tilespmem:s18+$0x3EA0]  }
.LBB2_7:
0x9b: {  	p0 =	sne.s32 s14, $0x7C00;
	v7 =	vld [tilespmem:s18+$0x3EB0]  }
0x9c: {  	s3 =	sshra.s32 s14, $0x2  }
0x9d: {  	v4 =	vadd.f32 v2, v4;
	v2 =	vld [tilespmem:s3+$0xBB80]  }
0x9e: {  	v6 =	vadd.f32 v3, v6;
	v3 =	vld [tilespmem:s3+$0xBB90]  }
.Ltmp4:
0x9f: {  	v4 =	vmax.f32 v4, $0.0e+00;
	v5 =	vadd.f32 v1, v5;
	v1 =	vld [tilespmem:s3+$0xBBA0];
	(pc) =	sbr.rel @p0 .LBB2_7-.Ltmp4, $4  }
0xa0: {  	[tilespmem:s18+$0x3E80] =	vst v4;
	v6 =	vmax.f32 v6, $0.0e+00;
	v7 =	vadd.f32 v0, v7;
	v0 =	vld [tilespmem:s3+$0xBBB0]  }
0xa1: {  	v4 =	vld [tilespmem:s3+$0x3E80];
	[tilespmem:s18+$0x3E90] =	vst v6;
	v5 =	vmax.f32 v5, $0.0e+00  }
0xa2: {  	v6 =	vld [tilespmem:s3+$0x3E90];
	[tilespmem:s18+$0x3EA0] =	vst v5;
	v7 =	vmax.f32 v7, $0.0e+00  }
0xa3: {  	s14 =	sadd.s32 $0x100, s14;
	v5 =	vld [tilespmem:s3+$0x3EA0];
	[tilespmem:s18+$0x3EB0] =	vst v7;
	s18 =	smov.u32 s3  }
0xa4: {  	v7 =	vld [tilespmem:s18+$0x3EB0];
	_ =	sdelay $0x1  }
0xa5: {  	v2 =	vadd.f32 v2, v4  }
0xa6: {  	v3 =	vadd.f32 v3, v6  }
0xa7: {  	v2 =	vmax.f32 v2, $0.0e+00;
	v1 =	vadd.f32 v1, v5  }
0xa8: {  	[tilespmem:s18+$0x3E80] =	vst v2;
	v2 =	vmax.f32 v3, $0.0e+00;
	v0 =	vadd.f32 v0, v7  }
0xa9: {  	[tilespmem:s18+$0x3E90] =	vst v2;
	v1 =	vmax.f32 v1, $0.0e+00  }
0xaa: {  	[tilespmem:s18+$0x3EA0] =	vst v1;
	v0 =	vmax.f32 v0, $0.0e+00  }
0xab: {  	s3 =	sadd.s32 $0x12300, s17;
	[tilespmem:s18+$0x3EB0] =	vst v0  }
0xac: {  	[spmem:s2] =	stream.indirect.scatter.add.f32 [tilespmem:s30], [sflag:$0xB], $0x40, s3, s21, $0xb8;
	[tilespmem:$0x1EA00] =	vst v63  }
0xad: {  	_ =	swait.ge [sflag:s11], $0x1F40  }
0xae: {  	[sflag:s11] =	ssyncset.done $0x0  }
0xaf: {  	[sflag:s11] =	ssyncadd.s32 $0xFFFFE0C0  }
0xb0: {  	_ =	swait.ge [sflag:s12], $0x1F40  }
0xb1: {  	[sflag:s12] =	ssyncset.done $0x0  }
0xb2: {  	s18 =	simm.s32 $0x0;
	[sflag:s12] =	ssyncadd.s32 $0xFFFFE0C0  }
0xb3: {  	v2 =	vld [tilespmem:s18+$0xDAC0]  }
0xb4: {  	v3 =	vld [tilespmem:s18+$0xDAD0]  }
0xb5: {  	v1 =	vld [tilespmem:s18+$0xDAE0]  }
0xb6: {  	v0 =	vld [tilespmem:s18+$0xDAF0]  }
0xb7: {  	v4 =	vld [tilespmem:s18+$0x5DC0]  }
0xb8: {  	v6 =	vld [tilespmem:s18+$0x5DD0]  }
0xb9: {  	s14 =	simm.s32 $0x100;
	v5 =	vld [tilespmem:s18+$0x5DE0]  }
.LBB2_9:
0xba: {  	p0 =	sne.s32 s14, $0x7C00;
	v7 =	vld [tilespmem:s18+$0x5DF0]  }
0xbb: {  	s3 =	sshra.s32 s14, $0x2  }
0xbc: {  	v4 =	vadd.f32 v2, v4;
	v2 =	vld [tilespmem:s3+$0xDAC0]  }
0xbd: {  	v6 =	vadd.f32 v3, v6;
	v3 =	vld [tilespmem:s3+$0xDAD0]  }
.Ltmp5:
0xbe: {  	v4 =	vmax.f32 v4, $0.0e+00;
	v5 =	vadd.f32 v1, v5;
	v1 =	vld [tilespmem:s3+$0xDAE0];
	(pc) =	sbr.rel @p0 .LBB2_9-.Ltmp5, $4  }
0xbf: {  	[tilespmem:s18+$0x5DC0] =	vst v4;
	v6 =	vmax.f32 v6, $0.0e+00;
	v7 =	vadd.f32 v0, v7;
	v0 =	vld [tilespmem:s3+$0xDAF0]  }
0xc0: {  	v4 =	vld [tilespmem:s3+$0x5DC0];
	[tilespmem:s18+$0x5DD0] =	vst v6;
	v5 =	vmax.f32 v5, $0.0e+00  }
0xc1: {  	v6 =	vld [tilespmem:s3+$0x5DD0];
	[tilespmem:s18+$0x5DE0] =	vst v5;
	v7 =	vmax.f32 v7, $0.0e+00  }
0xc2: {  	s14 =	sadd.s32 $0x100, s14;
	v5 =	vld [tilespmem:s3+$0x5DE0];
	[tilespmem:s18+$0x5DF0] =	vst v7;
	s18 =	smov.u32 s3  }
0xc3: {  	v7 =	vld [tilespmem:s18+$0x5DF0];
	_ =	sdelay $0x1  }
0xc4: {  	v2 =	vadd.f32 v2, v4  }
0xc5: {  	v3 =	vadd.f32 v3, v6  }
0xc6: {  	v2 =	vmax.f32 v2, $0.0e+00;
	v1 =	vadd.f32 v1, v5  }
0xc7: {  	[tilespmem:s18+$0x5DC0] =	vst v2;
	v63 =	vmax.f32 v3, $0.0e+00;
	v0 =	vadd.f32 v0, v7  }
0xc8: {  	[tilespmem:s18+$0x5DD0] =	vst v63;
	v1 =	vmax.f32 v1, $0.0e+00  }
0xc9: {  	p0 =	seq.s32 s8, $0x13;
	[tilespmem:s18+$0x5DE0] =	vst v1;
	v0 =	vmax.f32 v0, $0.0e+00  }
.Ltmp6:
0xca: {  	s3 =	sadd.s32 $0x12380, s17;
	[tilespmem:s18+$0x5DF0] =	vst v0;
	(pc) =	sbr.rel @p0 .LBB2_12-.Ltmp6, $4  }
0xcb: {  	[spmem:s2] =	stream.indirect.scatter.add.f32 [tilespmem:s0], [sflag:$0xC], $0x40, s3, s21, $0xb8;
	[tilespmem:$0x1EA00] =	vst v63  }
0xcc: {  	_ =	swait.ge [sflag:s19], $0x1F40  }
0xcd: {  	[sflag:s19] =	ssyncset.done $0x0  }
0xce: {  	[sflag:s19] =	ssyncadd.s32 $0xFFFFE0C0  }
0xcf: {  	s8 =	sadd.s32 $0x1, s8  }
0xd0: {  	s3 =	sshll.u32 s8, $0x9;
	s14 =	smul.u32 $0x1F4, s8  }
0xd1: {  	s3 =	sand.u32 $0x3FFFFE00, s3  }
0xd2: {  	s3 =	sadd.s32 $0xFA00, s3;
	s17 =	sadd.s32 s7, s14  }
0xd3: {  	[tilespmem:s24], [sflag:$0x1] =	stream.indirect.gather [hbm4b:s4+s21], $0x40, s3, s21, $0xb8;
	[tilespmem:$0x1EA00] =	vst v63  }
0xd4: {  	s3 =	sshll.u32 s17, $0x4  }
0xd5: {  	s3 =	sand.u32 $0x1FFFFFC0, s3  }
0xd6: {  	s14 =	sshll.u32 s8, $0x2;
	s17 =	simm.s32 $0x7D00;
	s3 =	sadd.s32 s5, s3  }
0xd7: {  	[tilespmem:s17], [sflag:$0x5] =	stream.strided.gather [hbm4b:s3+s22], $0x1F40, s23, s22, $0x38;
	[tilespmem:$0x1EA00] =	vst v63  }
0xd8: {  	s3 =	sor.u32 $0x1, s14  }
0xd9: {  	_ =	swait.ge [sflag:s13], $0x1F40;
	s18 =	sshll.u32 s3, $0x7;
	s3 =	smul.u32 $0x7D, s3  }
0xda: {  	[sflag:s13] =	ssyncset.done $0x0;
	s17 =	sand.u32 $0x3FFFFE80, s18  }
0xdb: {  	[sflag:s13] =	ssyncadd.s32 $0xFFFFE0C0;
	s17 =	sadd.s32 $0xFA00, s17;
	s3 =	sadd.s32 s7, s3  }
0xdc: {  	[tilespmem:s26], [sflag:$0x2] =	stream.indirect.gather [hbm4b:s4+s21], $0x40, s17, s21, $0xb8;
	[tilespmem:$0x1EA00] =	vst v63  }
0xdd: {  	s3 =	sshll.u32 s3, $0x4  }
0xde: {  	s3 =	sand.u32 $0x1FFFFFD0, s3  }
0xdf: {  	s18 =	sor.u32 $0x2, s14;
	s3 =	sadd.s32 s5, s3  }
0xe0: {  	[tilespmem:s28], [sflag:$0x6] =	stream.strided.gather [hbm4b:s3+s22], $0x1F40, s23, s22, $0x38;
	[tilespmem:$0x1EA00] =	vst v63  }
0xe1: {  	s3 =	smul.u32 $0x7D, s18  }
0xe2: {  	s14 =	sshll.u32 s18, $0x7;
	_ =	swait.ge [sflag:s15], $0x1F40  }
0xe3: {  	s14 =	sand.u32 $0x3FFFFF00, s14;
	[sflag:s15] =	ssyncset.done $0x0;
	s3 =	sadd.s32 s7, s3  }
0xe4: {  	s14 =	sadd.s32 $0xFA00, s14;
	[sflag:s15] =	ssyncadd.s32 $0xFFFFE0C0;
	s3 =	sshll.u32 s3, $0x4  }
0xe5: {  	[tilespmem:s30], [sflag:$0x3] =	stream.indirect.gather [hbm4b:s4+s21], $0x40, s14, s21, $0xb8;
	[tilespmem:$0x1EA00] =	vst v63  }
0xe6: {  	s3 =	sand.u32 $0x1FFFFFE0, s3  }
0xe7: {  	s17 =	sshllo.u32 s8, $0x2;
	s3 =	sadd.s32 s5, s3  }
0xe8: {  	[tilespmem:s31], [sflag:$0x7] =	stream.strided.gather [hbm4b:s3+s22], $0x1F40, s23, s22, $0x38;
	[tilespmem:$0x1EA00] =	vst v63  }
0xe9: {  	s3 =	smul.u32 $0x7D, s17  }
.Ltmp7:
0xea: {  	s18 =	sshll.u32 s17, $0x7;
	_ =	swait.ge [sflag:s16], $0x1F40;
	(pc) =	sbr.rel .LBB2_2-.Ltmp7, $4  }
0xeb: {  	s14 =	sand.u32 $0x3FFFFF80, s18;
	[sflag:s16] =	ssyncset.done $0x0;
	s3 =	sadd.s32 s7, s3  }
0xec: {  	s14 =	sadd.s32 $0xFA00, s14;
	[sflag:s16] =	ssyncadd.s32 $0xFFFFE0C0;
	s3 =	sshll.u32 s3, $0x4  }
0xed: {  	[tilespmem:s0], [sflag:$0x4] =	stream.indirect.gather [hbm4b:s4+s21], $0x40, s14, s21, $0xb8;
	[tilespmem:$0x1EA00] =	vst v63  }
0xee: {  	s14 =	sand.u32 $0x1FFFFFF0, s3  }
.LBB2_13:
0xef: {  	_ =	sfence.sel $0x180000  }
0xf0: {  	[bflag:$0x0] =	sbarrier.arrive $0xFFFF  }
0xf1: {  	_ =	strace $0x90000050  }
0xf2: {  	s0 =	stileid.u32;
	[bflag:$0x2] =	sbarrier.arrive $0xFFFF  }
0xf3: {  	p0 =	sne.s32 s0, $0x0;
	s0 =	rddreg [dreg:$0x2]  }
0xf4: {  	s0 =	sadd.s32 @!p0 $0x100000, s0  }
0xf5: {  	[sflag:s0] =	ssyncadd.tile.s32 @!p0 $0x1;
	_ =	shalt  }
.Lfunc_end2:
_tile_overlayer_lowered:
.L_overlay_start_2:
0xf6: {  	(tag) =	ssettag $0x2  }
0xf7: {  	s0 =	rddreg [dreg:$0x0];
	s2 =	stileid.u32  }
0xf8: {  	s1 =	rddreg [dreg:$0x1];
	p0 =	sne.s32 s2, $0x0  }
0xf9: {  	s3 =	rddreg [dreg:$0x2];
	[bflag:$0x3] =	sbarrier.arrive $0xFFFF;
	s2 =	simm.s32 @!p0 $0x1C0D  }
0xfa: {  	[timem:s3], [sflag:s2] =	dma.local @!p0 [hbm:s0], s1  }
0xfb: {  	s0 =	simm.s32 @!p0 $0xD  }
0xfc: {  	_ =	swait.ge @!p0 [sflag:s0], s1  }
0xfd: {  	s1 =	ssub.s32 @!p0 $0x0, s1;
	[sflag:s0] =	ssyncset.done @!p0 $0x0  }
0xfe: {  	[sflag:s0] =	ssyncadd.s32 @!p0 s1  }
0xff: {  	[bflag:$0x3] =	sbarrier.arrive $0xFFFF  }
0x100: {  	_ =	shalt  }

// kernel: kernel.21.cloned.1.call-start
scs
__scs_entry_jumppad:
0x0: {  	(pc) =	sbr.rel $0x88, $3  }
0x1: {  	(tag) =	ssettag $0x0;
	lr =	simm.s32 $0x1  }
0x2: {  	[smem:$0x3F97] =	sst lr;
	_ =	strace $0xD0000000  }
0x3: {  	_ = 	snop  }
0x4: {  	_ = 	snop  }
0x5: {  	_ = 	snop  }
0x6: {  	_ = 	snop  }
0x7: {  	_ = 	snop  }
__scs_overlays_trampoline_lowered:
0x8: {  	[smem:$0x3FA6] =	sst s0  }
0x9: {  	[smem:$0x3FA7] =	sst s1  }
0xa: {  	[smem:$0x3FA8] =	sst s2  }
0xb: {  	[smem:$0x3FA9] =	sst s3  }
0xc: {  	[smem:$0x3FAA] =	sst s4  }
0xd: {  	[smem:$0x3FAB] =	sst s5  }
0xe: {  	[smem:$0x3FAC] =	sst s6  }
0xf: {  	[smem:$0x3FAD] =	sst s7  }
0x10: {  	[smem:$0x3FAE] =	sst s8  }
0x11: {  	[smem:$0x3FAF] =	sst s9;
	s0 =	simm.s32 @!p0 $0x0  }
0x12: {  	s1 =	sld [smem:$0x3F95];
	s0 =	simm.s32 @p0 $0x1  }
0x13: {  	[smem:$0x3FB0] =	sst s0;
	s0 =	simm.s32 @!p1 $0x0  }
0x14: {  	s2 =	sld [smem:$0x3F94];
	s0 =	simm.s32 @p1 $0x1  }
0x15: {  	[smem:$0x3FB1] =	sst s0;
	s0 =	simm.s32 @!p2 $0x0  }
0x16: {  	s3 =	sld [smem:$0x3FDB];
	s0 =	simm.s32 @p2 $0x1  }
0x17: {  	s4 =	simm.s32 $0x1BF5;
	[smem:$0x3FB3] =	sst s0  }
0x18: {  	s0 =	sld [smem:$0x3F96];
	_ =	swait.ge [sflag:s4], $0x0  }
0x19: {  	s7 =	sld [smem:$0x3F97]  }
0x1a: {  	s8 =	sadd.s32 $0xFFFFE003, lr  }
0x1b: {  	s9 =	sadd.s32 $0xFFFFFEF7, lr;
	s5 =	simm.s32 $0xFFFFFFFF;
	p2 =	slt.u32 s8, $0xFFFFF086  }
0x1c: {  	p1 =	slt.u32 s9, $0xF7A;
	s5 =	simm.s32 @!p2 $0x0  }
0x1d: {  	s5 =	simm.s32 @p1 $0x1;
	p0 =	seq.s32 s7, s2  }
0x1e: {  	s7 =	smul.u32 @!p0 $0xF7A, s2;
	p2 =	seq.s32 @!p0 s5, $0x0  }
0x1f: {  	s9 =	smul.u32 $0xF7A, s1;
	s8 =	simm.s32 @!p0 $0x1BF5;
	p2 =	por !p2, p0  }
0x20: {  	[sflag:s8] =	ssyncset.s32 @!p0 $0xFFFFF086;
	s6 =	sadd.s32 @!p0 s3, s7;
	s7 =	simm.s32 @!p0 $0x108  }
0x21: {  	s3 =	sadd.s32 s3, s9;
	s6 =	sadd.s32 @!p0 $0x88, s6;
	s7 =	simm.s32 @p2 $0x1082  }
0x22: {  	[simem:s7], [sflag:s8] =	dma.local @!p0 [hbm:s6], $0xF7A  }
0x23: {  	s9 =	sor.u32 $0xD0000000, s2;
	s6 =	simm.s32 $0x108;
	_ =	swait.ge @!p0 [sflag:s8], $0x0  }
0x24: {  	s3 =	sadd.s32 $0x88, s3;
	s6 =	simm.s32 @!p1 $0x1082;
	[sflag:s4] =	ssyncset.s32 $0xFFFFF086  }
0x25: {  	[simem:s6], [sflag:s4] =	dma.local [hbm:s3], $0xF7A  }
0x26: {  	[smem:$0x3F97] =	sst s1;
	(tag) =	ssettag s2;
	_ =	strace s9  }
0x27: {  	s1 =	sld [smem:$0x3FA7]  }
0x28: {  	s2 =	sld [smem:$0x3FA8]  }
0x29: {  	s4 =	sld [smem:$0x3FAA]  }
0x2a: {  	p0 =	seq.s32 s5, $0x0;
	s5 =	sld [smem:$0x3FAB]  }
0x2b: {  	s6 =	sld [smem:$0x3FAC]  }
0x2c: {  	s7 =	sld [smem:$0x3FAD]  }
0x2d: {  	s3 =	simm.s32 $0x108;
	s8 =	sld [smem:$0x3FAE]  }
0x2e: {  	s3 =	simm.s32 @!p0 $0x1082;
	s9 =	sld [smem:$0x3FAF]  }
0x2f: {  	lr =	sadd.s32 s0, s3;
	s0 =	sld [smem:$0x3FA6]  }
0x30: {  	s3 =	sld [smem:$0x3FA9]  }
0x31: {  	[smem:$0x3FB2] =	sst s10  }
0x32: {  	s10 =	sld [smem:$0x3FB0];
	_ =	sdelay $0x3  }
0x33: {  	p0 =	seq.s32 s10, $0x1;
	s10 =	sld [smem:$0x3FB2];
	_ =	sdelay $0x3  }
0x34: {  	[smem:$0x3FB2] =	sst s10  }
0x35: {  	s10 =	sld [smem:$0x3FB1];
	_ =	sdelay $0x3  }
0x36: {  	p1 =	seq.s32 s10, $0x1;
	s10 =	sld [smem:$0x3FB2];
	_ =	sdelay $0x3  }
0x37: {  	[smem:$0x3FB2] =	sst s10  }
0x38: {  	s10 =	sld [smem:$0x3FB3]  }
0x39: {  	_ = 	snop;
	(pc) =	sbr.ind lr, $3  }
0x3a: {  	_ = 	snop  }
0x3b: {  	_ = 	snop  }
0x3c: {  	p2 =	seq.s32 s10, $0x1;
	s10 =	sld [smem:$0x3FB2]  }
0x3d: {  	_ =	shalt  }
0x3e: {  	_ =	shalt  }
0x3f: {  	_ =	shalt  }
0x40: {  	_ =	shalt  }
0x41: {  	_ =	shalt  }
0x42: {  	_ =	shalt  }
0x43: {  	_ =	shalt  }
0x44: {  	_ =	shalt  }
0x45: {  	_ =	shalt  }
0x46: {  	_ =	shalt  }
0x47: {  	_ =	shalt  }
0x48: {  	_ =	shalt  }
0x49: {  	_ =	shalt  }
0x4a: {  	_ =	shalt  }
0x4b: {  	_ =	shalt  }
0x4c: {  	_ =	shalt  }
0x4d: {  	_ =	shalt  }
0x4e: {  	_ =	shalt  }
0x4f: {  	_ =	shalt  }
0x50: {  	_ =	shalt  }
0x51: {  	_ =	shalt  }
0x52: {  	_ =	shalt  }
0x53: {  	_ =	shalt  }
0x54: {  	_ =	shalt  }
0x55: {  	_ =	shalt  }
0x56: {  	_ =	shalt  }
0x57: {  	_ =	shalt  }
0x58: {  	_ =	shalt  }
0x59: {  	_ =	shalt  }
0x5a: {  	_ =	shalt  }
0x5b: {  	_ =	shalt  }
0x5c: {  	_ =	shalt  }
0x5d: {  	_ =	shalt  }
0x5e: {  	_ =	shalt  }
0x5f: {  	_ =	shalt  }
0x60: {  	_ =	shalt  }
0x61: {  	_ =	shalt  }
0x62: {  	_ =	shalt  }
0x63: {  	_ =	shalt  }
0x64: {  	_ =	shalt  }
0x65: {  	_ =	shalt  }
0x66: {  	_ =	shalt  }
0x67: {  	_ =	shalt  }
0x68: {  	_ =	shalt  }
0x69: {  	_ =	shalt  }
0x6a: {  	_ =	shalt  }
0x6b: {  	_ =	shalt  }
0x6c: {  	_ =	shalt  }
0x6d: {  	_ =	shalt  }
0x6e: {  	_ =	shalt  }
0x6f: {  	_ =	shalt  }
0x70: {  	_ =	shalt  }
0x71: {  	_ =	shalt  }
0x72: {  	_ =	shalt  }
0x73: {  	_ =	shalt  }
0x74: {  	_ =	shalt  }
0x75: {  	_ =	shalt  }
0x76: {  	_ =	shalt  }
0x77: {  	_ =	shalt  }
0x78: {  	_ =	shalt  }
0x79: {  	_ =	shalt  }
0x7a: {  	_ =	shalt  }
0x7b: {  	_ =	shalt  }
0x7c: {  	_ =	shalt  }
0x7d: {  	_ =	shalt  }
0x7e: {  	_ =	shalt  }
0x7f: {  	_ =	shalt  }
0x80: {  	_ =	shalt  }
0x81: {  	_ =	shalt  }
0x82: {  	_ =	shalt  }
0x83: {  	_ =	shalt  }
0x84: {  	_ =	shalt  }
0x85: {  	_ =	shalt  }
0x86: {  	_ =	shalt  }
0x87: {  	_ =	shalt  }
.Lfunc_end0:
.L_simem_size_0:
called_computation.3_lowered:
.L_overlay_start_0:
0x88: {  	s2 =	sld [smem:$0x3FD9]  }
0x89: {  	s3 =	sld [smem:$0x3FFE];
	_ =	sdelay $0x1  }
0x8a: {  	s1 =	srdreg.scid  }
0x8b: {  	s0 =	sand.u32 $0x1, s1  }
0x8c: {  	s16 =	sshll.u32 s0, $0xA;
	s2 =	sadd.s32 s3, s2  }
0x8d: {  	s2 =	sadd.s32 s2, s16  }
0x8e: {  	[smem:$0x3FBE] =	sst s2  }
0x8f: {  	_ = 	snop  }
0x90: {  	(tm) =	ssettm $0x1  }
0x91: {  	s17 =	sld [smem:$0x3FFB];
	_ =	sdelay $0x3  }
0x92: {  	_ =	strace s17  }
0x93: {  	s2 =	sld [smem:$0x3FFC];
	_ =	sdelay $0x3  }
0x94: {  	_ =	strace s2  }
0x95: {  	s2 =	sld [smem:$0x3FFD];
	_ =	sdelay $0x3  }
0x96: {  	_ =	strace s2  }
0x97: {  	_ =	strace $0x8FFFFFFF  }
0x98: {  	s18 =	sld [smem:$0x3FDB];
	_ =	sdelay $0x1  }
0x99: {  	s19 =	simm.s32 $_scs_section_size  }
0x9a: {  	s4 =	simm.s32 $_size__tile_overlayer_lowered;
	s5 =	simm.s32 $_tile_overlayer_lowered  }
0x9b: {  	s22 =	simm.s32 $0x1BFF;
	s21 =	sshll.u32 s5, $0x1;
	s2 =	sadd.s32 s19, s18  }
0x9c: {  	s6 =	simm.s32 $0x0;
	s20 =	sshll.u32 s4, $0x1;
	s4 =	sadd.s32 s21, s2  }
0x9d: {  	[timem:s6], [sflag:s22] =	dma.local [hbm:s4], s20  }
0x9e: {  	_ =	swait.ge [sflag:s22], s20  }
0x9f: {  	s3 =	ssub.s32 $0x0, s20;
	[sflag:s22] =	ssyncset.done $0x0  }
0xa0: {  	[sflag:s22] =	ssyncadd.s32 s3;
	_ =	sdelay $0x1  }
0xa1: {  	s23 =	simm.s32 $0x1B8B  }
0xa2: {  	_ =	swait.ge [sflag:s23], $0x1  }
0xa3: {  	[sflag:s23] =	ssyncset.done $0x0  }
0xa4: {  	s25 =	simm.s32 $0x1B8E;
	s24 =	sld [smem:$0x3FFE];
	[sflag:s23] =	ssyncadd.s32 $0xFFFFFFFF  }
0xa5: {  	s26 =	simm.s32 $execute0_lowered;
	[smem:$0x3FD2] =	sst s25  }
0xa6: {  	s4 =	sshll.u32 s26, $0x1;
	_ =	strace $0x8000004C;
	[dreg:$0x1] =	wrdreg $0xFFFFFFFF  }
0xa7: {  	s28 =	simm.s32 $_size_execute0_lowered;
	s2 =	sadd.s32 s2, s4;
	[dreg:$0x0] =	wrdreg $0x0  }
0xa8: {  	s4 =	sshll.u32 s28, $0x1;
	[dreg:$0x2] =	wrdreg s2  }
0xa9: {  	[dreg:$0x3] =	wrdreg s4  }
0xaa: {  	[dreg:$0x4] =	wrdreg $0xC0  }
0xab: {  	_ =	task [dreg:s6], $0x5FFFF  }
0xac: {  	[dreg:$0x1] =	wrdreg $0xFFFFFFFF  }
0xad: {  	[dreg:$0x0] =	wrdreg $0x60  }
0xae: {  	[dreg:$0x2] =	wrdreg s24  }
0xaf: {  	[dreg:$0x3] =	wrdreg $0x14A000  }
0xb0: {  	[dreg:$0x4] =	wrdreg $0xA  }
0xb1: {  	_ =	task.clear_ibuf [dreg:s6], $0x5FFFF;
	_ =	strace $0x9000004C  }
0xb2: {  	s29 =	simm.s32 $0xA;
	_ =	strace $0x8000004E  }
0xb3: {  	_ =	swait.ge [sflag:s29], $0x1  }
0xb4: {  	[sflag:s29] =	ssyncadd.s32 $0xFFFFFFFF  }
0xb5: {  	_ =	strace $0x9000004E  }
0xb6: {  	_ =	sfence  }
0xb7: {  	s30 =	sld [smem:$0x0];
	_ =	sdelay $0x2  }
0xb8: {  	s31 =	sshll.u32 s1, $0xD;
	s1 =	sshrl.u32 s1, $0x2  }
0xb9: {  	s3 =	sand.u32 $0x4000, s31;
	s1 =	sadd.s32 s1, s30  }
0xba: {  	s0 =	sor.u32 s3, s0;
	s1 =	sshll.u32 s1, $0x11  }
0xbb: {  	s0 =	sor.u32 s1, s0  }
0xbc: {  	s0 =	sadd.s32 $0x8F2B, s0  }
0xbd: {  	[sflag:s0] =	ssyncadd.remote.s32 $0x1  }
0xbe: {  	_ =	sfence.sel $0xFFFF  }
0xbf: {  	[dreg:$0x0] =	wrdreg $0xFFFFFFFF;
	(pc) =	sbr.abs _section_cstart, $3  }
0xc0: {  	[dreg:$0x1] =	wrdreg $0xFFFFFFFF  }
0xc1: {  	_ =	task.clear_ibuf [dreg:s6], $0x2FFFF;
	_ =	strace $0x9FFFFFFF  }
0xc2: {  	(tm) =	ssettm $0x7FFFFFFF  }
0xc3: {  	_ =	shalt  }
tec
execute0_lowered:
.L_overlay_start_1:
0x0: {  	(tag) =	ssettag $0x1  }
0x1: {  	s0 =	srdreg.scid;
	s5 =	rddreg [dreg:$0x0]  }
0x2: {  	s3 =	stileid.u32;
	s2 =	rddreg [dreg:$0x1]  }
0x3: {  	s7 =	simm.s32 $0x0;
	s28 =	simm.s32 $0x9C40;
	s30 =	simm.s32 $0x3E80  }
0x4: {  	s31 =	simm.s32 $0xBB80;
	s29 =	simm.s32 $0x5;
	s13 =	simm.s32 $0xA  }
0x5: {  	s15 =	simm.s32 $0xB;
	s0 =	sand.u32 $0x1, s0;
	s6 =	smul.u32 $0xA000, s3  }
0x6: {  	[smem:$0x7FF] =	sst s7;
	s17 =	sadd.s32 $0x536000, s5;
	s19 =	sshll.u32 s3, $0x6  }
0x7: {  	s10 =	sadd.s32 $0x54008, s5;
	s1 =	sshll.u32 s0, $0x4;
	s16 =	smul.u32 $0xA0000, s0  }
0x8: {  	_ =	strace $0x8000004D;
	s0 =	ssub.s32 $0x2, s0;
	[dreg:$0x3] =	wrdreg s17  }
0x9: {  	s14 =	sor.u32 $0x1C0D, s19;
	s17 =	simm.s32 $0xD;
	s1 =	sor.u32 s3, s1  }
0xa: {  	s19 =	simm.s32 $0x9;
	s18 =	sshrl.u32 s0, $0x1;
	s4 =	smul.u32 $0x138800, s1  }
0xb: {  	[dreg:$0x4] =	wrdreg s14;
	s9 =	smul.u32 $0x500, s1;
	s7 =	sadd.s32 s6, s16  }
0xc: {  	s0 =	ssub.s32 s0, s18;
	s6 =	sadd.s32 s6, s2;
	s12 =	smul.u32 $0x27100, s1  }
0xd: {  	s16 =	simm.s32 $0xC;
	s18 =	simm.s32 $0x0;
	s7 =	sshrl.u32 s7, $0x3  }
0xe: {  	s0 =	smax.u32 s0, $0x1;
	s6 =	sshrl.u32 s6, $0x3;
	s8 =	sshrl.u32 s4, $0x3  }
0xf: {  	s4 =	sadd.s32 $0x4C00, s5;
	s9 =	sadd.s32 s9, s5;
	s7 =	sadd.s32 s7, s5  }
0x10: {  	s22 =	sadd.s32 s12, s10;
	[dreg:$0xc] =	wrdreg s0;
	s0 =	simm.s32 $0x5DC0  }
0x11: {  	s12 =	simm.s32 $0x8;
	[dreg:$0xd] =	wrdreg s6;
	s20 =	sadd.s32 $0x591400, s9  }
0x12: {  	s11 =	sadd.s32 s8, s5;
	s8 =	smul.u32 $0x2710, s1;
	s21 =	sadd.s32 $0x587400, s9  }
0x13: {  	[dreg:$0x7] =	wrdreg s22;
	s26 =	sadd.s32 $0x18600, s7;
	s22 =	simm.s32 $0x40  }
0x14: {  	s1 =	simm.s32 $0x2;
	s5 =	simm.s32 $0x6;
	[dreg:$0x5] =	wrdreg s20  }
0x15: {  	s7 =	simm.s32 $0x3;
	s9 =	simm.s32 $0x7;
	[dreg:$0x6] =	wrdreg s21  }
.Ltmp0:
0x16: {  	s23 =	sadd.s32 $0x547D8, s11;
	[dreg:$0xb] =	wrdreg s26;
	(pc) =	sbr.rel .LBB2_1-.Ltmp0, $4  }
0x17: {  	s24 =	sadd.s32 $0x54FA8, s11;
	s25 =	sadd.s32 $0x55778, s11;
	[dreg:$0x8] =	wrdreg s23  }
0x18: {  	s21 =	simm.s32 $0x7D;
	s26 =	simm.s32 $0x1F40;
	[dreg:$0x9] =	wrdreg s24  }
0x19: {  	s20 =	simm.s32 $0xDAC0;
	s11 =	simm.s32 $0x4;
	[dreg:$0xa] =	wrdreg s25  }
0x1a: {  	s23 =	simm.s32 $0x80;
	s25 =	simm.s32 $0x1;
	s24 =	simm.s32 $0x0  }
.LBB2_12:
0x1b: {  	_ =	swait.ge [sflag:s13], $0x1F40  }
0x1c: {  	[sflag:s13] =	ssyncset.done $0x0  }
0x1d: {  	[sflag:s13] =	ssyncadd.s32 $0xFFFFE0C0  }
0x1e: {  	_ =	swait.ge [sflag:s15], $0x1F40  }
0x1f: {  	[sflag:s15] =	ssyncset.done $0x0  }
0x20: {  	[sflag:s15] =	ssyncadd.s32 $0xFFFFE0C0  }
0x21: {  	_ =	swait.ge [sflag:s16], $0x1F40  }
0x22: {  	[sflag:s16] =	ssyncset.done $0x0  }
0x23: {  	[sflag:s16] =	ssyncadd.s32 $0xFFFFE0C0  }
0x24: {  	[bflag:$0x0] =	sbarrier.arrive $0xFFFF  }
0x25: {  	s14 =	rddreg [dreg:$0x4]  }
0x26: {  	s3 =	rddreg [dreg:$0xb]  }
0x27: {  	s17 =	simm.s32 $0xD;
	s6 =	rddreg [dreg:$0xd]  }
0x28: {  	[hbm:s3], [sflag:s14] =	dma.local [spmem:s6], $0x1400  }
0x29: {  	_ =	swait.ge [sflag:s17], $0x1400  }
0x2a: {  	s18 =	rddreg [dreg:$0xe]  }
0x2b: {  	s3 =	rddreg [dreg:$0xc];
	s18 =	sadd.s32 $0x1, s18  }
0x2c: {  	p0 =	sne.s32 s18, s3  }
.Ltmp1:
0x2d: {  	_ = 	snop;
	(pc) =	sbr.rel @!p0 .LBB2_13-.Ltmp1, $3  }
0x2e: {  	_ =	sdelay $0x1  }
0x2f: {  	[sflag:s17] =	ssyncset.done $0x0  }
0x30: {  	[sflag:s17] =	ssyncadd.s32 $0xFFFFEC00  }
.LBB2_1:
0x31: {  	[dreg:$0xe] =	wrdreg s18  }
0x32: {  	s3 =	rddreg [dreg:$0x3]  }
0x33: {  	[spmem:s6], [sflag:s14] =	dma.local [hbm:s3], $0x1400  }
0x34: {  	_ =	swait.ge [sflag:s17], $0x1400  }
0x35: {  	[sflag:s17] =	ssyncset.done $0x0  }
0x36: {  	[sflag:s17] =	ssyncadd.s32 $0xFFFFEC00  }
0x37: {  	[bflag:$0x0] =	sbarrier.arrive $0xFFFF  }
0x38: {  	s3 =	simm.s32 $0x0;
	s14 =	simm.s32 $0xFA00;
	s18 =	rddreg [dreg:$0x5]  }
0x39: {  	[tilespmem:s14], [sflag:$0xD] =	stream.linear.gather [hbm4b:s18+s3], $0x2800, $0x38;
	[tilespmem:$0x1EA00] =	vst v63  }
0x3a: {  	_ =	swait.ge [sflag:s17], $0x2800  }
0x3b: {  	[sflag:s17] =	ssyncset.done $0x0  }
0x3c: {  	s18 =	simm.s32 $0x12200;
	s6 =	rddreg [dreg:$0x6];
	[sflag:s17] =	ssyncadd.s32 $0xFFFFD800  }
0x3d: {  	[tilespmem:s18], [sflag:$0xD] =	stream.linear.gather [hbm4b:s6+s3], $0x2800, $0x38;
	[tilespmem:$0x1EA00] =	vst v63  }
0x3e: {  	_ =	swait.ge [sflag:s17], $0x2800  }
0x3f: {  	[sflag:s17] =	ssyncset.done $0x0  }
0x40: {  	[sflag:s17] =	ssyncadd.s32 $0xFFFFD800  }
0x41: {  	[tilespmem:s3], [sflag:$0x1] =	stream.indirect.gather [hbm4b:s4+s21], $0x40, s14, s21, $0xb8;
	[tilespmem:$0x1EA00] =	vst v63  }
0x42: {  	s17 =	simm.s32 $0x7D00;
	s14 =	rddreg [dreg:$0x7]  }
0x43: {  	[tilespmem:s17], [sflag:$0x5] =	stream.strided.gather [hbm4b:s14+s22], $0x1F40, s23, s22, $0x38;
	[tilespmem:$0x1EA00] =	vst v63  }
0x44: {  	s18 =	simm.s32 $0xFA80  }
0x45: {  	[tilespmem:s26], [sflag:$0x2] =	stream.indirect.gather [hbm4b:s4+s21], $0x40, s18, s21, $0xb8;
	[tilespmem:$0x1EA00] =	vst v63  }
0x46: {  	s6 =	rddreg [dreg:$0x8]  }
0x47: {  	[tilespmem:s28], [sflag:$0x6] =	stream.strided.gather [hbm4b:s6+s22], $0x1F40, s23, s22, $0x38;
	[tilespmem:$0x1EA00] =	vst v63  }
0x48: {  	s14 =	simm.s32 $0xFB00  }
0x49: {  	[tilespmem:s30], [sflag:$0x3] =	stream.indirect.gather [hbm4b:s4+s21], $0x40, s14, s21, $0xb8;
	[tilespmem:$0x1EA00] =	vst v63  }
0x4a: {  	s17 =	rddreg [dreg:$0x9]  }
0x4b: {  	[tilespmem:s31], [sflag:$0x7] =	stream.strided.gather [hbm4b:s17+s22], $0x1F40, s23, s22, $0x38;
	[tilespmem:$0x1EA00] =	vst v63  }
0x4c: {  	s18 =	simm.s32 $0xFB80;
	s6 =	simm.s32 $0x0;
	s14 =	rddreg [dreg:$0xa]  }
0x4d: {  	[tilespmem:s0], [sflag:$0x4] =	stream.indirect.gather [hbm4b:s4+s21], $0x40, s18, s21, $0xb8;
	[tilespmem:$0x1EA00] =	vst v63  }
.LBB2_2:
0x4e: {  	[tilespmem:s20], [sflag:$0x8] =	stream.strided.gather [hbm4b:s14+s22], $0x1F40, s23, s22, $0x38;
	[tilespmem:$0x1EA00] =	vst v63  }
0x4f: {  	_ =	swait.ge [sflag:s25], $0x1F40  }
0x50: {  	[sflag:s25] =	ssyncset.done $0x0  }
0x51: {  	[sflag:s25] =	ssyncadd.s32 $0xFFFFE0C0  }
0x52: {  	_ =	swait.ge [sflag:s29], $0x1F40  }
0x53: {  	[sflag:s29] =	ssyncset.done $0x0  }
0x54: {  	s18 =	simm.s32 $0x0;
	[sflag:s29] =	ssyncadd.s32 $0xFFFFE0C0  }
0x55: {  	v2 =	vld [tilespmem:s18+$0x7D00]  }
0x56: {  	v3 =	vld [tilespmem:s18+$0x7D10]  }
0x57: {  	v1 =	vld [tilespmem:s18+$0x7D20]  }
0x58: {  	v0 =	vld [tilespmem:s18+$0x7D30]  }
0x59: {  	v4 =	vld [tilespmem:s18+$0x0]  }
0x5a: {  	v6 =	vld [tilespmem:s18+$0x10]  }
0x5b: {  	s17 =	simm.s32 $0x100;
	v5 =	vld [tilespmem:s18+$0x20]  }
.LBB2_3:
0x5c: {  	p0 =	sne.s32 s17, $0x7C00;
	v7 =	vld [tilespmem:s18+$0x30]  }
0x5d: {  	s14 =	sshra.s32 s17, $0x2  }
0x5e: {  	v4 =	vadd.f32 v2, v4;
	v2 =	vld [tilespmem:s14+$0x7D00]  }
0x5f: {  	v6 =	vadd.f32 v3, v6;
	v3 =	vld [tilespmem:s14+$0x7D10]  }
.Ltmp2:
0x60: {  	v4 =	vmax.f32 v4, $0.0e+00;
	v5 =	vadd.f32 v1, v5;
	v1 =	vld [tilespmem:s14+$0x7D20];
	(pc) =	sbr.rel @p0 .LBB2_3-.Ltmp2, $4  }
0x61: {  	[tilespmem:s18+$0x0] =	vst v4;
	v6 =	vmax.f32 v6, $0.0e+00;
	v7 =	vadd.f32 v0, v7;
	v0 =	vld [tilespmem:s14+$0x7D30]  }
0x62: {  	v4 =	vld [tilespmem:s14+$0x0];
	[tilespmem:s18+$0x10] =	vst v6;
	v5 =	vmax.f32 v5, $0.0e+00  }
0x63: {  	v6 =	vld [tilespmem:s14+$0x10];
	[tilespmem:s18+$0x20] =	vst v5;
	v7 =	vmax.f32 v7, $0.0e+00  }
0x64: {  	s17 =	sadd.s32 $0x100, s17;
	v5 =	vld [tilespmem:s14+$0x20];
	[tilespmem:s18+$0x30] =	vst v7;
	s18 =	smov.u32 s14  }
0x65: {  	v7 =	vld [tilespmem:s18+$0x30];
	_ =	sdelay $0x1  }
0x66: {  	v2 =	vadd.f32 v2, v4  }
0x67: {  	v3 =	vadd.f32 v3, v6  }
0x68: {  	v2 =	vmax.f32 v2, $0.0e+00;
	v1 =	vadd.f32 v1, v5  }
0x69: {  	[tilespmem:s18+$0x0] =	vst v2;
	v2 =	vmax.f32 v3, $0.0e+00;
	v0 =	vadd.f32 v0, v7  }
0x6a: {  	s14 =	sshll.u32 s6, $0x9;
	[tilespmem:s18+$0x10] =	vst v2;
	v1 =	vmax.f32 v1, $0.0e+00  }
0x6b: {  	s17 =	sand.u32 $0x3FFFFE00, s14;
	[tilespmem:s18+$0x20] =	vst v1;
	v0 =	vmax.f32 v0, $0.0e+00  }
0x6c: {  	s3 =	simm.s32 $0x0;
	s14 =	sadd.s32 $0x12200, s17;
	[tilespmem:s18+$0x30] =	vst v0  }
0x6d: {  	[spmem:s2] =	stream.indirect.scatter.add.f32 [tilespmem:s3], [sflag:$0x9], $0x40, s14, s21, $0xb8;
	[tilespmem:$0x1EA00] =	vst v63  }
0x6e: {  	_ =	swait.ge [sflag:s1], $0x1F40  }
0x6f: {  	[sflag:s1] =	ssyncset.done $0x0  }
0x70: {  	[sflag:s1] =	ssyncadd.s32 $0xFFFFE0C0  }
0x71: {  	_ =	swait.ge [sflag:s5], $0x1F40  }
0x72: {  	[sflag:s5] =	ssyncset.done $0x0  }
0x73: {  	s18 =	simm.s32 $0x0;
	[sflag:s5] =	ssyncadd.s32 $0xFFFFE0C0  }
0x74: {  	v2 =	vld [tilespmem:s18+$0x9C40]  }
0x75: {  	v3 =	vld [tilespmem:s18+$0x9C50]  }
0x76: {  	v1 =	vld [tilespmem:s18+$0x9C60]  }
0x77: {  	v0 =	vld [tilespmem:s18+$0x9C70]  }
0x78: {  	v4 =	vld [tilespmem:s18+$0x1F40]  }
0x79: {  	v6 =	vld [tilespmem:s18+$0x1F50]  }
0x7a: {  	s14 =	simm.s32 $0x100;
	v5 =	vld [tilespmem:s18+$0x1F60]  }
.LBB2_5:
0x7b: {  	p0 =	sne.s32 s14, $0x7C00;
	v7 =	vld [tilespmem:s18+$0x1F70]  }
0x7c: {  	s3 =	sshra.s32 s14, $0x2  }
0x7d: {  	v4 =	vadd.f32 v2, v4;
	v2 =	vld [tilespmem:s3+$0x9C40]  }
0x7e: {  	v6 =	vadd.f32 v3, v6;
	v3 =	vld [tilespmem:s3+$0x9C50]  }
.Ltmp3:
0x7f: {  	v4 =	vmax.f32 v4, $0.0e+00;
	v5 =	vadd.f32 v1, v5;
	v1 =	vld [tilespmem:s3+$0x9C60];
	(pc) =	sbr.rel @p0 .LBB2_5-.Ltmp3, $4  }
0x80: {  	[tilespmem:s18+$0x1F40] =	vst v4;
	v6 =	vmax.f32 v6, $0.0e+00;
	v7 =	vadd.f32 v0, v7;
	v0 =	vld [tilespmem:s3+$0x9C70]  }
0x81: {  	v4 =	vld [tilespmem:s3+$0x1F40];
	[tilespmem:s18+$0x1F50] =	vst v6;
	v5 =	vmax.f32 v5, $0.0e+00  }
0x82: {  	v6 =	vld [tilespmem:s3+$0x1F50];
	[tilespmem:s18+$0x1F60] =	vst v5;
	v7 =	vmax.f32 v7, $0.0e+00  }
0x83: {  	s14 =	sadd.s32 $0x100, s14;
	v5 =	vld [tilespmem:s3+$0x1F60];
	[tilespmem:s18+$0x1F70] =	vst v7;
	s18 =	smov.u32 s3  }
0x84: {  	v7 =	vld [tilespmem:s18+$0x1F70];
	_ =	sdelay $0x1  }
0x85: {  	v2 =	vadd.f32 v2, v4  }
0x86: {  	v3 =	vadd.f32 v3, v6  }
0x87: {  	v2 =	vmax.f32 v2, $0.0e+00;
	v1 =	vadd.f32 v1, v5  }
0x88: {  	[tilespmem:s18+$0x1F40] =	vst v2;
	v2 =	vmax.f32 v3, $0.0e+00;
	v0 =	vadd.f32 v0, v7  }
0x89: {  	[tilespmem:s18+$0x1F50] =	vst v2;
	v1 =	vmax.f32 v1, $0.0e+00  }
0x8a: {  	[tilespmem:s18+$0x1F60] =	vst v1;
	v0 =	vmax.f32 v0, $0.0e+00  }
0x8b: {  	s3 =	sadd.s32 $0x12280, s17;
	[tilespmem:s18+$0x1F70] =	vst v0  }
0x8c: {  	[spmem:s2] =	stream.indirect.scatter.add.f32 [tilespmem:s26], [sflag:$0xA], $0x40, s3, s21, $0xb8;
	[tilespmem:$0x1EA00] =	vst v63  }
0x8d: {  	_ =	swait.ge [sflag:s7], $0x1F40  }
0x8e: {  	[sflag:s7] =	ssyncset.done $0x0  }
0x8f: {  	[sflag:s7] =	ssyncadd.s32 $0xFFFFE0C0  }
0x90: {  	_ =	swait.ge [sflag:s9], $0x1F40  }
0x91: {  	[sflag:s9] =	ssyncset.done $0x0  }
0x92: {  	s18 =	simm.s32 $0x0;
	[sflag:s9] =	ssyncadd.s32 $0xFFFFE0C0  }
0x93: {  	v2 =	vld [tilespmem:s18+$0xBB80]  }
0x94: {  	v3 =	vld [tilespmem:s18+$0xBB90]  }
0x95: {  	v1 =	vld [tilespmem:s18+$0xBBA0]  }
0x96: {  	v0 =	vld [tilespmem:s18+$0xBBB0]  }
0x97: {  	v4 =	vld [tilespmem:s18+$0x3E80]  }
0x98: {  	v6 =	vld [tilespmem:s18+$0x3E90]  }
0x99: {  	s14 =	simm.s32 $0x100;
	v5 =	vld [tilespmem:s18+$0x3EA0]  }
.LBB2_7:
0x9a: {  	p0 =	sne.s32 s14, $0x7C00;
	v7 =	vld [tilespmem:s18+$0x3EB0]  }
0x9b: {  	s3 =	sshra.s32 s14, $0x2  }
0x9c: {  	v4 =	vadd.f32 v2, v4;
	v2 =	vld [tilespmem:s3+$0xBB80]  }
0x9d: {  	v6 =	vadd.f32 v3, v6;
	v3 =	vld [tilespmem:s3+$0xBB90]  }
.Ltmp4:
0x9e: {  	v4 =	vmax.f32 v4, $0.0e+00;
	v5 =	vadd.f32 v1, v5;
	v1 =	vld [tilespmem:s3+$0xBBA0];
	(pc) =	sbr.rel @p0 .LBB2_7-.Ltmp4, $4  }
0x9f: {  	[tilespmem:s18+$0x3E80] =	vst v4;
	v6 =	vmax.f32 v6, $0.0e+00;
	v7 =	vadd.f32 v0, v7;
	v0 =	vld [tilespmem:s3+$0xBBB0]  }
0xa0: {  	v4 =	vld [tilespmem:s3+$0x3E80];
	[tilespmem:s18+$0x3E90] =	vst v6;
	v5 =	vmax.f32 v5, $0.0e+00  }
0xa1: {  	v6 =	vld [tilespmem:s3+$0x3E90];
	[tilespmem:s18+$0x3EA0] =	vst v5;
	v7 =	vmax.f32 v7, $0.0e+00  }
0xa2: {  	s14 =	sadd.s32 $0x100, s14;
	v5 =	vld [tilespmem:s3+$0x3EA0];
	[tilespmem:s18+$0x3EB0] =	vst v7;
	s18 =	smov.u32 s3  }
0xa3: {  	v7 =	vld [tilespmem:s18+$0x3EB0];
	_ =	sdelay $0x1  }
0xa4: {  	v2 =	vadd.f32 v2, v4  }
0xa5: {  	v3 =	vadd.f32 v3, v6  }
0xa6: {  	v2 =	vmax.f32 v2, $0.0e+00;
	v1 =	vadd.f32 v1, v5  }
0xa7: {  	[tilespmem:s18+$0x3E80] =	vst v2;
	v2 =	vmax.f32 v3, $0.0e+00;
	v0 =	vadd.f32 v0, v7  }
0xa8: {  	[tilespmem:s18+$0x3E90] =	vst v2;
	v1 =	vmax.f32 v1, $0.0e+00  }
0xa9: {  	[tilespmem:s18+$0x3EA0] =	vst v1;
	v0 =	vmax.f32 v0, $0.0e+00  }
0xaa: {  	s3 =	sadd.s32 $0x12300, s17;
	[tilespmem:s18+$0x3EB0] =	vst v0  }
0xab: {  	[spmem:s2] =	stream.indirect.scatter.add.f32 [tilespmem:s30], [sflag:$0xB], $0x40, s3, s21, $0xb8;
	[tilespmem:$0x1EA00] =	vst v63  }
0xac: {  	_ =	swait.ge [sflag:s11], $0x1F40  }
0xad: {  	[sflag:s11] =	ssyncset.done $0x0  }
0xae: {  	[sflag:s11] =	ssyncadd.s32 $0xFFFFE0C0  }
0xaf: {  	_ =	swait.ge [sflag:s12], $0x1F40  }
0xb0: {  	[sflag:s12] =	ssyncset.done $0x0  }
0xb1: {  	s18 =	simm.s32 $0x0;
	[sflag:s12] =	ssyncadd.s32 $0xFFFFE0C0  }
0xb2: {  	v2 =	vld [tilespmem:s18+$0xDAC0]  }
0xb3: {  	v3 =	vld [tilespmem:s18+$0xDAD0]  }
0xb4: {  	v1 =	vld [tilespmem:s18+$0xDAE0]  }
0xb5: {  	v0 =	vld [tilespmem:s18+$0xDAF0]  }
0xb6: {  	v4 =	vld [tilespmem:s18+$0x5DC0]  }
0xb7: {  	v6 =	vld [tilespmem:s18+$0x5DD0]  }
0xb8: {  	s14 =	simm.s32 $0x100;
	v5 =	vld [tilespmem:s18+$0x5DE0]  }
.LBB2_9:
0xb9: {  	p0 =	sne.s32 s14, $0x7C00;
	v7 =	vld [tilespmem:s18+$0x5DF0]  }
0xba: {  	s3 =	sshra.s32 s14, $0x2  }
0xbb: {  	v4 =	vadd.f32 v2, v4;
	v2 =	vld [tilespmem:s3+$0xDAC0]  }
0xbc: {  	v6 =	vadd.f32 v3, v6;
	v3 =	vld [tilespmem:s3+$0xDAD0]  }
.Ltmp5:
0xbd: {  	v4 =	vmax.f32 v4, $0.0e+00;
	v5 =	vadd.f32 v1, v5;
	v1 =	vld [tilespmem:s3+$0xDAE0];
	(pc) =	sbr.rel @p0 .LBB2_9-.Ltmp5, $4  }
0xbe: {  	[tilespmem:s18+$0x5DC0] =	vst v4;
	v6 =	vmax.f32 v6, $0.0e+00;
	v7 =	vadd.f32 v0, v7;
	v0 =	vld [tilespmem:s3+$0xDAF0]  }
0xbf: {  	v4 =	vld [tilespmem:s3+$0x5DC0];
	[tilespmem:s18+$0x5DD0] =	vst v6;
	v5 =	vmax.f32 v5, $0.0e+00  }
0xc0: {  	v6 =	vld [tilespmem:s3+$0x5DD0];
	[tilespmem:s18+$0x5DE0] =	vst v5;
	v7 =	vmax.f32 v7, $0.0e+00  }
0xc1: {  	s14 =	sadd.s32 $0x100, s14;
	v5 =	vld [tilespmem:s3+$0x5DE0];
	[tilespmem:s18+$0x5DF0] =	vst v7;
	s18 =	smov.u32 s3  }
0xc2: {  	v7 =	vld [tilespmem:s18+$0x5DF0];
	_ =	sdelay $0x1  }
0xc3: {  	v2 =	vadd.f32 v2, v4  }
0xc4: {  	v3 =	vadd.f32 v3, v6  }
0xc5: {  	v2 =	vmax.f32 v2, $0.0e+00;
	v1 =	vadd.f32 v1, v5  }
0xc6: {  	[tilespmem:s18+$0x5DC0] =	vst v2;
	v63 =	vmax.f32 v3, $0.0e+00;
	v0 =	vadd.f32 v0, v7  }
0xc7: {  	[tilespmem:s18+$0x5DD0] =	vst v63;
	v1 =	vmax.f32 v1, $0.0e+00  }
0xc8: {  	p0 =	seq.s32 s6, $0x13;
	[tilespmem:s18+$0x5DE0] =	vst v1;
	v0 =	vmax.f32 v0, $0.0e+00  }
.Ltmp6:
0xc9: {  	s3 =	sadd.s32 $0x12380, s17;
	[tilespmem:s18+$0x5DF0] =	vst v0;
	(pc) =	sbr.rel @p0 .LBB2_12-.Ltmp6, $4  }
0xca: {  	[spmem:s2] =	stream.indirect.scatter.add.f32 [tilespmem:s0], [sflag:$0xC], $0x40, s3, s21, $0xb8;
	[tilespmem:$0x1EA00] =	vst v63  }
0xcb: {  	_ =	swait.ge [sflag:s19], $0x1F40  }
0xcc: {  	[sflag:s19] =	ssyncset.done $0x0  }
0xcd: {  	[sflag:s19] =	ssyncadd.s32 $0xFFFFE0C0  }
0xce: {  	s6 =	sadd.s32 $0x1, s6  }
0xcf: {  	s3 =	sshll.u32 s6, $0x9;
	s14 =	smul.u32 $0x1F4, s6  }
0xd0: {  	s3 =	sand.u32 $0x3FFFFE00, s3  }
0xd1: {  	s3 =	sadd.s32 $0xFA00, s3;
	s17 =	sadd.s32 s8, s14  }
0xd2: {  	[tilespmem:s24], [sflag:$0x1] =	stream.indirect.gather [hbm4b:s4+s21], $0x40, s3, s21, $0xb8;
	[tilespmem:$0x1EA00] =	vst v63  }
0xd3: {  	s3 =	sshll.u32 s17, $0x4  }
0xd4: {  	s3 =	sand.u32 $0x1FFFFFC0, s3  }
0xd5: {  	s14 =	sshll.u32 s6, $0x2;
	s17 =	simm.s32 $0x7D00;
	s3 =	sadd.s32 s3, s10  }
0xd6: {  	[tilespmem:s17], [sflag:$0x5] =	stream.strided.gather [hbm4b:s3+s22], $0x1F40, s23, s22, $0x38;
	[tilespmem:$0x1EA00] =	vst v63  }
0xd7: {  	s3 =	sor.u32 $0x1, s14  }
0xd8: {  	_ =	swait.ge [sflag:s13], $0x1F40;
	s18 =	sshll.u32 s3, $0x7;
	s3 =	smul.u32 $0x7D, s3  }
0xd9: {  	[sflag:s13] =	ssyncset.done $0x0;
	s17 =	sand.u32 $0x3FFFFE80, s18  }
0xda: {  	[sflag:s13] =	ssyncadd.s32 $0xFFFFE0C0;
	s17 =	sadd.s32 $0xFA00, s17;
	s3 =	sadd.s32 s8, s3  }
0xdb: {  	[tilespmem:s26], [sflag:$0x2] =	stream.indirect.gather [hbm4b:s4+s21], $0x40, s17, s21, $0xb8;
	[tilespmem:$0x1EA00] =	vst v63  }
0xdc: {  	s3 =	sshll.u32 s3, $0x4  }
0xdd: {  	s3 =	sand.u32 $0x1FFFFFD0, s3  }
0xde: {  	s18 =	sor.u32 $0x2, s14;
	s3 =	sadd.s32 s3, s10  }
0xdf: {  	[tilespmem:s28], [sflag:$0x6] =	stream.strided.gather [hbm4b:s3+s22], $0x1F40, s23, s22, $0x38;
	[tilespmem:$0x1EA00] =	vst v63  }
0xe0: {  	s3 =	smul.u32 $0x7D, s18  }
0xe1: {  	s14 =	sshll.u32 s18, $0x7;
	_ =	swait.ge [sflag:s15], $0x1F40  }
0xe2: {  	s14 =	sand.u32 $0x3FFFFF00, s14;
	[sflag:s15] =	ssyncset.done $0x0;
	s3 =	sadd.s32 s8, s3  }
0xe3: {  	s14 =	sadd.s32 $0xFA00, s14;
	[sflag:s15] =	ssyncadd.s32 $0xFFFFE0C0;
	s3 =	sshll.u32 s3, $0x4  }
0xe4: {  	[tilespmem:s30], [sflag:$0x3] =	stream.indirect.gather [hbm4b:s4+s21], $0x40, s14, s21, $0xb8;
	[tilespmem:$0x1EA00] =	vst v63  }
0xe5: {  	s3 =	sand.u32 $0x1FFFFFE0, s3  }
0xe6: {  	s17 =	sshllo.u32 s6, $0x2;
	s3 =	sadd.s32 s3, s10  }
0xe7: {  	[tilespmem:s31], [sflag:$0x7] =	stream.strided.gather [hbm4b:s3+s22], $0x1F40, s23, s22, $0x38;
	[tilespmem:$0x1EA00] =	vst v63  }
0xe8: {  	s18 =	sshll.u32 s17, $0x7;
	s3 =	smul.u32 $0x7D, s17  }
0xe9: {  	s14 =	sand.u32 $0x3FFFFF80, s18;
	_ =	swait.ge [sflag:s16], $0x1F40  }
.Ltmp7:
0xea: {  	[sflag:s16] =	ssyncset.done $0x0;
	s3 =	sadd.s32 s8, s3;
	(pc) =	sbr.rel .LBB2_2-.Ltmp7, $4  }
0xeb: {  	s14 =	sadd.s32 $0xFA00, s14;
	[sflag:s16] =	ssyncadd.s32 $0xFFFFE0C0;
	s3 =	sshll.u32 s3, $0x4  }
0xec: {  	[tilespmem:s0], [sflag:$0x4] =	stream.indirect.gather [hbm4b:s4+s21], $0x40, s14, s21, $0xb8;
	[tilespmem:$0x1EA00] =	vst v63  }
0xed: {  	s3 =	sand.u32 $0x1FFFFFF0, s3  }
0xee: {  	s14 =	sadd.s32 s3, s10  }
.LBB2_13:
0xef: {  	_ =	sfence.sel $0x180000  }
0xf0: {  	[bflag:$0x0] =	sbarrier.arrive $0xFFFF  }
0xf1: {  	_ =	strace $0x9000004D  }
0xf2: {  	s0 =	stileid.u32;
	[bflag:$0x2] =	sbarrier.arrive $0xFFFF  }
0xf3: {  	p0 =	sne.s32 s0, $0x0;
	s0 =	rddreg [dreg:$0x2]  }
0xf4: {  	s0 =	sadd.s32 @!p0 $0x100000, s0  }
0xf5: {  	[sflag:s0] =	ssyncadd.tile.s32 @!p0 $0x1;
	_ =	shalt  }
.Lfunc_end2:
_tile_overlayer_lowered:
.L_overlay_start_2:
0xf6: {  	(tag) =	ssettag $0x2  }
0xf7: {  	s0 =	rddreg [dreg:$0x0];
	s2 =	stileid.u32  }
0xf8: {  	s1 =	rddreg [dreg:$0x1];
	p0 =	sne.s32 s2, $0x0  }
0xf9: {  	s3 =	rddreg [dreg:$0x2];
	[bflag:$0x3] =	sbarrier.arrive $0xFFFF;
	s2 =	simm.s32 @!p0 $0x1C0D  }
0xfa: {  	[timem:s3], [sflag:s2] =	dma.local @!p0 [hbm:s0], s1  }
0xfb: {  	s0 =	simm.s32 @!p0 $0xD  }
0xfc: {  	_ =	swait.ge @!p0 [sflag:s0], s1  }
0xfd: {  	s1 =	ssub.s32 @!p0 $0x0, s1;
	[sflag:s0] =	ssyncset.done @!p0 $0x0  }
0xfe: {  	[sflag:s0] =	ssyncadd.s32 @!p0 s1  }
0xff: {  	[bflag:$0x3] =	sbarrier.arrive $0xFFFF  }
0x100: {  	_ =	shalt  }

</sc_bundles>
